<compile_context>
chip_gen: v7x
topology: tpu7x:2x2x1
jax: 0.10.2.dev20260603
libtpu: 0.0.44.dev20260713+nightly
codegen_flags: <defaults>
</compile_context>

<pallas_src>
import functools

import jax
import jax.numpy as jnp
from jax import lax
from jax.experimental import pallas as pl
from jax.experimental.pallas import tpu as pltpu
from jax.experimental.pallas import tpu_sc as plsc

FULL_DIM = 2048
N_ROWS = 8192
L = 16
NC = 2
NS = 16
NW = NC * NS
XROWS_PER_W = N_ROWS // NW
RB = 8
N_BLKS = XROWS_PER_W // RB
N_PAIRS = N_BLKS // 2
GROUPS = FULL_DIM // L
MC = 8
MPC = GROUPS // MC


def _make_permute_kernel():
    mesh = plsc.VectorSubcoreMesh(core_axis_name="c", subcore_axis_name="s")

    @functools.partial(
        pl.kernel,
        mesh=mesh,
        out_type=jax.ShapeDtypeStruct((N_ROWS, FULL_DIM), jnp.float32),
        compiler_params=pltpu.CompilerParams(needs_layout_passes=False),
        scratch_types=[
            pltpu.VMEM((FULL_DIM,), jnp.int32),
            pltpu.VMEM((RB, FULL_DIM), jnp.float32),
            pltpu.VMEM((RB, FULL_DIM), jnp.float32),
            pltpu.VMEM((RB, FULL_DIM), jnp.float32),
            pltpu.VMEM((RB, FULL_DIM), jnp.float32),
            pltpu.SemaphoreType.DMA,
            pltpu.SemaphoreType.DMA,
            pltpu.SemaphoreType.DMA,
            pltpu.SemaphoreType.DMA,
        ],
    )
    def permute_rows(x_hbm, perm_hbm, out_hbm, perm_v,
                     in_a, in_b, out_a, out_b,
                     isem_a, isem_b, osem_a, osem_b):
        wid = lax.axis_index("s") * NC + lax.axis_index("c")
        row0 = wid * XROWS_PER_W

        pltpu.sync_copy(perm_hbm, perm_v)

        def permute_block(src, dst):
            for mc in range(MC):
                pvecs = [perm_v[pl.ds((mc * MPC + m) * L, L)]
                         for m in range(MPC)]

                def row_body(r, carry):
                    rvec = jnp.full((L,), 0, jnp.int32) + r
                    for m in range(MPC):
                        dst[r, pl.ds((mc * MPC + m) * L, L)] = (
                            plsc.load_gather(src, [rvec, pvecs[m]])
                        )
                    return carry

                lax.fori_loop(0, RB, row_body, 0)

        def pair_body(i, carry):
            r_a = row0 + (2 * i) * RB
            r_b = r_a + RB
            pltpu.async_copy(x_hbm.at[pl.ds(r_b, RB)], in_b, isem_b)
            pltpu.make_async_copy(x_hbm.at[pl.ds(r_a, RB)], in_a, isem_a).wait()

            @pl.when(i > 0)
            def _():
                pltpu.make_async_copy(
                    out_a, out_hbm.at[pl.ds(r_a, RB)], osem_a).wait()

            permute_block(in_a, out_a)
            pltpu.async_copy(out_a, out_hbm.at[pl.ds(r_a, RB)], osem_a)

            @pl.when(i < N_PAIRS - 1)
            def _():
                pltpu.async_copy(
                    x_hbm.at[pl.ds(r_b + RB, RB)], in_a, isem_a)

            pltpu.make_async_copy(x_hbm.at[pl.ds(r_b, RB)], in_b, isem_b).wait()

            @pl.when(i > 0)
            def _():
                pltpu.make_async_copy(
                    out_b, out_hbm.at[pl.ds(r_b, RB)], osem_b).wait()

            permute_block(in_b, out_b)
            pltpu.async_copy(out_b, out_hbm.at[pl.ds(r_b, RB)], osem_b)
            return carry

        pltpu.async_copy(x_hbm.at[pl.ds(row0, RB)], in_a, isem_a)
        lax.fori_loop(0, N_PAIRS, pair_body, 0)
        pltpu.make_async_copy(out_a, out_hbm.at[pl.ds(row0, RB)], osem_a).wait()
        pltpu.make_async_copy(out_b, out_hbm.at[pl.ds(row0, RB)], osem_b).wait()

    return permute_rows


_PERMUTE_ROWS = _make_permute_kernel()


def kernel(x, permute):
    return _PERMUTE_ROWS(x, permute)

# --- scband reference (transcript-rebuilt; emitter-appended) ---
"""Pipeline reference for scband-permute-in-678604832880 (READ-ONLY COPY).

The authoritative reference and input builder live on the scoring server;
editing this copy changes nothing except your own understanding.
"""

import jax, jax.numpy as jnp
import numpy as np

FULL_DIM = 2048
HEADS = 16
CHUNKS = 4
N_ROWS = 8192


def _make_permute():
    # chunk_random mode from PermuteIn.__init__
    dim = FULL_DIM // HEADS          # 128
    cs = dim // CHUNKS               # 32
    n_chunks = FULL_DIM // cs        # 64
    rng = np.random.default_rng(42)
    chunk_indices = rng.permutation(n_chunks)
    permute = np.concatenate([np.arange(cs) + int(i) * cs for i in chunk_indices])
    return jnp.asarray(permute, dtype=jnp.int32)


def setup_inputs(seed: int = 0) -> dict:
    key = jax.random.key(seed)
    x = jax.random.normal(key, (N_ROWS, FULL_DIM), dtype=jnp.float32)
    permute = _make_permute()
    return {"x": x, "permute": permute}


def reference(x, permute):
    # forward: x[:, self.permute]
    return jnp.take(x, permute, axis=1)

if __name__ == "__main__":
    import jax
    _d = setup_inputs()
    print(jax.jit(kernel)(*tuple(_d.values())))

</pallas_src>

<mosaic_0001>
#map = affine_map<(d0, d1) -> (0, 0)>
#map1 = affine_map<(d0, d1) -> (0)>
module attributes {stable_mosaic.version = 14 : i64} {
  func.func @permute_rows(%arg0: i32, %arg1: i32, %arg2: memref<8192x2048xf32, #tpu.memory_space<hbm>>, %arg3: memref<2048xi32, #tpu.memory_space<hbm>>, %arg4: memref<8192x2048xf32, #tpu.memory_space<hbm>>, %arg5: memref<2048xi32, #tpu.memory_space<vmem>>, %arg6: memref<8x2048xf32, #tpu.memory_space<vmem>>, %arg7: memref<8x2048xf32, #tpu.memory_space<vmem>>, %arg8: memref<8x2048xf32, #tpu.memory_space<vmem>>, %arg9: memref<8x2048xf32, #tpu.memory_space<vmem>>, %arg10: memref<!tpu.dma_semaphore, #tpu.memory_space<semaphore_mem>>, %arg11: memref<!tpu.dma_semaphore, #tpu.memory_space<semaphore_mem>>, %arg12: memref<!tpu.dma_semaphore, #tpu.memory_space<semaphore_mem>>, %arg13: memref<!tpu.dma_semaphore, #tpu.memory_space<semaphore_mem>>) attributes {dimension_semantics = [#tpu.dimension_semantics<core_parallel>, #tpu.dimension_semantics<subcore_parallel>], iteration_bounds = array<i64: 2, 16>, scalar_prefetch = 0 : i64, scratch_operands = 9 : i64, tpu.core_type = #tpu.core_type<sc_vector_subcore>, window_params = [{transform_indices = #map}, {transform_indices = #map1}, {transform_indices = #map}]} {
    %mul3A = arith.constant 2 : i32
    %mul3A_0 = arith.muli %arg1, %mul3A : i32
    %add3A = arith.addi %mul3A_0, %arg0 : i32
    %mul3A_1 = arith.constant 256 : i32
    %mul3A_2 = arith.muli %add3A, %mul3A_1 : i32
    "tpu.region"() ({
      %run_scoped3A = tpu.sem_alloc : memref<!tpu.dma_semaphore, #tpu.memory_space<semaphore_mem>>
      tpu.enqueue_dma source(%arg3 : memref<2048xi32, #tpu.memory_space<hbm>>) target(%arg5 : memref<2048xi32, #tpu.memory_space<vmem>>) target_semaphore(%run_scoped3A : memref<!tpu.dma_semaphore, #tpu.memory_space<semaphore_mem>>)
      tpu.wait_dma2 semaphore(%run_scoped3A : memref<!tpu.dma_semaphore, #tpu.memory_space<semaphore_mem>>) src(%arg3 : memref<2048xi32, #tpu.memory_space<hbm>>) dst(%arg5 : memref<2048xi32, #tpu.memory_space<vmem>>)
      tpu.yield
    }) : () -> ()
    %dma_start3A = arith.constant 0 : i32
    %dma_start3A_3 = tpu.memref_slice %arg2[%mul3A_2, %dma_start3A] : memref<8192x2048xf32, #tpu.memory_space<hbm>> -> memref<8x2048xf32, #tpu.memory_space<hbm>>
    %dma_start3A_4 = arith.constant 0 : i32
    %dma_start3A_5 = tpu.memref_slice %arg2[%mul3A_2, %dma_start3A_4] : memref<8192x2048xf32, #tpu.memory_space<hbm>> -> memref<8x2048xf32, #tpu.memory_space<hbm>>
    tpu.enqueue_dma source(%dma_start3A_5 : memref<8x2048xf32, #tpu.memory_space<hbm>>) target(%arg6 : memref<8x2048xf32, #tpu.memory_space<vmem>>) target_semaphore(%arg10 : memref<!tpu.dma_semaphore, #tpu.memory_space<semaphore_mem>>)
    %scan3A = arith.constant 0 : i32
    %scan3A_6 = arith.constant 0 : i32
    %scan3A_7 = arith.constant 16 : i32
    %scan3A_8 = arith.addi %scan3A_6, %scan3A_7 : i32
    %scan3A_9 = arith.constant 1 : i32
    scf.for %scan3A_18 = %scan3A_6 to %scan3A_8 step %scan3A_9  : i32 {
      %mul3A_19 = arith.constant 2 : i32
      %mul3A_20 = arith.muli %mul3A_19, %scan3A_18 : i32
      %mul3A_21 = arith.constant 8 : i32
      %mul3A_22 = arith.muli %mul3A_20, %mul3A_21 : i32
      %add3A_23 = arith.addi %mul3A_2, %mul3A_22 : i32
      %add3A_24 = arith.constant 8 : i32
      %add3A_25 = arith.addi %add3A_23, %add3A_24 : i32
      %dma_start3A_26 = arith.constant 0 : i32
      %dma_start3A_27 = tpu.memref_slice %arg2[%add3A_25, %dma_start3A_26] : memref<8192x2048xf32, #tpu.memory_space<hbm>> -> memref<8x2048xf32, #tpu.memory_space<hbm>>
      %dma_start3A_28 = arith.constant 0 : i32
      %dma_start3A_29 = tpu.memref_slice %arg2[%add3A_25, %dma_start3A_28] : memref<8192x2048xf32, #tpu.memory_space<hbm>> -> memref<8x2048xf32, #tpu.memory_space<hbm>>
      tpu.enqueue_dma source(%dma_start3A_29 : memref<8x2048xf32, #tpu.memory_space<hbm>>) target(%arg7 : memref<8x2048xf32, #tpu.memory_space<vmem>>) target_semaphore(%arg11 : memref<!tpu.dma_semaphore, #tpu.memory_space<semaphore_mem>>)
      %dma_wait3A_30 = arith.constant 0 : i32
      %dma_wait3A_31 = tpu.memref_slice %arg2[%add3A_23, %dma_wait3A_30] : memref<8192x2048xf32, #tpu.memory_space<hbm>> -> memref<8x2048xf32, #tpu.memory_space<hbm>>
      %dma_wait3A_32 = arith.constant 0 : i32
      %dma_wait3A_33 = tpu.memref_slice %arg2[%add3A_23, %dma_wait3A_32] : memref<8192x2048xf32, #tpu.memory_space<hbm>> -> memref<8x2048xf32, #tpu.memory_space<hbm>>
      tpu.wait_dma2 semaphore(%arg10 : memref<!tpu.dma_semaphore, #tpu.memory_space<semaphore_mem>>) src(%dma_wait3A_33 : memref<8x2048xf32, #tpu.memory_space<hbm>>) dst(%arg6 : memref<8x2048xf32, #tpu.memory_space<vmem>>)
      %gt3A = arith.constant 0 : i32
      %gt3A_34 = arith.cmpi sgt, %scan3A_18, %gt3A : i32
      %convert_element_type3A = arith.extui %gt3A_34 : i1 to i32
      %cond3A = arith.constant 0 : i32
      %cond3A_35 = arith.cmpi ne, %convert_element_type3A, %cond3A : i32
      scf.if %cond3A_35 {
        %dma_wait3A_664 = arith.constant 0 : i32
        %dma_wait3A_665 = tpu.memref_slice %arg4[%add3A_23, %dma_wait3A_664] : memref<8192x2048xf32, #tpu.memory_space<hbm>> -> memref<8x2048xf32, #tpu.memory_space<hbm>>
        %dma_wait3A_666 = arith.constant 0 : i32
        %dma_wait3A_667 = tpu.memref_slice %arg4[%add3A_23, %dma_wait3A_666] : memref<8192x2048xf32, #tpu.memory_space<hbm>> -> memref<8x2048xf32, #tpu.memory_space<hbm>>
        tpu.wait_dma2 semaphore(%arg12 : memref<!tpu.dma_semaphore, #tpu.memory_space<semaphore_mem>>) src(%arg8 : memref<8x2048xf32, #tpu.memory_space<vmem>>) dst(%dma_wait3A_667 : memref<8x2048xf32, #tpu.memory_space<hbm>>)
      } else {
      }
      %get3A = arith.constant 0 : index
      %get3A_36 = tpu.vector_load %arg5[%get3A] {strides = array<i32>} : memref<2048xi32, #tpu.memory_space<vmem>>, vector<16xi32>,
      %get3A_37 = arith.constant 16 : index
      %get3A_38 = tpu.vector_load %arg5[%get3A_37] {strides = array<i32>} : memref<2048xi32, #tpu.memory_space<vmem>>, vector<16xi32>,
      %get3A_39 = arith.constant 32 : index
      %get3A_40 = tpu.vector_load %arg5[%get3A_39] {strides = array<i32>} : memref<2048xi32, #tpu.memory_space<vmem>>, vector<16xi32>,
      %get3A_41 = arith.constant 48 : index
      %get3A_42 = tpu.vector_load %arg5[%get3A_41] {strides = array<i32>} : memref<2048xi32, #tpu.memory_space<vmem>>, vector<16xi32>,
      %get3A_43 = arith.constant 64 : index
      %get3A_44 = tpu.vector_load %arg5[%get3A_43] {strides = array<i32>} : memref<2048xi32, #tpu.memory_space<vmem>>, vector<16xi32>,
      %get3A_45 = arith.constant 80 : index
      %get3A_46 = tpu.vector_load %arg5[%get3A_45] {strides = array<i32>} : memref<2048xi32, #tpu.memory_space<vmem>>, vector<16xi32>,
      %get3A_47 = arith.constant 96 : index
      %get3A_48 = tpu.vector_load %arg5[%get3A_47] {strides = array<i32>} : memref<2048xi32, #tpu.memory_space<vmem>>, vector<16xi32>,
      %get3A_49 = arith.constant 112 : index
      %get3A_50 = tpu.vector_load %arg5[%get3A_49] {strides = array<i32>} : memref<2048xi32, #tpu.memory_space<vmem>>, vector<16xi32>,
      %get3A_51 = arith.constant 128 : index
      %get3A_52 = tpu.vector_load %arg5[%get3A_51] {strides = array<i32>} : memref<2048xi32, #tpu.memory_space<vmem>>, vector<16xi32>,
      %get3A_53 = arith.constant 144 : index
      %get3A_54 = tpu.vector_load %arg5[%get3A_53] {strides = array<i32>} : memref<2048xi32, #tpu.memory_space<vmem>>, vector<16xi32>,
      %get3A_55 = arith.constant 160 : index
      %get3A_56 = tpu.vector_load %arg5[%get3A_55] {strides = array<i32>} : memref<2048xi32, #tpu.memory_space<vmem>>, vector<16xi32>,
      %get3A_57 = arith.constant 176 : index
      %get3A_58 = tpu.vector_load %arg5[%get3A_57] {strides = array<i32>} : memref<2048xi32, #tpu.memory_space<vmem>>, vector<16xi32>,
      %get3A_59 = arith.constant 192 : index
      %get3A_60 = tpu.vector_load %arg5[%get3A_59] {strides = array<i32>} : memref<2048xi32, #tpu.memory_space<vmem>>, vector<16xi32>,
      %get3A_61 = arith.constant 208 : index
      %get3A_62 = tpu.vector_load %arg5[%get3A_61] {strides = array<i32>} : memref<2048xi32, #tpu.memory_space<vmem>>, vector<16xi32>,
      %get3A_63 = arith.constant 224 : index
      %get3A_64 = tpu.vector_load %arg5[%get3A_63] {strides = array<i32>} : memref<2048xi32, #tpu.memory_space<vmem>>, vector<16xi32>,
      %get3A_65 = arith.constant 240 : index
      %get3A_66 = tpu.vector_load %arg5[%get3A_65] {strides = array<i32>} : memref<2048xi32, #tpu.memory_space<vmem>>, vector<16xi32>,
      %scan3A_67 = arith.constant 0 : i32
      %scan3A_68 = arith.constant 0 : i32
      %scan3A_69 = arith.constant 8 : i32
      %scan3A_70 = arith.addi %scan3A_68, %scan3A_69 : i32
      %scan3A_71 = arith.constant 1 : i32
      scf.for %scan3A_664 = %scan3A_68 to %scan3A_70 step %scan3A_71  : i32 {
        %broadcast_in_dim3A = arith.constant 0 : i32
        %broadcast_in_dim3A_665 = vector.broadcast %broadcast_in_dim3A : i32 to vector<16xi32>
        %add3A_666 = vector.broadcast %scan3A_664 : i32 to vector<16xi32>
        %add3A_667 = arith.addi %broadcast_in_dim3A_665, %add3A_666 : vector<16xi32>
        %gather3A = tpu.vector_load_idx %arg6[%add3A_667, %get3A_36] : memref<8x2048xf32, #tpu.memory_space<vmem>>[vector<16xi32>, vector<16xi32>], vector<16xf32>,
        %swap3A = arith.index_cast %scan3A_664 : i32 to index
        %swap3A_668 = arith.constant 0 : index
        %swap3A_669 = tpu.vector_load %arg8[%swap3A, %swap3A_668] {strides = array<i32>} : memref<8x2048xf32, #tpu.memory_space<vmem>>, vector<16xf32>,
        tpu.vector_store %arg8[%swap3A, %swap3A_668], %gather3A {strides = array<i32>} : memref<8x2048xf32, #tpu.memory_space<vmem>>, vector<16xf32>,
        %gather3A_670 = tpu.vector_load_idx %arg6[%add3A_667, %get3A_38] : memref<8x2048xf32, #tpu.memory_space<vmem>>[vector<16xi32>, vector<16xi32>], vector<16xf32>,
        %swap3A_671 = arith.index_cast %scan3A_664 : i32 to index
        %swap3A_672 = arith.constant 16 : index
        %swap3A_673 = tpu.vector_load %arg8[%swap3A_671, %swap3A_672] {strides = array<i32>} : memref<8x2048xf32, #tpu.memory_space<vmem>>, vector<16xf32>,
        tpu.vector_store %arg8[%swap3A_671, %swap3A_672], %gather3A_670 {strides = array<i32>} : memref<8x2048xf32, #tpu.memory_space<vmem>>, vector<16xf32>,
        %gather3A_674 = tpu.vector_load_idx %arg6[%add3A_667, %get3A_40] : memref<8x2048xf32, #tpu.memory_space<vmem>>[vector<16xi32>, vector<16xi32>], vector<16xf32>,
        %swap3A_675 = arith.index_cast %scan3A_664 : i32 to index
        %swap3A_676 = arith.constant 32 : index
        %swap3A_677 = tpu.vector_load %arg8[%swap3A_675, %swap3A_676] {strides = array<i32>} : memref<8x2048xf32, #tpu.memory_space<vmem>>, vector<16xf32>,
        tpu.vector_store %arg8[%swap3A_675, %swap3A_676], %gather3A_674 {strides = array<i32>} : memref<8x2048xf32, #tpu.memory_space<vmem>>, vector<16xf32>,
        %gather3A_678 = tpu.vector_load_idx %arg6[%add3A_667, %get3A_42] : memref<8x2048xf32, #tpu.memory_space<vmem>>[vector<16xi32>, vector<16xi32>], vector<16xf32>,
        %swap3A_679 = arith.index_cast %scan3A_664 : i32 to index
        %swap3A_680 = arith.constant 48 : index
        %swap3A_681 = tpu.vector_load %arg8[%swap3A_679, %swap3A_680] {strides = array<i32>} : memref<8x2048xf32, #tpu.memory_space<vmem>>, vector<16xf32>,
        tpu.vector_store %arg8[%swap3A_679, %swap3A_680], %gather3A_678 {strides = array<i32>} : memref<8x2048xf32, #tpu.memory_space<vmem>>, vector<16xf32>,
        %gather3A_682 = tpu.vector_load_idx %arg6[%add3A_667, %get3A_44] : memref<8x2048xf32, #tpu.memory_space<vmem>>[vector<16xi32>, vector<16xi32>], vector<16xf32>,
        %swap3A_683 = arith.index_cast %scan3A_664 : i32 to index
        %swap3A_684 = arith.constant 64 : index
        %swap3A_685 = tpu.vector_load %arg8[%swap3A_683, %swap3A_684] {strides = array<i32>} : memref<8x2048xf32, #tpu.memory_space<vmem>>, vector<16xf32>,
        tpu.vector_store %arg8[%swap3A_683, %swap3A_684], %gather3A_682 {strides = array<i32>} : memref<8x2048xf32, #tpu.memory_space<vmem>>, vector<16xf32>,
        %gather3A_686 = tpu.vector_load_idx %arg6[%add3A_667, %get3A_46] : memref<8x2048xf32, #tpu.memory_space<vmem>>[vector<16xi32>, vector<16xi32>], vector<16xf32>,
        %swap3A_687 = arith.index_cast %scan3A_664 : i32 to index
        %swap3A_688 = arith.constant 80 : index
        %swap3A_689 = tpu.vector_load %arg8[%swap3A_687, %swap3A_688] {strides = array<i32>} : memref<8x2048xf32, #tpu.memory_space<vmem>>, vector<16xf32>,
        tpu.vector_store %arg8[%swap3A_687, %swap3A_688], %gather3A_686 {strides = array<i32>} : memref<8x2048xf32, #tpu.memory_space<vmem>>, vector<16xf32>,
        %gather3A_690 = tpu.vector_load_idx %arg6[%add3A_667, %get3A_48] : memref<8x2048xf32, #tpu.memory_space<vmem>>[vector<16xi32>, vector<16xi32>], vector<16xf32>,
        %swap3A_691 = arith.index_cast %scan3A_664 : i32 to index
        %swap3A_692 = arith.constant 96 : index
        %swap3A_693 = tpu.vector_load %arg8[%swap3A_691, %swap3A_692] {strides = array<i32>} : memref<8x2048xf32, #tpu.memory_space<vmem>>, vector<16xf32>,
        tpu.vector_store %arg8[%swap3A_691, %swap3A_692], %gather3A_690 {strides = array<i32>} : memref<8x2048xf32, #tpu.memory_space<vmem>>, vector<16xf32>,
        %gather3A_694 = tpu.vector_load_idx %arg6[%add3A_667, %get3A_50] : memref<8x2048xf32, #tpu.memory_space<vmem>>[vector<16xi32>, vector<16xi32>], vector<16xf32>,
        %swap3A_695 = arith.index_cast %scan3A_664 : i32 to index
        %swap3A_696 = arith.constant 112 : index
        %swap3A_697 = tpu.vector_load %arg8[%swap3A_695, %swap3A_696] {strides = array<i32>} : memref<8x2048xf32, #tpu.memory_space<vmem>>, vector<16xf32>,
        tpu.vector_store %arg8[%swap3A_695, %swap3A_696], %gather3A_694 {strides = array<i32>} : memref<8x2048xf32, #tpu.memory_space<vmem>>, vector<16xf32>,
        %gather3A_698 = tpu.vector_load_idx %arg6[%add3A_667, %get3A_52] : memref<8x2048xf32, #tpu.memory_space<vmem>>[vector<16xi32>, vector<16xi32>], vector<16xf32>,
        %swap3A_699 = arith.index_cast %scan3A_664 : i32 to index
        %swap3A_700 = arith.constant 128 : index
        %swap3A_701 = tpu.vector_load %arg8[%swap3A_699, %swap3A_700] {strides = array<i32>} : memref<8x2048xf32, #tpu.memory_space<vmem>>, vector<16xf32>,
        tpu.vector_store %arg8[%swap3A_699, %swap3A_700], %gather3A_698 {strides = array<i32>} : memref<8x2048xf32, #tpu.memory_space<vmem>>, vector<16xf32>,
        %gather3A_702 = tpu.vector_load_idx %arg6[%add3A_667, %get3A_54] : memref<8x2048xf32, #tpu.memory_space<vmem>>[vector<16xi32>, vector<16xi32>], vector<16xf32>,
        %swap3A_703 = arith.index_cast %scan3A_664 : i32 to index
        %swap3A_704 = arith.constant 144 : index
        %swap3A_705 = tpu.vector_load %arg8[%swap3A_703, %swap3A_704] {strides = array<i32>} : memref<8x2048xf32, #tpu.memory_space<vmem>>, vector<16xf32>,
        tpu.vector_store %arg8[%swap3A_703, %swap3A_704], %gather3A_702 {strides = array<i32>} : memref<8x2048xf32, #tpu.memory_space<vmem>>, vector<16xf32>,
        %gather3A_706 = tpu.vector_load_idx %arg6[%add3A_667, %get3A_56] : memref<8x2048xf32, #tpu.memory_space<vmem>>[vector<16xi32>, vector<16xi32>], vector<16xf32>,
        %swap3A_707 = arith.index_cast %scan3A_664 : i32 to index
        %swap3A_708 = arith.constant 160 : index
        %swap3A_709 = tpu.vector_load %arg8[%swap3A_707, %swap3A_708] {strides = array<i32>} : memref<8x2048xf32, #tpu.memory_space<vmem>>, vector<16xf32>,
        tpu.vector_store %arg8[%swap3A_707, %swap3A_708], %gather3A_706 {strides = array<i32>} : memref<8x2048xf32, #tpu.memory_space<vmem>>, vector<16xf32>,
        %gather3A_710 = tpu.vector_load_idx %arg6[%add3A_667, %get3A_58] : memref<8x2048xf32, #tpu.memory_space<vmem>>[vector<16xi32>, vector<16xi32>], vector<16xf32>,
        %swap3A_711 = arith.index_cast %scan3A_664 : i32 to index
        %swap3A_712 = arith.constant 176 : index
        %swap3A_713 = tpu.vector_load %arg8[%swap3A_711, %swap3A_712] {strides = array<i32>} : memref<8x2048xf32, #tpu.memory_space<vmem>>, vector<16xf32>,
        tpu.vector_store %arg8[%swap3A_711, %swap3A_712], %gather3A_710 {strides = array<i32>} : memref<8x2048xf32, #tpu.memory_space<vmem>>, vector<16xf32>,
        %gather3A_714 = tpu.vector_load_idx %arg6[%add3A_667, %get3A_60] : memref<8x2048xf32, #tpu.memory_space<vmem>>[vector<16xi32>, vector<16xi32>], vector<16xf32>,
        %swap3A_715 = arith.index_cast %scan3A_664 : i32 to index
        %swap3A_716 = arith.constant 192 : index
        %swap3A_717 = tpu.vector_load %arg8[%swap3A_715, %swap3A_716] {strides = array<i32>} : memref<8x2048xf32, #tpu.memory_space<vmem>>, vector<16xf32>,
        tpu.vector_store %arg8[%swap3A_715, %swap3A_716], %gather3A_714 {strides = array<i32>} : memref<8x2048xf32, #tpu.memory_space<vmem>>, vector<16xf32>,
        %gather3A_718 = tpu.vector_load_idx %arg6[%add3A_667, %get3A_62] : memref<8x2048xf32, #tpu.memory_space<vmem>>[vector<16xi32>, vector<16xi32>], vector<16xf32>,
        %swap3A_719 = arith.index_cast %scan3A_664 : i32 to index
        %swap3A_720 = arith.constant 208 : index
        %swap3A_721 = tpu.vector_load %arg8[%swap3A_719, %swap3A_720] {strides = array<i32>} : memref<8x2048xf32, #tpu.memory_space<vmem>>, vector<16xf32>,
        tpu.vector_store %arg8[%swap3A_719, %swap3A_720], %gather3A_718 {strides = array<i32>} : memref<8x2048xf32, #tpu.memory_space<vmem>>, vector<16xf32>,
        %gather3A_722 = tpu.vector_load_idx %arg6[%add3A_667, %get3A_64] : memref<8x2048xf32, #tpu.memory_space<vmem>>[vector<16xi32>, vector<16xi32>], vector<16xf32>,
        %swap3A_723 = arith.index_cast %scan3A_664 : i32 to index
        %swap3A_724 = arith.constant 224 : index
        %swap3A_725 = tpu.vector_load %arg8[%swap3A_723, %swap3A_724] {strides = array<i32>} : memref<8x2048xf32, #tpu.memory_space<vmem>>, vector<16xf32>,
        tpu.vector_store %arg8[%swap3A_723, %swap3A_724], %gather3A_722 {strides = array<i32>} : memref<8x2048xf32, #tpu.memory_space<vmem>>, vector<16xf32>,
        %gather3A_726 = tpu.vector_load_idx %arg6[%add3A_667, %get3A_66] : memref<8x2048xf32, #tpu.memory_space<vmem>>[vector<16xi32>, vector<16xi32>], vector<16xf32>,
        %swap3A_727 = arith.index_cast %scan3A_664 : i32 to index
        %swap3A_728 = arith.constant 240 : index
        %swap3A_729 = tpu.vector_load %arg8[%swap3A_727, %swap3A_728] {strides = array<i32>} : memref<8x2048xf32, #tpu.memory_space<vmem>>, vector<16xf32>,
        tpu.vector_store %arg8[%swap3A_727, %swap3A_728], %gather3A_726 {strides = array<i32>} : memref<8x2048xf32, #tpu.memory_space<vmem>>, vector<16xf32>,
      }
      %scan3A_72 = arith.constant 8 : i32
      %get3A_73 = arith.constant 256 : index
      %get3A_74 = tpu.vector_load %arg5[%get3A_73] {strides = array<i32>} : memref<2048xi32, #tpu.memory_space<vmem>>, vector<16xi32>,
      %get3A_75 = arith.constant 272 : index
      %get3A_76 = tpu.vector_load %arg5[%get3A_75] {strides = array<i32>} : memref<2048xi32, #tpu.memory_space<vmem>>, vector<16xi32>,
      %get3A_77 = arith.constant 288 : index
      %get3A_78 = tpu.vector_load %arg5[%get3A_77] {strides = array<i32>} : memref<2048xi32, #tpu.memory_space<vmem>>, vector<16xi32>,
      %get3A_79 = arith.constant 304 : index
      %get3A_80 = tpu.vector_load %arg5[%get3A_79] {strides = array<i32>} : memref<2048xi32, #tpu.memory_space<vmem>>, vector<16xi32>,
      %get3A_81 = arith.constant 320 : index
      %get3A_82 = tpu.vector_load %arg5[%get3A_81] {strides = array<i32>} : memref<2048xi32, #tpu.memory_space<vmem>>, vector<16xi32>,
      %get3A_83 = arith.constant 336 : index
      %get3A_84 = tpu.vector_load %arg5[%get3A_83] {strides = array<i32>} : memref<2048xi32, #tpu.memory_space<vmem>>, vector<16xi32>,
      %get3A_85 = arith.constant 352 : index
      %get3A_86 = tpu.vector_load %arg5[%get3A_85] {strides = array<i32>} : memref<2048xi32, #tpu.memory_space<vmem>>, vector<16xi32>,
      %get3A_87 = arith.constant 368 : index
      %get3A_88 = tpu.vector_load %arg5[%get3A_87] {strides = array<i32>} : memref<2048xi32, #tpu.memory_space<vmem>>, vector<16xi32>,
      %get3A_89 = arith.constant 384 : index
      %get3A_90 = tpu.vector_load %arg5[%get3A_89] {strides = array<i32>} : memref<2048xi32, #tpu.memory_space<vmem>>, vector<16xi32>,
      %get3A_91 = arith.constant 400 : index
      %get3A_92 = tpu.vector_load %arg5[%get3A_91] {strides = array<i32>} : memref<2048xi32, #tpu.memory_space<vmem>>, vector<16xi32>,
      %get3A_93 = arith.constant 416 : index
      %get3A_94 = tpu.vector_load %arg5[%get3A_93] {strides = array<i32>} : memref<2048xi32, #tpu.memory_space<vmem>>, vector<16xi32>,
      %get3A_95 = arith.constant 432 : index
      %get3A_96 = tpu.vector_load %arg5[%get3A_95] {strides = array<i32>} : memref<2048xi32, #tpu.memory_space<vmem>>, vector<16xi32>,
      %get3A_97 = arith.constant 448 : index
      %get3A_98 = tpu.vector_load %arg5[%get3A_97] {strides = array<i32>} : memref<2048xi32, #tpu.memory_space<vmem>>, vector<16xi32>,
      %get3A_99 = arith.constant 464 : index
      %get3A_100 = tpu.vector_load %arg5[%get3A_99] {strides = array<i32>} : memref<2048xi32, #tpu.memory_space<vmem>>, vector<16xi32>,
      %get3A_101 = arith.constant 480 : index
      %get3A_102 = tpu.vector_load %arg5[%get3A_101] {strides = array<i32>} : memref<2048xi32, #tpu.memory_space<vmem>>, vector<16xi32>,
      %get3A_103 = arith.constant 496 : index
      %get3A_104 = tpu.vector_load %arg5[%get3A_103] {strides = array<i32>} : memref<2048xi32, #tpu.memory_space<vmem>>, vector<16xi32>,
      %scan3A_105 = arith.constant 0 : i32
      %scan3A_106 = arith.constant 0 : i32
      %scan3A_107 = arith.constant 8 : i32
      %scan3A_108 = arith.addi %scan3A_106, %scan3A_107 : i32
      %scan3A_109 = arith.constant 1 : i32
      scf.for %scan3A_664 = %scan3A_106 to %scan3A_108 step %scan3A_109  : i32 {
        %broadcast_in_dim3A = arith.constant 0 : i32
        %broadcast_in_dim3A_665 = vector.broadcast %broadcast_in_dim3A : i32 to vector<16xi32>
        %add3A_666 = vector.broadcast %scan3A_664 : i32 to vector<16xi32>
        %add3A_667 = arith.addi %broadcast_in_dim3A_665, %add3A_666 : vector<16xi32>
        %gather3A = tpu.vector_load_idx %arg6[%add3A_667, %get3A_74] : memref<8x2048xf32, #tpu.memory_space<vmem>>[vector<16xi32>, vector<16xi32>], vector<16xf32>,
        %swap3A = arith.index_cast %scan3A_664 : i32 to index
        %swap3A_668 = arith.constant 256 : index
        %swap3A_669 = tpu.vector_load %arg8[%swap3A, %swap3A_668] {strides = array<i32>} : memref<8x2048xf32, #tpu.memory_space<vmem>>, vector<16xf32>,
        tpu.vector_store %arg8[%swap3A, %swap3A_668], %gather3A {strides = array<i32>} : memref<8x2048xf32, #tpu.memory_space<vmem>>, vector<16xf32>,
        %gather3A_670 = tpu.vector_load_idx %arg6[%add3A_667, %get3A_76] : memref<8x2048xf32, #tpu.memory_space<vmem>>[vector<16xi32>, vector<16xi32>], vector<16xf32>,
        %swap3A_671 = arith.index_cast %scan3A_664 : i32 to index
        %swap3A_672 = arith.constant 272 : index
        %swap3A_673 = tpu.vector_load %arg8[%swap3A_671, %swap3A_672] {strides = array<i32>} : memref<8x2048xf32, #tpu.memory_space<vmem>>, vector<16xf32>,
        tpu.vector_store %arg8[%swap3A_671, %swap3A_672], %gather3A_670 {strides = array<i32>} : memref<8x2048xf32, #tpu.memory_space<vmem>>, vector<16xf32>,
        %gather3A_674 = tpu.vector_load_idx %arg6[%add3A_667, %get3A_78] : memref<8x2048xf32, #tpu.memory_space<vmem>>[vector<16xi32>, vector<16xi32>], vector<16xf32>,
        %swap3A_675 = arith.index_cast %scan3A_664 : i32 to index
        %swap3A_676 = arith.constant 288 : index
        %swap3A_677 = tpu.vector_load %arg8[%swap3A_675, %swap3A_676] {strides = array<i32>} : memref<8x2048xf32, #tpu.memory_space<vmem>>, vector<16xf32>,
        tpu.vector_store %arg8[%swap3A_675, %swap3A_676], %gather3A_674 {strides = array<i32>} : memref<8x2048xf32, #tpu.memory_space<vmem>>, vector<16xf32>,
        %gather3A_678 = tpu.vector_load_idx %arg6[%add3A_667, %get3A_80] : memref<8x2048xf32, #tpu.memory_space<vmem>>[vector<16xi32>, vector<16xi32>], vector<16xf32>,
        %swap3A_679 = arith.index_cast %scan3A_664 : i32 to index
        %swap3A_680 = arith.constant 304 : index
        %swap3A_681 = tpu.vector_load %arg8[%swap3A_679, %swap3A_680] {strides = array<i32>} : memref<8x2048xf32, #tpu.memory_space<vmem>>, vector<16xf32>,
        tpu.vector_store %arg8[%swap3A_679, %swap3A_680], %gather3A_678 {strides = array<i32>} : memref<8x2048xf32, #tpu.memory_space<vmem>>, vector<16xf32>,
        %gather3A_682 = tpu.vector_load_idx %arg6[%add3A_667, %get3A_82] : memref<8x2048xf32, #tpu.memory_space<vmem>>[vector<16xi32>, vector<16xi32>], vector<16xf32>,
        %swap3A_683 = arith.index_cast %scan3A_664 : i32 to index
        %swap3A_684 = arith.constant 320 : index
        %swap3A_685 = tpu.vector_load %arg8[%swap3A_683, %swap3A_684] {strides = array<i32>} : memref<8x2048xf32, #tpu.memory_space<vmem>>, vector<16xf32>,
        tpu.vector_store %arg8[%swap3A_683, %swap3A_684], %gather3A_682 {strides = array<i32>} : memref<8x2048xf32, #tpu.memory_space<vmem>>, vector<16xf32>,
        %gather3A_686 = tpu.vector_load_idx %arg6[%add3A_667, %get3A_84] : memref<8x2048xf32, #tpu.memory_space<vmem>>[vector<16xi32>, vector<16xi32>], vector<16xf32>,
        %swap3A_687 = arith.index_cast %scan3A_664 : i32 to index
        %swap3A_688 = arith.constant 336 : index
        %swap3A_689 = tpu.vector_load %arg8[%swap3A_687, %swap3A_688] {strides = array<i32>} : memref<8x2048xf32, #tpu.memory_space<vmem>>, vector<16xf32>,
        tpu.vector_store %arg8[%swap3A_687, %swap3A_688], %gather3A_686 {strides = array<i32>} : memref<8x2048xf32, #tpu.memory_space<vmem>>, vector<16xf32>,
        %gather3A_690 = tpu.vector_load_idx %arg6[%add3A_667, %get3A_86] : memref<8x2048xf32, #tpu.memory_space<vmem>>[vector<16xi32>, vector<16xi32>], vector<16xf32>,
        %swap3A_691 = arith.index_cast %scan3A_664 : i32 to index
        %swap3A_692 = arith.constant 352 : index
        %swap3A_693 = tpu.vector_load %arg8[%swap3A_691, %swap3A_692] {strides = array<i32>} : memref<8x2048xf32, #tpu.memory_space<vmem>>, vector<16xf32>,
        tpu.vector_store %arg8[%swap3A_691, %swap3A_692], %gather3A_690 {strides = array<i32>} : memref<8x2048xf32, #tpu.memory_space<vmem>>, vector<16xf32>,
        %gather3A_694 = tpu.vector_load_idx %arg6[%add3A_667, %get3A_88] : memref<8x2048xf32, #tpu.memory_space<vmem>>[vector<16xi32>, vector<16xi32>], vector<16xf32>,
        %swap3A_695 = arith.index_cast %scan3A_664 : i32 to index
        %swap3A_696 = arith.constant 368 : index
        %swap3A_697 = tpu.vector_load %arg8[%swap3A_695, %swap3A_696] {strides = array<i32>} : memref<8x2048xf32, #tpu.memory_space<vmem>>, vector<16xf32>,
        tpu.vector_store %arg8[%swap3A_695, %swap3A_696], %gather3A_694 {strides = array<i32>} : memref<8x2048xf32, #tpu.memory_space<vmem>>, vector<16xf32>,
        %gather3A_698 = tpu.vector_load_idx %arg6[%add3A_667, %get3A_90] : memref<8x2048xf32, #tpu.memory_space<vmem>>[vector<16xi32>, vector<16xi32>], vector<16xf32>,
        %swap3A_699 = arith.index_cast %scan3A_664 : i32 to index
        %swap3A_700 = arith.constant 384 : index
        %swap3A_701 = tpu.vector_load %arg8[%swap3A_699, %swap3A_700] {strides = array<i32>} : memref<8x2048xf32, #tpu.memory_space<vmem>>, vector<16xf32>,
        tpu.vector_store %arg8[%swap3A_699, %swap3A_700], %gather3A_698 {strides = array<i32>} : memref<8x2048xf32, #tpu.memory_space<vmem>>, vector<16xf32>,
        %gather3A_702 = tpu.vector_load_idx %arg6[%add3A_667, %get3A_92] : memref<8x2048xf32, #tpu.memory_space<vmem>>[vector<16xi32>, vector<16xi32>], vector<16xf32>,
        %swap3A_703 = arith.index_cast %scan3A_664 : i32 to index
        %swap3A_704 = arith.constant 400 : index
        %swap3A_705 = tpu.vector_load %arg8[%swap3A_703, %swap3A_704] {strides = array<i32>} : memref<8x2048xf32, #tpu.memory_space<vmem>>, vector<16xf32>,
        tpu.vector_store %arg8[%swap3A_703, %swap3A_704], %gather3A_702 {strides = array<i32>} : memref<8x2048xf32, #tpu.memory_space<vmem>>, vector<16xf32>,
        %gather3A_706 = tpu.vector_load_idx %arg6[%add3A_667, %get3A_94] : memref<8x2048xf32, #tpu.memory_space<vmem>>[vector<16xi32>, vector<16xi32>], vector<16xf32>,
        %swap3A_707 = arith.index_cast %scan3A_664 : i32 to index
        %swap3A_708 = arith.constant 416 : index
        %swap3A_709 = tpu.vector_load %arg8[%swap3A_707, %swap3A_708] {strides = array<i32>} : memref<8x2048xf32, #tpu.memory_space<vmem>>, vector<16xf32>,
        tpu.vector_store %arg8[%swap3A_707, %swap3A_708], %gather3A_706 {strides = array<i32>} : memref<8x2048xf32, #tpu.memory_space<vmem>>, vector<16xf32>,
        %gather3A_710 = tpu.vector_load_idx %arg6[%add3A_667, %get3A_96] : memref<8x2048xf32, #tpu.memory_space<vmem>>[vector<16xi32>, vector<16xi32>], vector<16xf32>,
        %swap3A_711 = arith.index_cast %scan3A_664 : i32 to index
        %swap3A_712 = arith.constant 432 : index
        %swap3A_713 = tpu.vector_load %arg8[%swap3A_711, %swap3A_712] {strides = array<i32>} : memref<8x2048xf32, #tpu.memory_space<vmem>>, vector<16xf32>,
        tpu.vector_store %arg8[%swap3A_711, %swap3A_712], %gather3A_710 {strides = array<i32>} : memref<8x2048xf32, #tpu.memory_space<vmem>>, vector<16xf32>,
        %gather3A_714 = tpu.vector_load_idx %arg6[%add3A_667, %get3A_98] : memref<8x2048xf32, #tpu.memory_space<vmem>>[vector<16xi32>, vector<16xi32>], vector<16xf32>,
        %swap3A_715 = arith.index_cast %scan3A_664 : i32 to index
        %swap3A_716 = arith.constant 448 : index
        %swap3A_717 = tpu.vector_load %arg8[%swap3A_715, %swap3A_716] {strides = array<i32>} : memref<8x2048xf32, #tpu.memory_space<vmem>>, vector<16xf32>,
        tpu.vector_store %arg8[%swap3A_715, %swap3A_716], %gather3A_714 {strides = array<i32>} : memref<8x2048xf32, #tpu.memory_space<vmem>>, vector<16xf32>,
        %gather3A_718 = tpu.vector_load_idx %arg6[%add3A_667, %get3A_100] : memref<8x2048xf32, #tpu.memory_space<vmem>>[vector<16xi32>, vector<16xi32>], vector<16xf32>,
        %swap3A_719 = arith.index_cast %scan3A_664 : i32 to index
        %swap3A_720 = arith.constant 464 : index
        %swap3A_721 = tpu.vector_load %arg8[%swap3A_719, %swap3A_720] {strides = array<i32>} : memref<8x2048xf32, #tpu.memory_space<vmem>>, vector<16xf32>,
        tpu.vector_store %arg8[%swap3A_719, %swap3A_720], %gather3A_718 {strides = array<i32>} : memref<8x2048xf32, #tpu.memory_space<vmem>>, vector<16xf32>,
        %gather3A_722 = tpu.vector_load_idx %arg6[%add3A_667, %get3A_102] : memref<8x2048xf32, #tpu.memory_space<vmem>>[vector<16xi32>, vector<16xi32>], vector<16xf32>,
        %swap3A_723 = arith.index_cast %scan3A_664 : i32 to index
        %swap3A_724 = arith.constant 480 : index
        %swap3A_725 = tpu.vector_load %arg8[%swap3A_723, %swap3A_724] {strides = array<i32>} : memref<8x2048xf32, #tpu.memory_space<vmem>>, vector<16xf32>,
        tpu.vector_store %arg8[%swap3A_723, %swap3A_724], %gather3A_722 {strides = array<i32>} : memref<8x2048xf32, #tpu.memory_space<vmem>>, vector<16xf32>,
        %gather3A_726 = tpu.vector_load_idx %arg6[%add3A_667, %get3A_104] : memref<8x2048xf32, #tpu.memory_space<vmem>>[vector<16xi32>, vector<16xi32>], vector<16xf32>,
        %swap3A_727 = arith.index_cast %scan3A_664 : i32 to index
        %swap3A_728 = arith.constant 496 : index
        %swap3A_729 = tpu.vector_load %arg8[%swap3A_727, %swap3A_728] {strides = array<i32>} : memref<8x2048xf32, #tpu.memory_space<vmem>>, vector<16xf32>,
        tpu.vector_store %arg8[%swap3A_727, %swap3A_728], %gather3A_726 {strides = array<i32>} : memref<8x2048xf32, #tpu.memory_space<vmem>>, vector<16xf32>,
      }
      %scan3A_110 = arith.constant 8 : i32
      %get3A_111 = arith.constant 512 : index
      %get3A_112 = tpu.vector_load %arg5[%get3A_111] {strides = array<i32>} : memref<2048xi32, #tpu.memory_space<vmem>>, vector<16xi32>,
      %get3A_113 = arith.constant 528 : index
      %get3A_114 = tpu.vector_load %arg5[%get3A_113] {strides = array<i32>} : memref<2048xi32, #tpu.memory_space<vmem>>, vector<16xi32>,
      %get3A_115 = arith.constant 544 : index
      %get3A_116 = tpu.vector_load %arg5[%get3A_115] {strides = array<i32>} : memref<2048xi32, #tpu.memory_space<vmem>>, vector<16xi32>,
      %get3A_117 = arith.constant 560 : index
      %get3A_118 = tpu.vector_load %arg5[%get3A_117] {strides = array<i32>} : memref<2048xi32, #tpu.memory_space<vmem>>, vector<16xi32>,
      %get3A_119 = arith.constant 576 : index
      %get3A_120 = tpu.vector_load %arg5[%get3A_119] {strides = array<i32>} : memref<2048xi32, #tpu.memory_space<vmem>>, vector<16xi32>,
      %get3A_121 = arith.constant 592 : index
      %get3A_122 = tpu.vector_load %arg5[%get3A_121] {strides = array<i32>} : memref<2048xi32, #tpu.memory_space<vmem>>, vector<16xi32>,
      %get3A_123 = arith.constant 608 : index
      %get3A_124 = tpu.vector_load %arg5[%get3A_123] {strides = array<i32>} : memref<2048xi32, #tpu.memory_space<vmem>>, vector<16xi32>,
      %get3A_125 = arith.constant 624 : index
      %get3A_126 = tpu.vector_load %arg5[%get3A_125] {strides = array<i32>} : memref<2048xi32, #tpu.memory_space<vmem>>, vector<16xi32>,
      %get3A_127 = arith.constant 640 : index
      %get3A_128 = tpu.vector_load %arg5[%get3A_127] {strides = array<i32>} : memref<2048xi32, #tpu.memory_space<vmem>>, vector<16xi32>,
      %get3A_129 = arith.constant 656 : index
      %get3A_130 = tpu.vector_load %arg5[%get3A_129] {strides = array<i32>} : memref<2048xi32, #tpu.memory_space<vmem>>, vector<16xi32>,
      %get3A_131 = arith.constant 672 : index
      %get3A_132 = tpu.vector_load %arg5[%get3A_131] {strides = array<i32>} : memref<2048xi32, #tpu.memory_space<vmem>>, vector<16xi32>,
      %get3A_133 = arith.constant 688 : index
      %get3A_134 = tpu.vector_load %arg5[%get3A_133] {strides = array<i32>} : memref<2048xi32, #tpu.memory_space<vmem>>, vector<16xi32>,
      %get3A_135 = arith.constant 704 : index
      %get3A_136 = tpu.vector_load %arg5[%get3A_135] {strides = array<i32>} : memref<2048xi32, #tpu.memory_space<vmem>>, vector<16xi32>,
      %get3A_137 = arith.constant 720 : index
      %get3A_138 = tpu.vector_load %arg5[%get3A_137] {strides = array<i32>} : memref<2048xi32, #tpu.memory_space<vmem>>, vector<16xi32>,
      %get3A_139 = arith.constant 736 : index
      %get3A_140 = tpu.vector_load %arg5[%get3A_139] {strides = array<i32>} : memref<2048xi32, #tpu.memory_space<vmem>>, vector<16xi32>,
      %get3A_141 = arith.constant 752 : index
      %get3A_142 = tpu.vector_load %arg5[%get3A_141] {strides = array<i32>} : memref<2048xi32, #tpu.memory_space<vmem>>, vector<16xi32>,
      %scan3A_143 = arith.constant 0 : i32
      %scan3A_144 = arith.constant 0 : i32
      %scan3A_145 = arith.constant 8 : i32
      %scan3A_146 = arith.addi %scan3A_144, %scan3A_145 : i32
      %scan3A_147 = arith.constant 1 : i32
      scf.for %scan3A_664 = %scan3A_144 to %scan3A_146 step %scan3A_147  : i32 {
        %broadcast_in_dim3A = arith.constant 0 : i32
        %broadcast_in_dim3A_665 = vector.broadcast %broadcast_in_dim3A : i32 to vector<16xi32>
        %add3A_666 = vector.broadcast %scan3A_664 : i32 to vector<16xi32>
        %add3A_667 = arith.addi %broadcast_in_dim3A_665, %add3A_666 : vector<16xi32>
        %gather3A = tpu.vector_load_idx %arg6[%add3A_667, %get3A_112] : memref<8x2048xf32, #tpu.memory_space<vmem>>[vector<16xi32>, vector<16xi32>], vector<16xf32>,
        %swap3A = arith.index_cast %scan3A_664 : i32 to index
        %swap3A_668 = arith.constant 512 : index
        %swap3A_669 = tpu.vector_load %arg8[%swap3A, %swap3A_668] {strides = array<i32>} : memref<8x2048xf32, #tpu.memory_space<vmem>>, vector<16xf32>,
        tpu.vector_store %arg8[%swap3A, %swap3A_668], %gather3A {strides = array<i32>} : memref<8x2048xf32, #tpu.memory_space<vmem>>, vector<16xf32>,
        %gather3A_670 = tpu.vector_load_idx %arg6[%add3A_667, %get3A_114] : memref<8x2048xf32, #tpu.memory_space<vmem>>[vector<16xi32>, vector<16xi32>], vector<16xf32>,
        %swap3A_671 = arith.index_cast %scan3A_664 : i32 to index
        %swap3A_672 = arith.constant 528 : index
        %swap3A_673 = tpu.vector_load %arg8[%swap3A_671, %swap3A_672] {strides = array<i32>} : memref<8x2048xf32, #tpu.memory_space<vmem>>, vector<16xf32>,
        tpu.vector_store %arg8[%swap3A_671, %swap3A_672], %gather3A_670 {strides = array<i32>} : memref<8x2048xf32, #tpu.memory_space<vmem>>, vector<16xf32>,
        %gather3A_674 = tpu.vector_load_idx %arg6[%add3A_667, %get3A_116] : memref<8x2048xf32, #tpu.memory_space<vmem>>[vector<16xi32>, vector<16xi32>], vector<16xf32>,
        %swap3A_675 = arith.index_cast %scan3A_664 : i32 to index
        %swap3A_676 = arith.constant 544 : index
        %swap3A_677 = tpu.vector_load %arg8[%swap3A_675, %swap3A_676] {strides = array<i32>} : memref<8x2048xf32, #tpu.memory_space<vmem>>, vector<16xf32>,
        tpu.vector_store %arg8[%swap3A_675, %swap3A_676], %gather3A_674 {strides = array<i32>} : memref<8x2048xf32, #tpu.memory_space<vmem>>, vector<16xf32>,
        %gather3A_678 = tpu.vector_load_idx %arg6[%add3A_667, %get3A_118] : memref<8x2048xf32, #tpu.memory_space<vmem>>[vector<16xi32>, vector<16xi32>], vector<16xf32>,
        %swap3A_679 = arith.index_cast %scan3A_664 : i32 to index
        %swap3A_680 = arith.constant 560 : index
        %swap3A_681 = tpu.vector_load %arg8[%swap3A_679, %swap3A_680] {strides = array<i32>} : memref<8x2048xf32, #tpu.memory_space<vmem>>, vector<16xf32>,
        tpu.vector_store %arg8[%swap3A_679, %swap3A_680], %gather3A_678 {strides = array<i32>} : memref<8x2048xf32, #tpu.memory_space<vmem>>, vector<16xf32>,
        %gather3A_682 = tpu.vector_load_idx %arg6[%add3A_667, %get3A_120] : memref<8x2048xf32, #tpu.memory_space<vmem>>[vector<16xi32>, vector<16xi32>], vector<16xf32>,
        %swap3A_683 = arith.index_cast %scan3A_664 : i32 to index
        %swap3A_684 = arith.constant 576 : index
        %swap3A_685 = tpu.vector_load %arg8[%swap3A_683, %swap3A_684] {strides = array<i32>} : memref<8x2048xf32, #tpu.memory_space<vmem>>, vector<16xf32>,
        tpu.vector_store %arg8[%swap3A_683, %swap3A_684], %gather3A_682 {strides = array<i32>} : memref<8x2048xf32, #tpu.memory_space<vmem>>, vector<16xf32>,
        %gather3A_686 = tpu.vector_load_idx %arg6[%add3A_667, %get3A_122] : memref<8x2048xf32, #tpu.memory_space<vmem>>[vector<16xi32>, vector<16xi32>], vector<16xf32>,
        %swap3A_687 = arith.index_cast %scan3A_664 : i32 to index
        %swap3A_688 = arith.constant 592 : index
        %swap3A_689 = tpu.vector_load %arg8[%swap3A_687, %swap3A_688] {strides = array<i32>} : memref<8x2048xf32, #tpu.memory_space<vmem>>, vector<16xf32>,
        tpu.vector_store %arg8[%swap3A_687, %swap3A_688], %gather3A_686 {strides = array<i32>} : memref<8x2048xf32, #tpu.memory_space<vmem>>, vector<16xf32>,
        %gather3A_690 = tpu.vector_load_idx %arg6[%add3A_667, %get3A_124] : memref<8x2048xf32, #tpu.memory_space<vmem>>[vector<16xi32>, vector<16xi32>], vector<16xf32>,
        %swap3A_691 = arith.index_cast %scan3A_664 : i32 to index
        %swap3A_692 = arith.constant 608 : index
        %swap3A_693 = tpu.vector_load %arg8[%swap3A_691, %swap3A_692] {strides = array<i32>} : memref<8x2048xf32, #tpu.memory_space<vmem>>, vector<16xf32>,
        tpu.vector_store %arg8[%swap3A_691, %swap3A_692], %gather3A_690 {strides = array<i32>} : memref<8x2048xf32, #tpu.memory_space<vmem>>, vector<16xf32>,
        %gather3A_694 = tpu.vector_load_idx %arg6[%add3A_667, %get3A_126] : memref<8x2048xf32, #tpu.memory_space<vmem>>[vector<16xi32>, vector<16xi32>], vector<16xf32>,
        %swap3A_695 = arith.index_cast %scan3A_664 : i32 to index
        %swap3A_696 = arith.constant 624 : index
        %swap3A_697 = tpu.vector_load %arg8[%swap3A_695, %swap3A_696] {strides = array<i32>} : memref<8x2048xf32, #tpu.memory_space<vmem>>, vector<16xf32>,
        tpu.vector_store %arg8[%swap3A_695, %swap3A_696], %gather3A_694 {strides = array<i32>} : memref<8x2048xf32, #tpu.memory_space<vmem>>, vector<16xf32>,
        %gather3A_698 = tpu.vector_load_idx %arg6[%add3A_667, %get3A_128] : memref<8x2048xf32, #tpu.memory_space<vmem>>[vector<16xi32>, vector<16xi32>], vector<16xf32>,
        %swap3A_699 = arith.index_cast %scan3A_664 : i32 to index
        %swap3A_700 = arith.constant 640 : index
        %swap3A_701 = tpu.vector_load %arg8[%swap3A_699, %swap3A_700] {strides = array<i32>} : memref<8x2048xf32, #tpu.memory_space<vmem>>, vector<16xf32>,
        tpu.vector_store %arg8[%swap3A_699, %swap3A_700], %gather3A_698 {strides = array<i32>} : memref<8x2048xf32, #tpu.memory_space<vmem>>, vector<16xf32>,
        %gather3A_702 = tpu.vector_load_idx %arg6[%add3A_667, %get3A_130] : memref<8x2048xf32, #tpu.memory_space<vmem>>[vector<16xi32>, vector<16xi32>], vector<16xf32>,
        %swap3A_703 = arith.index_cast %scan3A_664 : i32 to index
        %swap3A_704 = arith.constant 656 : index
        %swap3A_705 = tpu.vector_load %arg8[%swap3A_703, %swap3A_704] {strides = array<i32>} : memref<8x2048xf32, #tpu.memory_space<vmem>>, vector<16xf32>,
        tpu.vector_store %arg8[%swap3A_703, %swap3A_704], %gather3A_702 {strides = array<i32>} : memref<8x2048xf32, #tpu.memory_space<vmem>>, vector<16xf32>,
        %gather3A_706 = tpu.vector_load_idx %arg6[%add3A_667, %get3A_132] : memref<8x2048xf32, #tpu.memory_space<vmem>>[vector<16xi32>, vector<16xi32>], vector<16xf32>,
        %swap3A_707 = arith.index_cast %scan3A_664 : i32 to index
        %swap3A_708 = arith.constant 672 : index
        %swap3A_709 = tpu.vector_load %arg8[%swap3A_707, %swap3A_708] {strides = array<i32>} : memref<8x2048xf32, #tpu.memory_space<vmem>>, vector<16xf32>,
        tpu.vector_store %arg8[%swap3A_707, %swap3A_708], %gather3A_706 {strides = array<i32>} : memref<8x2048xf32, #tpu.memory_space<vmem>>, vector<16xf32>,
        %gather3A_710 = tpu.vector_load_idx %arg6[%add3A_667, %get3A_134] : memref<8x2048xf32, #tpu.memory_space<vmem>>[vector<16xi32>, vector<16xi32>], vector<16xf32>,
        %swap3A_711 = arith.index_cast %scan3A_664 : i32 to index
        %swap3A_712 = arith.constant 688 : index
        %swap3A_713 = tpu.vector_load %arg8[%swap3A_711, %swap3A_712] {strides = array<i32>} : memref<8x2048xf32, #tpu.memory_space<vmem>>, vector<16xf32>,
        tpu.vector_store %arg8[%swap3A_711, %swap3A_712], %gather3A_710 {strides = array<i32>} : memref<8x2048xf32, #tpu.memory_space<vmem>>, vector<16xf32>,
        %gather3A_714 = tpu.vector_load_idx %arg6[%add3A_667, %get3A_136] : memref<8x2048xf32, #tpu.memory_space<vmem>>[vector<16xi32>, vector<16xi32>], vector<16xf32>,
        %swap3A_715 = arith.index_cast %scan3A_664 : i32 to index
        %swap3A_716 = arith.constant 704 : index
        %swap3A_717 = tpu.vector_load %arg8[%swap3A_715, %swap3A_716] {strides = array<i32>} : memref<8x2048xf32, #tpu.memory_space<vmem>>, vector<16xf32>,
        tpu.vector_store %arg8[%swap3A_715, %swap3A_716], %gather3A_714 {strides = array<i32>} : memref<8x2048xf32, #tpu.memory_space<vmem>>, vector<16xf32>,
        %gather3A_718 = tpu.vector_load_idx %arg6[%add3A_667, %get3A_138] : memref<8x2048xf32, #tpu.memory_space<vmem>>[vector<16xi32>, vector<16xi32>], vector<16xf32>,
        %swap3A_719 = arith.index_cast %scan3A_664 : i32 to index
        %swap3A_720 = arith.constant 720 : index
        %swap3A_721 = tpu.vector_load %arg8[%swap3A_719, %swap3A_720] {strides = array<i32>} : memref<8x2048xf32, #tpu.memory_space<vmem>>, vector<16xf32>,
        tpu.vector_store %arg8[%swap3A_719, %swap3A_720], %gather3A_718 {strides = array<i32>} : memref<8x2048xf32, #tpu.memory_space<vmem>>, vector<16xf32>,
        %gather3A_722 = tpu.vector_load_idx %arg6[%add3A_667, %get3A_140] : memref<8x2048xf32, #tpu.memory_space<vmem>>[vector<16xi32>, vector<16xi32>], vector<16xf32>,
        %swap3A_723 = arith.index_cast %scan3A_664 : i32 to index
        %swap3A_724 = arith.constant 736 : index
        %swap3A_725 = tpu.vector_load %arg8[%swap3A_723, %swap3A_724] {strides = array<i32>} : memref<8x2048xf32, #tpu.memory_space<vmem>>, vector<16xf32>,
        tpu.vector_store %arg8[%swap3A_723, %swap3A_724], %gather3A_722 {strides = array<i32>} : memref<8x2048xf32, #tpu.memory_space<vmem>>, vector<16xf32>,
        %gather3A_726 = tpu.vector_load_idx %arg6[%add3A_667, %get3A_142] : memref<8x2048xf32, #tpu.memory_space<vmem>>[vector<16xi32>, vector<16xi32>], vector<16xf32>,
        %swap3A_727 = arith.index_cast %scan3A_664 : i32 to index
        %swap3A_728 = arith.constant 752 : index
        %swap3A_729 = tpu.vector_load %arg8[%swap3A_727, %swap3A_728] {strides = array<i32>} : memref<8x2048xf32, #tpu.memory_space<vmem>>, vector<16xf32>,
        tpu.vector_store %arg8[%swap3A_727, %swap3A_728], %gather3A_726 {strides = array<i32>} : memref<8x2048xf32, #tpu.memory_space<vmem>>, vector<16xf32>,
      }
      %scan3A_148 = arith.constant 8 : i32
      %get3A_149 = arith.constant 768 : index
      %get3A_150 = tpu.vector_load %arg5[%get3A_149] {strides = array<i32>} : memref<2048xi32, #tpu.memory_space<vmem>>, vector<16xi32>,
      %get3A_151 = arith.constant 784 : index
      %get3A_152 = tpu.vector_load %arg5[%get3A_151] {strides = array<i32>} : memref<2048xi32, #tpu.memory_space<vmem>>, vector<16xi32>,
      %get3A_153 = arith.constant 800 : index
      %get3A_154 = tpu.vector_load %arg5[%get3A_153] {strides = array<i32>} : memref<2048xi32, #tpu.memory_space<vmem>>, vector<16xi32>,
      %get3A_155 = arith.constant 816 : index
      %get3A_156 = tpu.vector_load %arg5[%get3A_155] {strides = array<i32>} : memref<2048xi32, #tpu.memory_space<vmem>>, vector<16xi32>,
      %get3A_157 = arith.constant 832 : index
      %get3A_158 = tpu.vector_load %arg5[%get3A_157] {strides = array<i32>} : memref<2048xi32, #tpu.memory_space<vmem>>, vector<16xi32>,
      %get3A_159 = arith.constant 848 : index
      %get3A_160 = tpu.vector_load %arg5[%get3A_159] {strides = array<i32>} : memref<2048xi32, #tpu.memory_space<vmem>>, vector<16xi32>,
      %get3A_161 = arith.constant 864 : index
      %get3A_162 = tpu.vector_load %arg5[%get3A_161] {strides = array<i32>} : memref<2048xi32, #tpu.memory_space<vmem>>, vector<16xi32>,
      %get3A_163 = arith.constant 880 : index
      %get3A_164 = tpu.vector_load %arg5[%get3A_163] {strides = array<i32>} : memref<2048xi32, #tpu.memory_space<vmem>>, vector<16xi32>,
      %get3A_165 = arith.constant 896 : index
      %get3A_166 = tpu.vector_load %arg5[%get3A_165] {strides = array<i32>} : memref<2048xi32, #tpu.memory_space<vmem>>, vector<16xi32>,
      %get3A_167 = arith.constant 912 : index
      %get3A_168 = tpu.vector_load %arg5[%get3A_167] {strides = array<i32>} : memref<2048xi32, #tpu.memory_space<vmem>>, vector<16xi32>,
      %get3A_169 = arith.constant 928 : index
      %get3A_170 = tpu.vector_load %arg5[%get3A_169] {strides = array<i32>} : memref<2048xi32, #tpu.memory_space<vmem>>, vector<16xi32>,
      %get3A_171 = arith.constant 944 : index
      %get3A_172 = tpu.vector_load %arg5[%get3A_171] {strides = array<i32>} : memref<2048xi32, #tpu.memory_space<vmem>>, vector<16xi32>,
      %get3A_173 = arith.constant 960 : index
      %get3A_174 = tpu.vector_load %arg5[%get3A_173] {strides = array<i32>} : memref<2048xi32, #tpu.memory_space<vmem>>, vector<16xi32>,
      %get3A_175 = arith.constant 976 : index
      %get3A_176 = tpu.vector_load %arg5[%get3A_175] {strides = array<i32>} : memref<2048xi32, #tpu.memory_space<vmem>>, vector<16xi32>,
      %get3A_177 = arith.constant 992 : index
      %get3A_178 = tpu.vector_load %arg5[%get3A_177] {strides = array<i32>} : memref<2048xi32, #tpu.memory_space<vmem>>, vector<16xi32>,
      %get3A_179 = arith.constant 1008 : index
      %get3A_180 = tpu.vector_load %arg5[%get3A_179] {strides = array<i32>} : memref<2048xi32, #tpu.memory_space<vmem>>, vector<16xi32>,
      %scan3A_181 = arith.constant 0 : i32
      %scan3A_182 = arith.constant 0 : i32
      %scan3A_183 = arith.constant 8 : i32
      %scan3A_184 = arith.addi %scan3A_182, %scan3A_183 : i32
      %scan3A_185 = arith.constant 1 : i32
      scf.for %scan3A_664 = %scan3A_182 to %scan3A_184 step %scan3A_185  : i32 {
        %broadcast_in_dim3A = arith.constant 0 : i32
        %broadcast_in_dim3A_665 = vector.broadcast %broadcast_in_dim3A : i32 to vector<16xi32>
        %add3A_666 = vector.broadcast %scan3A_664 : i32 to vector<16xi32>
        %add3A_667 = arith.addi %broadcast_in_dim3A_665, %add3A_666 : vector<16xi32>
        %gather3A = tpu.vector_load_idx %arg6[%add3A_667, %get3A_150] : memref<8x2048xf32, #tpu.memory_space<vmem>>[vector<16xi32>, vector<16xi32>], vector<16xf32>,
        %swap3A = arith.index_cast %scan3A_664 : i32 to index
        %swap3A_668 = arith.constant 768 : index
        %swap3A_669 = tpu.vector_load %arg8[%swap3A, %swap3A_668] {strides = array<i32>} : memref<8x2048xf32, #tpu.memory_space<vmem>>, vector<16xf32>,
        tpu.vector_store %arg8[%swap3A, %swap3A_668], %gather3A {strides = array<i32>} : memref<8x2048xf32, #tpu.memory_space<vmem>>, vector<16xf32>,
        %gather3A_670 = tpu.vector_load_idx %arg6[%add3A_667, %get3A_152] : memref<8x2048xf32, #tpu.memory_space<vmem>>[vector<16xi32>, vector<16xi32>], vector<16xf32>,
        %swap3A_671 = arith.index_cast %scan3A_664 : i32 to index
        %swap3A_672 = arith.constant 784 : index
        %swap3A_673 = tpu.vector_load %arg8[%swap3A_671, %swap3A_672] {strides = array<i32>} : memref<8x2048xf32, #tpu.memory_space<vmem>>, vector<16xf32>,
        tpu.vector_store %arg8[%swap3A_671, %swap3A_672], %gather3A_670 {strides = array<i32>} : memref<8x2048xf32, #tpu.memory_space<vmem>>, vector<16xf32>,
        %gather3A_674 = tpu.vector_load_idx %arg6[%add3A_667, %get3A_154] : memref<8x2048xf32, #tpu.memory_space<vmem>>[vector<16xi32>, vector<16xi32>], vector<16xf32>,
        %swap3A_675 = arith.index_cast %scan3A_664 : i32 to index
        %swap3A_676 = arith.constant 800 : index
        %swap3A_677 = tpu.vector_load %arg8[%swap3A_675, %swap3A_676] {strides = array<i32>} : memref<8x2048xf32, #tpu.memory_space<vmem>>, vector<16xf32>,
        tpu.vector_store %arg8[%swap3A_675, %swap3A_676], %gather3A_674 {strides = array<i32>} : memref<8x2048xf32, #tpu.memory_space<vmem>>, vector<16xf32>,
        %gather3A_678 = tpu.vector_load_idx %arg6[%add3A_667, %get3A_156] : memref<8x2048xf32, #tpu.memory_space<vmem>>[vector<16xi32>, vector<16xi32>], vector<16xf32>,
        %swap3A_679 = arith.index_cast %scan3A_664 : i32 to index
        %swap3A_680 = arith.constant 816 : index
        %swap3A_681 = tpu.vector_load %arg8[%swap3A_679, %swap3A_680] {strides = array<i32>} : memref<8x2048xf32, #tpu.memory_space<vmem>>, vector<16xf32>,
        tpu.vector_store %arg8[%swap3A_679, %swap3A_680], %gather3A_678 {strides = array<i32>} : memref<8x2048xf32, #tpu.memory_space<vmem>>, vector<16xf32>,
        %gather3A_682 = tpu.vector_load_idx %arg6[%add3A_667, %get3A_158] : memref<8x2048xf32, #tpu.memory_space<vmem>>[vector<16xi32>, vector<16xi32>], vector<16xf32>,
        %swap3A_683 = arith.index_cast %scan3A_664 : i32 to index
        %swap3A_684 = arith.constant 832 : index
        %swap3A_685 = tpu.vector_load %arg8[%swap3A_683, %swap3A_684] {strides = array<i32>} : memref<8x2048xf32, #tpu.memory_space<vmem>>, vector<16xf32>,
        tpu.vector_store %arg8[%swap3A_683, %swap3A_684], %gather3A_682 {strides = array<i32>} : memref<8x2048xf32, #tpu.memory_space<vmem>>, vector<16xf32>,
        %gather3A_686 = tpu.vector_load_idx %arg6[%add3A_667, %get3A_160] : memref<8x2048xf32, #tpu.memory_space<vmem>>[vector<16xi32>, vector<16xi32>], vector<16xf32>,
        %swap3A_687 = arith.index_cast %scan3A_664 : i32 to index
        %swap3A_688 = arith.constant 848 : index
        %swap3A_689 = tpu.vector_load %arg8[%swap3A_687, %swap3A_688] {strides = array<i32>} : memref<8x2048xf32, #tpu.memory_space<vmem>>, vector<16xf32>,
        tpu.vector_store %arg8[%swap3A_687, %swap3A_688], %gather3A_686 {strides = array<i32>} : memref<8x2048xf32, #tpu.memory_space<vmem>>, vector<16xf32>,
        %gather3A_690 = tpu.vector_load_idx %arg6[%add3A_667, %get3A_162] : memref<8x2048xf32, #tpu.memory_space<vmem>>[vector<16xi32>, vector<16xi32>], vector<16xf32>,
        %swap3A_691 = arith.index_cast %scan3A_664 : i32 to index
        %swap3A_692 = arith.constant 864 : index
        %swap3A_693 = tpu.vector_load %arg8[%swap3A_691, %swap3A_692] {strides = array<i32>} : memref<8x2048xf32, #tpu.memory_space<vmem>>, vector<16xf32>,
        tpu.vector_store %arg8[%swap3A_691, %swap3A_692], %gather3A_690 {strides = array<i32>} : memref<8x2048xf32, #tpu.memory_space<vmem>>, vector<16xf32>,
        %gather3A_694 = tpu.vector_load_idx %arg6[%add3A_667, %get3A_164] : memref<8x2048xf32, #tpu.memory_space<vmem>>[vector<16xi32>, vector<16xi32>], vector<16xf32>,
        %swap3A_695 = arith.index_cast %scan3A_664 : i32 to index
        %swap3A_696 = arith.constant 880 : index
        %swap3A_697 = tpu.vector_load %arg8[%swap3A_695, %swap3A_696] {strides = array<i32>} : memref<8x2048xf32, #tpu.memory_space<vmem>>, vector<16xf32>,
        tpu.vector_store %arg8[%swap3A_695, %swap3A_696], %gather3A_694 {strides = array<i32>} : memref<8x2048xf32, #tpu.memory_space<vmem>>, vector<16xf32>,
        %gather3A_698 = tpu.vector_load_idx %arg6[%add3A_667, %get3A_166] : memref<8x2048xf32, #tpu.memory_space<vmem>>[vector<16xi32>, vector<16xi32>], vector<16xf32>,
        %swap3A_699 = arith.index_cast %scan3A_664 : i32 to index
        %swap3A_700 = arith.constant 896 : index
        %swap3A_701 = tpu.vector_load %arg8[%swap3A_699, %swap3A_700] {strides = array<i32>} : memref<8x2048xf32, #tpu.memory_space<vmem>>, vector<16xf32>,
        tpu.vector_store %arg8[%swap3A_699, %swap3A_700], %gather3A_698 {strides = array<i32>} : memref<8x2048xf32, #tpu.memory_space<vmem>>, vector<16xf32>,
        %gather3A_702 = tpu.vector_load_idx %arg6[%add3A_667, %get3A_168] : memref<8x2048xf32, #tpu.memory_space<vmem>>[vector<16xi32>, vector<16xi32>], vector<16xf32>,
        %swap3A_703 = arith.index_cast %scan3A_664 : i32 to index
        %swap3A_704 = arith.constant 912 : index
        %swap3A_705 = tpu.vector_load %arg8[%swap3A_703, %swap3A_704] {strides = array<i32>} : memref<8x2048xf32, #tpu.memory_space<vmem>>, vector<16xf32>,
        tpu.vector_store %arg8[%swap3A_703, %swap3A_704], %gather3A_702 {strides = array<i32>} : memref<8x2048xf32, #tpu.memory_space<vmem>>, vector<16xf32>,
        %gather3A_706 = tpu.vector_load_idx %arg6[%add3A_667, %get3A_170] : memref<8x2048xf32, #tpu.memory_space<vmem>>[vector<16xi32>, vector<16xi32>], vector<16xf32>,
        %swap3A_707 = arith.index_cast %scan3A_664 : i32 to index
        %swap3A_708 = arith.constant 928 : index
        %swap3A_709 = tpu.vector_load %arg8[%swap3A_707, %swap3A_708] {strides = array<i32>} : memref<8x2048xf32, #tpu.memory_space<vmem>>, vector<16xf32>,
        tpu.vector_store %arg8[%swap3A_707, %swap3A_708], %gather3A_706 {strides = array<i32>} : memref<8x2048xf32, #tpu.memory_space<vmem>>, vector<16xf32>,
        %gather3A_710 = tpu.vector_load_idx %arg6[%add3A_667, %get3A_172] : memref<8x2048xf32, #tpu.memory_space<vmem>>[vector<16xi32>, vector<16xi32>], vector<16xf32>,
        %swap3A_711 = arith.index_cast %scan3A_664 : i32 to index
        %swap3A_712 = arith.constant 944 : index
        %swap3A_713 = tpu.vector_load %arg8[%swap3A_711, %swap3A_712] {strides = array<i32>} : memref<8x2048xf32, #tpu.memory_space<vmem>>, vector<16xf32>,
        tpu.vector_store %arg8[%swap3A_711, %swap3A_712], %gather3A_710 {strides = array<i32>} : memref<8x2048xf32, #tpu.memory_space<vmem>>, vector<16xf32>,
        %gather3A_714 = tpu.vector_load_idx %arg6[%add3A_667, %get3A_174] : memref<8x2048xf32, #tpu.memory_space<vmem>>[vector<16xi32>, vector<16xi32>], vector<16xf32>,
        %swap3A_715 = arith.index_cast %scan3A_664 : i32 to index
        %swap3A_716 = arith.constant 960 : index
        %swap3A_717 = tpu.vector_load %arg8[%swap3A_715, %swap3A_716] {strides = array<i32>} : memref<8x2048xf32, #tpu.memory_space<vmem>>, vector<16xf32>,
        tpu.vector_store %arg8[%swap3A_715, %swap3A_716], %gather3A_714 {strides = array<i32>} : memref<8x2048xf32, #tpu.memory_space<vmem>>, vector<16xf32>,
        %gather3A_718 = tpu.vector_load_idx %arg6[%add3A_667, %get3A_176] : memref<8x2048xf32, #tpu.memory_space<vmem>>[vector<16xi32>, vector<16xi32>], vector<16xf32>,
        %swap3A_719 = arith.index_cast %scan3A_664 : i32 to index
        %swap3A_720 = arith.constant 976 : index
        %swap3A_721 = tpu.vector_load %arg8[%swap3A_719, %swap3A_720] {strides = array<i32>} : memref<8x2048xf32, #tpu.memory_space<vmem>>, vector<16xf32>,
        tpu.vector_store %arg8[%swap3A_719, %swap3A_720], %gather3A_718 {strides = array<i32>} : memref<8x2048xf32, #tpu.memory_space<vmem>>, vector<16xf32>,
        %gather3A_722 = tpu.vector_load_idx %arg6[%add3A_667, %get3A_178] : memref<8x2048xf32, #tpu.memory_space<vmem>>[vector<16xi32>, vector<16xi32>], vector<16xf32>,
        %swap3A_723 = arith.index_cast %scan3A_664 : i32 to index
        %swap3A_724 = arith.constant 992 : index
        %swap3A_725 = tpu.vector_load %arg8[%swap3A_723, %swap3A_724] {strides = array<i32>} : memref<8x2048xf32, #tpu.memory_space<vmem>>, vector<16xf32>,
        tpu.vector_store %arg8[%swap3A_723, %swap3A_724], %gather3A_722 {strides = array<i32>} : memref<8x2048xf32, #tpu.memory_space<vmem>>, vector<16xf32>,
        %gather3A_726 = tpu.vector_load_idx %arg6[%add3A_667, %get3A_180] : memref<8x2048xf32, #tpu.memory_space<vmem>>[vector<16xi32>, vector<16xi32>], vector<16xf32>,
        %swap3A_727 = arith.index_cast %scan3A_664 : i32 to index
        %swap3A_728 = arith.constant 1008 : index
        %swap3A_729 = tpu.vector_load %arg8[%swap3A_727, %swap3A_728] {strides = array<i32>} : memref<8x2048xf32, #tpu.memory_space<vmem>>, vector<16xf32>,
        tpu.vector_store %arg8[%swap3A_727, %swap3A_728], %gather3A_726 {strides = array<i32>} : memref<8x2048xf32, #tpu.memory_space<vmem>>, vector<16xf32>,
      }
      %scan3A_186 = arith.constant 8 : i32
      %get3A_187 = arith.constant 1024 : index
      %get3A_188 = tpu.vector_load %arg5[%get3A_187] {strides = array<i32>} : memref<2048xi32, #tpu.memory_space<vmem>>, vector<16xi32>,
      %get3A_189 = arith.constant 1040 : index
      %get3A_190 = tpu.vector_load %arg5[%get3A_189] {strides = array<i32>} : memref<2048xi32, #tpu.memory_space<vmem>>, vector<16xi32>,
      %get3A_191 = arith.constant 1056 : index
      %get3A_192 = tpu.vector_load %arg5[%get3A_191] {strides = array<i32>} : memref<2048xi32, #tpu.memory_space<vmem>>, vector<16xi32>,
      %get3A_193 = arith.constant 1072 : index
      %get3A_194 = tpu.vector_load %arg5[%get3A_193] {strides = array<i32>} : memref<2048xi32, #tpu.memory_space<vmem>>, vector<16xi32>,
      %get3A_195 = arith.constant 1088 : index
      %get3A_196 = tpu.vector_load %arg5[%get3A_195] {strides = array<i32>} : memref<2048xi32, #tpu.memory_space<vmem>>, vector<16xi32>,
      %get3A_197 = arith.constant 1104 : index
      %get3A_198 = tpu.vector_load %arg5[%get3A_197] {strides = array<i32>} : memref<2048xi32, #tpu.memory_space<vmem>>, vector<16xi32>,
      %get3A_199 = arith.constant 1120 : index
      %get3A_200 = tpu.vector_load %arg5[%get3A_199] {strides = array<i32>} : memref<2048xi32, #tpu.memory_space<vmem>>, vector<16xi32>,
      %get3A_201 = arith.constant 1136 : index
      %get3A_202 = tpu.vector_load %arg5[%get3A_201] {strides = array<i32>} : memref<2048xi32, #tpu.memory_space<vmem>>, vector<16xi32>,
      %get3A_203 = arith.constant 1152 : index
      %get3A_204 = tpu.vector_load %arg5[%get3A_203] {strides = array<i32>} : memref<2048xi32, #tpu.memory_space<vmem>>, vector<16xi32>,
      %get3A_205 = arith.constant 1168 : index
      %get3A_206 = tpu.vector_load %arg5[%get3A_205] {strides = array<i32>} : memref<2048xi32, #tpu.memory_space<vmem>>, vector<16xi32>,
      %get3A_207 = arith.constant 1184 : index
      %get3A_208 = tpu.vector_load %arg5[%get3A_207] {strides = array<i32>} : memref<2048xi32, #tpu.memory_space<vmem>>, vector<16xi32>,
      %get3A_209 = arith.constant 1200 : index
      %get3A_210 = tpu.vector_load %arg5[%get3A_209] {strides = array<i32>} : memref<2048xi32, #tpu.memory_space<vmem>>, vector<16xi32>,
      %get3A_211 = arith.constant 1216 : index
      %get3A_212 = tpu.vector_load %arg5[%get3A_211] {strides = array<i32>} : memref<2048xi32, #tpu.memory_space<vmem>>, vector<16xi32>,
      %get3A_213 = arith.constant 1232 : index
      %get3A_214 = tpu.vector_load %arg5[%get3A_213] {strides = array<i32>} : memref<2048xi32, #tpu.memory_space<vmem>>, vector<16xi32>,
      %get3A_215 = arith.constant 1248 : index
      %get3A_216 = tpu.vector_load %arg5[%get3A_215] {strides = array<i32>} : memref<2048xi32, #tpu.memory_space<vmem>>, vector<16xi32>,
      %get3A_217 = arith.constant 1264 : index
      %get3A_218 = tpu.vector_load %arg5[%get3A_217] {strides = array<i32>} : memref<2048xi32, #tpu.memory_space<vmem>>, vector<16xi32>,
      %scan3A_219 = arith.constant 0 : i32
      %scan3A_220 = arith.constant 0 : i32
      %scan3A_221 = arith.constant 8 : i32
      %scan3A_222 = arith.addi %scan3A_220, %scan3A_221 : i32
      %scan3A_223 = arith.constant 1 : i32
      scf.for %scan3A_664 = %scan3A_220 to %scan3A_222 step %scan3A_223  : i32 {
        %broadcast_in_dim3A = arith.constant 0 : i32
        %broadcast_in_dim3A_665 = vector.broadcast %broadcast_in_dim3A : i32 to vector<16xi32>
        %add3A_666 = vector.broadcast %scan3A_664 : i32 to vector<16xi32>
        %add3A_667 = arith.addi %broadcast_in_dim3A_665, %add3A_666 : vector<16xi32>
        %gather3A = tpu.vector_load_idx %arg6[%add3A_667, %get3A_188] : memref<8x2048xf32, #tpu.memory_space<vmem>>[vector<16xi32>, vector<16xi32>], vector<16xf32>,
        %swap3A = arith.index_cast %scan3A_664 : i32 to index
        %swap3A_668 = arith.constant 1024 : index
        %swap3A_669 = tpu.vector_load %arg8[%swap3A, %swap3A_668] {strides = array<i32>} : memref<8x2048xf32, #tpu.memory_space<vmem>>, vector<16xf32>,
        tpu.vector_store %arg8[%swap3A, %swap3A_668], %gather3A {strides = array<i32>} : memref<8x2048xf32, #tpu.memory_space<vmem>>, vector<16xf32>,
        %gather3A_670 = tpu.vector_load_idx %arg6[%add3A_667, %get3A_190] : memref<8x2048xf32, #tpu.memory_space<vmem>>[vector<16xi32>, vector<16xi32>], vector<16xf32>,
        %swap3A_671 = arith.index_cast %scan3A_664 : i32 to index
        %swap3A_672 = arith.constant 1040 : index
        %swap3A_673 = tpu.vector_load %arg8[%swap3A_671, %swap3A_672] {strides = array<i32>} : memref<8x2048xf32, #tpu.memory_space<vmem>>, vector<16xf32>,
        tpu.vector_store %arg8[%swap3A_671, %swap3A_672], %gather3A_670 {strides = array<i32>} : memref<8x2048xf32, #tpu.memory_space<vmem>>, vector<16xf32>,
        %gather3A_674 = tpu.vector_load_idx %arg6[%add3A_667, %get3A_192] : memref<8x2048xf32, #tpu.memory_space<vmem>>[vector<16xi32>, vector<16xi32>], vector<16xf32>,
        %swap3A_675 = arith.index_cast %scan3A_664 : i32 to index
        %swap3A_676 = arith.constant 1056 : index
        %swap3A_677 = tpu.vector_load %arg8[%swap3A_675, %swap3A_676] {strides = array<i32>} : memref<8x2048xf32, #tpu.memory_space<vmem>>, vector<16xf32>,
        tpu.vector_store %arg8[%swap3A_675, %swap3A_676], %gather3A_674 {strides = array<i32>} : memref<8x2048xf32, #tpu.memory_space<vmem>>, vector<16xf32>,
        %gather3A_678 = tpu.vector_load_idx %arg6[%add3A_667, %get3A_194] : memref<8x2048xf32, #tpu.memory_space<vmem>>[vector<16xi32>, vector<16xi32>], vector<16xf32>,
        %swap3A_679 = arith.index_cast %scan3A_664 : i32 to index
        %swap3A_680 = arith.constant 1072 : index
        %swap3A_681 = tpu.vector_load %arg8[%swap3A_679, %swap3A_680] {strides = array<i32>} : memref<8x2048xf32, #tpu.memory_space<vmem>>, vector<16xf32>,
        tpu.vector_store %arg8[%swap3A_679, %swap3A_680], %gather3A_678 {strides = array<i32>} : memref<8x2048xf32, #tpu.memory_space<vmem>>, vector<16xf32>,
        %gather3A_682 = tpu.vector_load_idx %arg6[%add3A_667, %get3A_196] : memref<8x2048xf32, #tpu.memory_space<vmem>>[vector<16xi32>, vector<16xi32>], vector<16xf32>,
        %swap3A_683 = arith.index_cast %scan3A_664 : i32 to index
        %swap3A_684 = arith.constant 1088 : index
        %swap3A_685 = tpu.vector_load %arg8[%swap3A_683, %swap3A_684] {strides = array<i32>} : memref<8x2048xf32, #tpu.memory_space<vmem>>, vector<16xf32>,
        tpu.vector_store %arg8[%swap3A_683, %swap3A_684], %gather3A_682 {strides = array<i32>} : memref<8x2048xf32, #tpu.memory_space<vmem>>, vector<16xf32>,
        %gather3A_686 = tpu.vector_load_idx %arg6[%add3A_667, %get3A_198] : memref<8x2048xf32, #tpu.memory_space<vmem>>[vector<16xi32>, vector<16xi32>], vector<16xf32>,
        %swap3A_687 = arith.index_cast %scan3A_664 : i32 to index
        %swap3A_688 = arith.constant 1104 : index
        %swap3A_689 = tpu.vector_load %arg8[%swap3A_687, %swap3A_688] {strides = array<i32>} : memref<8x2048xf32, #tpu.memory_space<vmem>>, vector<16xf32>,
        tpu.vector_store %arg8[%swap3A_687, %swap3A_688], %gather3A_686 {strides = array<i32>} : memref<8x2048xf32, #tpu.memory_space<vmem>>, vector<16xf32>,
        %gather3A_690 = tpu.vector_load_idx %arg6[%add3A_667, %get3A_200] : memref<8x2048xf32, #tpu.memory_space<vmem>>[vector<16xi32>, vector<16xi32>], vector<16xf32>,
        %swap3A_691 = arith.index_cast %scan3A_664 : i32 to index
        %swap3A_692 = arith.constant 1120 : index
        %swap3A_693 = tpu.vector_load %arg8[%swap3A_691, %swap3A_692] {strides = array<i32>} : memref<8x2048xf32, #tpu.memory_space<vmem>>, vector<16xf32>,
        tpu.vector_store %arg8[%swap3A_691, %swap3A_692], %gather3A_690 {strides = array<i32>} : memref<8x2048xf32, #tpu.memory_space<vmem>>, vector<16xf32>,
        %gather3A_694 = tpu.vector_load_idx %arg6[%add3A_667, %get3A_202] : memref<8x2048xf32, #tpu.memory_space<vmem>>[vector<16xi32>, vector<16xi32>], vector<16xf32>,
        %swap3A_695 = arith.index_cast %scan3A_664 : i32 to index
        %swap3A_696 = arith.constant 1136 : index
        %swap3A_697 = tpu.vector_load %arg8[%swap3A_695, %swap3A_696] {strides = array<i32>} : memref<8x2048xf32, #tpu.memory_space<vmem>>, vector<16xf32>,
        tpu.vector_store %arg8[%swap3A_695, %swap3A_696], %gather3A_694 {strides = array<i32>} : memref<8x2048xf32, #tpu.memory_space<vmem>>, vector<16xf32>,
        %gather3A_698 = tpu.vector_load_idx %arg6[%add3A_667, %get3A_204] : memref<8x2048xf32, #tpu.memory_space<vmem>>[vector<16xi32>, vector<16xi32>], vector<16xf32>,
        %swap3A_699 = arith.index_cast %scan3A_664 : i32 to index
        %swap3A_700 = arith.constant 1152 : index
        %swap3A_701 = tpu.vector_load %arg8[%swap3A_699, %swap3A_700] {strides = array<i32>} : memref<8x2048xf32, #tpu.memory_space<vmem>>, vector<16xf32>,
        tpu.vector_store %arg8[%swap3A_699, %swap3A_700], %gather3A_698 {strides = array<i32>} : memref<8x2048xf32, #tpu.memory_space<vmem>>, vector<16xf32>,
        %gather3A_702 = tpu.vector_load_idx %arg6[%add3A_667, %get3A_206] : memref<8x2048xf32, #tpu.memory_space<vmem>>[vector<16xi32>, vector<16xi32>], vector<16xf32>,
        %swap3A_703 = arith.index_cast %scan3A_664 : i32 to index
        %swap3A_704 = arith.constant 1168 : index
        %swap3A_705 = tpu.vector_load %arg8[%swap3A_703, %swap3A_704] {strides = array<i32>} : memref<8x2048xf32, #tpu.memory_space<vmem>>, vector<16xf32>,
        tpu.vector_store %arg8[%swap3A_703, %swap3A_704], %gather3A_702 {strides = array<i32>} : memref<8x2048xf32, #tpu.memory_space<vmem>>, vector<16xf32>,
        %gather3A_706 = tpu.vector_load_idx %arg6[%add3A_667, %get3A_208] : memref<8x2048xf32, #tpu.memory_space<vmem>>[vector<16xi32>, vector<16xi32>], vector<16xf32>,
        %swap3A_707 = arith.index_cast %scan3A_664 : i32 to index
        %swap3A_708 = arith.constant 1184 : index
        %swap3A_709 = tpu.vector_load %arg8[%swap3A_707, %swap3A_708] {strides = array<i32>} : memref<8x2048xf32, #tpu.memory_space<vmem>>, vector<16xf32>,
        tpu.vector_store %arg8[%swap3A_707, %swap3A_708], %gather3A_706 {strides = array<i32>} : memref<8x2048xf32, #tpu.memory_space<vmem>>, vector<16xf32>,
        %gather3A_710 = tpu.vector_load_idx %arg6[%add3A_667, %get3A_210] : memref<8x2048xf32, #tpu.memory_space<vmem>>[vector<16xi32>, vector<16xi32>], vector<16xf32>,
        %swap3A_711 = arith.index_cast %scan3A_664 : i32 to index
        %swap3A_712 = arith.constant 1200 : index
        %swap3A_713 = tpu.vector_load %arg8[%swap3A_711, %swap3A_712] {strides = array<i32>} : memref<8x2048xf32, #tpu.memory_space<vmem>>, vector<16xf32>,
        tpu.vector_store %arg8[%swap3A_711, %swap3A_712], %gather3A_710 {strides = array<i32>} : memref<8x2048xf32, #tpu.memory_space<vmem>>, vector<16xf32>,
        %gather3A_714 = tpu.vector_load_idx %arg6[%add3A_667, %get3A_212] : memref<8x2048xf32, #tpu.memory_space<vmem>>[vector<16xi32>, vector<16xi32>], vector<16xf32>,
        %swap3A_715 = arith.index_cast %scan3A_664 : i32 to index
        %swap3A_716 = arith.constant 1216 : index
        %swap3A_717 = tpu.vector_load %arg8[%swap3A_715, %swap3A_716] {strides = array<i32>} : memref<8x2048xf32, #tpu.memory_space<vmem>>, vector<16xf32>,
        tpu.vector_store %arg8[%swap3A_715, %swap3A_716], %gather3A_714 {strides = array<i32>} : memref<8x2048xf32, #tpu.memory_space<vmem>>, vector<16xf32>,
        %gather3A_718 = tpu.vector_load_idx %arg6[%add3A_667, %get3A_214] : memref<8x2048xf32, #tpu.memory_space<vmem>>[vector<16xi32>, vector<16xi32>], vector<16xf32>,
        %swap3A_719 = arith.index_cast %scan3A_664 : i32 to index
        %swap3A_720 = arith.constant 1232 : index
        %swap3A_721 = tpu.vector_load %arg8[%swap3A_719, %swap3A_720] {strides = array<i32>} : memref<8x2048xf32, #tpu.memory_space<vmem>>, vector<16xf32>,
        tpu.vector_store %arg8[%swap3A_719, %swap3A_720], %gather3A_718 {strides = array<i32>} : memref<8x2048xf32, #tpu.memory_space<vmem>>, vector<16xf32>,
        %gather3A_722 = tpu.vector_load_idx %arg6[%add3A_667, %get3A_216] : memref<8x2048xf32, #tpu.memory_space<vmem>>[vector<16xi32>, vector<16xi32>], vector<16xf32>,
        %swap3A_723 = arith.index_cast %scan3A_664 : i32 to index
        %swap3A_724 = arith.constant 1248 : index
        %swap3A_725 = tpu.vector_load %arg8[%swap3A_723, %swap3A_724] {strides = array<i32>} : memref<8x2048xf32, #tpu.memory_space<vmem>>, vector<16xf32>,
        tpu.vector_store %arg8[%swap3A_723, %swap3A_724], %gather3A_722 {strides = array<i32>} : memref<8x2048xf32, #tpu.memory_space<vmem>>, vector<16xf32>,
        %gather3A_726 = tpu.vector_load_idx %arg6[%add3A_667, %get3A_218] : memref<8x2048xf32, #tpu.memory_space<vmem>>[vector<16xi32>, vector<16xi32>], vector<16xf32>,
        %swap3A_727 = arith.index_cast %scan3A_664 : i32 to index
        %swap3A_728 = arith.constant 1264 : index
        %swap3A_729 = tpu.vector_load %arg8[%swap3A_727, %swap3A_728] {strides = array<i32>} : memref<8x2048xf32, #tpu.memory_space<vmem>>, vector<16xf32>,
        tpu.vector_store %arg8[%swap3A_727, %swap3A_728], %gather3A_726 {strides = array<i32>} : memref<8x2048xf32, #tpu.memory_space<vmem>>, vector<16xf32>,
      }
      %scan3A_224 = arith.constant 8 : i32
      %get3A_225 = arith.constant 1280 : index
      %get3A_226 = tpu.vector_load %arg5[%get3A_225] {strides = array<i32>} : memref<2048xi32, #tpu.memory_space<vmem>>, vector<16xi32>,
      %get3A_227 = arith.constant 1296 : index
      %get3A_228 = tpu.vector_load %arg5[%get3A_227] {strides = array<i32>} : memref<2048xi32, #tpu.memory_space<vmem>>, vector<16xi32>,
      %get3A_229 = arith.constant 1312 : index
      %get3A_230 = tpu.vector_load %arg5[%get3A_229] {strides = array<i32>} : memref<2048xi32, #tpu.memory_space<vmem>>, vector<16xi32>,
      %get3A_231 = arith.constant 1328 : index
      %get3A_232 = tpu.vector_load %arg5[%get3A_231] {strides = array<i32>} : memref<2048xi32, #tpu.memory_space<vmem>>, vector<16xi32>,
      %get3A_233 = arith.constant 1344 : index
      %get3A_234 = tpu.vector_load %arg5[%get3A_233] {strides = array<i32>} : memref<2048xi32, #tpu.memory_space<vmem>>, vector<16xi32>,
      %get3A_235 = arith.constant 1360 : index
      %get3A_236 = tpu.vector_load %arg5[%get3A_235] {strides = array<i32>} : memref<2048xi32, #tpu.memory_space<vmem>>, vector<16xi32>,
      %get3A_237 = arith.constant 1376 : index
      %get3A_238 = tpu.vector_load %arg5[%get3A_237] {strides = array<i32>} : memref<2048xi32, #tpu.memory_space<vmem>>, vector<16xi32>,
      %get3A_239 = arith.constant 1392 : index
      %get3A_240 = tpu.vector_load %arg5[%get3A_239] {strides = array<i32>} : memref<2048xi32, #tpu.memory_space<vmem>>, vector<16xi32>,
      %get3A_241 = arith.constant 1408 : index
      %get3A_242 = tpu.vector_load %arg5[%get3A_241] {strides = array<i32>} : memref<2048xi32, #tpu.memory_space<vmem>>, vector<16xi32>,
      %get3A_243 = arith.constant 1424 : index
      %get3A_244 = tpu.vector_load %arg5[%get3A_243] {strides = array<i32>} : memref<2048xi32, #tpu.memory_space<vmem>>, vector<16xi32>,
      %get3A_245 = arith.constant 1440 : index
      %get3A_246 = tpu.vector_load %arg5[%get3A_245] {strides = array<i32>} : memref<2048xi32, #tpu.memory_space<vmem>>, vector<16xi32>,
      %get3A_247 = arith.constant 1456 : index
      %get3A_248 = tpu.vector_load %arg5[%get3A_247] {strides = array<i32>} : memref<2048xi32, #tpu.memory_space<vmem>>, vector<16xi32>,
      %get3A_249 = arith.constant 1472 : index
      %get3A_250 = tpu.vector_load %arg5[%get3A_249] {strides = array<i32>} : memref<2048xi32, #tpu.memory_space<vmem>>, vector<16xi32>,
      %get3A_251 = arith.constant 1488 : index
      %get3A_252 = tpu.vector_load %arg5[%get3A_251] {strides = array<i32>} : memref<2048xi32, #tpu.memory_space<vmem>>, vector<16xi32>,
      %get3A_253 = arith.constant 1504 : index
      %get3A_254 = tpu.vector_load %arg5[%get3A_253] {strides = array<i32>} : memref<2048xi32, #tpu.memory_space<vmem>>, vector<16xi32>,
      %get3A_255 = arith.constant 1520 : index
      %get3A_256 = tpu.vector_load %arg5[%get3A_255] {strides = array<i32>} : memref<2048xi32, #tpu.memory_space<vmem>>, vector<16xi32>,
      %scan3A_257 = arith.constant 0 : i32
      %scan3A_258 = arith.constant 0 : i32
      %scan3A_259 = arith.constant 8 : i32
      %scan3A_260 = arith.addi %scan3A_258, %scan3A_259 : i32
      %scan3A_261 = arith.constant 1 : i32
      scf.for %scan3A_664 = %scan3A_258 to %scan3A_260 step %scan3A_261  : i32 {
        %broadcast_in_dim3A = arith.constant 0 : i32
        %broadcast_in_dim3A_665 = vector.broadcast %broadcast_in_dim3A : i32 to vector<16xi32>
        %add3A_666 = vector.broadcast %scan3A_664 : i32 to vector<16xi32>
        %add3A_667 = arith.addi %broadcast_in_dim3A_665, %add3A_666 : vector<16xi32>
        %gather3A = tpu.vector_load_idx %arg6[%add3A_667, %get3A_226] : memref<8x2048xf32, #tpu.memory_space<vmem>>[vector<16xi32>, vector<16xi32>], vector<16xf32>,
        %swap3A = arith.index_cast %scan3A_664 : i32 to index
        %swap3A_668 = arith.constant 1280 : index
        %swap3A_669 = tpu.vector_load %arg8[%swap3A, %swap3A_668] {strides = array<i32>} : memref<8x2048xf32, #tpu.memory_space<vmem>>, vector<16xf32>,
        tpu.vector_store %arg8[%swap3A, %swap3A_668], %gather3A {strides = array<i32>} : memref<8x2048xf32, #tpu.memory_space<vmem>>, vector<16xf32>,
        %gather3A_670 = tpu.vector_load_idx %arg6[%add3A_667, %get3A_228] : memref<8x2048xf32, #tpu.memory_space<vmem>>[vector<16xi32>, vector<16xi32>], vector<16xf32>,
        %swap3A_671 = arith.index_cast %scan3A_664 : i32 to index
        %swap3A_672 = arith.constant 1296 : index
        %swap3A_673 = tpu.vector_load %arg8[%swap3A_671, %swap3A_672] {strides = array<i32>} : memref<8x2048xf32, #tpu.memory_space<vmem>>, vector<16xf32>,
        tpu.vector_store %arg8[%swap3A_671, %swap3A_672], %gather3A_670 {strides = array<i32>} : memref<8x2048xf32, #tpu.memory_space<vmem>>, vector<16xf32>,
        %gather3A_674 = tpu.vector_load_idx %arg6[%add3A_667, %get3A_230] : memref<8x2048xf32, #tpu.memory_space<vmem>>[vector<16xi32>, vector<16xi32>], vector<16xf32>,
        %swap3A_675 = arith.index_cast %scan3A_664 : i32 to index
        %swap3A_676 = arith.constant 1312 : index
        %swap3A_677 = tpu.vector_load %arg8[%swap3A_675, %swap3A_676] {strides = array<i32>} : memref<8x2048xf32, #tpu.memory_space<vmem>>, vector<16xf32>,
        tpu.vector_store %arg8[%swap3A_675, %swap3A_676], %gather3A_674 {strides = array<i32>} : memref<8x2048xf32, #tpu.memory_space<vmem>>, vector<16xf32>,
        %gather3A_678 = tpu.vector_load_idx %arg6[%add3A_667, %get3A_232] : memref<8x2048xf32, #tpu.memory_space<vmem>>[vector<16xi32>, vector<16xi32>], vector<16xf32>,
        %swap3A_679 = arith.index_cast %scan3A_664 : i32 to index
        %swap3A_680 = arith.constant 1328 : index
        %swap3A_681 = tpu.vector_load %arg8[%swap3A_679, %swap3A_680] {strides = array<i32>} : memref<8x2048xf32, #tpu.memory_space<vmem>>, vector<16xf32>,
        tpu.vector_store %arg8[%swap3A_679, %swap3A_680], %gather3A_678 {strides = array<i32>} : memref<8x2048xf32, #tpu.memory_space<vmem>>, vector<16xf32>,
        %gather3A_682 = tpu.vector_load_idx %arg6[%add3A_667, %get3A_234] : memref<8x2048xf32, #tpu.memory_space<vmem>>[vector<16xi32>, vector<16xi32>], vector<16xf32>,
        %swap3A_683 = arith.index_cast %scan3A_664 : i32 to index
        %swap3A_684 = arith.constant 1344 : index
        %swap3A_685 = tpu.vector_load %arg8[%swap3A_683, %swap3A_684] {strides = array<i32>} : memref<8x2048xf32, #tpu.memory_space<vmem>>, vector<16xf32>,
        tpu.vector_store %arg8[%swap3A_683, %swap3A_684], %gather3A_682 {strides = array<i32>} : memref<8x2048xf32, #tpu.memory_space<vmem>>, vector<16xf32>,
        %gather3A_686 = tpu.vector_load_idx %arg6[%add3A_667, %get3A_236] : memref<8x2048xf32, #tpu.memory_space<vmem>>[vector<16xi32>, vector<16xi32>], vector<16xf32>,
        %swap3A_687 = arith.index_cast %scan3A_664 : i32 to index
        %swap3A_688 = arith.constant 1360 : index
        %swap3A_689 = tpu.vector_load %arg8[%swap3A_687, %swap3A_688] {strides = array<i32>} : memref<8x2048xf32, #tpu.memory_space<vmem>>, vector<16xf32>,
        tpu.vector_store %arg8[%swap3A_687, %swap3A_688], %gather3A_686 {strides = array<i32>} : memref<8x2048xf32, #tpu.memory_space<vmem>>, vector<16xf32>,
        %gather3A_690 = tpu.vector_load_idx %arg6[%add3A_667, %get3A_238] : memref<8x2048xf32, #tpu.memory_space<vmem>>[vector<16xi32>, vector<16xi32>], vector<16xf32>,
        %swap3A_691 = arith.index_cast %scan3A_664 : i32 to index
        %swap3A_692 = arith.constant 1376 : index
        %swap3A_693 = tpu.vector_load %arg8[%swap3A_691, %swap3A_692] {strides = array<i32>} : memref<8x2048xf32, #tpu.memory_space<vmem>>, vector<16xf32>,
        tpu.vector_store %arg8[%swap3A_691, %swap3A_692], %gather3A_690 {strides = array<i32>} : memref<8x2048xf32, #tpu.memory_space<vmem>>, vector<16xf32>,
        %gather3A_694 = tpu.vector_load_idx %arg6[%add3A_667, %get3A_240] : memref<8x2048xf32, #tpu.memory_space<vmem>>[vector<16xi32>, vector<16xi32>], vector<16xf32>,
        %swap3A_695 = arith.index_cast %scan3A_664 : i32 to index
        %swap3A_696 = arith.constant 1392 : index
        %swap3A_697 = tpu.vector_load %arg8[%swap3A_695, %swap3A_696] {strides = array<i32>} : memref<8x2048xf32, #tpu.memory_space<vmem>>, vector<16xf32>,
        tpu.vector_store %arg8[%swap3A_695, %swap3A_696], %gather3A_694 {strides = array<i32>} : memref<8x2048xf32, #tpu.memory_space<vmem>>, vector<16xf32>,
        %gather3A_698 = tpu.vector_load_idx %arg6[%add3A_667, %get3A_242] : memref<8x2048xf32, #tpu.memory_space<vmem>>[vector<16xi32>, vector<16xi32>], vector<16xf32>,
        %swap3A_699 = arith.index_cast %scan3A_664 : i32 to index
        %swap3A_700 = arith.constant 1408 : index
        %swap3A_701 = tpu.vector_load %arg8[%swap3A_699, %swap3A_700] {strides = array<i32>} : memref<8x2048xf32, #tpu.memory_space<vmem>>, vector<16xf32>,
        tpu.vector_store %arg8[%swap3A_699, %swap3A_700], %gather3A_698 {strides = array<i32>} : memref<8x2048xf32, #tpu.memory_space<vmem>>, vector<16xf32>,
        %gather3A_702 = tpu.vector_load_idx %arg6[%add3A_667, %get3A_244] : memref<8x2048xf32, #tpu.memory_space<vmem>>[vector<16xi32>, vector<16xi32>], vector<16xf32>,
        %swap3A_703 = arith.index_cast %scan3A_664 : i32 to index
        %swap3A_704 = arith.constant 1424 : index
        %swap3A_705 = tpu.vector_load %arg8[%swap3A_703, %swap3A_704] {strides = array<i32>} : memref<8x2048xf32, #tpu.memory_space<vmem>>, vector<16xf32>,
        tpu.vector_store %arg8[%swap3A_703, %swap3A_704], %gather3A_702 {strides = array<i32>} : memref<8x2048xf32, #tpu.memory_space<vmem>>, vector<16xf32>,
        %gather3A_706 = tpu.vector_load_idx %arg6[%add3A_667, %get3A_246] : memref<8x2048xf32, #tpu.memory_space<vmem>>[vector<16xi32>, vector<16xi32>], vector<16xf32>,
        %swap3A_707 = arith.index_cast %scan3A_664 : i32 to index
        %swap3A_708 = arith.constant 1440 : index
        %swap3A_709 = tpu.vector_load %arg8[%swap3A_707, %swap3A_708] {strides = array<i32>} : memref<8x2048xf32, #tpu.memory_space<vmem>>, vector<16xf32>,
        tpu.vector_store %arg8[%swap3A_707, %swap3A_708], %gather3A_706 {strides = array<i32>} : memref<8x2048xf32, #tpu.memory_space<vmem>>, vector<16xf32>,
        %gather3A_710 = tpu.vector_load_idx %arg6[%add3A_667, %get3A_248] : memref<8x2048xf32, #tpu.memory_space<vmem>>[vector<16xi32>, vector<16xi32>], vector<16xf32>,
        %swap3A_711 = arith.index_cast %scan3A_664 : i32 to index
        %swap3A_712 = arith.constant 1456 : index
        %swap3A_713 = tpu.vector_load %arg8[%swap3A_711, %swap3A_712] {strides = array<i32>} : memref<8x2048xf32, #tpu.memory_space<vmem>>, vector<16xf32>,
        tpu.vector_store %arg8[%swap3A_711, %swap3A_712], %gather3A_710 {strides = array<i32>} : memref<8x2048xf32, #tpu.memory_space<vmem>>, vector<16xf32>,
        %gather3A_714 = tpu.vector_load_idx %arg6[%add3A_667, %get3A_250] : memref<8x2048xf32, #tpu.memory_space<vmem>>[vector<16xi32>, vector<16xi32>], vector<16xf32>,
        %swap3A_715 = arith.index_cast %scan3A_664 : i32 to index
        %swap3A_716 = arith.constant 1472 : index
        %swap3A_717 = tpu.vector_load %arg8[%swap3A_715, %swap3A_716] {strides = array<i32>} : memref<8x2048xf32, #tpu.memory_space<vmem>>, vector<16xf32>,
        tpu.vector_store %arg8[%swap3A_715, %swap3A_716], %gather3A_714 {strides = array<i32>} : memref<8x2048xf32, #tpu.memory_space<vmem>>, vector<16xf32>,
        %gather3A_718 = tpu.vector_load_idx %arg6[%add3A_667, %get3A_252] : memref<8x2048xf32, #tpu.memory_space<vmem>>[vector<16xi32>, vector<16xi32>], vector<16xf32>,
        %swap3A_719 = arith.index_cast %scan3A_664 : i32 to index
        %swap3A_720 = arith.constant 1488 : index
        %swap3A_721 = tpu.vector_load %arg8[%swap3A_719, %swap3A_720] {strides = array<i32>} : memref<8x2048xf32, #tpu.memory_space<vmem>>, vector<16xf32>,
        tpu.vector_store %arg8[%swap3A_719, %swap3A_720], %gather3A_718 {strides = array<i32>} : memref<8x2048xf32, #tpu.memory_space<vmem>>, vector<16xf32>,
        %gather3A_722 = tpu.vector_load_idx %arg6[%add3A_667, %get3A_254] : memref<8x2048xf32, #tpu.memory_space<vmem>>[vector<16xi32>, vector<16xi32>], vector<16xf32>,
        %swap3A_723 = arith.index_cast %scan3A_664 : i32 to index
        %swap3A_724 = arith.constant 1504 : index
        %swap3A_725 = tpu.vector_load %arg8[%swap3A_723, %swap3A_724] {strides = array<i32>} : memref<8x2048xf32, #tpu.memory_space<vmem>>, vector<16xf32>,
        tpu.vector_store %arg8[%swap3A_723, %swap3A_724], %gather3A_722 {strides = array<i32>} : memref<8x2048xf32, #tpu.memory_space<vmem>>, vector<16xf32>,
        %gather3A_726 = tpu.vector_load_idx %arg6[%add3A_667, %get3A_256] : memref<8x2048xf32, #tpu.memory_space<vmem>>[vector<16xi32>, vector<16xi32>], vector<16xf32>,
        %swap3A_727 = arith.index_cast %scan3A_664 : i32 to index
        %swap3A_728 = arith.constant 1520 : index
        %swap3A_729 = tpu.vector_load %arg8[%swap3A_727, %swap3A_728] {strides = array<i32>} : memref<8x2048xf32, #tpu.memory_space<vmem>>, vector<16xf32>,
        tpu.vector_store %arg8[%swap3A_727, %swap3A_728], %gather3A_726 {strides = array<i32>} : memref<8x2048xf32, #tpu.memory_space<vmem>>, vector<16xf32>,
      }
      %scan3A_262 = arith.constant 8 : i32
      %get3A_263 = arith.constant 1536 : index
      %get3A_264 = tpu.vector_load %arg5[%get3A_263] {strides = array<i32>} : memref<2048xi32, #tpu.memory_space<vmem>>, vector<16xi32>,
      %get3A_265 = arith.constant 1552 : index
      %get3A_266 = tpu.vector_load %arg5[%get3A_265] {strides = array<i32>} : memref<2048xi32, #tpu.memory_space<vmem>>, vector<16xi32>,
      %get3A_267 = arith.constant 1568 : index
      %get3A_268 = tpu.vector_load %arg5[%get3A_267] {strides = array<i32>} : memref<2048xi32, #tpu.memory_space<vmem>>, vector<16xi32>,
      %get3A_269 = arith.constant 1584 : index
      %get3A_270 = tpu.vector_load %arg5[%get3A_269] {strides = array<i32>} : memref<2048xi32, #tpu.memory_space<vmem>>, vector<16xi32>,
      %get3A_271 = arith.constant 1600 : index
      %get3A_272 = tpu.vector_load %arg5[%get3A_271] {strides = array<i32>} : memref<2048xi32, #tpu.memory_space<vmem>>, vector<16xi32>,
      %get3A_273 = arith.constant 1616 : index
      %get3A_274 = tpu.vector_load %arg5[%get3A_273] {strides = array<i32>} : memref<2048xi32, #tpu.memory_space<vmem>>, vector<16xi32>,
      %get3A_275 = arith.constant 1632 : index
      %get3A_276 = tpu.vector_load %arg5[%get3A_275] {strides = array<i32>} : memref<2048xi32, #tpu.memory_space<vmem>>, vector<16xi32>,
      %get3A_277 = arith.constant 1648 : index
      %get3A_278 = tpu.vector_load %arg5[%get3A_277] {strides = array<i32>} : memref<2048xi32, #tpu.memory_space<vmem>>, vector<16xi32>,
      %get3A_279 = arith.constant 1664 : index
      %get3A_280 = tpu.vector_load %arg5[%get3A_279] {strides = array<i32>} : memref<2048xi32, #tpu.memory_space<vmem>>, vector<16xi32>,
      %get3A_281 = arith.constant 1680 : index
      %get3A_282 = tpu.vector_load %arg5[%get3A_281] {strides = array<i32>} : memref<2048xi32, #tpu.memory_space<vmem>>, vector<16xi32>,
      %get3A_283 = arith.constant 1696 : index
      %get3A_284 = tpu.vector_load %arg5[%get3A_283] {strides = array<i32>} : memref<2048xi32, #tpu.memory_space<vmem>>, vector<16xi32>,
      %get3A_285 = arith.constant 1712 : index
      %get3A_286 = tpu.vector_load %arg5[%get3A_285] {strides = array<i32>} : memref<2048xi32, #tpu.memory_space<vmem>>, vector<16xi32>,
      %get3A_287 = arith.constant 1728 : index
      %get3A_288 = tpu.vector_load %arg5[%get3A_287] {strides = array<i32>} : memref<2048xi32, #tpu.memory_space<vmem>>, vector<16xi32>,
      %get3A_289 = arith.constant 1744 : index
      %get3A_290 = tpu.vector_load %arg5[%get3A_289] {strides = array<i32>} : memref<2048xi32, #tpu.memory_space<vmem>>, vector<16xi32>,
      %get3A_291 = arith.constant 1760 : index
      %get3A_292 = tpu.vector_load %arg5[%get3A_291] {strides = array<i32>} : memref<2048xi32, #tpu.memory_space<vmem>>, vector<16xi32>,
      %get3A_293 = arith.constant 1776 : index
      %get3A_294 = tpu.vector_load %arg5[%get3A_293] {strides = array<i32>} : memref<2048xi32, #tpu.memory_space<vmem>>, vector<16xi32>,
      %scan3A_295 = arith.constant 0 : i32
      %scan3A_296 = arith.constant 0 : i32
      %scan3A_297 = arith.constant 8 : i32
      %scan3A_298 = arith.addi %scan3A_296, %scan3A_297 : i32
      %scan3A_299 = arith.constant 1 : i32
      scf.for %scan3A_664 = %scan3A_296 to %scan3A_298 step %scan3A_299  : i32 {
        %broadcast_in_dim3A = arith.constant 0 : i32
        %broadcast_in_dim3A_665 = vector.broadcast %broadcast_in_dim3A : i32 to vector<16xi32>
        %add3A_666 = vector.broadcast %scan3A_664 : i32 to vector<16xi32>
        %add3A_667 = arith.addi %broadcast_in_dim3A_665, %add3A_666 : vector<16xi32>
        %gather3A = tpu.vector_load_idx %arg6[%add3A_667, %get3A_264] : memref<8x2048xf32, #tpu.memory_space<vmem>>[vector<16xi32>, vector<16xi32>], vector<16xf32>,
        %swap3A = arith.index_cast %scan3A_664 : i32 to index
        %swap3A_668 = arith.constant 1536 : index
        %swap3A_669 = tpu.vector_load %arg8[%swap3A, %swap3A_668] {strides = array<i32>} : memref<8x2048xf32, #tpu.memory_space<vmem>>, vector<16xf32>,
        tpu.vector_store %arg8[%swap3A, %swap3A_668], %gather3A {strides = array<i32>} : memref<8x2048xf32, #tpu.memory_space<vmem>>, vector<16xf32>,
        %gather3A_670 = tpu.vector_load_idx %arg6[%add3A_667, %get3A_266] : memref<8x2048xf32, #tpu.memory_space<vmem>>[vector<16xi32>, vector<16xi32>], vector<16xf32>,
        %swap3A_671 = arith.index_cast %scan3A_664 : i32 to index
        %swap3A_672 = arith.constant 1552 : index
        %swap3A_673 = tpu.vector_load %arg8[%swap3A_671, %swap3A_672] {strides = array<i32>} : memref<8x2048xf32, #tpu.memory_space<vmem>>, vector<16xf32>,
        tpu.vector_store %arg8[%swap3A_671, %swap3A_672], %gather3A_670 {strides = array<i32>} : memref<8x2048xf32, #tpu.memory_space<vmem>>, vector<16xf32>,
        %gather3A_674 = tpu.vector_load_idx %arg6[%add3A_667, %get3A_268] : memref<8x2048xf32, #tpu.memory_space<vmem>>[vector<16xi32>, vector<16xi32>], vector<16xf32>,
        %swap3A_675 = arith.index_cast %scan3A_664 : i32 to index
        %swap3A_676 = arith.constant 1568 : index
        %swap3A_677 = tpu.vector_load %arg8[%swap3A_675, %swap3A_676] {strides = array<i32>} : memref<8x2048xf32, #tpu.memory_space<vmem>>, vector<16xf32>,
        tpu.vector_store %arg8[%swap3A_675, %swap3A_676], %gather3A_674 {strides = array<i32>} : memref<8x2048xf32, #tpu.memory_space<vmem>>, vector<16xf32>,
        %gather3A_678 = tpu.vector_load_idx %arg6[%add3A_667, %get3A_270] : memref<8x2048xf32, #tpu.memory_space<vmem>>[vector<16xi32>, vector<16xi32>], vector<16xf32>,
        %swap3A_679 = arith.index_cast %scan3A_664 : i32 to index
        %swap3A_680 = arith.constant 1584 : index
        %swap3A_681 = tpu.vector_load %arg8[%swap3A_679, %swap3A_680] {strides = array<i32>} : memref<8x2048xf32, #tpu.memory_space<vmem>>, vector<16xf32>,
        tpu.vector_store %arg8[%swap3A_679, %swap3A_680], %gather3A_678 {strides = array<i32>} : memref<8x2048xf32, #tpu.memory_space<vmem>>, vector<16xf32>,
        %gather3A_682 = tpu.vector_load_idx %arg6[%add3A_667, %get3A_272] : memref<8x2048xf32, #tpu.memory_space<vmem>>[vector<16xi32>, vector<16xi32>], vector<16xf32>,
        %swap3A_683 = arith.index_cast %scan3A_664 : i32 to index
        %swap3A_684 = arith.constant 1600 : index
        %swap3A_685 = tpu.vector_load %arg8[%swap3A_683, %swap3A_684] {strides = array<i32>} : memref<8x2048xf32, #tpu.memory_space<vmem>>, vector<16xf32>,
        tpu.vector_store %arg8[%swap3A_683, %swap3A_684], %gather3A_682 {strides = array<i32>} : memref<8x2048xf32, #tpu.memory_space<vmem>>, vector<16xf32>,
        %gather3A_686 = tpu.vector_load_idx %arg6[%add3A_667, %get3A_274] : memref<8x2048xf32, #tpu.memory_space<vmem>>[vector<16xi32>, vector<16xi32>], vector<16xf32>,
        %swap3A_687 = arith.index_cast %scan3A_664 : i32 to index
        %swap3A_688 = arith.constant 1616 : index
        %swap3A_689 = tpu.vector_load %arg8[%swap3A_687, %swap3A_688] {strides = array<i32>} : memref<8x2048xf32, #tpu.memory_space<vmem>>, vector<16xf32>,
        tpu.vector_store %arg8[%swap3A_687, %swap3A_688], %gather3A_686 {strides = array<i32>} : memref<8x2048xf32, #tpu.memory_space<vmem>>, vector<16xf32>,
        %gather3A_690 = tpu.vector_load_idx %arg6[%add3A_667, %get3A_276] : memref<8x2048xf32, #tpu.memory_space<vmem>>[vector<16xi32>, vector<16xi32>], vector<16xf32>,
        %swap3A_691 = arith.index_cast %scan3A_664 : i32 to index
        %swap3A_692 = arith.constant 1632 : index
        %swap3A_693 = tpu.vector_load %arg8[%swap3A_691, %swap3A_692] {strides = array<i32>} : memref<8x2048xf32, #tpu.memory_space<vmem>>, vector<16xf32>,
        tpu.vector_store %arg8[%swap3A_691, %swap3A_692], %gather3A_690 {strides = array<i32>} : memref<8x2048xf32, #tpu.memory_space<vmem>>, vector<16xf32>,
        %gather3A_694 = tpu.vector_load_idx %arg6[%add3A_667, %get3A_278] : memref<8x2048xf32, #tpu.memory_space<vmem>>[vector<16xi32>, vector<16xi32>], vector<16xf32>,
        %swap3A_695 = arith.index_cast %scan3A_664 : i32 to index
        %swap3A_696 = arith.constant 1648 : index
        %swap3A_697 = tpu.vector_load %arg8[%swap3A_695, %swap3A_696] {strides = array<i32>} : memref<8x2048xf32, #tpu.memory_space<vmem>>, vector<16xf32>,
        tpu.vector_store %arg8[%swap3A_695, %swap3A_696], %gather3A_694 {strides = array<i32>} : memref<8x2048xf32, #tpu.memory_space<vmem>>, vector<16xf32>,
        %gather3A_698 = tpu.vector_load_idx %arg6[%add3A_667, %get3A_280] : memref<8x2048xf32, #tpu.memory_space<vmem>>[vector<16xi32>, vector<16xi32>], vector<16xf32>,
        %swap3A_699 = arith.index_cast %scan3A_664 : i32 to index
        %swap3A_700 = arith.constant 1664 : index
        %swap3A_701 = tpu.vector_load %arg8[%swap3A_699, %swap3A_700] {strides = array<i32>} : memref<8x2048xf32, #tpu.memory_space<vmem>>, vector<16xf32>,
        tpu.vector_store %arg8[%swap3A_699, %swap3A_700], %gather3A_698 {strides = array<i32>} : memref<8x2048xf32, #tpu.memory_space<vmem>>, vector<16xf32>,
        %gather3A_702 = tpu.vector_load_idx %arg6[%add3A_667, %get3A_282] : memref<8x2048xf32, #tpu.memory_space<vmem>>[vector<16xi32>, vector<16xi32>], vector<16xf32>,
        %swap3A_703 = arith.index_cast %scan3A_664 : i32 to index
        %swap3A_704 = arith.constant 1680 : index
        %swap3A_705 = tpu.vector_load %arg8[%swap3A_703, %swap3A_704] {strides = array<i32>} : memref<8x2048xf32, #tpu.memory_space<vmem>>, vector<16xf32>,
        tpu.vector_store %arg8[%swap3A_703, %swap3A_704], %gather3A_702 {strides = array<i32>} : memref<8x2048xf32, #tpu.memory_space<vmem>>, vector<16xf32>,
        %gather3A_706 = tpu.vector_load_idx %arg6[%add3A_667, %get3A_284] : memref<8x2048xf32, #tpu.memory_space<vmem>>[vector<16xi32>, vector<16xi32>], vector<16xf32>,
        %swap3A_707 = arith.index_cast %scan3A_664 : i32 to index
        %swap3A_708 = arith.constant 1696 : index
        %swap3A_709 = tpu.vector_load %arg8[%swap3A_707, %swap3A_708] {strides = array<i32>} : memref<8x2048xf32, #tpu.memory_space<vmem>>, vector<16xf32>,
        tpu.vector_store %arg8[%swap3A_707, %swap3A_708], %gather3A_706 {strides = array<i32>} : memref<8x2048xf32, #tpu.memory_space<vmem>>, vector<16xf32>,
        %gather3A_710 = tpu.vector_load_idx %arg6[%add3A_667, %get3A_286] : memref<8x2048xf32, #tpu.memory_space<vmem>>[vector<16xi32>, vector<16xi32>], vector<16xf32>,
        %swap3A_711 = arith.index_cast %scan3A_664 : i32 to index
        %swap3A_712 = arith.constant 1712 : index
        %swap3A_713 = tpu.vector_load %arg8[%swap3A_711, %swap3A_712] {strides = array<i32>} : memref<8x2048xf32, #tpu.memory_space<vmem>>, vector<16xf32>,
        tpu.vector_store %arg8[%swap3A_711, %swap3A_712], %gather3A_710 {strides = array<i32>} : memref<8x2048xf32, #tpu.memory_space<vmem>>, vector<16xf32>,
        %gather3A_714 = tpu.vector_load_idx %arg6[%add3A_667, %get3A_288] : memref<8x2048xf32, #tpu.memory_space<vmem>>[vector<16xi32>, vector<16xi32>], vector<16xf32>,
        %swap3A_715 = arith.index_cast %scan3A_664 : i32 to index
        %swap3A_716 = arith.constant 1728 : index
        %swap3A_717 = tpu.vector_load %arg8[%swap3A_715, %swap3A_716] {strides = array<i32>} : memref<8x2048xf32, #tpu.memory_space<vmem>>, vector<16xf32>,
        tpu.vector_store %arg8[%swap3A_715, %swap3A_716], %gather3A_714 {strides = array<i32>} : memref<8x2048xf32, #tpu.memory_space<vmem>>, vector<16xf32>,
        %gather3A_718 = tpu.vector_load_idx %arg6[%add3A_667, %get3A_290] : memref<8x2048xf32, #tpu.memory_space<vmem>>[vector<16xi32>, vector<16xi32>], vector<16xf32>,
        %swap3A_719 = arith.index_cast %scan3A_664 : i32 to index
        %swap3A_720 = arith.constant 1744 : index
        %swap3A_721 = tpu.vector_load %arg8[%swap3A_719, %swap3A_720] {strides = array<i32>} : memref<8x2048xf32, #tpu.memory_space<vmem>>, vector<16xf32>,
        tpu.vector_store %arg8[%swap3A_719, %swap3A_720], %gather3A_718 {strides = array<i32>} : memref<8x2048xf32, #tpu.memory_space<vmem>>, vector<16xf32>,
        %gather3A_722 = tpu.vector_load_idx %arg6[%add3A_667, %get3A_292] : memref<8x2048xf32, #tpu.memory_space<vmem>>[vector<16xi32>, vector<16xi32>], vector<16xf32>,
        %swap3A_723 = arith.index_cast %scan3A_664 : i32 to index
        %swap3A_724 = arith.constant 1760 : index
        %swap3A_725 = tpu.vector_load %arg8[%swap3A_723, %swap3A_724] {strides = array<i32>} : memref<8x2048xf32, #tpu.memory_space<vmem>>, vector<16xf32>,
        tpu.vector_store %arg8[%swap3A_723, %swap3A_724], %gather3A_722 {strides = array<i32>} : memref<8x2048xf32, #tpu.memory_space<vmem>>, vector<16xf32>,
        %gather3A_726 = tpu.vector_load_idx %arg6[%add3A_667, %get3A_294] : memref<8x2048xf32, #tpu.memory_space<vmem>>[vector<16xi32>, vector<16xi32>], vector<16xf32>,
        %swap3A_727 = arith.index_cast %scan3A_664 : i32 to index
        %swap3A_728 = arith.constant 1776 : index
        %swap3A_729 = tpu.vector_load %arg8[%swap3A_727, %swap3A_728] {strides = array<i32>} : memref<8x2048xf32, #tpu.memory_space<vmem>>, vector<16xf32>,
        tpu.vector_store %arg8[%swap3A_727, %swap3A_728], %gather3A_726 {strides = array<i32>} : memref<8x2048xf32, #tpu.memory_space<vmem>>, vector<16xf32>,
      }
      %scan3A_300 = arith.constant 8 : i32
      %get3A_301 = arith.constant 1792 : index
      %get3A_302 = tpu.vector_load %arg5[%get3A_301] {strides = array<i32>} : memref<2048xi32, #tpu.memory_space<vmem>>, vector<16xi32>,
      %get3A_303 = arith.constant 1808 : index
      %get3A_304 = tpu.vector_load %arg5[%get3A_303] {strides = array<i32>} : memref<2048xi32, #tpu.memory_space<vmem>>, vector<16xi32>,
      %get3A_305 = arith.constant 1824 : index
      %get3A_306 = tpu.vector_load %arg5[%get3A_305] {strides = array<i32>} : memref<2048xi32, #tpu.memory_space<vmem>>, vector<16xi32>,
      %get3A_307 = arith.constant 1840 : index
      %get3A_308 = tpu.vector_load %arg5[%get3A_307] {strides = array<i32>} : memref<2048xi32, #tpu.memory_space<vmem>>, vector<16xi32>,
      %get3A_309 = arith.constant 1856 : index
      %get3A_310 = tpu.vector_load %arg5[%get3A_309] {strides = array<i32>} : memref<2048xi32, #tpu.memory_space<vmem>>, vector<16xi32>,
      %get3A_311 = arith.constant 1872 : index
      %get3A_312 = tpu.vector_load %arg5[%get3A_311] {strides = array<i32>} : memref<2048xi32, #tpu.memory_space<vmem>>, vector<16xi32>,
      %get3A_313 = arith.constant 1888 : index
      %get3A_314 = tpu.vector_load %arg5[%get3A_313] {strides = array<i32>} : memref<2048xi32, #tpu.memory_space<vmem>>, vector<16xi32>,
      %get3A_315 = arith.constant 1904 : index
      %get3A_316 = tpu.vector_load %arg5[%get3A_315] {strides = array<i32>} : memref<2048xi32, #tpu.memory_space<vmem>>, vector<16xi32>,
      %get3A_317 = arith.constant 1920 : index
      %get3A_318 = tpu.vector_load %arg5[%get3A_317] {strides = array<i32>} : memref<2048xi32, #tpu.memory_space<vmem>>, vector<16xi32>,
      %get3A_319 = arith.constant 1936 : index
      %get3A_320 = tpu.vector_load %arg5[%get3A_319] {strides = array<i32>} : memref<2048xi32, #tpu.memory_space<vmem>>, vector<16xi32>,
      %get3A_321 = arith.constant 1952 : index
      %get3A_322 = tpu.vector_load %arg5[%get3A_321] {strides = array<i32>} : memref<2048xi32, #tpu.memory_space<vmem>>, vector<16xi32>,
      %get3A_323 = arith.constant 1968 : index
      %get3A_324 = tpu.vector_load %arg5[%get3A_323] {strides = array<i32>} : memref<2048xi32, #tpu.memory_space<vmem>>, vector<16xi32>,
      %get3A_325 = arith.constant 1984 : index
      %get3A_326 = tpu.vector_load %arg5[%get3A_325] {strides = array<i32>} : memref<2048xi32, #tpu.memory_space<vmem>>, vector<16xi32>,
      %get3A_327 = arith.constant 2000 : index
      %get3A_328 = tpu.vector_load %arg5[%get3A_327] {strides = array<i32>} : memref<2048xi32, #tpu.memory_space<vmem>>, vector<16xi32>,
      %get3A_329 = arith.constant 2016 : index
      %get3A_330 = tpu.vector_load %arg5[%get3A_329] {strides = array<i32>} : memref<2048xi32, #tpu.memory_space<vmem>>, vector<16xi32>,
      %get3A_331 = arith.constant 2032 : index
      %get3A_332 = tpu.vector_load %arg5[%get3A_331] {strides = array<i32>} : memref<2048xi32, #tpu.memory_space<vmem>>, vector<16xi32>,
      %scan3A_333 = arith.constant 0 : i32
      %scan3A_334 = arith.constant 0 : i32
      %scan3A_335 = arith.constant 8 : i32
      %scan3A_336 = arith.addi %scan3A_334, %scan3A_335 : i32
      %scan3A_337 = arith.constant 1 : i32
      scf.for %scan3A_664 = %scan3A_334 to %scan3A_336 step %scan3A_337  : i32 {
        %broadcast_in_dim3A = arith.constant 0 : i32
        %broadcast_in_dim3A_665 = vector.broadcast %broadcast_in_dim3A : i32 to vector<16xi32>
        %add3A_666 = vector.broadcast %scan3A_664 : i32 to vector<16xi32>
        %add3A_667 = arith.addi %broadcast_in_dim3A_665, %add3A_666 : vector<16xi32>
        %gather3A = tpu.vector_load_idx %arg6[%add3A_667, %get3A_302] : memref<8x2048xf32, #tpu.memory_space<vmem>>[vector<16xi32>, vector<16xi32>], vector<16xf32>,
        %swap3A = arith.index_cast %scan3A_664 : i32 to index
        %swap3A_668 = arith.constant 1792 : index
        %swap3A_669 = tpu.vector_load %arg8[%swap3A, %swap3A_668] {strides = array<i32>} : memref<8x2048xf32, #tpu.memory_space<vmem>>, vector<16xf32>,
        tpu.vector_store %arg8[%swap3A, %swap3A_668], %gather3A {strides = array<i32>} : memref<8x2048xf32, #tpu.memory_space<vmem>>, vector<16xf32>,
        %gather3A_670 = tpu.vector_load_idx %arg6[%add3A_667, %get3A_304] : memref<8x2048xf32, #tpu.memory_space<vmem>>[vector<16xi32>, vector<16xi32>], vector<16xf32>,
        %swap3A_671 = arith.index_cast %scan3A_664 : i32 to index
        %swap3A_672 = arith.constant 1808 : index
        %swap3A_673 = tpu.vector_load %arg8[%swap3A_671, %swap3A_672] {strides = array<i32>} : memref<8x2048xf32, #tpu.memory_space<vmem>>, vector<16xf32>,
        tpu.vector_store %arg8[%swap3A_671, %swap3A_672], %gather3A_670 {strides = array<i32>} : memref<8x2048xf32, #tpu.memory_space<vmem>>, vector<16xf32>,
        %gather3A_674 = tpu.vector_load_idx %arg6[%add3A_667, %get3A_306] : memref<8x2048xf32, #tpu.memory_space<vmem>>[vector<16xi32>, vector<16xi32>], vector<16xf32>,
        %swap3A_675 = arith.index_cast %scan3A_664 : i32 to index
        %swap3A_676 = arith.constant 1824 : index
        %swap3A_677 = tpu.vector_load %arg8[%swap3A_675, %swap3A_676] {strides = array<i32>} : memref<8x2048xf32, #tpu.memory_space<vmem>>, vector<16xf32>,
        tpu.vector_store %arg8[%swap3A_675, %swap3A_676], %gather3A_674 {strides = array<i32>} : memref<8x2048xf32, #tpu.memory_space<vmem>>, vector<16xf32>,
        %gather3A_678 = tpu.vector_load_idx %arg6[%add3A_667, %get3A_308] : memref<8x2048xf32, #tpu.memory_space<vmem>>[vector<16xi32>, vector<16xi32>], vector<16xf32>,
        %swap3A_679 = arith.index_cast %scan3A_664 : i32 to index
        %swap3A_680 = arith.constant 1840 : index
        %swap3A_681 = tpu.vector_load %arg8[%swap3A_679, %swap3A_680] {strides = array<i32>} : memref<8x2048xf32, #tpu.memory_space<vmem>>, vector<16xf32>,
        tpu.vector_store %arg8[%swap3A_679, %swap3A_680], %gather3A_678 {strides = array<i32>} : memref<8x2048xf32, #tpu.memory_space<vmem>>, vector<16xf32>,
        %gather3A_682 = tpu.vector_load_idx %arg6[%add3A_667, %get3A_310] : memref<8x2048xf32, #tpu.memory_space<vmem>>[vector<16xi32>, vector<16xi32>], vector<16xf32>,
        %swap3A_683 = arith.index_cast %scan3A_664 : i32 to index
        %swap3A_684 = arith.constant 1856 : index
        %swap3A_685 = tpu.vector_load %arg8[%swap3A_683, %swap3A_684] {strides = array<i32>} : memref<8x2048xf32, #tpu.memory_space<vmem>>, vector<16xf32>,
        tpu.vector_store %arg8[%swap3A_683, %swap3A_684], %gather3A_682 {strides = array<i32>} : memref<8x2048xf32, #tpu.memory_space<vmem>>, vector<16xf32>,
        %gather3A_686 = tpu.vector_load_idx %arg6[%add3A_667, %get3A_312] : memref<8x2048xf32, #tpu.memory_space<vmem>>[vector<16xi32>, vector<16xi32>], vector<16xf32>,
        %swap3A_687 = arith.index_cast %scan3A_664 : i32 to index
        %swap3A_688 = arith.constant 1872 : index
        %swap3A_689 = tpu.vector_load %arg8[%swap3A_687, %swap3A_688] {strides = array<i32>} : memref<8x2048xf32, #tpu.memory_space<vmem>>, vector<16xf32>,
        tpu.vector_store %arg8[%swap3A_687, %swap3A_688], %gather3A_686 {strides = array<i32>} : memref<8x2048xf32, #tpu.memory_space<vmem>>, vector<16xf32>,
        %gather3A_690 = tpu.vector_load_idx %arg6[%add3A_667, %get3A_314] : memref<8x2048xf32, #tpu.memory_space<vmem>>[vector<16xi32>, vector<16xi32>], vector<16xf32>,
        %swap3A_691 = arith.index_cast %scan3A_664 : i32 to index
        %swap3A_692 = arith.constant 1888 : index
        %swap3A_693 = tpu.vector_load %arg8[%swap3A_691, %swap3A_692] {strides = array<i32>} : memref<8x2048xf32, #tpu.memory_space<vmem>>, vector<16xf32>,
        tpu.vector_store %arg8[%swap3A_691, %swap3A_692], %gather3A_690 {strides = array<i32>} : memref<8x2048xf32, #tpu.memory_space<vmem>>, vector<16xf32>,
        %gather3A_694 = tpu.vector_load_idx %arg6[%add3A_667, %get3A_316] : memref<8x2048xf32, #tpu.memory_space<vmem>>[vector<16xi32>, vector<16xi32>], vector<16xf32>,
        %swap3A_695 = arith.index_cast %scan3A_664 : i32 to index
        %swap3A_696 = arith.constant 1904 : index
        %swap3A_697 = tpu.vector_load %arg8[%swap3A_695, %swap3A_696] {strides = array<i32>} : memref<8x2048xf32, #tpu.memory_space<vmem>>, vector<16xf32>,
        tpu.vector_store %arg8[%swap3A_695, %swap3A_696], %gather3A_694 {strides = array<i32>} : memref<8x2048xf32, #tpu.memory_space<vmem>>, vector<16xf32>,
        %gather3A_698 = tpu.vector_load_idx %arg6[%add3A_667, %get3A_318] : memref<8x2048xf32, #tpu.memory_space<vmem>>[vector<16xi32>, vector<16xi32>], vector<16xf32>,
        %swap3A_699 = arith.index_cast %scan3A_664 : i32 to index
        %swap3A_700 = arith.constant 1920 : index
        %swap3A_701 = tpu.vector_load %arg8[%swap3A_699, %swap3A_700] {strides = array<i32>} : memref<8x2048xf32, #tpu.memory_space<vmem>>, vector<16xf32>,
        tpu.vector_store %arg8[%swap3A_699, %swap3A_700], %gather3A_698 {strides = array<i32>} : memref<8x2048xf32, #tpu.memory_space<vmem>>, vector<16xf32>,
        %gather3A_702 = tpu.vector_load_idx %arg6[%add3A_667, %get3A_320] : memref<8x2048xf32, #tpu.memory_space<vmem>>[vector<16xi32>, vector<16xi32>], vector<16xf32>,
        %swap3A_703 = arith.index_cast %scan3A_664 : i32 to index
        %swap3A_704 = arith.constant 1936 : index
        %swap3A_705 = tpu.vector_load %arg8[%swap3A_703, %swap3A_704] {strides = array<i32>} : memref<8x2048xf32, #tpu.memory_space<vmem>>, vector<16xf32>,
        tpu.vector_store %arg8[%swap3A_703, %swap3A_704], %gather3A_702 {strides = array<i32>} : memref<8x2048xf32, #tpu.memory_space<vmem>>, vector<16xf32>,
        %gather3A_706 = tpu.vector_load_idx %arg6[%add3A_667, %get3A_322] : memref<8x2048xf32, #tpu.memory_space<vmem>>[vector<16xi32>, vector<16xi32>], vector<16xf32>,
        %swap3A_707 = arith.index_cast %scan3A_664 : i32 to index
        %swap3A_708 = arith.constant 1952 : index
        %swap3A_709 = tpu.vector_load %arg8[%swap3A_707, %swap3A_708] {strides = array<i32>} : memref<8x2048xf32, #tpu.memory_space<vmem>>, vector<16xf32>,
        tpu.vector_store %arg8[%swap3A_707, %swap3A_708], %gather3A_706 {strides = array<i32>} : memref<8x2048xf32, #tpu.memory_space<vmem>>, vector<16xf32>,
        %gather3A_710 = tpu.vector_load_idx %arg6[%add3A_667, %get3A_324] : memref<8x2048xf32, #tpu.memory_space<vmem>>[vector<16xi32>, vector<16xi32>], vector<16xf32>,
        %swap3A_711 = arith.index_cast %scan3A_664 : i32 to index
        %swap3A_712 = arith.constant 1968 : index
        %swap3A_713 = tpu.vector_load %arg8[%swap3A_711, %swap3A_712] {strides = array<i32>} : memref<8x2048xf32, #tpu.memory_space<vmem>>, vector<16xf32>,
        tpu.vector_store %arg8[%swap3A_711, %swap3A_712], %gather3A_710 {strides = array<i32>} : memref<8x2048xf32, #tpu.memory_space<vmem>>, vector<16xf32>,
        %gather3A_714 = tpu.vector_load_idx %arg6[%add3A_667, %get3A_326] : memref<8x2048xf32, #tpu.memory_space<vmem>>[vector<16xi32>, vector<16xi32>], vector<16xf32>,
        %swap3A_715 = arith.index_cast %scan3A_664 : i32 to index
        %swap3A_716 = arith.constant 1984 : index
        %swap3A_717 = tpu.vector_load %arg8[%swap3A_715, %swap3A_716] {strides = array<i32>} : memref<8x2048xf32, #tpu.memory_space<vmem>>, vector<16xf32>,
        tpu.vector_store %arg8[%swap3A_715, %swap3A_716], %gather3A_714 {strides = array<i32>} : memref<8x2048xf32, #tpu.memory_space<vmem>>, vector<16xf32>,
        %gather3A_718 = tpu.vector_load_idx %arg6[%add3A_667, %get3A_328] : memref<8x2048xf32, #tpu.memory_space<vmem>>[vector<16xi32>, vector<16xi32>], vector<16xf32>,
        %swap3A_719 = arith.index_cast %scan3A_664 : i32 to index
        %swap3A_720 = arith.constant 2000 : index
        %swap3A_721 = tpu.vector_load %arg8[%swap3A_719, %swap3A_720] {strides = array<i32>} : memref<8x2048xf32, #tpu.memory_space<vmem>>, vector<16xf32>,
        tpu.vector_store %arg8[%swap3A_719, %swap3A_720], %gather3A_718 {strides = array<i32>} : memref<8x2048xf32, #tpu.memory_space<vmem>>, vector<16xf32>,
        %gather3A_722 = tpu.vector_load_idx %arg6[%add3A_667, %get3A_330] : memref<8x2048xf32, #tpu.memory_space<vmem>>[vector<16xi32>, vector<16xi32>], vector<16xf32>,
        %swap3A_723 = arith.index_cast %scan3A_664 : i32 to index
        %swap3A_724 = arith.constant 2016 : index
        %swap3A_725 = tpu.vector_load %arg8[%swap3A_723, %swap3A_724] {strides = array<i32>} : memref<8x2048xf32, #tpu.memory_space<vmem>>, vector<16xf32>,
        tpu.vector_store %arg8[%swap3A_723, %swap3A_724], %gather3A_722 {strides = array<i32>} : memref<8x2048xf32, #tpu.memory_space<vmem>>, vector<16xf32>,
        %gather3A_726 = tpu.vector_load_idx %arg6[%add3A_667, %get3A_332] : memref<8x2048xf32, #tpu.memory_space<vmem>>[vector<16xi32>, vector<16xi32>], vector<16xf32>,
        %swap3A_727 = arith.index_cast %scan3A_664 : i32 to index
        %swap3A_728 = arith.constant 2032 : index
        %swap3A_729 = tpu.vector_load %arg8[%swap3A_727, %swap3A_728] {strides = array<i32>} : memref<8x2048xf32, #tpu.memory_space<vmem>>, vector<16xf32>,
        tpu.vector_store %arg8[%swap3A_727, %swap3A_728], %gather3A_726 {strides = array<i32>} : memref<8x2048xf32, #tpu.memory_space<vmem>>, vector<16xf32>,
      }
      %scan3A_338 = arith.constant 8 : i32
      %dma_start3A_339 = arith.constant 0 : i32
      %dma_start3A_340 = tpu.memref_slice %arg4[%add3A_23, %dma_start3A_339] : memref<8192x2048xf32, #tpu.memory_space<hbm>> -> memref<8x2048xf32, #tpu.memory_space<hbm>>
      %dma_start3A_341 = arith.constant 0 : i32
      %dma_start3A_342 = tpu.memref_slice %arg4[%add3A_23, %dma_start3A_341] : memref<8192x2048xf32, #tpu.memory_space<hbm>> -> memref<8x2048xf32, #tpu.memory_space<hbm>>
      tpu.enqueue_dma source(%arg8 : memref<8x2048xf32, #tpu.memory_space<vmem>>) target(%dma_start3A_342 : memref<8x2048xf32, #tpu.memory_space<hbm>>) target_semaphore(%arg12 : memref<!tpu.dma_semaphore, #tpu.memory_space<semaphore_mem>>)
      %lt3A = arith.constant 15 : i32
      %lt3A_343 = arith.cmpi slt, %scan3A_18, %lt3A : i32
      %convert_element_type3A_344 = arith.extui %lt3A_343 : i1 to i32
      %cond3A_345 = arith.constant 0 : i32
      %cond3A_346 = arith.cmpi ne, %convert_element_type3A_344, %cond3A_345 : i32
      scf.if %cond3A_346 {
        %add3A_664 = arith.constant 8 : i32
        %add3A_665 = arith.addi %add3A_25, %add3A_664 : i32
        %dma_start3A_666 = arith.constant 0 : i32
        %dma_start3A_667 = tpu.memref_slice %arg2[%add3A_665, %dma_start3A_666] : memref<8192x2048xf32, #tpu.memory_space<hbm>> -> memref<8x2048xf32, #tpu.memory_space<hbm>>
        %dma_start3A_668 = arith.constant 0 : i32
        %dma_start3A_669 = tpu.memref_slice %arg2[%add3A_665, %dma_start3A_668] : memref<8192x2048xf32, #tpu.memory_space<hbm>> -> memref<8x2048xf32, #tpu.memory_space<hbm>>
        tpu.enqueue_dma source(%dma_start3A_669 : memref<8x2048xf32, #tpu.memory_space<hbm>>) target(%arg6 : memref<8x2048xf32, #tpu.memory_space<vmem>>) target_semaphore(%arg10 : memref<!tpu.dma_semaphore, #tpu.memory_space<semaphore_mem>>)
      } else {
      }
      %dma_wait3A_347 = arith.constant 0 : i32
      %dma_wait3A_348 = tpu.memref_slice %arg2[%add3A_25, %dma_wait3A_347] : memref<8192x2048xf32, #tpu.memory_space<hbm>> -> memref<8x2048xf32, #tpu.memory_space<hbm>>
      %dma_wait3A_349 = arith.constant 0 : i32
      %dma_wait3A_350 = tpu.memref_slice %arg2[%add3A_25, %dma_wait3A_349] : memref<8192x2048xf32, #tpu.memory_space<hbm>> -> memref<8x2048xf32, #tpu.memory_space<hbm>>
      tpu.wait_dma2 semaphore(%arg11 : memref<!tpu.dma_semaphore, #tpu.memory_space<semaphore_mem>>) src(%dma_wait3A_350 : memref<8x2048xf32, #tpu.memory_space<hbm>>) dst(%arg7 : memref<8x2048xf32, #tpu.memory_space<vmem>>)
      %gt3A_351 = arith.constant 0 : i32
      %gt3A_352 = arith.cmpi sgt, %scan3A_18, %gt3A_351 : i32
      %convert_element_type3A_353 = arith.extui %gt3A_352 : i1 to i32
      %cond3A_354 = arith.constant 0 : i32
      %cond3A_355 = arith.cmpi ne, %convert_element_type3A_353, %cond3A_354 : i32
      scf.if %cond3A_355 {
        %dma_wait3A_664 = arith.constant 0 : i32
        %dma_wait3A_665 = tpu.memref_slice %arg4[%add3A_25, %dma_wait3A_664] : memref<8192x2048xf32, #tpu.memory_space<hbm>> -> memref<8x2048xf32, #tpu.memory_space<hbm>>
        %dma_wait3A_666 = arith.constant 0 : i32
        %dma_wait3A_667 = tpu.memref_slice %arg4[%add3A_25, %dma_wait3A_666] : memref<8192x2048xf32, #tpu.memory_space<hbm>> -> memref<8x2048xf32, #tpu.memory_space<hbm>>
        tpu.wait_dma2 semaphore(%arg13 : memref<!tpu.dma_semaphore, #tpu.memory_space<semaphore_mem>>) src(%arg9 : memref<8x2048xf32, #tpu.memory_space<vmem>>) dst(%dma_wait3A_667 : memref<8x2048xf32, #tpu.memory_space<hbm>>)
      } else {
      }
      %get3A_356 = arith.constant 0 : index
      %get3A_357 = tpu.vector_load %arg5[%get3A_356] {strides = array<i32>} : memref<2048xi32, #tpu.memory_space<vmem>>, vector<16xi32>,
      %get3A_358 = arith.constant 16 : index
      %get3A_359 = tpu.vector_load %arg5[%get3A_358] {strides = array<i32>} : memref<2048xi32, #tpu.memory_space<vmem>>, vector<16xi32>,
      %get3A_360 = arith.constant 32 : index
      %get3A_361 = tpu.vector_load %arg5[%get3A_360] {strides = array<i32>} : memref<2048xi32, #tpu.memory_space<vmem>>, vector<16xi32>,
      %get3A_362 = arith.constant 48 : index
      %get3A_363 = tpu.vector_load %arg5[%get3A_362] {strides = array<i32>} : memref<2048xi32, #tpu.memory_space<vmem>>, vector<16xi32>,
      %get3A_364 = arith.constant 64 : index
      %get3A_365 = tpu.vector_load %arg5[%get3A_364] {strides = array<i32>} : memref<2048xi32, #tpu.memory_space<vmem>>, vector<16xi32>,
      %get3A_366 = arith.constant 80 : index
      %get3A_367 = tpu.vector_load %arg5[%get3A_366] {strides = array<i32>} : memref<2048xi32, #tpu.memory_space<vmem>>, vector<16xi32>,
      %get3A_368 = arith.constant 96 : index
      %get3A_369 = tpu.vector_load %arg5[%get3A_368] {strides = array<i32>} : memref<2048xi32, #tpu.memory_space<vmem>>, vector<16xi32>,
      %get3A_370 = arith.constant 112 : index
      %get3A_371 = tpu.vector_load %arg5[%get3A_370] {strides = array<i32>} : memref<2048xi32, #tpu.memory_space<vmem>>, vector<16xi32>,
      %get3A_372 = arith.constant 128 : index
      %get3A_373 = tpu.vector_load %arg5[%get3A_372] {strides = array<i32>} : memref<2048xi32, #tpu.memory_space<vmem>>, vector<16xi32>,
      %get3A_374 = arith.constant 144 : index
      %get3A_375 = tpu.vector_load %arg5[%get3A_374] {strides = array<i32>} : memref<2048xi32, #tpu.memory_space<vmem>>, vector<16xi32>,
      %get3A_376 = arith.constant 160 : index
      %get3A_377 = tpu.vector_load %arg5[%get3A_376] {strides = array<i32>} : memref<2048xi32, #tpu.memory_space<vmem>>, vector<16xi32>,
      %get3A_378 = arith.constant 176 : index
      %get3A_379 = tpu.vector_load %arg5[%get3A_378] {strides = array<i32>} : memref<2048xi32, #tpu.memory_space<vmem>>, vector<16xi32>,
      %get3A_380 = arith.constant 192 : index
      %get3A_381 = tpu.vector_load %arg5[%get3A_380] {strides = array<i32>} : memref<2048xi32, #tpu.memory_space<vmem>>, vector<16xi32>,
      %get3A_382 = arith.constant 208 : index
      %get3A_383 = tpu.vector_load %arg5[%get3A_382] {strides = array<i32>} : memref<2048xi32, #tpu.memory_space<vmem>>, vector<16xi32>,
      %get3A_384 = arith.constant 224 : index
      %get3A_385 = tpu.vector_load %arg5[%get3A_384] {strides = array<i32>} : memref<2048xi32, #tpu.memory_space<vmem>>, vector<16xi32>,
      %get3A_386 = arith.constant 240 : index
      %get3A_387 = tpu.vector_load %arg5[%get3A_386] {strides = array<i32>} : memref<2048xi32, #tpu.memory_space<vmem>>, vector<16xi32>,
      %scan3A_388 = arith.constant 0 : i32
      %scan3A_389 = arith.constant 0 : i32
      %scan3A_390 = arith.constant 8 : i32
      %scan3A_391 = arith.addi %scan3A_389, %scan3A_390 : i32
      %scan3A_392 = arith.constant 1 : i32
      scf.for %scan3A_664 = %scan3A_389 to %scan3A_391 step %scan3A_392  : i32 {
        %broadcast_in_dim3A = arith.constant 0 : i32
        %broadcast_in_dim3A_665 = vector.broadcast %broadcast_in_dim3A : i32 to vector<16xi32>
        %add3A_666 = vector.broadcast %scan3A_664 : i32 to vector<16xi32>
        %add3A_667 = arith.addi %broadcast_in_dim3A_665, %add3A_666 : vector<16xi32>
        %gather3A = tpu.vector_load_idx %arg7[%add3A_667, %get3A_357] : memref<8x2048xf32, #tpu.memory_space<vmem>>[vector<16xi32>, vector<16xi32>], vector<16xf32>,
        %swap3A = arith.index_cast %scan3A_664 : i32 to index
        %swap3A_668 = arith.constant 0 : index
        %swap3A_669 = tpu.vector_load %arg9[%swap3A, %swap3A_668] {strides = array<i32>} : memref<8x2048xf32, #tpu.memory_space<vmem>>, vector<16xf32>,
        tpu.vector_store %arg9[%swap3A, %swap3A_668], %gather3A {strides = array<i32>} : memref<8x2048xf32, #tpu.memory_space<vmem>>, vector<16xf32>,
        %gather3A_670 = tpu.vector_load_idx %arg7[%add3A_667, %get3A_359] : memref<8x2048xf32, #tpu.memory_space<vmem>>[vector<16xi32>, vector<16xi32>], vector<16xf32>,
        %swap3A_671 = arith.index_cast %scan3A_664 : i32 to index
        %swap3A_672 = arith.constant 16 : index
        %swap3A_673 = tpu.vector_load %arg9[%swap3A_671, %swap3A_672] {strides = array<i32>} : memref<8x2048xf32, #tpu.memory_space<vmem>>, vector<16xf32>,
        tpu.vector_store %arg9[%swap3A_671, %swap3A_672], %gather3A_670 {strides = array<i32>} : memref<8x2048xf32, #tpu.memory_space<vmem>>, vector<16xf32>,
        %gather3A_674 = tpu.vector_load_idx %arg7[%add3A_667, %get3A_361] : memref<8x2048xf32, #tpu.memory_space<vmem>>[vector<16xi32>, vector<16xi32>], vector<16xf32>,
        %swap3A_675 = arith.index_cast %scan3A_664 : i32 to index
        %swap3A_676 = arith.constant 32 : index
        %swap3A_677 = tpu.vector_load %arg9[%swap3A_675, %swap3A_676] {strides = array<i32>} : memref<8x2048xf32, #tpu.memory_space<vmem>>, vector<16xf32>,
        tpu.vector_store %arg9[%swap3A_675, %swap3A_676], %gather3A_674 {strides = array<i32>} : memref<8x2048xf32, #tpu.memory_space<vmem>>, vector<16xf32>,
        %gather3A_678 = tpu.vector_load_idx %arg7[%add3A_667, %get3A_363] : memref<8x2048xf32, #tpu.memory_space<vmem>>[vector<16xi32>, vector<16xi32>], vector<16xf32>,
        %swap3A_679 = arith.index_cast %scan3A_664 : i32 to index
        %swap3A_680 = arith.constant 48 : index
        %swap3A_681 = tpu.vector_load %arg9[%swap3A_679, %swap3A_680] {strides = array<i32>} : memref<8x2048xf32, #tpu.memory_space<vmem>>, vector<16xf32>,
        tpu.vector_store %arg9[%swap3A_679, %swap3A_680], %gather3A_678 {strides = array<i32>} : memref<8x2048xf32, #tpu.memory_space<vmem>>, vector<16xf32>,
        %gather3A_682 = tpu.vector_load_idx %arg7[%add3A_667, %get3A_365] : memref<8x2048xf32, #tpu.memory_space<vmem>>[vector<16xi32>, vector<16xi32>], vector<16xf32>,
        %swap3A_683 = arith.index_cast %scan3A_664 : i32 to index
        %swap3A_684 = arith.constant 64 : index
        %swap3A_685 = tpu.vector_load %arg9[%swap3A_683, %swap3A_684] {strides = array<i32>} : memref<8x2048xf32, #tpu.memory_space<vmem>>, vector<16xf32>,
        tpu.vector_store %arg9[%swap3A_683, %swap3A_684], %gather3A_682 {strides = array<i32>} : memref<8x2048xf32, #tpu.memory_space<vmem>>, vector<16xf32>,
        %gather3A_686 = tpu.vector_load_idx %arg7[%add3A_667, %get3A_367] : memref<8x2048xf32, #tpu.memory_space<vmem>>[vector<16xi32>, vector<16xi32>], vector<16xf32>,
        %swap3A_687 = arith.index_cast %scan3A_664 : i32 to index
        %swap3A_688 = arith.constant 80 : index
        %swap3A_689 = tpu.vector_load %arg9[%swap3A_687, %swap3A_688] {strides = array<i32>} : memref<8x2048xf32, #tpu.memory_space<vmem>>, vector<16xf32>,
        tpu.vector_store %arg9[%swap3A_687, %swap3A_688], %gather3A_686 {strides = array<i32>} : memref<8x2048xf32, #tpu.memory_space<vmem>>, vector<16xf32>,
        %gather3A_690 = tpu.vector_load_idx %arg7[%add3A_667, %get3A_369] : memref<8x2048xf32, #tpu.memory_space<vmem>>[vector<16xi32>, vector<16xi32>], vector<16xf32>,
        %swap3A_691 = arith.index_cast %scan3A_664 : i32 to index
        %swap3A_692 = arith.constant 96 : index
        %swap3A_693 = tpu.vector_load %arg9[%swap3A_691, %swap3A_692] {strides = array<i32>} : memref<8x2048xf32, #tpu.memory_space<vmem>>, vector<16xf32>,
        tpu.vector_store %arg9[%swap3A_691, %swap3A_692], %gather3A_690 {strides = array<i32>} : memref<8x2048xf32, #tpu.memory_space<vmem>>, vector<16xf32>,
        %gather3A_694 = tpu.vector_load_idx %arg7[%add3A_667, %get3A_371] : memref<8x2048xf32, #tpu.memory_space<vmem>>[vector<16xi32>, vector<16xi32>], vector<16xf32>,
        %swap3A_695 = arith.index_cast %scan3A_664 : i32 to index
        %swap3A_696 = arith.constant 112 : index
        %swap3A_697 = tpu.vector_load %arg9[%swap3A_695, %swap3A_696] {strides = array<i32>} : memref<8x2048xf32, #tpu.memory_space<vmem>>, vector<16xf32>,
        tpu.vector_store %arg9[%swap3A_695, %swap3A_696], %gather3A_694 {strides = array<i32>} : memref<8x2048xf32, #tpu.memory_space<vmem>>, vector<16xf32>,
        %gather3A_698 = tpu.vector_load_idx %arg7[%add3A_667, %get3A_373] : memref<8x2048xf32, #tpu.memory_space<vmem>>[vector<16xi32>, vector<16xi32>], vector<16xf32>,
        %swap3A_699 = arith.index_cast %scan3A_664 : i32 to index
        %swap3A_700 = arith.constant 128 : index
        %swap3A_701 = tpu.vector_load %arg9[%swap3A_699, %swap3A_700] {strides = array<i32>} : memref<8x2048xf32, #tpu.memory_space<vmem>>, vector<16xf32>,
        tpu.vector_store %arg9[%swap3A_699, %swap3A_700], %gather3A_698 {strides = array<i32>} : memref<8x2048xf32, #tpu.memory_space<vmem>>, vector<16xf32>,
        %gather3A_702 = tpu.vector_load_idx %arg7[%add3A_667, %get3A_375] : memref<8x2048xf32, #tpu.memory_space<vmem>>[vector<16xi32>, vector<16xi32>], vector<16xf32>,
        %swap3A_703 = arith.index_cast %scan3A_664 : i32 to index
        %swap3A_704 = arith.constant 144 : index
        %swap3A_705 = tpu.vector_load %arg9[%swap3A_703, %swap3A_704] {strides = array<i32>} : memref<8x2048xf32, #tpu.memory_space<vmem>>, vector<16xf32>,
        tpu.vector_store %arg9[%swap3A_703, %swap3A_704], %gather3A_702 {strides = array<i32>} : memref<8x2048xf32, #tpu.memory_space<vmem>>, vector<16xf32>,
        %gather3A_706 = tpu.vector_load_idx %arg7[%add3A_667, %get3A_377] : memref<8x2048xf32, #tpu.memory_space<vmem>>[vector<16xi32>, vector<16xi32>], vector<16xf32>,
        %swap3A_707 = arith.index_cast %scan3A_664 : i32 to index
        %swap3A_708 = arith.constant 160 : index
        %swap3A_709 = tpu.vector_load %arg9[%swap3A_707, %swap3A_708] {strides = array<i32>} : memref<8x2048xf32, #tpu.memory_space<vmem>>, vector<16xf32>,
        tpu.vector_store %arg9[%swap3A_707, %swap3A_708], %gather3A_706 {strides = array<i32>} : memref<8x2048xf32, #tpu.memory_space<vmem>>, vector<16xf32>,
        %gather3A_710 = tpu.vector_load_idx %arg7[%add3A_667, %get3A_379] : memref<8x2048xf32, #tpu.memory_space<vmem>>[vector<16xi32>, vector<16xi32>], vector<16xf32>,
        %swap3A_711 = arith.index_cast %scan3A_664 : i32 to index
        %swap3A_712 = arith.constant 176 : index
        %swap3A_713 = tpu.vector_load %arg9[%swap3A_711, %swap3A_712] {strides = array<i32>} : memref<8x2048xf32, #tpu.memory_space<vmem>>, vector<16xf32>,
        tpu.vector_store %arg9[%swap3A_711, %swap3A_712], %gather3A_710 {strides = array<i32>} : memref<8x2048xf32, #tpu.memory_space<vmem>>, vector<16xf32>,
        %gather3A_714 = tpu.vector_load_idx %arg7[%add3A_667, %get3A_381] : memref<8x2048xf32, #tpu.memory_space<vmem>>[vector<16xi32>, vector<16xi32>], vector<16xf32>,
        %swap3A_715 = arith.index_cast %scan3A_664 : i32 to index
        %swap3A_716 = arith.constant 192 : index
        %swap3A_717 = tpu.vector_load %arg9[%swap3A_715, %swap3A_716] {strides = array<i32>} : memref<8x2048xf32, #tpu.memory_space<vmem>>, vector<16xf32>,
        tpu.vector_store %arg9[%swap3A_715, %swap3A_716], %gather3A_714 {strides = array<i32>} : memref<8x2048xf32, #tpu.memory_space<vmem>>, vector<16xf32>,
        %gather3A_718 = tpu.vector_load_idx %arg7[%add3A_667, %get3A_383] : memref<8x2048xf32, #tpu.memory_space<vmem>>[vector<16xi32>, vector<16xi32>], vector<16xf32>,
        %swap3A_719 = arith.index_cast %scan3A_664 : i32 to index
        %swap3A_720 = arith.constant 208 : index
        %swap3A_721 = tpu.vector_load %arg9[%swap3A_719, %swap3A_720] {strides = array<i32>} : memref<8x2048xf32, #tpu.memory_space<vmem>>, vector<16xf32>,
        tpu.vector_store %arg9[%swap3A_719, %swap3A_720], %gather3A_718 {strides = array<i32>} : memref<8x2048xf32, #tpu.memory_space<vmem>>, vector<16xf32>,
        %gather3A_722 = tpu.vector_load_idx %arg7[%add3A_667, %get3A_385] : memref<8x2048xf32, #tpu.memory_space<vmem>>[vector<16xi32>, vector<16xi32>], vector<16xf32>,
        %swap3A_723 = arith.index_cast %scan3A_664 : i32 to index
        %swap3A_724 = arith.constant 224 : index
        %swap3A_725 = tpu.vector_load %arg9[%swap3A_723, %swap3A_724] {strides = array<i32>} : memref<8x2048xf32, #tpu.memory_space<vmem>>, vector<16xf32>,
        tpu.vector_store %arg9[%swap3A_723, %swap3A_724], %gather3A_722 {strides = array<i32>} : memref<8x2048xf32, #tpu.memory_space<vmem>>, vector<16xf32>,
        %gather3A_726 = tpu.vector_load_idx %arg7[%add3A_667, %get3A_387] : memref<8x2048xf32, #tpu.memory_space<vmem>>[vector<16xi32>, vector<16xi32>], vector<16xf32>,
        %swap3A_727 = arith.index_cast %scan3A_664 : i32 to index
        %swap3A_728 = arith.constant 240 : index
        %swap3A_729 = tpu.vector_load %arg9[%swap3A_727, %swap3A_728] {strides = array<i32>} : memref<8x2048xf32, #tpu.memory_space<vmem>>, vector<16xf32>,
        tpu.vector_store %arg9[%swap3A_727, %swap3A_728], %gather3A_726 {strides = array<i32>} : memref<8x2048xf32, #tpu.memory_space<vmem>>, vector<16xf32>,
      }
      %scan3A_393 = arith.constant 8 : i32
      %get3A_394 = arith.constant 256 : index
      %get3A_395 = tpu.vector_load %arg5[%get3A_394] {strides = array<i32>} : memref<2048xi32, #tpu.memory_space<vmem>>, vector<16xi32>,
      %get3A_396 = arith.constant 272 : index
      %get3A_397 = tpu.vector_load %arg5[%get3A_396] {strides = array<i32>} : memref<2048xi32, #tpu.memory_space<vmem>>, vector<16xi32>,
      %get3A_398 = arith.constant 288 : index
      %get3A_399 = tpu.vector_load %arg5[%get3A_398] {strides = array<i32>} : memref<2048xi32, #tpu.memory_space<vmem>>, vector<16xi32>,
      %get3A_400 = arith.constant 304 : index
      %get3A_401 = tpu.vector_load %arg5[%get3A_400] {strides = array<i32>} : memref<2048xi32, #tpu.memory_space<vmem>>, vector<16xi32>,
      %get3A_402 = arith.constant 320 : index
      %get3A_403 = tpu.vector_load %arg5[%get3A_402] {strides = array<i32>} : memref<2048xi32, #tpu.memory_space<vmem>>, vector<16xi32>,
      %get3A_404 = arith.constant 336 : index
      %get3A_405 = tpu.vector_load %arg5[%get3A_404] {strides = array<i32>} : memref<2048xi32, #tpu.memory_space<vmem>>, vector<16xi32>,
      %get3A_406 = arith.constant 352 : index
      %get3A_407 = tpu.vector_load %arg5[%get3A_406] {strides = array<i32>} : memref<2048xi32, #tpu.memory_space<vmem>>, vector<16xi32>,
      %get3A_408 = arith.constant 368 : index
      %get3A_409 = tpu.vector_load %arg5[%get3A_408] {strides = array<i32>} : memref<2048xi32, #tpu.memory_space<vmem>>, vector<16xi32>,
      %get3A_410 = arith.constant 384 : index
      %get3A_411 = tpu.vector_load %arg5[%get3A_410] {strides = array<i32>} : memref<2048xi32, #tpu.memory_space<vmem>>, vector<16xi32>,
      %get3A_412 = arith.constant 400 : index
      %get3A_413 = tpu.vector_load %arg5[%get3A_412] {strides = array<i32>} : memref<2048xi32, #tpu.memory_space<vmem>>, vector<16xi32>,
      %get3A_414 = arith.constant 416 : index
      %get3A_415 = tpu.vector_load %arg5[%get3A_414] {strides = array<i32>} : memref<2048xi32, #tpu.memory_space<vmem>>, vector<16xi32>,
      %get3A_416 = arith.constant 432 : index
      %get3A_417 = tpu.vector_load %arg5[%get3A_416] {strides = array<i32>} : memref<2048xi32, #tpu.memory_space<vmem>>, vector<16xi32>,
      %get3A_418 = arith.constant 448 : index
      %get3A_419 = tpu.vector_load %arg5[%get3A_418] {strides = array<i32>} : memref<2048xi32, #tpu.memory_space<vmem>>, vector<16xi32>,
      %get3A_420 = arith.constant 464 : index
      %get3A_421 = tpu.vector_load %arg5[%get3A_420] {strides = array<i32>} : memref<2048xi32, #tpu.memory_space<vmem>>, vector<16xi32>,
      %get3A_422 = arith.constant 480 : index
      %get3A_423 = tpu.vector_load %arg5[%get3A_422] {strides = array<i32>} : memref<2048xi32, #tpu.memory_space<vmem>>, vector<16xi32>,
      %get3A_424 = arith.constant 496 : index
      %get3A_425 = tpu.vector_load %arg5[%get3A_424] {strides = array<i32>} : memref<2048xi32, #tpu.memory_space<vmem>>, vector<16xi32>,
      %scan3A_426 = arith.constant 0 : i32
      %scan3A_427 = arith.constant 0 : i32
      %scan3A_428 = arith.constant 8 : i32
      %scan3A_429 = arith.addi %scan3A_427, %scan3A_428 : i32
      %scan3A_430 = arith.constant 1 : i32
      scf.for %scan3A_664 = %scan3A_427 to %scan3A_429 step %scan3A_430  : i32 {
        %broadcast_in_dim3A = arith.constant 0 : i32
        %broadcast_in_dim3A_665 = vector.broadcast %broadcast_in_dim3A : i32 to vector<16xi32>
        %add3A_666 = vector.broadcast %scan3A_664 : i32 to vector<16xi32>
        %add3A_667 = arith.addi %broadcast_in_dim3A_665, %add3A_666 : vector<16xi32>
        %gather3A = tpu.vector_load_idx %arg7[%add3A_667, %get3A_395] : memref<8x2048xf32, #tpu.memory_space<vmem>>[vector<16xi32>, vector<16xi32>], vector<16xf32>,
        %swap3A = arith.index_cast %scan3A_664 : i32 to index
        %swap3A_668 = arith.constant 256 : index
        %swap3A_669 = tpu.vector_load %arg9[%swap3A, %swap3A_668] {strides = array<i32>} : memref<8x2048xf32, #tpu.memory_space<vmem>>, vector<16xf32>,
        tpu.vector_store %arg9[%swap3A, %swap3A_668], %gather3A {strides = array<i32>} : memref<8x2048xf32, #tpu.memory_space<vmem>>, vector<16xf32>,
        %gather3A_670 = tpu.vector_load_idx %arg7[%add3A_667, %get3A_397] : memref<8x2048xf32, #tpu.memory_space<vmem>>[vector<16xi32>, vector<16xi32>], vector<16xf32>,
        %swap3A_671 = arith.index_cast %scan3A_664 : i32 to index
        %swap3A_672 = arith.constant 272 : index
        %swap3A_673 = tpu.vector_load %arg9[%swap3A_671, %swap3A_672] {strides = array<i32>} : memref<8x2048xf32, #tpu.memory_space<vmem>>, vector<16xf32>,
        tpu.vector_store %arg9[%swap3A_671, %swap3A_672], %gather3A_670 {strides = array<i32>} : memref<8x2048xf32, #tpu.memory_space<vmem>>, vector<16xf32>,
        %gather3A_674 = tpu.vector_load_idx %arg7[%add3A_667, %get3A_399] : memref<8x2048xf32, #tpu.memory_space<vmem>>[vector<16xi32>, vector<16xi32>], vector<16xf32>,
        %swap3A_675 = arith.index_cast %scan3A_664 : i32 to index
        %swap3A_676 = arith.constant 288 : index
        %swap3A_677 = tpu.vector_load %arg9[%swap3A_675, %swap3A_676] {strides = array<i32>} : memref<8x2048xf32, #tpu.memory_space<vmem>>, vector<16xf32>,
        tpu.vector_store %arg9[%swap3A_675, %swap3A_676], %gather3A_674 {strides = array<i32>} : memref<8x2048xf32, #tpu.memory_space<vmem>>, vector<16xf32>,
        %gather3A_678 = tpu.vector_load_idx %arg7[%add3A_667, %get3A_401] : memref<8x2048xf32, #tpu.memory_space<vmem>>[vector<16xi32>, vector<16xi32>], vector<16xf32>,
        %swap3A_679 = arith.index_cast %scan3A_664 : i32 to index
        %swap3A_680 = arith.constant 304 : index
        %swap3A_681 = tpu.vector_load %arg9[%swap3A_679, %swap3A_680] {strides = array<i32>} : memref<8x2048xf32, #tpu.memory_space<vmem>>, vector<16xf32>,
        tpu.vector_store %arg9[%swap3A_679, %swap3A_680], %gather3A_678 {strides = array<i32>} : memref<8x2048xf32, #tpu.memory_space<vmem>>, vector<16xf32>,
        %gather3A_682 = tpu.vector_load_idx %arg7[%add3A_667, %get3A_403] : memref<8x2048xf32, #tpu.memory_space<vmem>>[vector<16xi32>, vector<16xi32>], vector<16xf32>,
        %swap3A_683 = arith.index_cast %scan3A_664 : i32 to index
        %swap3A_684 = arith.constant 320 : index
        %swap3A_685 = tpu.vector_load %arg9[%swap3A_683, %swap3A_684] {strides = array<i32>} : memref<8x2048xf32, #tpu.memory_space<vmem>>, vector<16xf32>,
        tpu.vector_store %arg9[%swap3A_683, %swap3A_684], %gather3A_682 {strides = array<i32>} : memref<8x2048xf32, #tpu.memory_space<vmem>>, vector<16xf32>,
        %gather3A_686 = tpu.vector_load_idx %arg7[%add3A_667, %get3A_405] : memref<8x2048xf32, #tpu.memory_space<vmem>>[vector<16xi32>, vector<16xi32>], vector<16xf32>,
        %swap3A_687 = arith.index_cast %scan3A_664 : i32 to index
        %swap3A_688 = arith.constant 336 : index
        %swap3A_689 = tpu.vector_load %arg9[%swap3A_687, %swap3A_688] {strides = array<i32>} : memref<8x2048xf32, #tpu.memory_space<vmem>>, vector<16xf32>,
        tpu.vector_store %arg9[%swap3A_687, %swap3A_688], %gather3A_686 {strides = array<i32>} : memref<8x2048xf32, #tpu.memory_space<vmem>>, vector<16xf32>,
        %gather3A_690 = tpu.vector_load_idx %arg7[%add3A_667, %get3A_407] : memref<8x2048xf32, #tpu.memory_space<vmem>>[vector<16xi32>, vector<16xi32>], vector<16xf32>,
        %swap3A_691 = arith.index_cast %scan3A_664 : i32 to index
        %swap3A_692 = arith.constant 352 : index
        %swap3A_693 = tpu.vector_load %arg9[%swap3A_691, %swap3A_692] {strides = array<i32>} : memref<8x2048xf32, #tpu.memory_space<vmem>>, vector<16xf32>,
        tpu.vector_store %arg9[%swap3A_691, %swap3A_692], %gather3A_690 {strides = array<i32>} : memref<8x2048xf32, #tpu.memory_space<vmem>>, vector<16xf32>,
        %gather3A_694 = tpu.vector_load_idx %arg7[%add3A_667, %get3A_409] : memref<8x2048xf32, #tpu.memory_space<vmem>>[vector<16xi32>, vector<16xi32>], vector<16xf32>,
        %swap3A_695 = arith.index_cast %scan3A_664 : i32 to index
        %swap3A_696 = arith.constant 368 : index
        %swap3A_697 = tpu.vector_load %arg9[%swap3A_695, %swap3A_696] {strides = array<i32>} : memref<8x2048xf32, #tpu.memory_space<vmem>>, vector<16xf32>,
        tpu.vector_store %arg9[%swap3A_695, %swap3A_696], %gather3A_694 {strides = array<i32>} : memref<8x2048xf32, #tpu.memory_space<vmem>>, vector<16xf32>,
        %gather3A_698 = tpu.vector_load_idx %arg7[%add3A_667, %get3A_411] : memref<8x2048xf32, #tpu.memory_space<vmem>>[vector<16xi32>, vector<16xi32>], vector<16xf32>,
        %swap3A_699 = arith.index_cast %scan3A_664 : i32 to index
        %swap3A_700 = arith.constant 384 : index
        %swap3A_701 = tpu.vector_load %arg9[%swap3A_699, %swap3A_700] {strides = array<i32>} : memref<8x2048xf32, #tpu.memory_space<vmem>>, vector<16xf32>,
        tpu.vector_store %arg9[%swap3A_699, %swap3A_700], %gather3A_698 {strides = array<i32>} : memref<8x2048xf32, #tpu.memory_space<vmem>>, vector<16xf32>,
        %gather3A_702 = tpu.vector_load_idx %arg7[%add3A_667, %get3A_413] : memref<8x2048xf32, #tpu.memory_space<vmem>>[vector<16xi32>, vector<16xi32>], vector<16xf32>,
        %swap3A_703 = arith.index_cast %scan3A_664 : i32 to index
        %swap3A_704 = arith.constant 400 : index
        %swap3A_705 = tpu.vector_load %arg9[%swap3A_703, %swap3A_704] {strides = array<i32>} : memref<8x2048xf32, #tpu.memory_space<vmem>>, vector<16xf32>,
        tpu.vector_store %arg9[%swap3A_703, %swap3A_704], %gather3A_702 {strides = array<i32>} : memref<8x2048xf32, #tpu.memory_space<vmem>>, vector<16xf32>,
        %gather3A_706 = tpu.vector_load_idx %arg7[%add3A_667, %get3A_415] : memref<8x2048xf32, #tpu.memory_space<vmem>>[vector<16xi32>, vector<16xi32>], vector<16xf32>,
        %swap3A_707 = arith.index_cast %scan3A_664 : i32 to index
        %swap3A_708 = arith.constant 416 : index
        %swap3A_709 = tpu.vector_load %arg9[%swap3A_707, %swap3A_708] {strides = array<i32>} : memref<8x2048xf32, #tpu.memory_space<vmem>>, vector<16xf32>,
        tpu.vector_store %arg9[%swap3A_707, %swap3A_708], %gather3A_706 {strides = array<i32>} : memref<8x2048xf32, #tpu.memory_space<vmem>>, vector<16xf32>,
        %gather3A_710 = tpu.vector_load_idx %arg7[%add3A_667, %get3A_417] : memref<8x2048xf32, #tpu.memory_space<vmem>>[vector<16xi32>, vector<16xi32>], vector<16xf32>,
        %swap3A_711 = arith.index_cast %scan3A_664 : i32 to index
        %swap3A_712 = arith.constant 432 : index
        %swap3A_713 = tpu.vector_load %arg9[%swap3A_711, %swap3A_712] {strides = array<i32>} : memref<8x2048xf32, #tpu.memory_space<vmem>>, vector<16xf32>,
        tpu.vector_store %arg9[%swap3A_711, %swap3A_712], %gather3A_710 {strides = array<i32>} : memref<8x2048xf32, #tpu.memory_space<vmem>>, vector<16xf32>,
        %gather3A_714 = tpu.vector_load_idx %arg7[%add3A_667, %get3A_419] : memref<8x2048xf32, #tpu.memory_space<vmem>>[vector<16xi32>, vector<16xi32>], vector<16xf32>,
        %swap3A_715 = arith.index_cast %scan3A_664 : i32 to index
        %swap3A_716 = arith.constant 448 : index
        %swap3A_717 = tpu.vector_load %arg9[%swap3A_715, %swap3A_716] {strides = array<i32>} : memref<8x2048xf32, #tpu.memory_space<vmem>>, vector<16xf32>,
        tpu.vector_store %arg9[%swap3A_715, %swap3A_716], %gather3A_714 {strides = array<i32>} : memref<8x2048xf32, #tpu.memory_space<vmem>>, vector<16xf32>,
        %gather3A_718 = tpu.vector_load_idx %arg7[%add3A_667, %get3A_421] : memref<8x2048xf32, #tpu.memory_space<vmem>>[vector<16xi32>, vector<16xi32>], vector<16xf32>,
        %swap3A_719 = arith.index_cast %scan3A_664 : i32 to index
        %swap3A_720 = arith.constant 464 : index
        %swap3A_721 = tpu.vector_load %arg9[%swap3A_719, %swap3A_720] {strides = array<i32>} : memref<8x2048xf32, #tpu.memory_space<vmem>>, vector<16xf32>,
        tpu.vector_store %arg9[%swap3A_719, %swap3A_720], %gather3A_718 {strides = array<i32>} : memref<8x2048xf32, #tpu.memory_space<vmem>>, vector<16xf32>,
        %gather3A_722 = tpu.vector_load_idx %arg7[%add3A_667, %get3A_423] : memref<8x2048xf32, #tpu.memory_space<vmem>>[vector<16xi32>, vector<16xi32>], vector<16xf32>,
        %swap3A_723 = arith.index_cast %scan3A_664 : i32 to index
        %swap3A_724 = arith.constant 480 : index
        %swap3A_725 = tpu.vector_load %arg9[%swap3A_723, %swap3A_724] {strides = array<i32>} : memref<8x2048xf32, #tpu.memory_space<vmem>>, vector<16xf32>,
        tpu.vector_store %arg9[%swap3A_723, %swap3A_724], %gather3A_722 {strides = array<i32>} : memref<8x2048xf32, #tpu.memory_space<vmem>>, vector<16xf32>,
        %gather3A_726 = tpu.vector_load_idx %arg7[%add3A_667, %get3A_425] : memref<8x2048xf32, #tpu.memory_space<vmem>>[vector<16xi32>, vector<16xi32>], vector<16xf32>,
        %swap3A_727 = arith.index_cast %scan3A_664 : i32 to index
        %swap3A_728 = arith.constant 496 : index
        %swap3A_729 = tpu.vector_load %arg9[%swap3A_727, %swap3A_728] {strides = array<i32>} : memref<8x2048xf32, #tpu.memory_space<vmem>>, vector<16xf32>,
        tpu.vector_store %arg9[%swap3A_727, %swap3A_728], %gather3A_726 {strides = array<i32>} : memref<8x2048xf32, #tpu.memory_space<vmem>>, vector<16xf32>,
      }
      %scan3A_431 = arith.constant 8 : i32
      %get3A_432 = arith.constant 512 : index
      %get3A_433 = tpu.vector_load %arg5[%get3A_432] {strides = array<i32>} : memref<2048xi32, #tpu.memory_space<vmem>>, vector<16xi32>,
      %get3A_434 = arith.constant 528 : index
      %get3A_435 = tpu.vector_load %arg5[%get3A_434] {strides = array<i32>} : memref<2048xi32, #tpu.memory_space<vmem>>, vector<16xi32>,
      %get3A_436 = arith.constant 544 : index
      %get3A_437 = tpu.vector_load %arg5[%get3A_436] {strides = array<i32>} : memref<2048xi32, #tpu.memory_space<vmem>>, vector<16xi32>,
      %get3A_438 = arith.constant 560 : index
      %get3A_439 = tpu.vector_load %arg5[%get3A_438] {strides = array<i32>} : memref<2048xi32, #tpu.memory_space<vmem>>, vector<16xi32>,
      %get3A_440 = arith.constant 576 : index
      %get3A_441 = tpu.vector_load %arg5[%get3A_440] {strides = array<i32>} : memref<2048xi32, #tpu.memory_space<vmem>>, vector<16xi32>,
      %get3A_442 = arith.constant 592 : index
      %get3A_443 = tpu.vector_load %arg5[%get3A_442] {strides = array<i32>} : memref<2048xi32, #tpu.memory_space<vmem>>, vector<16xi32>,
      %get3A_444 = arith.constant 608 : index
      %get3A_445 = tpu.vector_load %arg5[%get3A_444] {strides = array<i32>} : memref<2048xi32, #tpu.memory_space<vmem>>, vector<16xi32>,
      %get3A_446 = arith.constant 624 : index
      %get3A_447 = tpu.vector_load %arg5[%get3A_446] {strides = array<i32>} : memref<2048xi32, #tpu.memory_space<vmem>>, vector<16xi32>,
      %get3A_448 = arith.constant 640 : index
      %get3A_449 = tpu.vector_load %arg5[%get3A_448] {strides = array<i32>} : memref<2048xi32, #tpu.memory_space<vmem>>, vector<16xi32>,
      %get3A_450 = arith.constant 656 : index
      %get3A_451 = tpu.vector_load %arg5[%get3A_450] {strides = array<i32>} : memref<2048xi32, #tpu.memory_space<vmem>>, vector<16xi32>,
      %get3A_452 = arith.constant 672 : index
      %get3A_453 = tpu.vector_load %arg5[%get3A_452] {strides = array<i32>} : memref<2048xi32, #tpu.memory_space<vmem>>, vector<16xi32>,
      %get3A_454 = arith.constant 688 : index
      %get3A_455 = tpu.vector_load %arg5[%get3A_454] {strides = array<i32>} : memref<2048xi32, #tpu.memory_space<vmem>>, vector<16xi32>,
      %get3A_456 = arith.constant 704 : index
      %get3A_457 = tpu.vector_load %arg5[%get3A_456] {strides = array<i32>} : memref<2048xi32, #tpu.memory_space<vmem>>, vector<16xi32>,
      %get3A_458 = arith.constant 720 : index
      %get3A_459 = tpu.vector_load %arg5[%get3A_458] {strides = array<i32>} : memref<2048xi32, #tpu.memory_space<vmem>>, vector<16xi32>,
      %get3A_460 = arith.constant 736 : index
      %get3A_461 = tpu.vector_load %arg5[%get3A_460] {strides = array<i32>} : memref<2048xi32, #tpu.memory_space<vmem>>, vector<16xi32>,
      %get3A_462 = arith.constant 752 : index
      %get3A_463 = tpu.vector_load %arg5[%get3A_462] {strides = array<i32>} : memref<2048xi32, #tpu.memory_space<vmem>>, vector<16xi32>,
      %scan3A_464 = arith.constant 0 : i32
      %scan3A_465 = arith.constant 0 : i32
      %scan3A_466 = arith.constant 8 : i32
      %scan3A_467 = arith.addi %scan3A_465, %scan3A_466 : i32
      %scan3A_468 = arith.constant 1 : i32
      scf.for %scan3A_664 = %scan3A_465 to %scan3A_467 step %scan3A_468  : i32 {
        %broadcast_in_dim3A = arith.constant 0 : i32
        %broadcast_in_dim3A_665 = vector.broadcast %broadcast_in_dim3A : i32 to vector<16xi32>
        %add3A_666 = vector.broadcast %scan3A_664 : i32 to vector<16xi32>
        %add3A_667 = arith.addi %broadcast_in_dim3A_665, %add3A_666 : vector<16xi32>
        %gather3A = tpu.vector_load_idx %arg7[%add3A_667, %get3A_433] : memref<8x2048xf32, #tpu.memory_space<vmem>>[vector<16xi32>, vector<16xi32>], vector<16xf32>,
        %swap3A = arith.index_cast %scan3A_664 : i32 to index
        %swap3A_668 = arith.constant 512 : index
        %swap3A_669 = tpu.vector_load %arg9[%swap3A, %swap3A_668] {strides = array<i32>} : memref<8x2048xf32, #tpu.memory_space<vmem>>, vector<16xf32>,
        tpu.vector_store %arg9[%swap3A, %swap3A_668], %gather3A {strides = array<i32>} : memref<8x2048xf32, #tpu.memory_space<vmem>>, vector<16xf32>,
        %gather3A_670 = tpu.vector_load_idx %arg7[%add3A_667, %get3A_435] : memref<8x2048xf32, #tpu.memory_space<vmem>>[vector<16xi32>, vector<16xi32>], vector<16xf32>,
        %swap3A_671 = arith.index_cast %scan3A_664 : i32 to index
        %swap3A_672 = arith.constant 528 : index
        %swap3A_673 = tpu.vector_load %arg9[%swap3A_671, %swap3A_672] {strides = array<i32>} : memref<8x2048xf32, #tpu.memory_space<vmem>>, vector<16xf32>,
        tpu.vector_store %arg9[%swap3A_671, %swap3A_672], %gather3A_670 {strides = array<i32>} : memref<8x2048xf32, #tpu.memory_space<vmem>>, vector<16xf32>,
        %gather3A_674 = tpu.vector_load_idx %arg7[%add3A_667, %get3A_437] : memref<8x2048xf32, #tpu.memory_space<vmem>>[vector<16xi32>, vector<16xi32>], vector<16xf32>,
        %swap3A_675 = arith.index_cast %scan3A_664 : i32 to index
        %swap3A_676 = arith.constant 544 : index
        %swap3A_677 = tpu.vector_load %arg9[%swap3A_675, %swap3A_676] {strides = array<i32>} : memref<8x2048xf32, #tpu.memory_space<vmem>>, vector<16xf32>,
        tpu.vector_store %arg9[%swap3A_675, %swap3A_676], %gather3A_674 {strides = array<i32>} : memref<8x2048xf32, #tpu.memory_space<vmem>>, vector<16xf32>,
        %gather3A_678 = tpu.vector_load_idx %arg7[%add3A_667, %get3A_439] : memref<8x2048xf32, #tpu.memory_space<vmem>>[vector<16xi32>, vector<16xi32>], vector<16xf32>,
        %swap3A_679 = arith.index_cast %scan3A_664 : i32 to index
        %swap3A_680 = arith.constant 560 : index
        %swap3A_681 = tpu.vector_load %arg9[%swap3A_679, %swap3A_680] {strides = array<i32>} : memref<8x2048xf32, #tpu.memory_space<vmem>>, vector<16xf32>,
        tpu.vector_store %arg9[%swap3A_679, %swap3A_680], %gather3A_678 {strides = array<i32>} : memref<8x2048xf32, #tpu.memory_space<vmem>>, vector<16xf32>,
        %gather3A_682 = tpu.vector_load_idx %arg7[%add3A_667, %get3A_441] : memref<8x2048xf32, #tpu.memory_space<vmem>>[vector<16xi32>, vector<16xi32>], vector<16xf32>,
        %swap3A_683 = arith.index_cast %scan3A_664 : i32 to index
        %swap3A_684 = arith.constant 576 : index
        %swap3A_685 = tpu.vector_load %arg9[%swap3A_683, %swap3A_684] {strides = array<i32>} : memref<8x2048xf32, #tpu.memory_space<vmem>>, vector<16xf32>,
        tpu.vector_store %arg9[%swap3A_683, %swap3A_684], %gather3A_682 {strides = array<i32>} : memref<8x2048xf32, #tpu.memory_space<vmem>>, vector<16xf32>,
        %gather3A_686 = tpu.vector_load_idx %arg7[%add3A_667, %get3A_443] : memref<8x2048xf32, #tpu.memory_space<vmem>>[vector<16xi32>, vector<16xi32>], vector<16xf32>,
        %swap3A_687 = arith.index_cast %scan3A_664 : i32 to index
        %swap3A_688 = arith.constant 592 : index
        %swap3A_689 = tpu.vector_load %arg9[%swap3A_687, %swap3A_688] {strides = array<i32>} : memref<8x2048xf32, #tpu.memory_space<vmem>>, vector<16xf32>,
        tpu.vector_store %arg9[%swap3A_687, %swap3A_688], %gather3A_686 {strides = array<i32>} : memref<8x2048xf32, #tpu.memory_space<vmem>>, vector<16xf32>,
        %gather3A_690 = tpu.vector_load_idx %arg7[%add3A_667, %get3A_445] : memref<8x2048xf32, #tpu.memory_space<vmem>>[vector<16xi32>, vector<16xi32>], vector<16xf32>,
        %swap3A_691 = arith.index_cast %scan3A_664 : i32 to index
        %swap3A_692 = arith.constant 608 : index
        %swap3A_693 = tpu.vector_load %arg9[%swap3A_691, %swap3A_692] {strides = array<i32>} : memref<8x2048xf32, #tpu.memory_space<vmem>>, vector<16xf32>,
        tpu.vector_store %arg9[%swap3A_691, %swap3A_692], %gather3A_690 {strides = array<i32>} : memref<8x2048xf32, #tpu.memory_space<vmem>>, vector<16xf32>,
        %gather3A_694 = tpu.vector_load_idx %arg7[%add3A_667, %get3A_447] : memref<8x2048xf32, #tpu.memory_space<vmem>>[vector<16xi32>, vector<16xi32>], vector<16xf32>,
        %swap3A_695 = arith.index_cast %scan3A_664 : i32 to index
        %swap3A_696 = arith.constant 624 : index
        %swap3A_697 = tpu.vector_load %arg9[%swap3A_695, %swap3A_696] {strides = array<i32>} : memref<8x2048xf32, #tpu.memory_space<vmem>>, vector<16xf32>,
        tpu.vector_store %arg9[%swap3A_695, %swap3A_696], %gather3A_694 {strides = array<i32>} : memref<8x2048xf32, #tpu.memory_space<vmem>>, vector<16xf32>,
        %gather3A_698 = tpu.vector_load_idx %arg7[%add3A_667, %get3A_449] : memref<8x2048xf32, #tpu.memory_space<vmem>>[vector<16xi32>, vector<16xi32>], vector<16xf32>,
        %swap3A_699 = arith.index_cast %scan3A_664 : i32 to index
        %swap3A_700 = arith.constant 640 : index
        %swap3A_701 = tpu.vector_load %arg9[%swap3A_699, %swap3A_700] {strides = array<i32>} : memref<8x2048xf32, #tpu.memory_space<vmem>>, vector<16xf32>,
        tpu.vector_store %arg9[%swap3A_699, %swap3A_700], %gather3A_698 {strides = array<i32>} : memref<8x2048xf32, #tpu.memory_space<vmem>>, vector<16xf32>,
        %gather3A_702 = tpu.vector_load_idx %arg7[%add3A_667, %get3A_451] : memref<8x2048xf32, #tpu.memory_space<vmem>>[vector<16xi32>, vector<16xi32>], vector<16xf32>,
        %swap3A_703 = arith.index_cast %scan3A_664 : i32 to index
        %swap3A_704 = arith.constant 656 : index
        %swap3A_705 = tpu.vector_load %arg9[%swap3A_703, %swap3A_704] {strides = array<i32>} : memref<8x2048xf32, #tpu.memory_space<vmem>>, vector<16xf32>,
        tpu.vector_store %arg9[%swap3A_703, %swap3A_704], %gather3A_702 {strides = array<i32>} : memref<8x2048xf32, #tpu.memory_space<vmem>>, vector<16xf32>,
        %gather3A_706 = tpu.vector_load_idx %arg7[%add3A_667, %get3A_453] : memref<8x2048xf32, #tpu.memory_space<vmem>>[vector<16xi32>, vector<16xi32>], vector<16xf32>,
        %swap3A_707 = arith.index_cast %scan3A_664 : i32 to index
        %swap3A_708 = arith.constant 672 : index
        %swap3A_709 = tpu.vector_load %arg9[%swap3A_707, %swap3A_708] {strides = array<i32>} : memref<8x2048xf32, #tpu.memory_space<vmem>>, vector<16xf32>,
        tpu.vector_store %arg9[%swap3A_707, %swap3A_708], %gather3A_706 {strides = array<i32>} : memref<8x2048xf32, #tpu.memory_space<vmem>>, vector<16xf32>,
        %gather3A_710 = tpu.vector_load_idx %arg7[%add3A_667, %get3A_455] : memref<8x2048xf32, #tpu.memory_space<vmem>>[vector<16xi32>, vector<16xi32>], vector<16xf32>,
        %swap3A_711 = arith.index_cast %scan3A_664 : i32 to index
        %swap3A_712 = arith.constant 688 : index
        %swap3A_713 = tpu.vector_load %arg9[%swap3A_711, %swap3A_712] {strides = array<i32>} : memref<8x2048xf32, #tpu.memory_space<vmem>>, vector<16xf32>,
        tpu.vector_store %arg9[%swap3A_711, %swap3A_712], %gather3A_710 {strides = array<i32>} : memref<8x2048xf32, #tpu.memory_space<vmem>>, vector<16xf32>,
        %gather3A_714 = tpu.vector_load_idx %arg7[%add3A_667, %get3A_457] : memref<8x2048xf32, #tpu.memory_space<vmem>>[vector<16xi32>, vector<16xi32>], vector<16xf32>,
        %swap3A_715 = arith.index_cast %scan3A_664 : i32 to index
        %swap3A_716 = arith.constant 704 : index
        %swap3A_717 = tpu.vector_load %arg9[%swap3A_715, %swap3A_716] {strides = array<i32>} : memref<8x2048xf32, #tpu.memory_space<vmem>>, vector<16xf32>,
        tpu.vector_store %arg9[%swap3A_715, %swap3A_716], %gather3A_714 {strides = array<i32>} : memref<8x2048xf32, #tpu.memory_space<vmem>>, vector<16xf32>,
        %gather3A_718 = tpu.vector_load_idx %arg7[%add3A_667, %get3A_459] : memref<8x2048xf32, #tpu.memory_space<vmem>>[vector<16xi32>, vector<16xi32>], vector<16xf32>,
        %swap3A_719 = arith.index_cast %scan3A_664 : i32 to index
        %swap3A_720 = arith.constant 720 : index
        %swap3A_721 = tpu.vector_load %arg9[%swap3A_719, %swap3A_720] {strides = array<i32>} : memref<8x2048xf32, #tpu.memory_space<vmem>>, vector<16xf32>,
        tpu.vector_store %arg9[%swap3A_719, %swap3A_720], %gather3A_718 {strides = array<i32>} : memref<8x2048xf32, #tpu.memory_space<vmem>>, vector<16xf32>,
        %gather3A_722 = tpu.vector_load_idx %arg7[%add3A_667, %get3A_461] : memref<8x2048xf32, #tpu.memory_space<vmem>>[vector<16xi32>, vector<16xi32>], vector<16xf32>,
        %swap3A_723 = arith.index_cast %scan3A_664 : i32 to index
        %swap3A_724 = arith.constant 736 : index
        %swap3A_725 = tpu.vector_load %arg9[%swap3A_723, %swap3A_724] {strides = array<i32>} : memref<8x2048xf32, #tpu.memory_space<vmem>>, vector<16xf32>,
        tpu.vector_store %arg9[%swap3A_723, %swap3A_724], %gather3A_722 {strides = array<i32>} : memref<8x2048xf32, #tpu.memory_space<vmem>>, vector<16xf32>,
        %gather3A_726 = tpu.vector_load_idx %arg7[%add3A_667, %get3A_463] : memref<8x2048xf32, #tpu.memory_space<vmem>>[vector<16xi32>, vector<16xi32>], vector<16xf32>,
        %swap3A_727 = arith.index_cast %scan3A_664 : i32 to index
        %swap3A_728 = arith.constant 752 : index
        %swap3A_729 = tpu.vector_load %arg9[%swap3A_727, %swap3A_728] {strides = array<i32>} : memref<8x2048xf32, #tpu.memory_space<vmem>>, vector<16xf32>,
        tpu.vector_store %arg9[%swap3A_727, %swap3A_728], %gather3A_726 {strides = array<i32>} : memref<8x2048xf32, #tpu.memory_space<vmem>>, vector<16xf32>,
      }
      %scan3A_469 = arith.constant 8 : i32
      %get3A_470 = arith.constant 768 : index
      %get3A_471 = tpu.vector_load %arg5[%get3A_470] {strides = array<i32>} : memref<2048xi32, #tpu.memory_space<vmem>>, vector<16xi32>,
      %get3A_472 = arith.constant 784 : index
      %get3A_473 = tpu.vector_load %arg5[%get3A_472] {strides = array<i32>} : memref<2048xi32, #tpu.memory_space<vmem>>, vector<16xi32>,
      %get3A_474 = arith.constant 800 : index
      %get3A_475 = tpu.vector_load %arg5[%get3A_474] {strides = array<i32>} : memref<2048xi32, #tpu.memory_space<vmem>>, vector<16xi32>,
      %get3A_476 = arith.constant 816 : index
      %get3A_477 = tpu.vector_load %arg5[%get3A_476] {strides = array<i32>} : memref<2048xi32, #tpu.memory_space<vmem>>, vector<16xi32>,
      %get3A_478 = arith.constant 832 : index
      %get3A_479 = tpu.vector_load %arg5[%get3A_478] {strides = array<i32>} : memref<2048xi32, #tpu.memory_space<vmem>>, vector<16xi32>,
      %get3A_480 = arith.constant 848 : index
      %get3A_481 = tpu.vector_load %arg5[%get3A_480] {strides = array<i32>} : memref<2048xi32, #tpu.memory_space<vmem>>, vector<16xi32>,
      %get3A_482 = arith.constant 864 : index
      %get3A_483 = tpu.vector_load %arg5[%get3A_482] {strides = array<i32>} : memref<2048xi32, #tpu.memory_space<vmem>>, vector<16xi32>,
      %get3A_484 = arith.constant 880 : index
      %get3A_485 = tpu.vector_load %arg5[%get3A_484] {strides = array<i32>} : memref<2048xi32, #tpu.memory_space<vmem>>, vector<16xi32>,
      %get3A_486 = arith.constant 896 : index
      %get3A_487 = tpu.vector_load %arg5[%get3A_486] {strides = array<i32>} : memref<2048xi32, #tpu.memory_space<vmem>>, vector<16xi32>,
      %get3A_488 = arith.constant 912 : index
      %get3A_489 = tpu.vector_load %arg5[%get3A_488] {strides = array<i32>} : memref<2048xi32, #tpu.memory_space<vmem>>, vector<16xi32>,
      %get3A_490 = arith.constant 928 : index
      %get3A_491 = tpu.vector_load %arg5[%get3A_490] {strides = array<i32>} : memref<2048xi32, #tpu.memory_space<vmem>>, vector<16xi32>,
      %get3A_492 = arith.constant 944 : index
      %get3A_493 = tpu.vector_load %arg5[%get3A_492] {strides = array<i32>} : memref<2048xi32, #tpu.memory_space<vmem>>, vector<16xi32>,
      %get3A_494 = arith.constant 960 : index
      %get3A_495 = tpu.vector_load %arg5[%get3A_494] {strides = array<i32>} : memref<2048xi32, #tpu.memory_space<vmem>>, vector<16xi32>,
      %get3A_496 = arith.constant 976 : index
      %get3A_497 = tpu.vector_load %arg5[%get3A_496] {strides = array<i32>} : memref<2048xi32, #tpu.memory_space<vmem>>, vector<16xi32>,
      %get3A_498 = arith.constant 992 : index
      %get3A_499 = tpu.vector_load %arg5[%get3A_498] {strides = array<i32>} : memref<2048xi32, #tpu.memory_space<vmem>>, vector<16xi32>,
      %get3A_500 = arith.constant 1008 : index
      %get3A_501 = tpu.vector_load %arg5[%get3A_500] {strides = array<i32>} : memref<2048xi32, #tpu.memory_space<vmem>>, vector<16xi32>,
      %scan3A_502 = arith.constant 0 : i32
      %scan3A_503 = arith.constant 0 : i32
      %scan3A_504 = arith.constant 8 : i32
      %scan3A_505 = arith.addi %scan3A_503, %scan3A_504 : i32
      %scan3A_506 = arith.constant 1 : i32
      scf.for %scan3A_664 = %scan3A_503 to %scan3A_505 step %scan3A_506  : i32 {
        %broadcast_in_dim3A = arith.constant 0 : i32
        %broadcast_in_dim3A_665 = vector.broadcast %broadcast_in_dim3A : i32 to vector<16xi32>
        %add3A_666 = vector.broadcast %scan3A_664 : i32 to vector<16xi32>
        %add3A_667 = arith.addi %broadcast_in_dim3A_665, %add3A_666 : vector<16xi32>
        %gather3A = tpu.vector_load_idx %arg7[%add3A_667, %get3A_471] : memref<8x2048xf32, #tpu.memory_space<vmem>>[vector<16xi32>, vector<16xi32>], vector<16xf32>,
        %swap3A = arith.index_cast %scan3A_664 : i32 to index
        %swap3A_668 = arith.constant 768 : index
        %swap3A_669 = tpu.vector_load %arg9[%swap3A, %swap3A_668] {strides = array<i32>} : memref<8x2048xf32, #tpu.memory_space<vmem>>, vector<16xf32>,
        tpu.vector_store %arg9[%swap3A, %swap3A_668], %gather3A {strides = array<i32>} : memref<8x2048xf32, #tpu.memory_space<vmem>>, vector<16xf32>,
        %gather3A_670 = tpu.vector_load_idx %arg7[%add3A_667, %get3A_473] : memref<8x2048xf32, #tpu.memory_space<vmem>>[vector<16xi32>, vector<16xi32>], vector<16xf32>,
        %swap3A_671 = arith.index_cast %scan3A_664 : i32 to index
        %swap3A_672 = arith.constant 784 : index
        %swap3A_673 = tpu.vector_load %arg9[%swap3A_671, %swap3A_672] {strides = array<i32>} : memref<8x2048xf32, #tpu.memory_space<vmem>>, vector<16xf32>,
        tpu.vector_store %arg9[%swap3A_671, %swap3A_672], %gather3A_670 {strides = array<i32>} : memref<8x2048xf32, #tpu.memory_space<vmem>>, vector<16xf32>,
        %gather3A_674 = tpu.vector_load_idx %arg7[%add3A_667, %get3A_475] : memref<8x2048xf32, #tpu.memory_space<vmem>>[vector<16xi32>, vector<16xi32>], vector<16xf32>,
        %swap3A_675 = arith.index_cast %scan3A_664 : i32 to index
        %swap3A_676 = arith.constant 800 : index
        %swap3A_677 = tpu.vector_load %arg9[%swap3A_675, %swap3A_676] {strides = array<i32>} : memref<8x2048xf32, #tpu.memory_space<vmem>>, vector<16xf32>,
        tpu.vector_store %arg9[%swap3A_675, %swap3A_676], %gather3A_674 {strides = array<i32>} : memref<8x2048xf32, #tpu.memory_space<vmem>>, vector<16xf32>,
        %gather3A_678 = tpu.vector_load_idx %arg7[%add3A_667, %get3A_477] : memref<8x2048xf32, #tpu.memory_space<vmem>>[vector<16xi32>, vector<16xi32>], vector<16xf32>,
        %swap3A_679 = arith.index_cast %scan3A_664 : i32 to index
        %swap3A_680 = arith.constant 816 : index
        %swap3A_681 = tpu.vector_load %arg9[%swap3A_679, %swap3A_680] {strides = array<i32>} : memref<8x2048xf32, #tpu.memory_space<vmem>>, vector<16xf32>,
        tpu.vector_store %arg9[%swap3A_679, %swap3A_680], %gather3A_678 {strides = array<i32>} : memref<8x2048xf32, #tpu.memory_space<vmem>>, vector<16xf32>,
        %gather3A_682 = tpu.vector_load_idx %arg7[%add3A_667, %get3A_479] : memref<8x2048xf32, #tpu.memory_space<vmem>>[vector<16xi32>, vector<16xi32>], vector<16xf32>,
        %swap3A_683 = arith.index_cast %scan3A_664 : i32 to index
        %swap3A_684 = arith.constant 832 : index
        %swap3A_685 = tpu.vector_load %arg9[%swap3A_683, %swap3A_684] {strides = array<i32>} : memref<8x2048xf32, #tpu.memory_space<vmem>>, vector<16xf32>,
        tpu.vector_store %arg9[%swap3A_683, %swap3A_684], %gather3A_682 {strides = array<i32>} : memref<8x2048xf32, #tpu.memory_space<vmem>>, vector<16xf32>,
        %gather3A_686 = tpu.vector_load_idx %arg7[%add3A_667, %get3A_481] : memref<8x2048xf32, #tpu.memory_space<vmem>>[vector<16xi32>, vector<16xi32>], vector<16xf32>,
        %swap3A_687 = arith.index_cast %scan3A_664 : i32 to index
        %swap3A_688 = arith.constant 848 : index
        %swap3A_689 = tpu.vector_load %arg9[%swap3A_687, %swap3A_688] {strides = array<i32>} : memref<8x2048xf32, #tpu.memory_space<vmem>>, vector<16xf32>,
        tpu.vector_store %arg9[%swap3A_687, %swap3A_688], %gather3A_686 {strides = array<i32>} : memref<8x2048xf32, #tpu.memory_space<vmem>>, vector<16xf32>,
        %gather3A_690 = tpu.vector_load_idx %arg7[%add3A_667, %get3A_483] : memref<8x2048xf32, #tpu.memory_space<vmem>>[vector<16xi32>, vector<16xi32>], vector<16xf32>,
        %swap3A_691 = arith.index_cast %scan3A_664 : i32 to index
        %swap3A_692 = arith.constant 864 : index
        %swap3A_693 = tpu.vector_load %arg9[%swap3A_691, %swap3A_692] {strides = array<i32>} : memref<8x2048xf32, #tpu.memory_space<vmem>>, vector<16xf32>,
        tpu.vector_store %arg9[%swap3A_691, %swap3A_692], %gather3A_690 {strides = array<i32>} : memref<8x2048xf32, #tpu.memory_space<vmem>>, vector<16xf32>,
        %gather3A_694 = tpu.vector_load_idx %arg7[%add3A_667, %get3A_485] : memref<8x2048xf32, #tpu.memory_space<vmem>>[vector<16xi32>, vector<16xi32>], vector<16xf32>,
        %swap3A_695 = arith.index_cast %scan3A_664 : i32 to index
        %swap3A_696 = arith.constant 880 : index
        %swap3A_697 = tpu.vector_load %arg9[%swap3A_695, %swap3A_696] {strides = array<i32>} : memref<8x2048xf32, #tpu.memory_space<vmem>>, vector<16xf32>,
        tpu.vector_store %arg9[%swap3A_695, %swap3A_696], %gather3A_694 {strides = array<i32>} : memref<8x2048xf32, #tpu.memory_space<vmem>>, vector<16xf32>,
        %gather3A_698 = tpu.vector_load_idx %arg7[%add3A_667, %get3A_487] : memref<8x2048xf32, #tpu.memory_space<vmem>>[vector<16xi32>, vector<16xi32>], vector<16xf32>,
        %swap3A_699 = arith.index_cast %scan3A_664 : i32 to index
        %swap3A_700 = arith.constant 896 : index
        %swap3A_701 = tpu.vector_load %arg9[%swap3A_699, %swap3A_700] {strides = array<i32>} : memref<8x2048xf32, #tpu.memory_space<vmem>>, vector<16xf32>,
        tpu.vector_store %arg9[%swap3A_699, %swap3A_700], %gather3A_698 {strides = array<i32>} : memref<8x2048xf32, #tpu.memory_space<vmem>>, vector<16xf32>,
        %gather3A_702 = tpu.vector_load_idx %arg7[%add3A_667, %get3A_489] : memref<8x2048xf32, #tpu.memory_space<vmem>>[vector<16xi32>, vector<16xi32>], vector<16xf32>,
        %swap3A_703 = arith.index_cast %scan3A_664 : i32 to index
        %swap3A_704 = arith.constant 912 : index
        %swap3A_705 = tpu.vector_load %arg9[%swap3A_703, %swap3A_704] {strides = array<i32>} : memref<8x2048xf32, #tpu.memory_space<vmem>>, vector<16xf32>,
        tpu.vector_store %arg9[%swap3A_703, %swap3A_704], %gather3A_702 {strides = array<i32>} : memref<8x2048xf32, #tpu.memory_space<vmem>>, vector<16xf32>,
        %gather3A_706 = tpu.vector_load_idx %arg7[%add3A_667, %get3A_491] : memref<8x2048xf32, #tpu.memory_space<vmem>>[vector<16xi32>, vector<16xi32>], vector<16xf32>,
        %swap3A_707 = arith.index_cast %scan3A_664 : i32 to index
        %swap3A_708 = arith.constant 928 : index
        %swap3A_709 = tpu.vector_load %arg9[%swap3A_707, %swap3A_708] {strides = array<i32>} : memref<8x2048xf32, #tpu.memory_space<vmem>>, vector<16xf32>,
        tpu.vector_store %arg9[%swap3A_707, %swap3A_708], %gather3A_706 {strides = array<i32>} : memref<8x2048xf32, #tpu.memory_space<vmem>>, vector<16xf32>,
        %gather3A_710 = tpu.vector_load_idx %arg7[%add3A_667, %get3A_493] : memref<8x2048xf32, #tpu.memory_space<vmem>>[vector<16xi32>, vector<16xi32>], vector<16xf32>,
        %swap3A_711 = arith.index_cast %scan3A_664 : i32 to index
        %swap3A_712 = arith.constant 944 : index
        %swap3A_713 = tpu.vector_load %arg9[%swap3A_711, %swap3A_712] {strides = array<i32>} : memref<8x2048xf32, #tpu.memory_space<vmem>>, vector<16xf32>,
        tpu.vector_store %arg9[%swap3A_711, %swap3A_712], %gather3A_710 {strides = array<i32>} : memref<8x2048xf32, #tpu.memory_space<vmem>>, vector<16xf32>,
        %gather3A_714 = tpu.vector_load_idx %arg7[%add3A_667, %get3A_495] : memref<8x2048xf32, #tpu.memory_space<vmem>>[vector<16xi32>, vector<16xi32>], vector<16xf32>,
        %swap3A_715 = arith.index_cast %scan3A_664 : i32 to index
        %swap3A_716 = arith.constant 960 : index
        %swap3A_717 = tpu.vector_load %arg9[%swap3A_715, %swap3A_716] {strides = array<i32>} : memref<8x2048xf32, #tpu.memory_space<vmem>>, vector<16xf32>,
        tpu.vector_store %arg9[%swap3A_715, %swap3A_716], %gather3A_714 {strides = array<i32>} : memref<8x2048xf32, #tpu.memory_space<vmem>>, vector<16xf32>,
        %gather3A_718 = tpu.vector_load_idx %arg7[%add3A_667, %get3A_497] : memref<8x2048xf32, #tpu.memory_space<vmem>>[vector<16xi32>, vector<16xi32>], vector<16xf32>,
        %swap3A_719 = arith.index_cast %scan3A_664 : i32 to index
        %swap3A_720 = arith.constant 976 : index
        %swap3A_721 = tpu.vector_load %arg9[%swap3A_719, %swap3A_720] {strides = array<i32>} : memref<8x2048xf32, #tpu.memory_space<vmem>>, vector<16xf32>,
        tpu.vector_store %arg9[%swap3A_719, %swap3A_720], %gather3A_718 {strides = array<i32>} : memref<8x2048xf32, #tpu.memory_space<vmem>>, vector<16xf32>,
        %gather3A_722 = tpu.vector_load_idx %arg7[%add3A_667, %get3A_499] : memref<8x2048xf32, #tpu.memory_space<vmem>>[vector<16xi32>, vector<16xi32>], vector<16xf32>,
        %swap3A_723 = arith.index_cast %scan3A_664 : i32 to index
        %swap3A_724 = arith.constant 992 : index
        %swap3A_725 = tpu.vector_load %arg9[%swap3A_723, %swap3A_724] {strides = array<i32>} : memref<8x2048xf32, #tpu.memory_space<vmem>>, vector<16xf32>,
        tpu.vector_store %arg9[%swap3A_723, %swap3A_724], %gather3A_722 {strides = array<i32>} : memref<8x2048xf32, #tpu.memory_space<vmem>>, vector<16xf32>,
        %gather3A_726 = tpu.vector_load_idx %arg7[%add3A_667, %get3A_501] : memref<8x2048xf32, #tpu.memory_space<vmem>>[vector<16xi32>, vector<16xi32>], vector<16xf32>,
        %swap3A_727 = arith.index_cast %scan3A_664 : i32 to index
        %swap3A_728 = arith.constant 1008 : index
        %swap3A_729 = tpu.vector_load %arg9[%swap3A_727, %swap3A_728] {strides = array<i32>} : memref<8x2048xf32, #tpu.memory_space<vmem>>, vector<16xf32>,
        tpu.vector_store %arg9[%swap3A_727, %swap3A_728], %gather3A_726 {strides = array<i32>} : memref<8x2048xf32, #tpu.memory_space<vmem>>, vector<16xf32>,
      }
      %scan3A_507 = arith.constant 8 : i32
      %get3A_508 = arith.constant 1024 : index
      %get3A_509 = tpu.vector_load %arg5[%get3A_508] {strides = array<i32>} : memref<2048xi32, #tpu.memory_space<vmem>>, vector<16xi32>,
      %get3A_510 = arith.constant 1040 : index
      %get3A_511 = tpu.vector_load %arg5[%get3A_510] {strides = array<i32>} : memref<2048xi32, #tpu.memory_space<vmem>>, vector<16xi32>,
      %get3A_512 = arith.constant 1056 : index
      %get3A_513 = tpu.vector_load %arg5[%get3A_512] {strides = array<i32>} : memref<2048xi32, #tpu.memory_space<vmem>>, vector<16xi32>,
      %get3A_514 = arith.constant 1072 : index
      %get3A_515 = tpu.vector_load %arg5[%get3A_514] {strides = array<i32>} : memref<2048xi32, #tpu.memory_space<vmem>>, vector<16xi32>,
      %get3A_516 = arith.constant 1088 : index
      %get3A_517 = tpu.vector_load %arg5[%get3A_516] {strides = array<i32>} : memref<2048xi32, #tpu.memory_space<vmem>>, vector<16xi32>,
      %get3A_518 = arith.constant 1104 : index
      %get3A_519 = tpu.vector_load %arg5[%get3A_518] {strides = array<i32>} : memref<2048xi32, #tpu.memory_space<vmem>>, vector<16xi32>,
      %get3A_520 = arith.constant 1120 : index
      %get3A_521 = tpu.vector_load %arg5[%get3A_520] {strides = array<i32>} : memref<2048xi32, #tpu.memory_space<vmem>>, vector<16xi32>,
      %get3A_522 = arith.constant 1136 : index
      %get3A_523 = tpu.vector_load %arg5[%get3A_522] {strides = array<i32>} : memref<2048xi32, #tpu.memory_space<vmem>>, vector<16xi32>,
      %get3A_524 = arith.constant 1152 : index
      %get3A_525 = tpu.vector_load %arg5[%get3A_524] {strides = array<i32>} : memref<2048xi32, #tpu.memory_space<vmem>>, vector<16xi32>,
      %get3A_526 = arith.constant 1168 : index
      %get3A_527 = tpu.vector_load %arg5[%get3A_526] {strides = array<i32>} : memref<2048xi32, #tpu.memory_space<vmem>>, vector<16xi32>,
      %get3A_528 = arith.constant 1184 : index
      %get3A_529 = tpu.vector_load %arg5[%get3A_528] {strides = array<i32>} : memref<2048xi32, #tpu.memory_space<vmem>>, vector<16xi32>,
      %get3A_530 = arith.constant 1200 : index
      %get3A_531 = tpu.vector_load %arg5[%get3A_530] {strides = array<i32>} : memref<2048xi32, #tpu.memory_space<vmem>>, vector<16xi32>,
      %get3A_532 = arith.constant 1216 : index
      %get3A_533 = tpu.vector_load %arg5[%get3A_532] {strides = array<i32>} : memref<2048xi32, #tpu.memory_space<vmem>>, vector<16xi32>,
      %get3A_534 = arith.constant 1232 : index
      %get3A_535 = tpu.vector_load %arg5[%get3A_534] {strides = array<i32>} : memref<2048xi32, #tpu.memory_space<vmem>>, vector<16xi32>,
      %get3A_536 = arith.constant 1248 : index
      %get3A_537 = tpu.vector_load %arg5[%get3A_536] {strides = array<i32>} : memref<2048xi32, #tpu.memory_space<vmem>>, vector<16xi32>,
      %get3A_538 = arith.constant 1264 : index
      %get3A_539 = tpu.vector_load %arg5[%get3A_538] {strides = array<i32>} : memref<2048xi32, #tpu.memory_space<vmem>>, vector<16xi32>,
      %scan3A_540 = arith.constant 0 : i32
      %scan3A_541 = arith.constant 0 : i32
      %scan3A_542 = arith.constant 8 : i32
      %scan3A_543 = arith.addi %scan3A_541, %scan3A_542 : i32
      %scan3A_544 = arith.constant 1 : i32
      scf.for %scan3A_664 = %scan3A_541 to %scan3A_543 step %scan3A_544  : i32 {
        %broadcast_in_dim3A = arith.constant 0 : i32
        %broadcast_in_dim3A_665 = vector.broadcast %broadcast_in_dim3A : i32 to vector<16xi32>
        %add3A_666 = vector.broadcast %scan3A_664 : i32 to vector<16xi32>
        %add3A_667 = arith.addi %broadcast_in_dim3A_665, %add3A_666 : vector<16xi32>
        %gather3A = tpu.vector_load_idx %arg7[%add3A_667, %get3A_509] : memref<8x2048xf32, #tpu.memory_space<vmem>>[vector<16xi32>, vector<16xi32>], vector<16xf32>,
        %swap3A = arith.index_cast %scan3A_664 : i32 to index
        %swap3A_668 = arith.constant 1024 : index
        %swap3A_669 = tpu.vector_load %arg9[%swap3A, %swap3A_668] {strides = array<i32>} : memref<8x2048xf32, #tpu.memory_space<vmem>>, vector<16xf32>,
        tpu.vector_store %arg9[%swap3A, %swap3A_668], %gather3A {strides = array<i32>} : memref<8x2048xf32, #tpu.memory_space<vmem>>, vector<16xf32>,
        %gather3A_670 = tpu.vector_load_idx %arg7[%add3A_667, %get3A_511] : memref<8x2048xf32, #tpu.memory_space<vmem>>[vector<16xi32>, vector<16xi32>], vector<16xf32>,
        %swap3A_671 = arith.index_cast %scan3A_664 : i32 to index
        %swap3A_672 = arith.constant 1040 : index
        %swap3A_673 = tpu.vector_load %arg9[%swap3A_671, %swap3A_672] {strides = array<i32>} : memref<8x2048xf32, #tpu.memory_space<vmem>>, vector<16xf32>,
        tpu.vector_store %arg9[%swap3A_671, %swap3A_672], %gather3A_670 {strides = array<i32>} : memref<8x2048xf32, #tpu.memory_space<vmem>>, vector<16xf32>,
        %gather3A_674 = tpu.vector_load_idx %arg7[%add3A_667, %get3A_513] : memref<8x2048xf32, #tpu.memory_space<vmem>>[vector<16xi32>, vector<16xi32>], vector<16xf32>,
        %swap3A_675 = arith.index_cast %scan3A_664 : i32 to index
        %swap3A_676 = arith.constant 1056 : index
        %swap3A_677 = tpu.vector_load %arg9[%swap3A_675, %swap3A_676] {strides = array<i32>} : memref<8x2048xf32, #tpu.memory_space<vmem>>, vector<16xf32>,
        tpu.vector_store %arg9[%swap3A_675, %swap3A_676], %gather3A_674 {strides = array<i32>} : memref<8x2048xf32, #tpu.memory_space<vmem>>, vector<16xf32>,
        %gather3A_678 = tpu.vector_load_idx %arg7[%add3A_667, %get3A_515] : memref<8x2048xf32, #tpu.memory_space<vmem>>[vector<16xi32>, vector<16xi32>], vector<16xf32>,
        %swap3A_679 = arith.index_cast %scan3A_664 : i32 to index
        %swap3A_680 = arith.constant 1072 : index
        %swap3A_681 = tpu.vector_load %arg9[%swap3A_679, %swap3A_680] {strides = array<i32>} : memref<8x2048xf32, #tpu.memory_space<vmem>>, vector<16xf32>,
        tpu.vector_store %arg9[%swap3A_679, %swap3A_680], %gather3A_678 {strides = array<i32>} : memref<8x2048xf32, #tpu.memory_space<vmem>>, vector<16xf32>,
        %gather3A_682 = tpu.vector_load_idx %arg7[%add3A_667, %get3A_517] : memref<8x2048xf32, #tpu.memory_space<vmem>>[vector<16xi32>, vector<16xi32>], vector<16xf32>,
        %swap3A_683 = arith.index_cast %scan3A_664 : i32 to index
        %swap3A_684 = arith.constant 1088 : index
        %swap3A_685 = tpu.vector_load %arg9[%swap3A_683, %swap3A_684] {strides = array<i32>} : memref<8x2048xf32, #tpu.memory_space<vmem>>, vector<16xf32>,
        tpu.vector_store %arg9[%swap3A_683, %swap3A_684], %gather3A_682 {strides = array<i32>} : memref<8x2048xf32, #tpu.memory_space<vmem>>, vector<16xf32>,
        %gather3A_686 = tpu.vector_load_idx %arg7[%add3A_667, %get3A_519] : memref<8x2048xf32, #tpu.memory_space<vmem>>[vector<16xi32>, vector<16xi32>], vector<16xf32>,
        %swap3A_687 = arith.index_cast %scan3A_664 : i32 to index
        %swap3A_688 = arith.constant 1104 : index
        %swap3A_689 = tpu.vector_load %arg9[%swap3A_687, %swap3A_688] {strides = array<i32>} : memref<8x2048xf32, #tpu.memory_space<vmem>>, vector<16xf32>,
        tpu.vector_store %arg9[%swap3A_687, %swap3A_688], %gather3A_686 {strides = array<i32>} : memref<8x2048xf32, #tpu.memory_space<vmem>>, vector<16xf32>,
        %gather3A_690 = tpu.vector_load_idx %arg7[%add3A_667, %get3A_521] : memref<8x2048xf32, #tpu.memory_space<vmem>>[vector<16xi32>, vector<16xi32>], vector<16xf32>,
        %swap3A_691 = arith.index_cast %scan3A_664 : i32 to index
        %swap3A_692 = arith.constant 1120 : index
        %swap3A_693 = tpu.vector_load %arg9[%swap3A_691, %swap3A_692] {strides = array<i32>} : memref<8x2048xf32, #tpu.memory_space<vmem>>, vector<16xf32>,
        tpu.vector_store %arg9[%swap3A_691, %swap3A_692], %gather3A_690 {strides = array<i32>} : memref<8x2048xf32, #tpu.memory_space<vmem>>, vector<16xf32>,
        %gather3A_694 = tpu.vector_load_idx %arg7[%add3A_667, %get3A_523] : memref<8x2048xf32, #tpu.memory_space<vmem>>[vector<16xi32>, vector<16xi32>], vector<16xf32>,
        %swap3A_695 = arith.index_cast %scan3A_664 : i32 to index
        %swap3A_696 = arith.constant 1136 : index
        %swap3A_697 = tpu.vector_load %arg9[%swap3A_695, %swap3A_696] {strides = array<i32>} : memref<8x2048xf32, #tpu.memory_space<vmem>>, vector<16xf32>,
        tpu.vector_store %arg9[%swap3A_695, %swap3A_696], %gather3A_694 {strides = array<i32>} : memref<8x2048xf32, #tpu.memory_space<vmem>>, vector<16xf32>,
        %gather3A_698 = tpu.vector_load_idx %arg7[%add3A_667, %get3A_525] : memref<8x2048xf32, #tpu.memory_space<vmem>>[vector<16xi32>, vector<16xi32>], vector<16xf32>,
        %swap3A_699 = arith.index_cast %scan3A_664 : i32 to index
        %swap3A_700 = arith.constant 1152 : index
        %swap3A_701 = tpu.vector_load %arg9[%swap3A_699, %swap3A_700] {strides = array<i32>} : memref<8x2048xf32, #tpu.memory_space<vmem>>, vector<16xf32>,
        tpu.vector_store %arg9[%swap3A_699, %swap3A_700], %gather3A_698 {strides = array<i32>} : memref<8x2048xf32, #tpu.memory_space<vmem>>, vector<16xf32>,
        %gather3A_702 = tpu.vector_load_idx %arg7[%add3A_667, %get3A_527] : memref<8x2048xf32, #tpu.memory_space<vmem>>[vector<16xi32>, vector<16xi32>], vector<16xf32>,
        %swap3A_703 = arith.index_cast %scan3A_664 : i32 to index
        %swap3A_704 = arith.constant 1168 : index
        %swap3A_705 = tpu.vector_load %arg9[%swap3A_703, %swap3A_704] {strides = array<i32>} : memref<8x2048xf32, #tpu.memory_space<vmem>>, vector<16xf32>,
        tpu.vector_store %arg9[%swap3A_703, %swap3A_704], %gather3A_702 {strides = array<i32>} : memref<8x2048xf32, #tpu.memory_space<vmem>>, vector<16xf32>,
        %gather3A_706 = tpu.vector_load_idx %arg7[%add3A_667, %get3A_529] : memref<8x2048xf32, #tpu.memory_space<vmem>>[vector<16xi32>, vector<16xi32>], vector<16xf32>,
        %swap3A_707 = arith.index_cast %scan3A_664 : i32 to index
        %swap3A_708 = arith.constant 1184 : index
        %swap3A_709 = tpu.vector_load %arg9[%swap3A_707, %swap3A_708] {strides = array<i32>} : memref<8x2048xf32, #tpu.memory_space<vmem>>, vector<16xf32>,
        tpu.vector_store %arg9[%swap3A_707, %swap3A_708], %gather3A_706 {strides = array<i32>} : memref<8x2048xf32, #tpu.memory_space<vmem>>, vector<16xf32>,
        %gather3A_710 = tpu.vector_load_idx %arg7[%add3A_667, %get3A_531] : memref<8x2048xf32, #tpu.memory_space<vmem>>[vector<16xi32>, vector<16xi32>], vector<16xf32>,
        %swap3A_711 = arith.index_cast %scan3A_664 : i32 to index
        %swap3A_712 = arith.constant 1200 : index
        %swap3A_713 = tpu.vector_load %arg9[%swap3A_711, %swap3A_712] {strides = array<i32>} : memref<8x2048xf32, #tpu.memory_space<vmem>>, vector<16xf32>,
        tpu.vector_store %arg9[%swap3A_711, %swap3A_712], %gather3A_710 {strides = array<i32>} : memref<8x2048xf32, #tpu.memory_space<vmem>>, vector<16xf32>,
        %gather3A_714 = tpu.vector_load_idx %arg7[%add3A_667, %get3A_533] : memref<8x2048xf32, #tpu.memory_space<vmem>>[vector<16xi32>, vector<16xi32>], vector<16xf32>,
        %swap3A_715 = arith.index_cast %scan3A_664 : i32 to index
        %swap3A_716 = arith.constant 1216 : index
        %swap3A_717 = tpu.vector_load %arg9[%swap3A_715, %swap3A_716] {strides = array<i32>} : memref<8x2048xf32, #tpu.memory_space<vmem>>, vector<16xf32>,
        tpu.vector_store %arg9[%swap3A_715, %swap3A_716], %gather3A_714 {strides = array<i32>} : memref<8x2048xf32, #tpu.memory_space<vmem>>, vector<16xf32>,
        %gather3A_718 = tpu.vector_load_idx %arg7[%add3A_667, %get3A_535] : memref<8x2048xf32, #tpu.memory_space<vmem>>[vector<16xi32>, vector<16xi32>], vector<16xf32>,
        %swap3A_719 = arith.index_cast %scan3A_664 : i32 to index
        %swap3A_720 = arith.constant 1232 : index
        %swap3A_721 = tpu.vector_load %arg9[%swap3A_719, %swap3A_720] {strides = array<i32>} : memref<8x2048xf32, #tpu.memory_space<vmem>>, vector<16xf32>,
        tpu.vector_store %arg9[%swap3A_719, %swap3A_720], %gather3A_718 {strides = array<i32>} : memref<8x2048xf32, #tpu.memory_space<vmem>>, vector<16xf32>,
        %gather3A_722 = tpu.vector_load_idx %arg7[%add3A_667, %get3A_537] : memref<8x2048xf32, #tpu.memory_space<vmem>>[vector<16xi32>, vector<16xi32>], vector<16xf32>,
        %swap3A_723 = arith.index_cast %scan3A_664 : i32 to index
        %swap3A_724 = arith.constant 1248 : index
        %swap3A_725 = tpu.vector_load %arg9[%swap3A_723, %swap3A_724] {strides = array<i32>} : memref<8x2048xf32, #tpu.memory_space<vmem>>, vector<16xf32>,
        tpu.vector_store %arg9[%swap3A_723, %swap3A_724], %gather3A_722 {strides = array<i32>} : memref<8x2048xf32, #tpu.memory_space<vmem>>, vector<16xf32>,
        %gather3A_726 = tpu.vector_load_idx %arg7[%add3A_667, %get3A_539] : memref<8x2048xf32, #tpu.memory_space<vmem>>[vector<16xi32>, vector<16xi32>], vector<16xf32>,
        %swap3A_727 = arith.index_cast %scan3A_664 : i32 to index
        %swap3A_728 = arith.constant 1264 : index
        %swap3A_729 = tpu.vector_load %arg9[%swap3A_727, %swap3A_728] {strides = array<i32>} : memref<8x2048xf32, #tpu.memory_space<vmem>>, vector<16xf32>,
        tpu.vector_store %arg9[%swap3A_727, %swap3A_728], %gather3A_726 {strides = array<i32>} : memref<8x2048xf32, #tpu.memory_space<vmem>>, vector<16xf32>,
      }
      %scan3A_545 = arith.constant 8 : i32
      %get3A_546 = arith.constant 1280 : index
      %get3A_547 = tpu.vector_load %arg5[%get3A_546] {strides = array<i32>} : memref<2048xi32, #tpu.memory_space<vmem>>, vector<16xi32>,
      %get3A_548 = arith.constant 1296 : index
      %get3A_549 = tpu.vector_load %arg5[%get3A_548] {strides = array<i32>} : memref<2048xi32, #tpu.memory_space<vmem>>, vector<16xi32>,
      %get3A_550 = arith.constant 1312 : index
      %get3A_551 = tpu.vector_load %arg5[%get3A_550] {strides = array<i32>} : memref<2048xi32, #tpu.memory_space<vmem>>, vector<16xi32>,
      %get3A_552 = arith.constant 1328 : index
      %get3A_553 = tpu.vector_load %arg5[%get3A_552] {strides = array<i32>} : memref<2048xi32, #tpu.memory_space<vmem>>, vector<16xi32>,
      %get3A_554 = arith.constant 1344 : index
      %get3A_555 = tpu.vector_load %arg5[%get3A_554] {strides = array<i32>} : memref<2048xi32, #tpu.memory_space<vmem>>, vector<16xi32>,
      %get3A_556 = arith.constant 1360 : index
      %get3A_557 = tpu.vector_load %arg5[%get3A_556] {strides = array<i32>} : memref<2048xi32, #tpu.memory_space<vmem>>, vector<16xi32>,
      %get3A_558 = arith.constant 1376 : index
      %get3A_559 = tpu.vector_load %arg5[%get3A_558] {strides = array<i32>} : memref<2048xi32, #tpu.memory_space<vmem>>, vector<16xi32>,
      %get3A_560 = arith.constant 1392 : index
      %get3A_561 = tpu.vector_load %arg5[%get3A_560] {strides = array<i32>} : memref<2048xi32, #tpu.memory_space<vmem>>, vector<16xi32>,
      %get3A_562 = arith.constant 1408 : index
      %get3A_563 = tpu.vector_load %arg5[%get3A_562] {strides = array<i32>} : memref<2048xi32, #tpu.memory_space<vmem>>, vector<16xi32>,
      %get3A_564 = arith.constant 1424 : index
      %get3A_565 = tpu.vector_load %arg5[%get3A_564] {strides = array<i32>} : memref<2048xi32, #tpu.memory_space<vmem>>, vector<16xi32>,
      %get3A_566 = arith.constant 1440 : index
      %get3A_567 = tpu.vector_load %arg5[%get3A_566] {strides = array<i32>} : memref<2048xi32, #tpu.memory_space<vmem>>, vector<16xi32>,
      %get3A_568 = arith.constant 1456 : index
      %get3A_569 = tpu.vector_load %arg5[%get3A_568] {strides = array<i32>} : memref<2048xi32, #tpu.memory_space<vmem>>, vector<16xi32>,
      %get3A_570 = arith.constant 1472 : index
      %get3A_571 = tpu.vector_load %arg5[%get3A_570] {strides = array<i32>} : memref<2048xi32, #tpu.memory_space<vmem>>, vector<16xi32>,
      %get3A_572 = arith.constant 1488 : index
      %get3A_573 = tpu.vector_load %arg5[%get3A_572] {strides = array<i32>} : memref<2048xi32, #tpu.memory_space<vmem>>, vector<16xi32>,
      %get3A_574 = arith.constant 1504 : index
      %get3A_575 = tpu.vector_load %arg5[%get3A_574] {strides = array<i32>} : memref<2048xi32, #tpu.memory_space<vmem>>, vector<16xi32>,
      %get3A_576 = arith.constant 1520 : index
      %get3A_577 = tpu.vector_load %arg5[%get3A_576] {strides = array<i32>} : memref<2048xi32, #tpu.memory_space<vmem>>, vector<16xi32>,
      %scan3A_578 = arith.constant 0 : i32
      %scan3A_579 = arith.constant 0 : i32
      %scan3A_580 = arith.constant 8 : i32
      %scan3A_581 = arith.addi %scan3A_579, %scan3A_580 : i32
      %scan3A_582 = arith.constant 1 : i32
      scf.for %scan3A_664 = %scan3A_579 to %scan3A_581 step %scan3A_582  : i32 {
        %broadcast_in_dim3A = arith.constant 0 : i32
        %broadcast_in_dim3A_665 = vector.broadcast %broadcast_in_dim3A : i32 to vector<16xi32>
        %add3A_666 = vector.broadcast %scan3A_664 : i32 to vector<16xi32>
        %add3A_667 = arith.addi %broadcast_in_dim3A_665, %add3A_666 : vector<16xi32>
        %gather3A = tpu.vector_load_idx %arg7[%add3A_667, %get3A_547] : memref<8x2048xf32, #tpu.memory_space<vmem>>[vector<16xi32>, vector<16xi32>], vector<16xf32>,
        %swap3A = arith.index_cast %scan3A_664 : i32 to index
        %swap3A_668 = arith.constant 1280 : index
        %swap3A_669 = tpu.vector_load %arg9[%swap3A, %swap3A_668] {strides = array<i32>} : memref<8x2048xf32, #tpu.memory_space<vmem>>, vector<16xf32>,
        tpu.vector_store %arg9[%swap3A, %swap3A_668], %gather3A {strides = array<i32>} : memref<8x2048xf32, #tpu.memory_space<vmem>>, vector<16xf32>,
        %gather3A_670 = tpu.vector_load_idx %arg7[%add3A_667, %get3A_549] : memref<8x2048xf32, #tpu.memory_space<vmem>>[vector<16xi32>, vector<16xi32>], vector<16xf32>,
        %swap3A_671 = arith.index_cast %scan3A_664 : i32 to index
        %swap3A_672 = arith.constant 1296 : index
        %swap3A_673 = tpu.vector_load %arg9[%swap3A_671, %swap3A_672] {strides = array<i32>} : memref<8x2048xf32, #tpu.memory_space<vmem>>, vector<16xf32>,
        tpu.vector_store %arg9[%swap3A_671, %swap3A_672], %gather3A_670 {strides = array<i32>} : memref<8x2048xf32, #tpu.memory_space<vmem>>, vector<16xf32>,
        %gather3A_674 = tpu.vector_load_idx %arg7[%add3A_667, %get3A_551] : memref<8x2048xf32, #tpu.memory_space<vmem>>[vector<16xi32>, vector<16xi32>], vector<16xf32>,
        %swap3A_675 = arith.index_cast %scan3A_664 : i32 to index
        %swap3A_676 = arith.constant 1312 : index
        %swap3A_677 = tpu.vector_load %arg9[%swap3A_675, %swap3A_676] {strides = array<i32>} : memref<8x2048xf32, #tpu.memory_space<vmem>>, vector<16xf32>,
        tpu.vector_store %arg9[%swap3A_675, %swap3A_676], %gather3A_674 {strides = array<i32>} : memref<8x2048xf32, #tpu.memory_space<vmem>>, vector<16xf32>,
        %gather3A_678 = tpu.vector_load_idx %arg7[%add3A_667, %get3A_553] : memref<8x2048xf32, #tpu.memory_space<vmem>>[vector<16xi32>, vector<16xi32>], vector<16xf32>,
        %swap3A_679 = arith.index_cast %scan3A_664 : i32 to index
        %swap3A_680 = arith.constant 1328 : index
        %swap3A_681 = tpu.vector_load %arg9[%swap3A_679, %swap3A_680] {strides = array<i32>} : memref<8x2048xf32, #tpu.memory_space<vmem>>, vector<16xf32>,
        tpu.vector_store %arg9[%swap3A_679, %swap3A_680], %gather3A_678 {strides = array<i32>} : memref<8x2048xf32, #tpu.memory_space<vmem>>, vector<16xf32>,
        %gather3A_682 = tpu.vector_load_idx %arg7[%add3A_667, %get3A_555] : memref<8x2048xf32, #tpu.memory_space<vmem>>[vector<16xi32>, vector<16xi32>], vector<16xf32>,
        %swap3A_683 = arith.index_cast %scan3A_664 : i32 to index
        %swap3A_684 = arith.constant 1344 : index
        %swap3A_685 = tpu.vector_load %arg9[%swap3A_683, %swap3A_684] {strides = array<i32>} : memref<8x2048xf32, #tpu.memory_space<vmem>>, vector<16xf32>,
        tpu.vector_store %arg9[%swap3A_683, %swap3A_684], %gather3A_682 {strides = array<i32>} : memref<8x2048xf32, #tpu.memory_space<vmem>>, vector<16xf32>,
        %gather3A_686 = tpu.vector_load_idx %arg7[%add3A_667, %get3A_557] : memref<8x2048xf32, #tpu.memory_space<vmem>>[vector<16xi32>, vector<16xi32>], vector<16xf32>,
        %swap3A_687 = arith.index_cast %scan3A_664 : i32 to index
        %swap3A_688 = arith.constant 1360 : index
        %swap3A_689 = tpu.vector_load %arg9[%swap3A_687, %swap3A_688] {strides = array<i32>} : memref<8x2048xf32, #tpu.memory_space<vmem>>, vector<16xf32>,
        tpu.vector_store %arg9[%swap3A_687, %swap3A_688], %gather3A_686 {strides = array<i32>} : memref<8x2048xf32, #tpu.memory_space<vmem>>, vector<16xf32>,
        %gather3A_690 = tpu.vector_load_idx %arg7[%add3A_667, %get3A_559] : memref<8x2048xf32, #tpu.memory_space<vmem>>[vector<16xi32>, vector<16xi32>], vector<16xf32>,
        %swap3A_691 = arith.index_cast %scan3A_664 : i32 to index
        %swap3A_692 = arith.constant 1376 : index
        %swap3A_693 = tpu.vector_load %arg9[%swap3A_691, %swap3A_692] {strides = array<i32>} : memref<8x2048xf32, #tpu.memory_space<vmem>>, vector<16xf32>,
        tpu.vector_store %arg9[%swap3A_691, %swap3A_692], %gather3A_690 {strides = array<i32>} : memref<8x2048xf32, #tpu.memory_space<vmem>>, vector<16xf32>,
        %gather3A_694 = tpu.vector_load_idx %arg7[%add3A_667, %get3A_561] : memref<8x2048xf32, #tpu.memory_space<vmem>>[vector<16xi32>, vector<16xi32>], vector<16xf32>,
        %swap3A_695 = arith.index_cast %scan3A_664 : i32 to index
        %swap3A_696 = arith.constant 1392 : index
        %swap3A_697 = tpu.vector_load %arg9[%swap3A_695, %swap3A_696] {strides = array<i32>} : memref<8x2048xf32, #tpu.memory_space<vmem>>, vector<16xf32>,
        tpu.vector_store %arg9[%swap3A_695, %swap3A_696], %gather3A_694 {strides = array<i32>} : memref<8x2048xf32, #tpu.memory_space<vmem>>, vector<16xf32>,
        %gather3A_698 = tpu.vector_load_idx %arg7[%add3A_667, %get3A_563] : memref<8x2048xf32, #tpu.memory_space<vmem>>[vector<16xi32>, vector<16xi32>], vector<16xf32>,
        %swap3A_699 = arith.index_cast %scan3A_664 : i32 to index
        %swap3A_700 = arith.constant 1408 : index
        %swap3A_701 = tpu.vector_load %arg9[%swap3A_699, %swap3A_700] {strides = array<i32>} : memref<8x2048xf32, #tpu.memory_space<vmem>>, vector<16xf32>,
        tpu.vector_store %arg9[%swap3A_699, %swap3A_700], %gather3A_698 {strides = array<i32>} : memref<8x2048xf32, #tpu.memory_space<vmem>>, vector<16xf32>,
        %gather3A_702 = tpu.vector_load_idx %arg7[%add3A_667, %get3A_565] : memref<8x2048xf32, #tpu.memory_space<vmem>>[vector<16xi32>, vector<16xi32>], vector<16xf32>,
        %swap3A_703 = arith.index_cast %scan3A_664 : i32 to index
        %swap3A_704 = arith.constant 1424 : index
        %swap3A_705 = tpu.vector_load %arg9[%swap3A_703, %swap3A_704] {strides = array<i32>} : memref<8x2048xf32, #tpu.memory_space<vmem>>, vector<16xf32>,
        tpu.vector_store %arg9[%swap3A_703, %swap3A_704], %gather3A_702 {strides = array<i32>} : memref<8x2048xf32, #tpu.memory_space<vmem>>, vector<16xf32>,
        %gather3A_706 = tpu.vector_load_idx %arg7[%add3A_667, %get3A_567] : memref<8x2048xf32, #tpu.memory_space<vmem>>[vector<16xi32>, vector<16xi32>], vector<16xf32>,
        %swap3A_707 = arith.index_cast %scan3A_664 : i32 to index
        %swap3A_708 = arith.constant 1440 : index
        %swap3A_709 = tpu.vector_load %arg9[%swap3A_707, %swap3A_708] {strides = array<i32>} : memref<8x2048xf32, #tpu.memory_space<vmem>>, vector<16xf32>,
        tpu.vector_store %arg9[%swap3A_707, %swap3A_708], %gather3A_706 {strides = array<i32>} : memref<8x2048xf32, #tpu.memory_space<vmem>>, vector<16xf32>,
        %gather3A_710 = tpu.vector_load_idx %arg7[%add3A_667, %get3A_569] : memref<8x2048xf32, #tpu.memory_space<vmem>>[vector<16xi32>, vector<16xi32>], vector<16xf32>,
        %swap3A_711 = arith.index_cast %scan3A_664 : i32 to index
        %swap3A_712 = arith.constant 1456 : index
        %swap3A_713 = tpu.vector_load %arg9[%swap3A_711, %swap3A_712] {strides = array<i32>} : memref<8x2048xf32, #tpu.memory_space<vmem>>, vector<16xf32>,
        tpu.vector_store %arg9[%swap3A_711, %swap3A_712], %gather3A_710 {strides = array<i32>} : memref<8x2048xf32, #tpu.memory_space<vmem>>, vector<16xf32>,
        %gather3A_714 = tpu.vector_load_idx %arg7[%add3A_667, %get3A_571] : memref<8x2048xf32, #tpu.memory_space<vmem>>[vector<16xi32>, vector<16xi32>], vector<16xf32>,
        %swap3A_715 = arith.index_cast %scan3A_664 : i32 to index
        %swap3A_716 = arith.constant 1472 : index
        %swap3A_717 = tpu.vector_load %arg9[%swap3A_715, %swap3A_716] {strides = array<i32>} : memref<8x2048xf32, #tpu.memory_space<vmem>>, vector<16xf32>,
        tpu.vector_store %arg9[%swap3A_715, %swap3A_716], %gather3A_714 {strides = array<i32>} : memref<8x2048xf32, #tpu.memory_space<vmem>>, vector<16xf32>,
        %gather3A_718 = tpu.vector_load_idx %arg7[%add3A_667, %get3A_573] : memref<8x2048xf32, #tpu.memory_space<vmem>>[vector<16xi32>, vector<16xi32>], vector<16xf32>,
        %swap3A_719 = arith.index_cast %scan3A_664 : i32 to index
        %swap3A_720 = arith.constant 1488 : index
        %swap3A_721 = tpu.vector_load %arg9[%swap3A_719, %swap3A_720] {strides = array<i32>} : memref<8x2048xf32, #tpu.memory_space<vmem>>, vector<16xf32>,
        tpu.vector_store %arg9[%swap3A_719, %swap3A_720], %gather3A_718 {strides = array<i32>} : memref<8x2048xf32, #tpu.memory_space<vmem>>, vector<16xf32>,
        %gather3A_722 = tpu.vector_load_idx %arg7[%add3A_667, %get3A_575] : memref<8x2048xf32, #tpu.memory_space<vmem>>[vector<16xi32>, vector<16xi32>], vector<16xf32>,
        %swap3A_723 = arith.index_cast %scan3A_664 : i32 to index
        %swap3A_724 = arith.constant 1504 : index
        %swap3A_725 = tpu.vector_load %arg9[%swap3A_723, %swap3A_724] {strides = array<i32>} : memref<8x2048xf32, #tpu.memory_space<vmem>>, vector<16xf32>,
        tpu.vector_store %arg9[%swap3A_723, %swap3A_724], %gather3A_722 {strides = array<i32>} : memref<8x2048xf32, #tpu.memory_space<vmem>>, vector<16xf32>,
        %gather3A_726 = tpu.vector_load_idx %arg7[%add3A_667, %get3A_577] : memref<8x2048xf32, #tpu.memory_space<vmem>>[vector<16xi32>, vector<16xi32>], vector<16xf32>,
        %swap3A_727 = arith.index_cast %scan3A_664 : i32 to index
        %swap3A_728 = arith.constant 1520 : index
        %swap3A_729 = tpu.vector_load %arg9[%swap3A_727, %swap3A_728] {strides = array<i32>} : memref<8x2048xf32, #tpu.memory_space<vmem>>, vector<16xf32>,
        tpu.vector_store %arg9[%swap3A_727, %swap3A_728], %gather3A_726 {strides = array<i32>} : memref<8x2048xf32, #tpu.memory_space<vmem>>, vector<16xf32>,
      }
      %scan3A_583 = arith.constant 8 : i32
      %get3A_584 = arith.constant 1536 : index
      %get3A_585 = tpu.vector_load %arg5[%get3A_584] {strides = array<i32>} : memref<2048xi32, #tpu.memory_space<vmem>>, vector<16xi32>,
      %get3A_586 = arith.constant 1552 : index
      %get3A_587 = tpu.vector_load %arg5[%get3A_586] {strides = array<i32>} : memref<2048xi32, #tpu.memory_space<vmem>>, vector<16xi32>,
      %get3A_588 = arith.constant 1568 : index
      %get3A_589 = tpu.vector_load %arg5[%get3A_588] {strides = array<i32>} : memref<2048xi32, #tpu.memory_space<vmem>>, vector<16xi32>,
      %get3A_590 = arith.constant 1584 : index
      %get3A_591 = tpu.vector_load %arg5[%get3A_590] {strides = array<i32>} : memref<2048xi32, #tpu.memory_space<vmem>>, vector<16xi32>,
      %get3A_592 = arith.constant 1600 : index
      %get3A_593 = tpu.vector_load %arg5[%get3A_592] {strides = array<i32>} : memref<2048xi32, #tpu.memory_space<vmem>>, vector<16xi32>,
      %get3A_594 = arith.constant 1616 : index
      %get3A_595 = tpu.vector_load %arg5[%get3A_594] {strides = array<i32>} : memref<2048xi32, #tpu.memory_space<vmem>>, vector<16xi32>,
      %get3A_596 = arith.constant 1632 : index
      %get3A_597 = tpu.vector_load %arg5[%get3A_596] {strides = array<i32>} : memref<2048xi32, #tpu.memory_space<vmem>>, vector<16xi32>,
      %get3A_598 = arith.constant 1648 : index
      %get3A_599 = tpu.vector_load %arg5[%get3A_598] {strides = array<i32>} : memref<2048xi32, #tpu.memory_space<vmem>>, vector<16xi32>,
      %get3A_600 = arith.constant 1664 : index
      %get3A_601 = tpu.vector_load %arg5[%get3A_600] {strides = array<i32>} : memref<2048xi32, #tpu.memory_space<vmem>>, vector<16xi32>,
      %get3A_602 = arith.constant 1680 : index
      %get3A_603 = tpu.vector_load %arg5[%get3A_602] {strides = array<i32>} : memref<2048xi32, #tpu.memory_space<vmem>>, vector<16xi32>,
      %get3A_604 = arith.constant 1696 : index
      %get3A_605 = tpu.vector_load %arg5[%get3A_604] {strides = array<i32>} : memref<2048xi32, #tpu.memory_space<vmem>>, vector<16xi32>,
      %get3A_606 = arith.constant 1712 : index
      %get3A_607 = tpu.vector_load %arg5[%get3A_606] {strides = array<i32>} : memref<2048xi32, #tpu.memory_space<vmem>>, vector<16xi32>,
      %get3A_608 = arith.constant 1728 : index
      %get3A_609 = tpu.vector_load %arg5[%get3A_608] {strides = array<i32>} : memref<2048xi32, #tpu.memory_space<vmem>>, vector<16xi32>,
      %get3A_610 = arith.constant 1744 : index
      %get3A_611 = tpu.vector_load %arg5[%get3A_610] {strides = array<i32>} : memref<2048xi32, #tpu.memory_space<vmem>>, vector<16xi32>,
      %get3A_612 = arith.constant 1760 : index
      %get3A_613 = tpu.vector_load %arg5[%get3A_612] {strides = array<i32>} : memref<2048xi32, #tpu.memory_space<vmem>>, vector<16xi32>,
      %get3A_614 = arith.constant 1776 : index
      %get3A_615 = tpu.vector_load %arg5[%get3A_614] {strides = array<i32>} : memref<2048xi32, #tpu.memory_space<vmem>>, vector<16xi32>,
      %scan3A_616 = arith.constant 0 : i32
      %scan3A_617 = arith.constant 0 : i32
      %scan3A_618 = arith.constant 8 : i32
      %scan3A_619 = arith.addi %scan3A_617, %scan3A_618 : i32
      %scan3A_620 = arith.constant 1 : i32
      scf.for %scan3A_664 = %scan3A_617 to %scan3A_619 step %scan3A_620  : i32 {
        %broadcast_in_dim3A = arith.constant 0 : i32
        %broadcast_in_dim3A_665 = vector.broadcast %broadcast_in_dim3A : i32 to vector<16xi32>
        %add3A_666 = vector.broadcast %scan3A_664 : i32 to vector<16xi32>
        %add3A_667 = arith.addi %broadcast_in_dim3A_665, %add3A_666 : vector<16xi32>
        %gather3A = tpu.vector_load_idx %arg7[%add3A_667, %get3A_585] : memref<8x2048xf32, #tpu.memory_space<vmem>>[vector<16xi32>, vector<16xi32>], vector<16xf32>,
        %swap3A = arith.index_cast %scan3A_664 : i32 to index
        %swap3A_668 = arith.constant 1536 : index
        %swap3A_669 = tpu.vector_load %arg9[%swap3A, %swap3A_668] {strides = array<i32>} : memref<8x2048xf32, #tpu.memory_space<vmem>>, vector<16xf32>,
        tpu.vector_store %arg9[%swap3A, %swap3A_668], %gather3A {strides = array<i32>} : memref<8x2048xf32, #tpu.memory_space<vmem>>, vector<16xf32>,
        %gather3A_670 = tpu.vector_load_idx %arg7[%add3A_667, %get3A_587] : memref<8x2048xf32, #tpu.memory_space<vmem>>[vector<16xi32>, vector<16xi32>], vector<16xf32>,
        %swap3A_671 = arith.index_cast %scan3A_664 : i32 to index
        %swap3A_672 = arith.constant 1552 : index
        %swap3A_673 = tpu.vector_load %arg9[%swap3A_671, %swap3A_672] {strides = array<i32>} : memref<8x2048xf32, #tpu.memory_space<vmem>>, vector<16xf32>,
        tpu.vector_store %arg9[%swap3A_671, %swap3A_672], %gather3A_670 {strides = array<i32>} : memref<8x2048xf32, #tpu.memory_space<vmem>>, vector<16xf32>,
        %gather3A_674 = tpu.vector_load_idx %arg7[%add3A_667, %get3A_589] : memref<8x2048xf32, #tpu.memory_space<vmem>>[vector<16xi32>, vector<16xi32>], vector<16xf32>,
        %swap3A_675 = arith.index_cast %scan3A_664 : i32 to index
        %swap3A_676 = arith.constant 1568 : index
        %swap3A_677 = tpu.vector_load %arg9[%swap3A_675, %swap3A_676] {strides = array<i32>} : memref<8x2048xf32, #tpu.memory_space<vmem>>, vector<16xf32>,
        tpu.vector_store %arg9[%swap3A_675, %swap3A_676], %gather3A_674 {strides = array<i32>} : memref<8x2048xf32, #tpu.memory_space<vmem>>, vector<16xf32>,
        %gather3A_678 = tpu.vector_load_idx %arg7[%add3A_667, %get3A_591] : memref<8x2048xf32, #tpu.memory_space<vmem>>[vector<16xi32>, vector<16xi32>], vector<16xf32>,
        %swap3A_679 = arith.index_cast %scan3A_664 : i32 to index
        %swap3A_680 = arith.constant 1584 : index
        %swap3A_681 = tpu.vector_load %arg9[%swap3A_679, %swap3A_680] {strides = array<i32>} : memref<8x2048xf32, #tpu.memory_space<vmem>>, vector<16xf32>,
        tpu.vector_store %arg9[%swap3A_679, %swap3A_680], %gather3A_678 {strides = array<i32>} : memref<8x2048xf32, #tpu.memory_space<vmem>>, vector<16xf32>,
        %gather3A_682 = tpu.vector_load_idx %arg7[%add3A_667, %get3A_593] : memref<8x2048xf32, #tpu.memory_space<vmem>>[vector<16xi32>, vector<16xi32>], vector<16xf32>,
        %swap3A_683 = arith.index_cast %scan3A_664 : i32 to index
        %swap3A_684 = arith.constant 1600 : index
        %swap3A_685 = tpu.vector_load %arg9[%swap3A_683, %swap3A_684] {strides = array<i32>} : memref<8x2048xf32, #tpu.memory_space<vmem>>, vector<16xf32>,
        tpu.vector_store %arg9[%swap3A_683, %swap3A_684], %gather3A_682 {strides = array<i32>} : memref<8x2048xf32, #tpu.memory_space<vmem>>, vector<16xf32>,
        %gather3A_686 = tpu.vector_load_idx %arg7[%add3A_667, %get3A_595] : memref<8x2048xf32, #tpu.memory_space<vmem>>[vector<16xi32>, vector<16xi32>], vector<16xf32>,
        %swap3A_687 = arith.index_cast %scan3A_664 : i32 to index
        %swap3A_688 = arith.constant 1616 : index
        %swap3A_689 = tpu.vector_load %arg9[%swap3A_687, %swap3A_688] {strides = array<i32>} : memref<8x2048xf32, #tpu.memory_space<vmem>>, vector<16xf32>,
        tpu.vector_store %arg9[%swap3A_687, %swap3A_688], %gather3A_686 {strides = array<i32>} : memref<8x2048xf32, #tpu.memory_space<vmem>>, vector<16xf32>,
        %gather3A_690 = tpu.vector_load_idx %arg7[%add3A_667, %get3A_597] : memref<8x2048xf32, #tpu.memory_space<vmem>>[vector<16xi32>, vector<16xi32>], vector<16xf32>,
        %swap3A_691 = arith.index_cast %scan3A_664 : i32 to index
        %swap3A_692 = arith.constant 1632 : index
        %swap3A_693 = tpu.vector_load %arg9[%swap3A_691, %swap3A_692] {strides = array<i32>} : memref<8x2048xf32, #tpu.memory_space<vmem>>, vector<16xf32>,
        tpu.vector_store %arg9[%swap3A_691, %swap3A_692], %gather3A_690 {strides = array<i32>} : memref<8x2048xf32, #tpu.memory_space<vmem>>, vector<16xf32>,
        %gather3A_694 = tpu.vector_load_idx %arg7[%add3A_667, %get3A_599] : memref<8x2048xf32, #tpu.memory_space<vmem>>[vector<16xi32>, vector<16xi32>], vector<16xf32>,
        %swap3A_695 = arith.index_cast %scan3A_664 : i32 to index
        %swap3A_696 = arith.constant 1648 : index
        %swap3A_697 = tpu.vector_load %arg9[%swap3A_695, %swap3A_696] {strides = array<i32>} : memref<8x2048xf32, #tpu.memory_space<vmem>>, vector<16xf32>,
        tpu.vector_store %arg9[%swap3A_695, %swap3A_696], %gather3A_694 {strides = array<i32>} : memref<8x2048xf32, #tpu.memory_space<vmem>>, vector<16xf32>,
        %gather3A_698 = tpu.vector_load_idx %arg7[%add3A_667, %get3A_601] : memref<8x2048xf32, #tpu.memory_space<vmem>>[vector<16xi32>, vector<16xi32>], vector<16xf32>,
        %swap3A_699 = arith.index_cast %scan3A_664 : i32 to index
        %swap3A_700 = arith.constant 1664 : index
        %swap3A_701 = tpu.vector_load %arg9[%swap3A_699, %swap3A_700] {strides = array<i32>} : memref<8x2048xf32, #tpu.memory_space<vmem>>, vector<16xf32>,
        tpu.vector_store %arg9[%swap3A_699, %swap3A_700], %gather3A_698 {strides = array<i32>} : memref<8x2048xf32, #tpu.memory_space<vmem>>, vector<16xf32>,
        %gather3A_702 = tpu.vector_load_idx %arg7[%add3A_667, %get3A_603] : memref<8x2048xf32, #tpu.memory_space<vmem>>[vector<16xi32>, vector<16xi32>], vector<16xf32>,
        %swap3A_703 = arith.index_cast %scan3A_664 : i32 to index
        %swap3A_704 = arith.constant 1680 : index
        %swap3A_705 = tpu.vector_load %arg9[%swap3A_703, %swap3A_704] {strides = array<i32>} : memref<8x2048xf32, #tpu.memory_space<vmem>>, vector<16xf32>,
        tpu.vector_store %arg9[%swap3A_703, %swap3A_704], %gather3A_702 {strides = array<i32>} : memref<8x2048xf32, #tpu.memory_space<vmem>>, vector<16xf32>,
        %gather3A_706 = tpu.vector_load_idx %arg7[%add3A_667, %get3A_605] : memref<8x2048xf32, #tpu.memory_space<vmem>>[vector<16xi32>, vector<16xi32>], vector<16xf32>,
        %swap3A_707 = arith.index_cast %scan3A_664 : i32 to index
        %swap3A_708 = arith.constant 1696 : index
        %swap3A_709 = tpu.vector_load %arg9[%swap3A_707, %swap3A_708] {strides = array<i32>} : memref<8x2048xf32, #tpu.memory_space<vmem>>, vector<16xf32>,
        tpu.vector_store %arg9[%swap3A_707, %swap3A_708], %gather3A_706 {strides = array<i32>} : memref<8x2048xf32, #tpu.memory_space<vmem>>, vector<16xf32>,
        %gather3A_710 = tpu.vector_load_idx %arg7[%add3A_667, %get3A_607] : memref<8x2048xf32, #tpu.memory_space<vmem>>[vector<16xi32>, vector<16xi32>], vector<16xf32>,
        %swap3A_711 = arith.index_cast %scan3A_664 : i32 to index
        %swap3A_712 = arith.constant 1712 : index
        %swap3A_713 = tpu.vector_load %arg9[%swap3A_711, %swap3A_712] {strides = array<i32>} : memref<8x2048xf32, #tpu.memory_space<vmem>>, vector<16xf32>,
        tpu.vector_store %arg9[%swap3A_711, %swap3A_712], %gather3A_710 {strides = array<i32>} : memref<8x2048xf32, #tpu.memory_space<vmem>>, vector<16xf32>,
        %gather3A_714 = tpu.vector_load_idx %arg7[%add3A_667, %get3A_609] : memref<8x2048xf32, #tpu.memory_space<vmem>>[vector<16xi32>, vector<16xi32>], vector<16xf32>,
        %swap3A_715 = arith.index_cast %scan3A_664 : i32 to index
        %swap3A_716 = arith.constant 1728 : index
        %swap3A_717 = tpu.vector_load %arg9[%swap3A_715, %swap3A_716] {strides = array<i32>} : memref<8x2048xf32, #tpu.memory_space<vmem>>, vector<16xf32>,
        tpu.vector_store %arg9[%swap3A_715, %swap3A_716], %gather3A_714 {strides = array<i32>} : memref<8x2048xf32, #tpu.memory_space<vmem>>, vector<16xf32>,
        %gather3A_718 = tpu.vector_load_idx %arg7[%add3A_667, %get3A_611] : memref<8x2048xf32, #tpu.memory_space<vmem>>[vector<16xi32>, vector<16xi32>], vector<16xf32>,
        %swap3A_719 = arith.index_cast %scan3A_664 : i32 to index
        %swap3A_720 = arith.constant 1744 : index
        %swap3A_721 = tpu.vector_load %arg9[%swap3A_719, %swap3A_720] {strides = array<i32>} : memref<8x2048xf32, #tpu.memory_space<vmem>>, vector<16xf32>,
        tpu.vector_store %arg9[%swap3A_719, %swap3A_720], %gather3A_718 {strides = array<i32>} : memref<8x2048xf32, #tpu.memory_space<vmem>>, vector<16xf32>,
        %gather3A_722 = tpu.vector_load_idx %arg7[%add3A_667, %get3A_613] : memref<8x2048xf32, #tpu.memory_space<vmem>>[vector<16xi32>, vector<16xi32>], vector<16xf32>,
        %swap3A_723 = arith.index_cast %scan3A_664 : i32 to index
        %swap3A_724 = arith.constant 1760 : index
        %swap3A_725 = tpu.vector_load %arg9[%swap3A_723, %swap3A_724] {strides = array<i32>} : memref<8x2048xf32, #tpu.memory_space<vmem>>, vector<16xf32>,
        tpu.vector_store %arg9[%swap3A_723, %swap3A_724], %gather3A_722 {strides = array<i32>} : memref<8x2048xf32, #tpu.memory_space<vmem>>, vector<16xf32>,
        %gather3A_726 = tpu.vector_load_idx %arg7[%add3A_667, %get3A_615] : memref<8x2048xf32, #tpu.memory_space<vmem>>[vector<16xi32>, vector<16xi32>], vector<16xf32>,
        %swap3A_727 = arith.index_cast %scan3A_664 : i32 to index
        %swap3A_728 = arith.constant 1776 : index
        %swap3A_729 = tpu.vector_load %arg9[%swap3A_727, %swap3A_728] {strides = array<i32>} : memref<8x2048xf32, #tpu.memory_space<vmem>>, vector<16xf32>,
        tpu.vector_store %arg9[%swap3A_727, %swap3A_728], %gather3A_726 {strides = array<i32>} : memref<8x2048xf32, #tpu.memory_space<vmem>>, vector<16xf32>,
      }
      %scan3A_621 = arith.constant 8 : i32
      %get3A_622 = arith.constant 1792 : index
      %get3A_623 = tpu.vector_load %arg5[%get3A_622] {strides = array<i32>} : memref<2048xi32, #tpu.memory_space<vmem>>, vector<16xi32>,
      %get3A_624 = arith.constant 1808 : index
      %get3A_625 = tpu.vector_load %arg5[%get3A_624] {strides = array<i32>} : memref<2048xi32, #tpu.memory_space<vmem>>, vector<16xi32>,
      %get3A_626 = arith.constant 1824 : index
      %get3A_627 = tpu.vector_load %arg5[%get3A_626] {strides = array<i32>} : memref<2048xi32, #tpu.memory_space<vmem>>, vector<16xi32>,
      %get3A_628 = arith.constant 1840 : index
      %get3A_629 = tpu.vector_load %arg5[%get3A_628] {strides = array<i32>} : memref<2048xi32, #tpu.memory_space<vmem>>, vector<16xi32>,
      %get3A_630 = arith.constant 1856 : index
      %get3A_631 = tpu.vector_load %arg5[%get3A_630] {strides = array<i32>} : memref<2048xi32, #tpu.memory_space<vmem>>, vector<16xi32>,
      %get3A_632 = arith.constant 1872 : index
      %get3A_633 = tpu.vector_load %arg5[%get3A_632] {strides = array<i32>} : memref<2048xi32, #tpu.memory_space<vmem>>, vector<16xi32>,
      %get3A_634 = arith.constant 1888 : index
      %get3A_635 = tpu.vector_load %arg5[%get3A_634] {strides = array<i32>} : memref<2048xi32, #tpu.memory_space<vmem>>, vector<16xi32>,
      %get3A_636 = arith.constant 1904 : index
      %get3A_637 = tpu.vector_load %arg5[%get3A_636] {strides = array<i32>} : memref<2048xi32, #tpu.memory_space<vmem>>, vector<16xi32>,
      %get3A_638 = arith.constant 1920 : index
      %get3A_639 = tpu.vector_load %arg5[%get3A_638] {strides = array<i32>} : memref<2048xi32, #tpu.memory_space<vmem>>, vector<16xi32>,
      %get3A_640 = arith.constant 1936 : index
      %get3A_641 = tpu.vector_load %arg5[%get3A_640] {strides = array<i32>} : memref<2048xi32, #tpu.memory_space<vmem>>, vector<16xi32>,
      %get3A_642 = arith.constant 1952 : index
      %get3A_643 = tpu.vector_load %arg5[%get3A_642] {strides = array<i32>} : memref<2048xi32, #tpu.memory_space<vmem>>, vector<16xi32>,
      %get3A_644 = arith.constant 1968 : index
      %get3A_645 = tpu.vector_load %arg5[%get3A_644] {strides = array<i32>} : memref<2048xi32, #tpu.memory_space<vmem>>, vector<16xi32>,
      %get3A_646 = arith.constant 1984 : index
      %get3A_647 = tpu.vector_load %arg5[%get3A_646] {strides = array<i32>} : memref<2048xi32, #tpu.memory_space<vmem>>, vector<16xi32>,
      %get3A_648 = arith.constant 2000 : index
      %get3A_649 = tpu.vector_load %arg5[%get3A_648] {strides = array<i32>} : memref<2048xi32, #tpu.memory_space<vmem>>, vector<16xi32>,
      %get3A_650 = arith.constant 2016 : index
      %get3A_651 = tpu.vector_load %arg5[%get3A_650] {strides = array<i32>} : memref<2048xi32, #tpu.memory_space<vmem>>, vector<16xi32>,
      %get3A_652 = arith.constant 2032 : index
      %get3A_653 = tpu.vector_load %arg5[%get3A_652] {strides = array<i32>} : memref<2048xi32, #tpu.memory_space<vmem>>, vector<16xi32>,
      %scan3A_654 = arith.constant 0 : i32
      %scan3A_655 = arith.constant 0 : i32
      %scan3A_656 = arith.constant 8 : i32
      %scan3A_657 = arith.addi %scan3A_655, %scan3A_656 : i32
      %scan3A_658 = arith.constant 1 : i32
      scf.for %scan3A_664 = %scan3A_655 to %scan3A_657 step %scan3A_658  : i32 {
        %broadcast_in_dim3A = arith.constant 0 : i32
        %broadcast_in_dim3A_665 = vector.broadcast %broadcast_in_dim3A : i32 to vector<16xi32>
        %add3A_666 = vector.broadcast %scan3A_664 : i32 to vector<16xi32>
        %add3A_667 = arith.addi %broadcast_in_dim3A_665, %add3A_666 : vector<16xi32>
        %gather3A = tpu.vector_load_idx %arg7[%add3A_667, %get3A_623] : memref<8x2048xf32, #tpu.memory_space<vmem>>[vector<16xi32>, vector<16xi32>], vector<16xf32>,
        %swap3A = arith.index_cast %scan3A_664 : i32 to index
        %swap3A_668 = arith.constant 1792 : index
        %swap3A_669 = tpu.vector_load %arg9[%swap3A, %swap3A_668] {strides = array<i32>} : memref<8x2048xf32, #tpu.memory_space<vmem>>, vector<16xf32>,
        tpu.vector_store %arg9[%swap3A, %swap3A_668], %gather3A {strides = array<i32>} : memref<8x2048xf32, #tpu.memory_space<vmem>>, vector<16xf32>,
        %gather3A_670 = tpu.vector_load_idx %arg7[%add3A_667, %get3A_625] : memref<8x2048xf32, #tpu.memory_space<vmem>>[vector<16xi32>, vector<16xi32>], vector<16xf32>,
        %swap3A_671 = arith.index_cast %scan3A_664 : i32 to index
        %swap3A_672 = arith.constant 1808 : index
        %swap3A_673 = tpu.vector_load %arg9[%swap3A_671, %swap3A_672] {strides = array<i32>} : memref<8x2048xf32, #tpu.memory_space<vmem>>, vector<16xf32>,
        tpu.vector_store %arg9[%swap3A_671, %swap3A_672], %gather3A_670 {strides = array<i32>} : memref<8x2048xf32, #tpu.memory_space<vmem>>, vector<16xf32>,
        %gather3A_674 = tpu.vector_load_idx %arg7[%add3A_667, %get3A_627] : memref<8x2048xf32, #tpu.memory_space<vmem>>[vector<16xi32>, vector<16xi32>], vector<16xf32>,
        %swap3A_675 = arith.index_cast %scan3A_664 : i32 to index
        %swap3A_676 = arith.constant 1824 : index
        %swap3A_677 = tpu.vector_load %arg9[%swap3A_675, %swap3A_676] {strides = array<i32>} : memref<8x2048xf32, #tpu.memory_space<vmem>>, vector<16xf32>,
        tpu.vector_store %arg9[%swap3A_675, %swap3A_676], %gather3A_674 {strides = array<i32>} : memref<8x2048xf32, #tpu.memory_space<vmem>>, vector<16xf32>,
        %gather3A_678 = tpu.vector_load_idx %arg7[%add3A_667, %get3A_629] : memref<8x2048xf32, #tpu.memory_space<vmem>>[vector<16xi32>, vector<16xi32>], vector<16xf32>,
        %swap3A_679 = arith.index_cast %scan3A_664 : i32 to index
        %swap3A_680 = arith.constant 1840 : index
        %swap3A_681 = tpu.vector_load %arg9[%swap3A_679, %swap3A_680] {strides = array<i32>} : memref<8x2048xf32, #tpu.memory_space<vmem>>, vector<16xf32>,
        tpu.vector_store %arg9[%swap3A_679, %swap3A_680], %gather3A_678 {strides = array<i32>} : memref<8x2048xf32, #tpu.memory_space<vmem>>, vector<16xf32>,
        %gather3A_682 = tpu.vector_load_idx %arg7[%add3A_667, %get3A_631] : memref<8x2048xf32, #tpu.memory_space<vmem>>[vector<16xi32>, vector<16xi32>], vector<16xf32>,
        %swap3A_683 = arith.index_cast %scan3A_664 : i32 to index
        %swap3A_684 = arith.constant 1856 : index
        %swap3A_685 = tpu.vector_load %arg9[%swap3A_683, %swap3A_684] {strides = array<i32>} : memref<8x2048xf32, #tpu.memory_space<vmem>>, vector<16xf32>,
        tpu.vector_store %arg9[%swap3A_683, %swap3A_684], %gather3A_682 {strides = array<i32>} : memref<8x2048xf32, #tpu.memory_space<vmem>>, vector<16xf32>,
        %gather3A_686 = tpu.vector_load_idx %arg7[%add3A_667, %get3A_633] : memref<8x2048xf32, #tpu.memory_space<vmem>>[vector<16xi32>, vector<16xi32>], vector<16xf32>,
        %swap3A_687 = arith.index_cast %scan3A_664 : i32 to index
        %swap3A_688 = arith.constant 1872 : index
        %swap3A_689 = tpu.vector_load %arg9[%swap3A_687, %swap3A_688] {strides = array<i32>} : memref<8x2048xf32, #tpu.memory_space<vmem>>, vector<16xf32>,
        tpu.vector_store %arg9[%swap3A_687, %swap3A_688], %gather3A_686 {strides = array<i32>} : memref<8x2048xf32, #tpu.memory_space<vmem>>, vector<16xf32>,
        %gather3A_690 = tpu.vector_load_idx %arg7[%add3A_667, %get3A_635] : memref<8x2048xf32, #tpu.memory_space<vmem>>[vector<16xi32>, vector<16xi32>], vector<16xf32>,
        %swap3A_691 = arith.index_cast %scan3A_664 : i32 to index
        %swap3A_692 = arith.constant 1888 : index
        %swap3A_693 = tpu.vector_load %arg9[%swap3A_691, %swap3A_692] {strides = array<i32>} : memref<8x2048xf32, #tpu.memory_space<vmem>>, vector<16xf32>,
        tpu.vector_store %arg9[%swap3A_691, %swap3A_692], %gather3A_690 {strides = array<i32>} : memref<8x2048xf32, #tpu.memory_space<vmem>>, vector<16xf32>,
        %gather3A_694 = tpu.vector_load_idx %arg7[%add3A_667, %get3A_637] : memref<8x2048xf32, #tpu.memory_space<vmem>>[vector<16xi32>, vector<16xi32>], vector<16xf32>,
        %swap3A_695 = arith.index_cast %scan3A_664 : i32 to index
        %swap3A_696 = arith.constant 1904 : index
        %swap3A_697 = tpu.vector_load %arg9[%swap3A_695, %swap3A_696] {strides = array<i32>} : memref<8x2048xf32, #tpu.memory_space<vmem>>, vector<16xf32>,
        tpu.vector_store %arg9[%swap3A_695, %swap3A_696], %gather3A_694 {strides = array<i32>} : memref<8x2048xf32, #tpu.memory_space<vmem>>, vector<16xf32>,
        %gather3A_698 = tpu.vector_load_idx %arg7[%add3A_667, %get3A_639] : memref<8x2048xf32, #tpu.memory_space<vmem>>[vector<16xi32>, vector<16xi32>], vector<16xf32>,
        %swap3A_699 = arith.index_cast %scan3A_664 : i32 to index
        %swap3A_700 = arith.constant 1920 : index
        %swap3A_701 = tpu.vector_load %arg9[%swap3A_699, %swap3A_700] {strides = array<i32>} : memref<8x2048xf32, #tpu.memory_space<vmem>>, vector<16xf32>,
        tpu.vector_store %arg9[%swap3A_699, %swap3A_700], %gather3A_698 {strides = array<i32>} : memref<8x2048xf32, #tpu.memory_space<vmem>>, vector<16xf32>,
        %gather3A_702 = tpu.vector_load_idx %arg7[%add3A_667, %get3A_641] : memref<8x2048xf32, #tpu.memory_space<vmem>>[vector<16xi32>, vector<16xi32>], vector<16xf32>,
        %swap3A_703 = arith.index_cast %scan3A_664 : i32 to index
        %swap3A_704 = arith.constant 1936 : index
        %swap3A_705 = tpu.vector_load %arg9[%swap3A_703, %swap3A_704] {strides = array<i32>} : memref<8x2048xf32, #tpu.memory_space<vmem>>, vector<16xf32>,
        tpu.vector_store %arg9[%swap3A_703, %swap3A_704], %gather3A_702 {strides = array<i32>} : memref<8x2048xf32, #tpu.memory_space<vmem>>, vector<16xf32>,
        %gather3A_706 = tpu.vector_load_idx %arg7[%add3A_667, %get3A_643] : memref<8x2048xf32, #tpu.memory_space<vmem>>[vector<16xi32>, vector<16xi32>], vector<16xf32>,
        %swap3A_707 = arith.index_cast %scan3A_664 : i32 to index
        %swap3A_708 = arith.constant 1952 : index
        %swap3A_709 = tpu.vector_load %arg9[%swap3A_707, %swap3A_708] {strides = array<i32>} : memref<8x2048xf32, #tpu.memory_space<vmem>>, vector<16xf32>,
        tpu.vector_store %arg9[%swap3A_707, %swap3A_708], %gather3A_706 {strides = array<i32>} : memref<8x2048xf32, #tpu.memory_space<vmem>>, vector<16xf32>,
        %gather3A_710 = tpu.vector_load_idx %arg7[%add3A_667, %get3A_645] : memref<8x2048xf32, #tpu.memory_space<vmem>>[vector<16xi32>, vector<16xi32>], vector<16xf32>,
        %swap3A_711 = arith.index_cast %scan3A_664 : i32 to index
        %swap3A_712 = arith.constant 1968 : index
        %swap3A_713 = tpu.vector_load %arg9[%swap3A_711, %swap3A_712] {strides = array<i32>} : memref<8x2048xf32, #tpu.memory_space<vmem>>, vector<16xf32>,
        tpu.vector_store %arg9[%swap3A_711, %swap3A_712], %gather3A_710 {strides = array<i32>} : memref<8x2048xf32, #tpu.memory_space<vmem>>, vector<16xf32>,
        %gather3A_714 = tpu.vector_load_idx %arg7[%add3A_667, %get3A_647] : memref<8x2048xf32, #tpu.memory_space<vmem>>[vector<16xi32>, vector<16xi32>], vector<16xf32>,
        %swap3A_715 = arith.index_cast %scan3A_664 : i32 to index
        %swap3A_716 = arith.constant 1984 : index
        %swap3A_717 = tpu.vector_load %arg9[%swap3A_715, %swap3A_716] {strides = array<i32>} : memref<8x2048xf32, #tpu.memory_space<vmem>>, vector<16xf32>,
        tpu.vector_store %arg9[%swap3A_715, %swap3A_716], %gather3A_714 {strides = array<i32>} : memref<8x2048xf32, #tpu.memory_space<vmem>>, vector<16xf32>,
        %gather3A_718 = tpu.vector_load_idx %arg7[%add3A_667, %get3A_649] : memref<8x2048xf32, #tpu.memory_space<vmem>>[vector<16xi32>, vector<16xi32>], vector<16xf32>,
        %swap3A_719 = arith.index_cast %scan3A_664 : i32 to index
        %swap3A_720 = arith.constant 2000 : index
        %swap3A_721 = tpu.vector_load %arg9[%swap3A_719, %swap3A_720] {strides = array<i32>} : memref<8x2048xf32, #tpu.memory_space<vmem>>, vector<16xf32>,
        tpu.vector_store %arg9[%swap3A_719, %swap3A_720], %gather3A_718 {strides = array<i32>} : memref<8x2048xf32, #tpu.memory_space<vmem>>, vector<16xf32>,
        %gather3A_722 = tpu.vector_load_idx %arg7[%add3A_667, %get3A_651] : memref<8x2048xf32, #tpu.memory_space<vmem>>[vector<16xi32>, vector<16xi32>], vector<16xf32>,
        %swap3A_723 = arith.index_cast %scan3A_664 : i32 to index
        %swap3A_724 = arith.constant 2016 : index
        %swap3A_725 = tpu.vector_load %arg9[%swap3A_723, %swap3A_724] {strides = array<i32>} : memref<8x2048xf32, #tpu.memory_space<vmem>>, vector<16xf32>,
        tpu.vector_store %arg9[%swap3A_723, %swap3A_724], %gather3A_722 {strides = array<i32>} : memref<8x2048xf32, #tpu.memory_space<vmem>>, vector<16xf32>,
        %gather3A_726 = tpu.vector_load_idx %arg7[%add3A_667, %get3A_653] : memref<8x2048xf32, #tpu.memory_space<vmem>>[vector<16xi32>, vector<16xi32>], vector<16xf32>,
        %swap3A_727 = arith.index_cast %scan3A_664 : i32 to index
        %swap3A_728 = arith.constant 2032 : index
        %swap3A_729 = tpu.vector_load %arg9[%swap3A_727, %swap3A_728] {strides = array<i32>} : memref<8x2048xf32, #tpu.memory_space<vmem>>, vector<16xf32>,
        tpu.vector_store %arg9[%swap3A_727, %swap3A_728], %gather3A_726 {strides = array<i32>} : memref<8x2048xf32, #tpu.memory_space<vmem>>, vector<16xf32>,
      }
      %scan3A_659 = arith.constant 8 : i32
      %dma_start3A_660 = arith.constant 0 : i32
      %dma_start3A_661 = tpu.memref_slice %arg4[%add3A_25, %dma_start3A_660] : memref<8192x2048xf32, #tpu.memory_space<hbm>> -> memref<8x2048xf32, #tpu.memory_space<hbm>>
      %dma_start3A_662 = arith.constant 0 : i32
      %dma_start3A_663 = tpu.memref_slice %arg4[%add3A_25, %dma_start3A_662] : memref<8192x2048xf32, #tpu.memory_space<hbm>> -> memref<8x2048xf32, #tpu.memory_space<hbm>>
      tpu.enqueue_dma source(%arg9 : memref<8x2048xf32, #tpu.memory_space<vmem>>) target(%dma_start3A_663 : memref<8x2048xf32, #tpu.memory_space<hbm>>) target_semaphore(%arg13 : memref<!tpu.dma_semaphore, #tpu.memory_space<semaphore_mem>>)
    }
    %scan3A_10 = arith.constant 16 : i32
    %dma_wait3A = arith.constant 0 : i32
    %dma_wait3A_11 = tpu.memref_slice %arg4[%mul3A_2, %dma_wait3A] : memref<8192x2048xf32, #tpu.memory_space<hbm>> -> memref<8x2048xf32, #tpu.memory_space<hbm>>
    %dma_wait3A_12 = arith.constant 0 : i32
    %dma_wait3A_13 = tpu.memref_slice %arg4[%mul3A_2, %dma_wait3A_12] : memref<8192x2048xf32, #tpu.memory_space<hbm>> -> memref<8x2048xf32, #tpu.memory_space<hbm>>
    tpu.wait_dma2 semaphore(%arg12 : memref<!tpu.dma_semaphore, #tpu.memory_space<semaphore_mem>>) src(%arg8 : memref<8x2048xf32, #tpu.memory_space<vmem>>) dst(%dma_wait3A_13 : memref<8x2048xf32, #tpu.memory_space<hbm>>)
    %dma_wait3A_14 = arith.constant 0 : i32
    %dma_wait3A_15 = tpu.memref_slice %arg4[%mul3A_2, %dma_wait3A_14] : memref<8192x2048xf32, #tpu.memory_space<hbm>> -> memref<8x2048xf32, #tpu.memory_space<hbm>>
    %dma_wait3A_16 = arith.constant 0 : i32
    %dma_wait3A_17 = tpu.memref_slice %arg4[%mul3A_2, %dma_wait3A_16] : memref<8192x2048xf32, #tpu.memory_space<hbm>> -> memref<8x2048xf32, #tpu.memory_space<hbm>>
    tpu.wait_dma2 semaphore(%arg13 : memref<!tpu.dma_semaphore, #tpu.memory_space<semaphore_mem>>) src(%arg9 : memref<8x2048xf32, #tpu.memory_space<vmem>>) dst(%dma_wait3A_17 : memref<8x2048xf32, #tpu.memory_space<hbm>>)
    return
  }
}

</mosaic_0001>

<sc_bundles>
// kernel: kernel.3.cloned.1.call-start
scs
__scs_entry_jumppad:
0x0: {  	(pc) =	sbr.rel $0x88, $3  }
0x1: {  	(tag) =	ssettag $0x0;
	lr =	simm.s32 $0x1  }
0x2: {  	[smem:$0x3F9F] =	sst lr;
	_ =	strace $0xD0000000  }
0x3: {  	_ = 	snop  }
0x4: {  	_ = 	snop  }
0x5: {  	_ = 	snop  }
0x6: {  	_ = 	snop  }
0x7: {  	_ = 	snop  }
__scs_overlays_trampoline_lowered:
0x8: {  	[smem:$0x3FAE] =	sst s0  }
0x9: {  	[smem:$0x3FAF] =	sst s1  }
0xa: {  	[smem:$0x3FB0] =	sst s2  }
0xb: {  	[smem:$0x3FB1] =	sst s3  }
0xc: {  	[smem:$0x3FB2] =	sst s4  }
0xd: {  	[smem:$0x3FB3] =	sst s5  }
0xe: {  	[smem:$0x3FB4] =	sst s6  }
0xf: {  	[smem:$0x3FB5] =	sst s7  }
0x10: {  	[smem:$0x3FB6] =	sst s8  }
0x11: {  	[smem:$0x3FB7] =	sst s9;
	s0 =	simm.s32 @!p0 $0x0  }
0x12: {  	s1 =	sld [smem:$0x3F9D];
	s0 =	simm.s32 @p0 $0x1  }
0x13: {  	[smem:$0x3FB8] =	sst s0;
	s0 =	simm.s32 @!p1 $0x0  }
0x14: {  	s2 =	sld [smem:$0x3F9C];
	s0 =	simm.s32 @p1 $0x1  }
0x15: {  	[smem:$0x3FB9] =	sst s0;
	s0 =	simm.s32 @!p2 $0x0  }
0x16: {  	s3 =	sld [smem:$0x3FDB];
	s0 =	simm.s32 @p2 $0x1  }
0x17: {  	s4 =	simm.s32 $0x1BF5;
	[smem:$0x3FBB] =	sst s0  }
0x18: {  	s0 =	sld [smem:$0x3F9E];
	_ =	swait.ge [sflag:s4], $0x0  }
0x19: {  	s7 =	sld [smem:$0x3F9F]  }
0x1a: {  	s8 =	sadd.s32 $0xFFFFE003, lr  }
0x1b: {  	s9 =	sadd.s32 $0xFFFFFEF7, lr;
	s5 =	simm.s32 $0xFFFFFFFF;
	p2 =	slt.u32 s8, $0xFFFFF086  }
0x1c: {  	p1 =	slt.u32 s9, $0xF7A;
	s5 =	simm.s32 @!p2 $0x0  }
0x1d: {  	s5 =	simm.s32 @p1 $0x1;
	p0 =	seq.s32 s7, s2  }
0x1e: {  	s7 =	smul.u32 @!p0 $0xF7A, s2;
	p2 =	seq.s32 @!p0 s5, $0x0  }
0x1f: {  	s9 =	smul.u32 $0xF7A, s1;
	s8 =	simm.s32 @!p0 $0x1BF5;
	p2 =	por !p2, p0  }
0x20: {  	[sflag:s8] =	ssyncset.s32 @!p0 $0xFFFFF086;
	s6 =	sadd.s32 @!p0 s3, s7;
	s7 =	simm.s32 @!p0 $0x108  }
0x21: {  	s3 =	sadd.s32 s3, s9;
	s6 =	sadd.s32 @!p0 $0x88, s6;
	s7 =	simm.s32 @p2 $0x1082  }
0x22: {  	[simem:s7], [sflag:s8] =	dma.local @!p0 [hbm:s6], $0xF7A  }
0x23: {  	s9 =	sor.u32 $0xD0000000, s2;
	s6 =	simm.s32 $0x108;
	_ =	swait.ge @!p0 [sflag:s8], $0x0  }
0x24: {  	s3 =	sadd.s32 $0x88, s3;
	s6 =	simm.s32 @!p1 $0x1082;
	[sflag:s4] =	ssyncset.s32 $0xFFFFF086  }
0x25: {  	[simem:s6], [sflag:s4] =	dma.local [hbm:s3], $0xF7A  }
0x26: {  	[smem:$0x3F9F] =	sst s1;
	(tag) =	ssettag s2;
	_ =	strace s9  }
0x27: {  	s1 =	sld [smem:$0x3FAF]  }
0x28: {  	s2 =	sld [smem:$0x3FB0]  }
0x29: {  	s4 =	sld [smem:$0x3FB2]  }
0x2a: {  	p0 =	seq.s32 s5, $0x0;
	s5 =	sld [smem:$0x3FB3]  }
0x2b: {  	s6 =	sld [smem:$0x3FB4]  }
0x2c: {  	s7 =	sld [smem:$0x3FB5]  }
0x2d: {  	s3 =	simm.s32 $0x108;
	s8 =	sld [smem:$0x3FB6]  }
0x2e: {  	s3 =	simm.s32 @!p0 $0x1082;
	s9 =	sld [smem:$0x3FB7]  }
0x2f: {  	lr =	sadd.s32 s0, s3;
	s0 =	sld [smem:$0x3FAE]  }
0x30: {  	s3 =	sld [smem:$0x3FB1]  }
0x31: {  	[smem:$0x3FBA] =	sst s10  }
0x32: {  	s10 =	sld [smem:$0x3FB8];
	_ =	sdelay $0x3  }
0x33: {  	p0 =	seq.s32 s10, $0x1;
	s10 =	sld [smem:$0x3FBA];
	_ =	sdelay $0x3  }
0x34: {  	[smem:$0x3FBA] =	sst s10  }
0x35: {  	s10 =	sld [smem:$0x3FB9];
	_ =	sdelay $0x3  }
0x36: {  	p1 =	seq.s32 s10, $0x1;
	s10 =	sld [smem:$0x3FBA];
	_ =	sdelay $0x3  }
0x37: {  	[smem:$0x3FBA] =	sst s10  }
0x38: {  	s10 =	sld [smem:$0x3FBB]  }
0x39: {  	_ = 	snop;
	(pc) =	sbr.ind lr, $3  }
0x3a: {  	_ = 	snop  }
0x3b: {  	_ = 	snop  }
0x3c: {  	p2 =	seq.s32 s10, $0x1;
	s10 =	sld [smem:$0x3FBA]  }
0x3d: {  	_ =	shalt  }
0x3e: {  	_ =	shalt  }
0x3f: {  	_ =	shalt  }
0x40: {  	_ =	shalt  }
0x41: {  	_ =	shalt  }
0x42: {  	_ =	shalt  }
0x43: {  	_ =	shalt  }
0x44: {  	_ =	shalt  }
0x45: {  	_ =	shalt  }
0x46: {  	_ =	shalt  }
0x47: {  	_ =	shalt  }
0x48: {  	_ =	shalt  }
0x49: {  	_ =	shalt  }
0x4a: {  	_ =	shalt  }
0x4b: {  	_ =	shalt  }
0x4c: {  	_ =	shalt  }
0x4d: {  	_ =	shalt  }
0x4e: {  	_ =	shalt  }
0x4f: {  	_ =	shalt  }
0x50: {  	_ =	shalt  }
0x51: {  	_ =	shalt  }
0x52: {  	_ =	shalt  }
0x53: {  	_ =	shalt  }
0x54: {  	_ =	shalt  }
0x55: {  	_ =	shalt  }
0x56: {  	_ =	shalt  }
0x57: {  	_ =	shalt  }
0x58: {  	_ =	shalt  }
0x59: {  	_ =	shalt  }
0x5a: {  	_ =	shalt  }
0x5b: {  	_ =	shalt  }
0x5c: {  	_ =	shalt  }
0x5d: {  	_ =	shalt  }
0x5e: {  	_ =	shalt  }
0x5f: {  	_ =	shalt  }
0x60: {  	_ =	shalt  }
0x61: {  	_ =	shalt  }
0x62: {  	_ =	shalt  }
0x63: {  	_ =	shalt  }
0x64: {  	_ =	shalt  }
0x65: {  	_ =	shalt  }
0x66: {  	_ =	shalt  }
0x67: {  	_ =	shalt  }
0x68: {  	_ =	shalt  }
0x69: {  	_ =	shalt  }
0x6a: {  	_ =	shalt  }
0x6b: {  	_ =	shalt  }
0x6c: {  	_ =	shalt  }
0x6d: {  	_ =	shalt  }
0x6e: {  	_ =	shalt  }
0x6f: {  	_ =	shalt  }
0x70: {  	_ =	shalt  }
0x71: {  	_ =	shalt  }
0x72: {  	_ =	shalt  }
0x73: {  	_ =	shalt  }
0x74: {  	_ =	shalt  }
0x75: {  	_ =	shalt  }
0x76: {  	_ =	shalt  }
0x77: {  	_ =	shalt  }
0x78: {  	_ =	shalt  }
0x79: {  	_ =	shalt  }
0x7a: {  	_ =	shalt  }
0x7b: {  	_ =	shalt  }
0x7c: {  	_ =	shalt  }
0x7d: {  	_ =	shalt  }
0x7e: {  	_ =	shalt  }
0x7f: {  	_ =	shalt  }
0x80: {  	_ =	shalt  }
0x81: {  	_ =	shalt  }
0x82: {  	_ =	shalt  }
0x83: {  	_ =	shalt  }
0x84: {  	_ =	shalt  }
0x85: {  	_ =	shalt  }
0x86: {  	_ =	shalt  }
0x87: {  	_ =	shalt  }
.Lfunc_end0:
.L_simem_size_0:
called_computation_lowered:
.L_overlay_start_0:
0x88: {  	s2 =	sld [smem:$0x3FD9]  }
0x89: {  	s3 =	sld [smem:$0x3FFE];
	_ =	sdelay $0x1  }
0x8a: {  	s1 =	srdreg.scid  }
0x8b: {  	s0 =	sand.u32 $0x1, s1  }
0x8c: {  	s18 =	sshll.u32 s0, $0xA;
	s2 =	sadd.s32 s3, s2  }
0x8d: {  	s2 =	sadd.s32 s2, s18  }
0x8e: {  	[smem:$0x3FC6] =	sst s2  }
0x8f: {  	_ = 	snop  }
0x90: {  	s2 =	sld [smem:$0x3FC9]  }
0x91: {  	s19 =	sld [smem:$0x3FC8]  }
0x92: {  	s4 =	sld [smem:$0x3FD0];
	(tm) =	ssettm $0x1  }
0x93: {  	s5 =	sld [smem:$0x3FFB];
	_ =	sdelay $0x3  }
0x94: {  	_ =	strace s5  }
0x95: {  	s5 =	sld [smem:$0x3FFC];
	_ =	sdelay $0x3  }
0x96: {  	_ =	strace s5  }
0x97: {  	s5 =	sld [smem:$0x3FFD];
	_ =	sdelay $0x3  }
0x98: {  	_ =	strace s5  }
0x99: {  	_ =	strace $0x8FFFFFFF  }
0x9a: {  	s20 =	sld [smem:$0x3FDB];
	_ =	sdelay $0x1  }
0x9b: {  	s6 =	simm.s32 $_scs_section_size  }
0x9c: {  	s7 =	simm.s32 $_size__tile_overlayer_lowered;
	s8 =	simm.s32 $_tile_overlayer_lowered  }
0x9d: {  	s23 =	simm.s32 $0x1BFF;
	s22 =	sshll.u32 s8, $0x1;
	s5 =	sadd.s32 s6, s20  }
0x9e: {  	s9 =	simm.s32 $0x0;
	s21 =	sshll.u32 s7, $0x1;
	s7 =	sadd.s32 s22, s5  }
0x9f: {  	[timem:s9], [sflag:s23] =	dma.local [hbm:s7], s21  }
0xa0: {  	_ =	swait.ge [sflag:s23], s21  }
0xa1: {  	s6 =	ssub.s32 $0x0, s21;
	[sflag:s23] =	ssyncset.done $0x0  }
0xa2: {  	[sflag:s23] =	ssyncadd.s32 s6;
	_ =	sdelay $0x1  }
0xa3: {  	s24 =	simm.s32 $0x1B8B  }
0xa4: {  	_ =	swait.ge [sflag:s24], $0x1  }
0xa5: {  	[sflag:s24] =	ssyncset.done $0x0  }
0xa6: {  	s25 =	simm.s32 $0x1B8E;
	[sflag:s24] =	ssyncadd.s32 $0xFFFFFFFF  }
0xa7: {  	s26 =	simm.s32 $execute0_lowered;
	[smem:$0x3FD2] =	sst s25  }
0xa8: {  	s6 =	sshll.u32 s26, $0x1;
	_ =	strace $0x80000046;
	[dreg:$0x1] =	wrdreg $0xFFFFFFFF  }
0xa9: {  	s28 =	simm.s32 $_size_execute0_lowered;
	s5 =	sadd.s32 s5, s6;
	[dreg:$0x0] =	wrdreg $0x0  }
0xaa: {  	s6 =	sshll.u32 s28, $0x1;
	[dreg:$0x2] =	wrdreg s5  }
0xab: {  	[dreg:$0x3] =	wrdreg s6  }
0xac: {  	[dreg:$0x4] =	wrdreg $0xC0  }
0xad: {  	_ =	task [dreg:s9], $0x5FFFF  }
0xae: {  	[dreg:$0x1] =	wrdreg $0xFFFFFFFF  }
0xaf: {  	[dreg:$0x0] =	wrdreg $0x60  }
0xb0: {  	[dreg:$0x2] =	wrdreg s2  }
0xb1: {  	[dreg:$0x3] =	wrdreg s19  }
0xb2: {  	[dreg:$0x4] =	wrdreg s4  }
0xb3: {  	[dreg:$0x5] =	wrdreg $0x9  }
0xb4: {  	_ =	task.clear_ibuf [dreg:s9], $0x6FFFF;
	_ =	strace $0x90000046  }
0xb5: {  	s29 =	simm.s32 $0x9;
	_ =	strace $0x80000048  }
0xb6: {  	_ =	swait.ge [sflag:s29], $0x1  }
0xb7: {  	[sflag:s29] =	ssyncadd.s32 $0xFFFFFFFF  }
0xb8: {  	_ =	strace $0x90000048  }
0xb9: {  	_ =	sfence  }
0xba: {  	s30 =	sld [smem:$0x0];
	_ =	sdelay $0x2  }
0xbb: {  	s31 =	sshll.u32 s1, $0xD;
	s1 =	sshrl.u32 s1, $0x2  }
0xbc: {  	s3 =	sand.u32 $0x4000, s31;
	s1 =	sadd.s32 s1, s30  }
0xbd: {  	s0 =	sor.u32 s3, s0;
	s1 =	sshll.u32 s1, $0x11  }
0xbe: {  	s0 =	sor.u32 s1, s0  }
0xbf: {  	s0 =	sadd.s32 $0x8F2B, s0  }
0xc0: {  	[sflag:s0] =	ssyncadd.remote.s32 $0x1  }
0xc1: {  	_ =	sfence.sel $0xFFFF  }
0xc2: {  	[dreg:$0x0] =	wrdreg $0xFFFFFFFF;
	(pc) =	sbr.abs _section_cstart, $3  }
0xc3: {  	[dreg:$0x1] =	wrdreg $0xFFFFFFFF  }
0xc4: {  	_ =	task.clear_ibuf [dreg:s9], $0x2FFFF;
	_ =	strace $0x9FFFFFFF  }
0xc5: {  	(tm) =	ssettm $0x7FFFFFFF  }
tec
execute0_lowered:
.L_overlay_start_1:
0x0: {  	(tag) =	ssettag $0x1  }
0x1: {  	s1 =	rddreg [dreg:$0x0]  }
0x2: {  	s2 =	rddreg [dreg:$0x1]  }
0x3: {  	s4 =	rddreg [dreg:$0x2]  }
0x4: {  	s0 =	rddreg [dreg:$0x3];
	s6 =	srdreg.scid  }
0x5: {  	s5 =	simm.s32 $0x0;
	s3 =	stileid.u32;
	s10 =	simm.s32 $0x5  }
0x6: {  	s11 =	simm.s32 $0x800;
	s12 =	simm.s32 $0x4800;
	s13 =	simm.s32 $0x1  }
0x7: {  	s14 =	simm.s32 $0x8800;
	s15 =	simm.s32 $0x2;
	s16 =	simm.s32 $0x4  }
0x8: {  	s17 =	simm.s32 $0xC800;
	s18 =	simm.s32 $0x3;
	s6 =	sand.u32 $0x1, s6  }
0x9: {  	s19 =	simm.s32 $0x0;
	s8 =	sshll.u32 s3, $0x11;
	s7 =	ssub.s32 $0x2, s6  }
0xa: {  	[smem:$0x7FF] =	sst s5;
	s6 =	sshll.u32 s6, $0x10;
	s9 =	sshrl.u32 s7, $0x1  }
0xb: {  	_ =	strace $0x80000047;
	s6 =	sor.u32 s6, s8;
	s9 =	ssub.s32 s7, s9  }
0xc: {  	s8 =	sadd.s32 $0x1000, s1;
	s7 =	sadd.s32 s1, s6;
	s9 =	smax.u32 s9, $0x1  }
.LBB2_1:
0xd: {  	[tilespmem:s5], [sflag:$0x5] =	stream.linear.gather [hbm4b:s2+s5], $0x800, $0x38;
	[tilespmem:$0x10800] =	vst v63  }
0xe: {  	_ =	swait.ge [sflag:s10], $0x800  }
0xf: {  	[sflag:s10] =	ssyncset.done $0x0  }
0x10: {  	s20 =	simm.s32 $0x0;
	[sflag:s10] =	ssyncadd.s32 $0xFFFFF800  }
0x11: {  	[tilespmem:s11], [sflag:$0x1] =	stream.linear.gather [hbm4b:s7+s5], $0x4000, $0x38;
	[tilespmem:$0x10800] =	vst v63  }
.LBB2_2:
0x12: {  	s21 =	sshll.u32 s20, $0xC  }
0x13: {  	s22 =	sadd.s32 s6, s21  }
0x14: {  	s21 =	sor.u32 $0x800, s22  }
0x15: {  	s23 =	sadd.s32 s1, s21  }
0x16: {  	[tilespmem:s12], [sflag:$0x2] =	stream.linear.gather [hbm4b:s23+s5], $0x4000, $0x38;
	[tilespmem:$0x10800] =	vst v63  }
0x17: {  	_ =	swait.ge [sflag:s13], $0x4000  }
0x18: {  	p0 =	seq.s32 s20, $0x0;
	[sflag:s13] =	ssyncset.done $0x0  }
0x19: {  	s23 =	simm.s32 @!p0 $0x3;
	[sflag:s13] =	ssyncadd.s32 $0xFFFFC000  }
0x1a: {  	_ =	swait.ge @!p0 [sflag:s23], $0x4000  }
0x1b: {  	[sflag:s23] =	ssyncset.done @!p0 $0x0  }
0x1c: {  	[sflag:s23] =	ssyncadd.s32 @!p0 $0xFFFFC000  }
0x1d: {  	v0 =	vld [tilespmem:$0x0];
	_ =	sdelay $0x1  }
0x1e: {  	s31 =	simm.s32 $0x0  }
0x1f: {  	v3 =	vmov s31;
	v1 =	vld [tilespmem:$0x10]  }
0x20: {  	v3 =	vshll.u32 v3, $0x7;
	v2 =	vld [tilespmem:$0x20]  }
0x21: {  	v3 =	vand.u32 $0x380, v3;
	v4 =	vld [tilespmem:$0x30];
	v6 =	vshll.u32 v0, $0x3  }
0x22: {  	v16 =	vbroadcast v3, $0x0;
	v5 =	vld [tilespmem:$0x40];
	v0 =	vand.u32 $0x7F, v0;
	v6 =	vand.u32 $0xFFFFFC00, v6  }
0x23: {  	v7 =	vld [tilespmem:$0x50];
	v0 =	vor.u32 v0, v6  }
0x24: {  	v8 =	vld [tilespmem:$0x60];
	v3 =	vor.u32 v16, v0  }
0x25: {  	v9 =	vld [tilespmem:$0x70]  }
0x26: {  	v10 =	vld [tilespmem:$0x80]  }
0x27: {  	v11 =	vld [tilespmem:$0x90];
	v6 =	vshll.u32 v1, $0x3  }
0x28: {  	v12 =	vld [tilespmem:$0xA0];
	v1 =	vand.u32 $0x7F, v1;
	v6 =	vand.u32 $0xFFFFFC00, v6  }
0x29: {  	v1 =	vor.u32 v1, v6;
	v3 =	vld.idx.msk [tilespmem:v3+s11+$0x0], $0xffff  }
0x2a: {  	v13 =	vld [tilespmem:$0xB0];
	v6 =	vor.u32 v16, v1  }
0x2b: {  	v14 =	vld [tilespmem:$0xC0]  }
0x2c: {  	v15 =	vld [tilespmem:$0xD0]  }
0x2d: {  	s23 =	simm.s32 $0x8C00;
	v17 =	vld [tilespmem:$0xE0];
	v19 =	vshll.u32 v2, $0x3  }
0x2e: {  	v18 =	vld [tilespmem:$0xF0];
	v2 =	vand.u32 $0x7F, v2;
	v19 =	vand.u32 $0xFFFFFC00, v19;
	[tilespmem:s23+$0xFFFFFC00] =	vst v3  }
0x2f: {  	v2 =	vor.u32 v2, v19;
	v3 =	vld.idx.msk [tilespmem:v6+s11+$0x0], $0xffff  }
0x30: {  	v6 =	vor.u32 v16, v2;
	_ =	sdelay $0x2  }
0x31: {  	v19 =	vshll.u32 v4, $0x3  }
0x32: {  	v4 =	vand.u32 $0x7F, v4;
	v19 =	vand.u32 $0xFFFFFC00, v19;
	[tilespmem:s23+$0xFFFFFC10] =	vst v3  }
0x33: {  	v3 =	vor.u32 v4, v19;
	v4 =	vld.idx.msk [tilespmem:v6+s11+$0x0], $0xffff  }
0x34: {  	v6 =	vor.u32 v16, v3;
	_ =	sdelay $0x2  }
0x35: {  	v19 =	vshll.u32 v5, $0x3  }
0x36: {  	v5 =	vand.u32 $0x7F, v5;
	v19 =	vand.u32 $0xFFFFFC00, v19;
	[tilespmem:s23+$0xFFFFFC20] =	vst v4  }
0x37: {  	v4 =	vor.u32 v5, v19;
	v5 =	vld.idx.msk [tilespmem:v6+s11+$0x0], $0xffff  }
0x38: {  	v6 =	vor.u32 v16, v4;
	_ =	sdelay $0x2  }
0x39: {  	v19 =	vshll.u32 v7, $0x3  }
0x3a: {  	v7 =	vand.u32 $0x7F, v7;
	v19 =	vand.u32 $0xFFFFFC00, v19;
	[tilespmem:s23+$0xFFFFFC30] =	vst v5  }
0x3b: {  	v5 =	vor.u32 v7, v19;
	v6 =	vld.idx.msk [tilespmem:v6+s11+$0x0], $0xffff  }
0x3c: {  	v7 =	vor.u32 v16, v5;
	_ =	sdelay $0x2  }
0x3d: {  	v19 =	vshll.u32 v8, $0x3  }
0x3e: {  	v8 =	vand.u32 $0x7F, v8;
	v19 =	vand.u32 $0xFFFFFC00, v19;
	[tilespmem:s23+$0xFFFFFC40] =	vst v6  }
0x3f: {  	v6 =	vor.u32 v8, v19;
	v7 =	vld.idx.msk [tilespmem:v7+s11+$0x0], $0xffff  }
0x40: {  	v8 =	vor.u32 v16, v6;
	_ =	sdelay $0x2  }
0x41: {  	v19 =	vshll.u32 v9, $0x3  }
0x42: {  	v9 =	vand.u32 $0x7F, v9;
	v19 =	vand.u32 $0xFFFFFC00, v19;
	[tilespmem:s23+$0xFFFFFC50] =	vst v7  }
0x43: {  	v7 =	vor.u32 v9, v19;
	v8 =	vld.idx.msk [tilespmem:v8+s11+$0x0], $0xffff  }
0x44: {  	v9 =	vor.u32 v16, v7;
	_ =	sdelay $0x2  }
0x45: {  	v19 =	vshll.u32 v10, $0x3  }
0x46: {  	v10 =	vand.u32 $0x7F, v10;
	v19 =	vand.u32 $0xFFFFFC00, v19;
	[tilespmem:s23+$0xFFFFFC60] =	vst v8  }
0x47: {  	v8 =	vor.u32 v10, v19;
	v9 =	vld.idx.msk [tilespmem:v9+s11+$0x0], $0xffff  }
0x48: {  	v10 =	vor.u32 v16, v8;
	_ =	sdelay $0x2  }
0x49: {  	v19 =	vshll.u32 v11, $0x3  }
0x4a: {  	v11 =	vand.u32 $0x7F, v11;
	v19 =	vand.u32 $0xFFFFFC00, v19;
	[tilespmem:s23+$0xFFFFFC70] =	vst v9  }
0x4b: {  	v9 =	vor.u32 v11, v19;
	v10 =	vld.idx.msk [tilespmem:v10+s11+$0x0], $0xffff  }
0x4c: {  	v11 =	vor.u32 v16, v9;
	_ =	sdelay $0x2  }
0x4d: {  	v19 =	vshll.u32 v12, $0x3  }
0x4e: {  	v12 =	vand.u32 $0x7F, v12;
	v19 =	vand.u32 $0xFFFFFC00, v19;
	[tilespmem:s23+$0x0] =	vst v10  }
0x4f: {  	v10 =	vor.u32 v12, v19;
	v11 =	vld.idx.msk [tilespmem:v11+s11+$0x0], $0xffff  }
0x50: {  	v12 =	vor.u32 v16, v10;
	_ =	sdelay $0x2  }
0x51: {  	v19 =	vshll.u32 v13, $0x3  }
0x52: {  	v13 =	vand.u32 $0x7F, v13;
	v19 =	vand.u32 $0xFFFFFC00, v19;
	[tilespmem:s23+$0x10] =	vst v11  }
0x53: {  	v11 =	vor.u32 v13, v19;
	v12 =	vld.idx.msk [tilespmem:v12+s11+$0x0], $0xffff  }
0x54: {  	v13 =	vor.u32 v16, v11;
	_ =	sdelay $0x2  }
0x55: {  	v19 =	vshll.u32 v14, $0x3  }
0x56: {  	v14 =	vand.u32 $0x7F, v14;
	v19 =	vand.u32 $0xFFFFFC00, v19;
	[tilespmem:s23+$0x20] =	vst v12  }
0x57: {  	v12 =	vor.u32 v14, v19;
	v13 =	vld.idx.msk [tilespmem:v13+s11+$0x0], $0xffff  }
0x58: {  	v14 =	vor.u32 v16, v12;
	_ =	sdelay $0x2  }
0x59: {  	v19 =	vshll.u32 v15, $0x3  }
0x5a: {  	v15 =	vand.u32 $0x7F, v15;
	v19 =	vand.u32 $0xFFFFFC00, v19;
	[tilespmem:s23+$0x30] =	vst v13  }
0x5b: {  	v13 =	vor.u32 v15, v19;
	v14 =	vld.idx.msk [tilespmem:v14+s11+$0x0], $0xffff  }
0x5c: {  	v15 =	vor.u32 v16, v13;
	_ =	sdelay $0x2  }
0x5d: {  	v19 =	vshll.u32 v17, $0x3  }
0x5e: {  	v17 =	vand.u32 $0x7F, v17;
	v19 =	vand.u32 $0xFFFFFC00, v19;
	[tilespmem:s23+$0x40] =	vst v14  }
0x5f: {  	v14 =	vor.u32 v17, v19;
	v17 =	vld.idx.msk [tilespmem:v15+s11+$0x0], $0xffff  }
0x60: {  	v19 =	vor.u32 v16, v14;
	_ =	sdelay $0x2  }
0x61: {  	v15 =	vshll.u32 v18, $0x3  }
0x62: {  	v18 =	vand.u32 $0x7F, v18;
	v15 =	vand.u32 $0xFFFFFC00, v15;
	[tilespmem:s23+$0x50] =	vst v17  }
0x63: {  	v15 =	vor.u32 v18, v15;
	v18 =	vld.idx.msk [tilespmem:v19+s11+$0x0], $0xffff  }
0x64: {  	v17 =	vor.u32 v16, v15  }
0x65: {  	s24 =	simm.s32 $0x1  }
0x66: {  	v16 =	vmov s24;
	s24 =	simm.s32 $0x2  }
.LBB2_3:
0x67: {  	p1 =	sne.s32 s24, $0x7;
	v16 =	vshll.u32 v16, $0x7  }
0x68: {  	v16 =	vand.u32 $0x380, v16;
	[tilespmem:s23+$0x60] =	vst v18  }
0x69: {  	v16 =	vbroadcast v16, $0x0;
	v17 =	vld.idx.msk [tilespmem:v17+s11+$0x0], $0xffff;
	_ =	sdelay $0x1  }
0x6a: {  	v18 =	vor.u32 v16, v0;
	_ =	sdelay $0x3  }
0x6b: {  	[tilespmem:s23+$0x70] =	vst v17  }
0x6c: {  	v17 =	vld.idx.msk [tilespmem:v18+s11+$0x0], $0xffff;
	_ =	sdelay $0x1  }
0x6d: {  	v18 =	vor.u32 v16, v1;
	_ =	sdelay $0x2  }
0x6e: {  	s23 =	sadd.s32 $0x80, s23  }
0x6f: {  	[tilespmem:s23+$0xFFFFFC00] =	vst v17  }
0x70: {  	v17 =	vld.idx.msk [tilespmem:v18+s11+$0x0], $0xffff;
	_ =	sdelay $0x1  }
0x71: {  	v18 =	vor.u32 v16, v2;
	_ =	sdelay $0x3  }
0x72: {  	[tilespmem:s23+$0xFFFFFC10] =	vst v17  }
0x73: {  	v17 =	vld.idx.msk [tilespmem:v18+s11+$0x0], $0xffff;
	_ =	sdelay $0x1  }
0x74: {  	v18 =	vor.u32 v16, v3;
	_ =	sdelay $0x3  }
0x75: {  	[tilespmem:s23+$0xFFFFFC20] =	vst v17  }
0x76: {  	v17 =	vld.idx.msk [tilespmem:v18+s11+$0x0], $0xffff;
	_ =	sdelay $0x1  }
0x77: {  	v18 =	vor.u32 v16, v4;
	_ =	sdelay $0x3  }
0x78: {  	[tilespmem:s23+$0xFFFFFC30] =	vst v17  }
0x79: {  	v17 =	vld.idx.msk [tilespmem:v18+s11+$0x0], $0xffff;
	_ =	sdelay $0x1  }
0x7a: {  	v18 =	vor.u32 v16, v5;
	_ =	sdelay $0x3  }
0x7b: {  	[tilespmem:s23+$0xFFFFFC40] =	vst v17  }
0x7c: {  	v17 =	vld.idx.msk [tilespmem:v18+s11+$0x0], $0xffff;
	_ =	sdelay $0x1  }
0x7d: {  	v18 =	vor.u32 v16, v6;
	_ =	sdelay $0x3  }
0x7e: {  	[tilespmem:s23+$0xFFFFFC50] =	vst v17  }
0x7f: {  	v17 =	vld.idx.msk [tilespmem:v18+s11+$0x0], $0xffff;
	_ =	sdelay $0x1  }
0x80: {  	v18 =	vor.u32 v16, v7;
	_ =	sdelay $0x3  }
0x81: {  	[tilespmem:s23+$0xFFFFFC60] =	vst v17  }
0x82: {  	v17 =	vld.idx.msk [tilespmem:v18+s11+$0x0], $0xffff;
	_ =	sdelay $0x1  }
0x83: {  	v18 =	vor.u32 v16, v8;
	_ =	sdelay $0x3  }
0x84: {  	[tilespmem:s23+$0xFFFFFC70] =	vst v17  }
0x85: {  	v17 =	vld.idx.msk [tilespmem:v18+s11+$0x0], $0xffff;
	_ =	sdelay $0x1  }
0x86: {  	v18 =	vor.u32 v16, v9;
	_ =	sdelay $0x3  }
0x87: {  	[tilespmem:s23+$0x0] =	vst v17  }
0x88: {  	v17 =	vld.idx.msk [tilespmem:v18+s11+$0x0], $0xffff;
	_ =	sdelay $0x1  }
0x89: {  	v18 =	vor.u32 v16, v10;
	_ =	sdelay $0x3  }
0x8a: {  	[tilespmem:s23+$0x10] =	vst v17  }
0x8b: {  	v17 =	vld.idx.msk [tilespmem:v18+s11+$0x0], $0xffff;
	_ =	sdelay $0x1  }
0x8c: {  	v18 =	vor.u32 v16, v11;
	_ =	sdelay $0x3  }
0x8d: {  	[tilespmem:s23+$0x20] =	vst v17  }
0x8e: {  	v17 =	vld.idx.msk [tilespmem:v18+s11+$0x0], $0xffff;
	_ =	sdelay $0x1  }
0x8f: {  	v18 =	vor.u32 v16, v12;
	_ =	sdelay $0x3  }
0x90: {  	[tilespmem:s23+$0x30] =	vst v17  }
0x91: {  	v17 =	vld.idx.msk [tilespmem:v18+s11+$0x0], $0xffff;
	_ =	sdelay $0x1  }
0x92: {  	v18 =	vor.u32 v16, v13;
	_ =	sdelay $0x3  }
0x93: {  	[tilespmem:s23+$0x40] =	vst v17  }
0x94: {  	v17 =	vld.idx.msk [tilespmem:v18+s11+$0x0], $0xffff;
	_ =	sdelay $0x1  }
0x95: {  	v18 =	vor.u32 v16, v14;
	_ =	sdelay $0x3  }
0x96: {  	[tilespmem:s23+$0x50] =	vst v17  }
.Ltmp0:
0x97: {  	v18 =	vld.idx.msk [tilespmem:v18+s11+$0x0], $0xffff;
	(pc) =	sbr.rel @p1 .LBB2_3-.Ltmp0, $3  }
0x98: {  	_ = 	snop  }
0x99: {  	v17 =	vor.u32 v16, v15;
	_ =	sdelay $0x1  }
0x9a: {  	v16 =	vmov s24;
	s24 =	sadd.s32 $0x1, s24  }
0x9b: {  	_ = 	snop  }
0x9c: {  	v16 =	vshll.u32 v16, $0x7  }
0x9d: {  	v16 =	vand.u32 $0x380, v16  }
0x9e: {  	[tilespmem:s23+$0x60] =	vst v18;
	v16 =	vbroadcast v16, $0x0  }
0x9f: {  	v17 =	vld.idx.msk [tilespmem:v17+s11+$0x0], $0xffff  }
0xa0: {  	v0 =	vor.u32 v16, v0;
	_ =	sdelay $0x3  }
0xa1: {  	[tilespmem:s23+$0x70] =	vst v17  }
0xa2: {  	v0 =	vld.idx.msk [tilespmem:v0+s11+$0x0], $0xffff  }
0xa3: {  	v1 =	vor.u32 v16, v1;
	_ =	sdelay $0x2  }
0xa4: {  	s30 =	sadd.s32 $0x80, s23  }
0xa5: {  	[tilespmem:s30+$0xFFFFFC00] =	vst v0  }
0xa6: {  	v0 =	vld.idx.msk [tilespmem:v1+s11+$0x0], $0xffff  }
0xa7: {  	v1 =	vor.u32 v16, v2;
	_ =	sdelay $0x3  }
0xa8: {  	[tilespmem:s30+$0xFFFFFC10] =	vst v0  }
0xa9: {  	v0 =	vld.idx.msk [tilespmem:v1+s11+$0x0], $0xffff  }
0xaa: {  	v1 =	vor.u32 v16, v3;
	_ =	sdelay $0x3  }
0xab: {  	[tilespmem:s30+$0xFFFFFC20] =	vst v0  }
0xac: {  	v0 =	vld.idx.msk [tilespmem:v1+s11+$0x0], $0xffff  }
0xad: {  	v1 =	vor.u32 v16, v4;
	_ =	sdelay $0x3  }
0xae: {  	[tilespmem:s30+$0xFFFFFC30] =	vst v0  }
0xaf: {  	v0 =	vld.idx.msk [tilespmem:v1+s11+$0x0], $0xffff  }
0xb0: {  	v1 =	vor.u32 v16, v5;
	_ =	sdelay $0x3  }
0xb1: {  	[tilespmem:s30+$0xFFFFFC40] =	vst v0  }
0xb2: {  	v0 =	vld.idx.msk [tilespmem:v1+s11+$0x0], $0xffff  }
0xb3: {  	v1 =	vor.u32 v16, v6;
	_ =	sdelay $0x3  }
0xb4: {  	[tilespmem:s30+$0xFFFFFC50] =	vst v0  }
0xb5: {  	v0 =	vld.idx.msk [tilespmem:v1+s11+$0x0], $0xffff  }
0xb6: {  	v1 =	vor.u32 v16, v7;
	_ =	sdelay $0x3  }
0xb7: {  	[tilespmem:s30+$0xFFFFFC60] =	vst v0  }
0xb8: {  	v0 =	vld.idx.msk [tilespmem:v1+s11+$0x0], $0xffff  }
0xb9: {  	v1 =	vor.u32 v16, v8;
	_ =	sdelay $0x3  }
0xba: {  	[tilespmem:s30+$0xFFFFFC70] =	vst v0  }
0xbb: {  	v0 =	vld.idx.msk [tilespmem:v1+s11+$0x0], $0xffff  }
0xbc: {  	v1 =	vor.u32 v16, v9;
	_ =	sdelay $0x3  }
0xbd: {  	[tilespmem:s30+$0x0] =	vst v0  }
0xbe: {  	v0 =	vld.idx.msk [tilespmem:v1+s11+$0x0], $0xffff  }
0xbf: {  	v1 =	vor.u32 v16, v10;
	_ =	sdelay $0x3  }
0xc0: {  	[tilespmem:s30+$0x10] =	vst v0  }
0xc1: {  	v0 =	vld.idx.msk [tilespmem:v1+s11+$0x0], $0xffff  }
0xc2: {  	v1 =	vor.u32 v16, v11;
	_ =	sdelay $0x3  }
0xc3: {  	[tilespmem:s30+$0x20] =	vst v0  }
0xc4: {  	v0 =	vld.idx.msk [tilespmem:v1+s11+$0x0], $0xffff  }
0xc5: {  	v1 =	vor.u32 v16, v12;
	_ =	sdelay $0x3  }
0xc6: {  	[tilespmem:s30+$0x30] =	vst v0  }
0xc7: {  	v0 =	vld.idx.msk [tilespmem:v1+s11+$0x0], $0xffff  }
0xc8: {  	v1 =	vor.u32 v16, v13;
	_ =	sdelay $0x3  }
0xc9: {  	[tilespmem:s30+$0x40] =	vst v0  }
0xca: {  	v0 =	vld.idx.msk [tilespmem:v1+s11+$0x0], $0xffff  }
0xcb: {  	v1 =	vor.u32 v16, v14;
	_ =	sdelay $0x3  }
0xcc: {  	[tilespmem:s30+$0x50] =	vst v0  }
0xcd: {  	v0 =	vld.idx.msk [tilespmem:v1+s11+$0x0], $0xffff  }
0xce: {  	v1 =	vor.u32 v16, v15;
	_ =	sdelay $0x3  }
0xcf: {  	[tilespmem:s30+$0x60] =	vst v0  }
0xd0: {  	v0 =	vld.idx.msk [tilespmem:v1+s11+$0x0], $0xffff;
	_ =	sdelay $0x4  }
0xd1: {  	[tilespmem:s30+$0x70] =	vst v0  }
0xd2: {  	v0 =	vld [tilespmem:$0x100];
	_ =	sdelay $0x1  }
0xd3: {  	s31 =	simm.s32 $0x0  }
0xd4: {  	v3 =	vmov s31;
	v1 =	vld [tilespmem:$0x110]  }
0xd5: {  	v3 =	vshll.u32 v3, $0x7;
	v2 =	vld [tilespmem:$0x120]  }
0xd6: {  	v3 =	vand.u32 $0x380, v3;
	v4 =	vld [tilespmem:$0x130];
	v6 =	vshll.u32 v0, $0x3  }
0xd7: {  	v16 =	vbroadcast v3, $0x0;
	v5 =	vld [tilespmem:$0x140];
	v0 =	vand.u32 $0x7F, v0;
	v6 =	vand.u32 $0xFFFFFC00, v6  }
0xd8: {  	v7 =	vld [tilespmem:$0x150];
	v0 =	vor.u32 v0, v6  }
0xd9: {  	v8 =	vld [tilespmem:$0x160];
	v3 =	vor.u32 v16, v0  }
0xda: {  	v9 =	vld [tilespmem:$0x170]  }
0xdb: {  	v10 =	vld [tilespmem:$0x180]  }
0xdc: {  	v11 =	vld [tilespmem:$0x190];
	v6 =	vshll.u32 v1, $0x3  }
0xdd: {  	v12 =	vld [tilespmem:$0x1A0];
	v1 =	vand.u32 $0x7F, v1;
	v6 =	vand.u32 $0xFFFFFC00, v6  }
0xde: {  	v1 =	vor.u32 v1, v6;
	v3 =	vld.idx.msk [tilespmem:v3+s11+$0x0], $0xffff  }
0xdf: {  	v13 =	vld [tilespmem:$0x1B0];
	v6 =	vor.u32 v16, v1  }
0xe0: {  	v14 =	vld [tilespmem:$0x1C0]  }
0xe1: {  	v15 =	vld [tilespmem:$0x1D0]  }
0xe2: {  	s23 =	simm.s32 $0x9470;
	v17 =	vld [tilespmem:$0x1E0];
	v19 =	vshll.u32 v2, $0x3  }
0xe3: {  	v18 =	vld [tilespmem:$0x1F0];
	v2 =	vand.u32 $0x7F, v2;
	v19 =	vand.u32 $0xFFFFFC00, v19;
	[tilespmem:s23+$0xFFFFFB90] =	vst v3  }
0xe4: {  	v2 =	vor.u32 v2, v19;
	v3 =	vld.idx.msk [tilespmem:v6+s11+$0x0], $0xffff  }
0xe5: {  	v6 =	vor.u32 v16, v2;
	_ =	sdelay $0x2  }
0xe6: {  	v19 =	vshll.u32 v4, $0x3  }
0xe7: {  	v4 =	vand.u32 $0x7F, v4;
	v19 =	vand.u32 $0xFFFFFC00, v19;
	[tilespmem:s23+$0xFFFFFBA0] =	vst v3  }
0xe8: {  	v3 =	vor.u32 v4, v19;
	v4 =	vld.idx.msk [tilespmem:v6+s11+$0x0], $0xffff  }
0xe9: {  	v6 =	vor.u32 v16, v3;
	_ =	sdelay $0x2  }
0xea: {  	v19 =	vshll.u32 v5, $0x3  }
0xeb: {  	v5 =	vand.u32 $0x7F, v5;
	v19 =	vand.u32 $0xFFFFFC00, v19;
	[tilespmem:s23+$0xFFFFFBB0] =	vst v4  }
0xec: {  	v4 =	vor.u32 v5, v19;
	v5 =	vld.idx.msk [tilespmem:v6+s11+$0x0], $0xffff  }
0xed: {  	v6 =	vor.u32 v16, v4;
	_ =	sdelay $0x2  }
0xee: {  	v19 =	vshll.u32 v7, $0x3  }
0xef: {  	v7 =	vand.u32 $0x7F, v7;
	v19 =	vand.u32 $0xFFFFFC00, v19;
	[tilespmem:s23+$0xFFFFFBC0] =	vst v5  }
0xf0: {  	v5 =	vor.u32 v7, v19;
	v6 =	vld.idx.msk [tilespmem:v6+s11+$0x0], $0xffff  }
0xf1: {  	v7 =	vor.u32 v16, v5;
	_ =	sdelay $0x2  }
0xf2: {  	v19 =	vshll.u32 v8, $0x3  }
0xf3: {  	v8 =	vand.u32 $0x7F, v8;
	v19 =	vand.u32 $0xFFFFFC00, v19;
	[tilespmem:s23+$0xFFFFFBD0] =	vst v6  }
0xf4: {  	v6 =	vor.u32 v8, v19;
	v7 =	vld.idx.msk [tilespmem:v7+s11+$0x0], $0xffff  }
0xf5: {  	v8 =	vor.u32 v16, v6;
	_ =	sdelay $0x2  }
0xf6: {  	v19 =	vshll.u32 v9, $0x3  }
0xf7: {  	v9 =	vand.u32 $0x7F, v9;
	v19 =	vand.u32 $0xFFFFFC00, v19;
	[tilespmem:s23+$0xFFFFFBE0] =	vst v7  }
0xf8: {  	v7 =	vor.u32 v9, v19;
	v8 =	vld.idx.msk [tilespmem:v8+s11+$0x0], $0xffff  }
0xf9: {  	v9 =	vor.u32 v16, v7;
	_ =	sdelay $0x2  }
0xfa: {  	v19 =	vshll.u32 v10, $0x3  }
0xfb: {  	v10 =	vand.u32 $0x7F, v10;
	v19 =	vand.u32 $0xFFFFFC00, v19;
	[tilespmem:s23+$0xFFFFFBF0] =	vst v8  }
0xfc: {  	v8 =	vor.u32 v10, v19;
	v9 =	vld.idx.msk [tilespmem:v9+s11+$0x0], $0xffff  }
0xfd: {  	v10 =	vor.u32 v16, v8;
	_ =	sdelay $0x2  }
0xfe: {  	v19 =	vshll.u32 v11, $0x3  }
0xff: {  	v11 =	vand.u32 $0x7F, v11;
	v19 =	vand.u32 $0xFFFFFC00, v19;
	[tilespmem:s23+$0xFFFFFC00] =	vst v9  }
0x100: {  	v9 =	vor.u32 v11, v19;
	v10 =	vld.idx.msk [tilespmem:v10+s11+$0x0], $0xffff  }
0x101: {  	v11 =	vor.u32 v16, v9;
	_ =	sdelay $0x2  }
0x102: {  	v19 =	vshll.u32 v12, $0x3  }
0x103: {  	v12 =	vand.u32 $0x7F, v12;
	v19 =	vand.u32 $0xFFFFFC00, v19;
	[tilespmem:s23+$0xFFFFFF90] =	vst v10  }
0x104: {  	v10 =	vor.u32 v12, v19;
	v11 =	vld.idx.msk [tilespmem:v11+s11+$0x0], $0xffff  }
0x105: {  	v12 =	vor.u32 v16, v10;
	_ =	sdelay $0x2  }
0x106: {  	v19 =	vshll.u32 v13, $0x3  }
0x107: {  	v13 =	vand.u32 $0x7F, v13;
	v19 =	vand.u32 $0xFFFFFC00, v19;
	[tilespmem:s23+$0xFFFFFFA0] =	vst v11  }
0x108: {  	v11 =	vor.u32 v13, v19;
	v12 =	vld.idx.msk [tilespmem:v12+s11+$0x0], $0xffff  }
0x109: {  	v13 =	vor.u32 v16, v11;
	_ =	sdelay $0x2  }
0x10a: {  	v19 =	vshll.u32 v14, $0x3  }
0x10b: {  	v14 =	vand.u32 $0x7F, v14;
	v19 =	vand.u32 $0xFFFFFC00, v19;
	[tilespmem:s23+$0xFFFFFFB0] =	vst v12  }
0x10c: {  	v12 =	vor.u32 v14, v19;
	v13 =	vld.idx.msk [tilespmem:v13+s11+$0x0], $0xffff  }
0x10d: {  	v14 =	vor.u32 v16, v12;
	_ =	sdelay $0x2  }
0x10e: {  	v19 =	vshll.u32 v15, $0x3  }
0x10f: {  	v15 =	vand.u32 $0x7F, v15;
	v19 =	vand.u32 $0xFFFFFC00, v19;
	[tilespmem:s23+$0xFFFFFFC0] =	vst v13  }
0x110: {  	v13 =	vor.u32 v15, v19;
	v14 =	vld.idx.msk [tilespmem:v14+s11+$0x0], $0xffff  }
0x111: {  	v15 =	vor.u32 v16, v13;
	_ =	sdelay $0x2  }
0x112: {  	v19 =	vshll.u32 v17, $0x3  }
0x113: {  	v17 =	vand.u32 $0x7F, v17;
	v19 =	vand.u32 $0xFFFFFC00, v19;
	[tilespmem:s23+$0xFFFFFFD0] =	vst v14  }
0x114: {  	v14 =	vor.u32 v17, v19;
	v17 =	vld.idx.msk [tilespmem:v15+s11+$0x0], $0xffff  }
0x115: {  	v19 =	vor.u32 v16, v14;
	_ =	sdelay $0x2  }
0x116: {  	v15 =	vshll.u32 v18, $0x3  }
0x117: {  	v18 =	vand.u32 $0x7F, v18;
	v15 =	vand.u32 $0xFFFFFC00, v15;
	[tilespmem:s23+$0xFFFFFFE0] =	vst v17  }
0x118: {  	v15 =	vor.u32 v18, v15;
	v18 =	vld.idx.msk [tilespmem:v19+s11+$0x0], $0xffff  }
0x119: {  	v17 =	vor.u32 v16, v15  }
0x11a: {  	s24 =	simm.s32 $0x1  }
0x11b: {  	v16 =	vmov s24;
	s24 =	simm.s32 $0x2  }
.LBB2_5:
0x11c: {  	p1 =	sne.s32 s24, $0x7;
	v16 =	vshll.u32 v16, $0x7  }
0x11d: {  	v16 =	vand.u32 $0x380, v16;
	[tilespmem:s23+$0xFFFFFFF0] =	vst v18  }
0x11e: {  	v16 =	vbroadcast v16, $0x0;
	v17 =	vld.idx.msk [tilespmem:v17+s11+$0x0], $0xffff;
	_ =	sdelay $0x1  }
0x11f: {  	v18 =	vor.u32 v16, v0;
	_ =	sdelay $0x3  }
0x120: {  	[tilespmem:s23+$0x0] =	vst v17  }
0x121: {  	v17 =	vld.idx.msk [tilespmem:v18+s11+$0x0], $0xffff;
	_ =	sdelay $0x1  }
0x122: {  	v18 =	vor.u32 v16, v1;
	_ =	sdelay $0x2  }
0x123: {  	s23 =	sadd.s32 $0x80, s23  }
0x124: {  	[tilespmem:s23+$0xFFFFFB90] =	vst v17  }
0x125: {  	v17 =	vld.idx.msk [tilespmem:v18+s11+$0x0], $0xffff;
	_ =	sdelay $0x1  }
0x126: {  	v18 =	vor.u32 v16, v2;
	_ =	sdelay $0x3  }
0x127: {  	[tilespmem:s23+$0xFFFFFBA0] =	vst v17  }
0x128: {  	v17 =	vld.idx.msk [tilespmem:v18+s11+$0x0], $0xffff;
	_ =	sdelay $0x1  }
0x129: {  	v18 =	vor.u32 v16, v3;
	_ =	sdelay $0x3  }
0x12a: {  	[tilespmem:s23+$0xFFFFFBB0] =	vst v17  }
0x12b: {  	v17 =	vld.idx.msk [tilespmem:v18+s11+$0x0], $0xffff;
	_ =	sdelay $0x1  }
0x12c: {  	v18 =	vor.u32 v16, v4;
	_ =	sdelay $0x3  }
0x12d: {  	[tilespmem:s23+$0xFFFFFBC0] =	vst v17  }
0x12e: {  	v17 =	vld.idx.msk [tilespmem:v18+s11+$0x0], $0xffff;
	_ =	sdelay $0x1  }
0x12f: {  	v18 =	vor.u32 v16, v5;
	_ =	sdelay $0x3  }
0x130: {  	[tilespmem:s23+$0xFFFFFBD0] =	vst v17  }
0x131: {  	v17 =	vld.idx.msk [tilespmem:v18+s11+$0x0], $0xffff;
	_ =	sdelay $0x1  }
0x132: {  	v18 =	vor.u32 v16, v6;
	_ =	sdelay $0x3  }
0x133: {  	[tilespmem:s23+$0xFFFFFBE0] =	vst v17  }
0x134: {  	v17 =	vld.idx.msk [tilespmem:v18+s11+$0x0], $0xffff;
	_ =	sdelay $0x1  }
0x135: {  	v18 =	vor.u32 v16, v7;
	_ =	sdelay $0x3  }
0x136: {  	[tilespmem:s23+$0xFFFFFBF0] =	vst v17  }
0x137: {  	v17 =	vld.idx.msk [tilespmem:v18+s11+$0x0], $0xffff;
	_ =	sdelay $0x1  }
0x138: {  	v18 =	vor.u32 v16, v8;
	_ =	sdelay $0x3  }
0x139: {  	[tilespmem:s23+$0xFFFFFC00] =	vst v17  }
0x13a: {  	v17 =	vld.idx.msk [tilespmem:v18+s11+$0x0], $0xffff;
	_ =	sdelay $0x1  }
0x13b: {  	v18 =	vor.u32 v16, v9;
	_ =	sdelay $0x3  }
0x13c: {  	[tilespmem:s23+$0xFFFFFF90] =	vst v17  }
0x13d: {  	v17 =	vld.idx.msk [tilespmem:v18+s11+$0x0], $0xffff;
	_ =	sdelay $0x1  }
0x13e: {  	v18 =	vor.u32 v16, v10;
	_ =	sdelay $0x3  }
0x13f: {  	[tilespmem:s23+$0xFFFFFFA0] =	vst v17  }
0x140: {  	v17 =	vld.idx.msk [tilespmem:v18+s11+$0x0], $0xffff;
	_ =	sdelay $0x1  }
0x141: {  	v18 =	vor.u32 v16, v11;
	_ =	sdelay $0x3  }
0x142: {  	[tilespmem:s23+$0xFFFFFFB0] =	vst v17  }
0x143: {  	v17 =	vld.idx.msk [tilespmem:v18+s11+$0x0], $0xffff;
	_ =	sdelay $0x1  }
0x144: {  	v18 =	vor.u32 v16, v12;
	_ =	sdelay $0x3  }
0x145: {  	[tilespmem:s23+$0xFFFFFFC0] =	vst v17  }
0x146: {  	v17 =	vld.idx.msk [tilespmem:v18+s11+$0x0], $0xffff;
	_ =	sdelay $0x1  }
0x147: {  	v18 =	vor.u32 v16, v13;
	_ =	sdelay $0x3  }
0x148: {  	[tilespmem:s23+$0xFFFFFFD0] =	vst v17  }
0x149: {  	v17 =	vld.idx.msk [tilespmem:v18+s11+$0x0], $0xffff;
	_ =	sdelay $0x1  }
0x14a: {  	v18 =	vor.u32 v16, v14;
	_ =	sdelay $0x3  }
0x14b: {  	[tilespmem:s23+$0xFFFFFFE0] =	vst v17  }
.Ltmp1:
0x14c: {  	v18 =	vld.idx.msk [tilespmem:v18+s11+$0x0], $0xffff;
	(pc) =	sbr.rel @p1 .LBB2_5-.Ltmp1, $3  }
0x14d: {  	_ = 	snop  }
0x14e: {  	v17 =	vor.u32 v16, v15;
	_ =	sdelay $0x1  }
0x14f: {  	v16 =	vmov s24;
	s24 =	sadd.s32 $0x1, s24  }
0x150: {  	_ = 	snop  }
0x151: {  	v16 =	vshll.u32 v16, $0x7  }
0x152: {  	v16 =	vand.u32 $0x380, v16  }
0x153: {  	[tilespmem:s23+$0xFFFFFFF0] =	vst v18;
	v16 =	vbroadcast v16, $0x0  }
0x154: {  	v17 =	vld.idx.msk [tilespmem:v17+s11+$0x0], $0xffff  }
0x155: {  	v0 =	vor.u32 v16, v0;
	_ =	sdelay $0x3  }
0x156: {  	[tilespmem:s23+$0x0] =	vst v17  }
0x157: {  	v0 =	vld.idx.msk [tilespmem:v0+s11+$0x0], $0xffff  }
0x158: {  	v1 =	vor.u32 v16, v1;
	_ =	sdelay $0x2  }
0x159: {  	s30 =	sadd.s32 $0x80, s23  }
0x15a: {  	[tilespmem:s30+$0xFFFFFB90] =	vst v0  }
0x15b: {  	v0 =	vld.idx.msk [tilespmem:v1+s11+$0x0], $0xffff  }
0x15c: {  	v1 =	vor.u32 v16, v2;
	_ =	sdelay $0x3  }
0x15d: {  	[tilespmem:s30+$0xFFFFFBA0] =	vst v0  }
0x15e: {  	v0 =	vld.idx.msk [tilespmem:v1+s11+$0x0], $0xffff  }
0x15f: {  	v1 =	vor.u32 v16, v3;
	_ =	sdelay $0x3  }
0x160: {  	[tilespmem:s30+$0xFFFFFBB0] =	vst v0  }
0x161: {  	v0 =	vld.idx.msk [tilespmem:v1+s11+$0x0], $0xffff  }
0x162: {  	v1 =	vor.u32 v16, v4;
	_ =	sdelay $0x3  }
0x163: {  	[tilespmem:s30+$0xFFFFFBC0] =	vst v0  }
0x164: {  	v0 =	vld.idx.msk [tilespmem:v1+s11+$0x0], $0xffff  }
0x165: {  	v1 =	vor.u32 v16, v5;
	_ =	sdelay $0x3  }
0x166: {  	[tilespmem:s30+$0xFFFFFBD0] =	vst v0  }
0x167: {  	v0 =	vld.idx.msk [tilespmem:v1+s11+$0x0], $0xffff  }
0x168: {  	v1 =	vor.u32 v16, v6;
	_ =	sdelay $0x3  }
0x169: {  	[tilespmem:s30+$0xFFFFFBE0] =	vst v0  }
0x16a: {  	v0 =	vld.idx.msk [tilespmem:v1+s11+$0x0], $0xffff  }
0x16b: {  	v1 =	vor.u32 v16, v7;
	_ =	sdelay $0x3  }
0x16c: {  	[tilespmem:s30+$0xFFFFFBF0] =	vst v0  }
0x16d: {  	v0 =	vld.idx.msk [tilespmem:v1+s11+$0x0], $0xffff  }
0x16e: {  	v1 =	vor.u32 v16, v8;
	_ =	sdelay $0x3  }
0x16f: {  	[tilespmem:s30+$0xFFFFFC00] =	vst v0  }
0x170: {  	v0 =	vld.idx.msk [tilespmem:v1+s11+$0x0], $0xffff  }
0x171: {  	v1 =	vor.u32 v16, v9;
	_ =	sdelay $0x3  }
0x172: {  	[tilespmem:s30+$0xFFFFFF90] =	vst v0  }
0x173: {  	v0 =	vld.idx.msk [tilespmem:v1+s11+$0x0], $0xffff  }
0x174: {  	v1 =	vor.u32 v16, v10;
	_ =	sdelay $0x3  }
0x175: {  	[tilespmem:s30+$0xFFFFFFA0] =	vst v0  }
0x176: {  	v0 =	vld.idx.msk [tilespmem:v1+s11+$0x0], $0xffff  }
0x177: {  	v1 =	vor.u32 v16, v11;
	_ =	sdelay $0x3  }
0x178: {  	[tilespmem:s30+$0xFFFFFFB0] =	vst v0  }
0x179: {  	v0 =	vld.idx.msk [tilespmem:v1+s11+$0x0], $0xffff  }
0x17a: {  	v1 =	vor.u32 v16, v12;
	_ =	sdelay $0x3  }
0x17b: {  	[tilespmem:s30+$0xFFFFFFC0] =	vst v0  }
0x17c: {  	v0 =	vld.idx.msk [tilespmem:v1+s11+$0x0], $0xffff  }
0x17d: {  	v1 =	vor.u32 v16, v13;
	_ =	sdelay $0x3  }
0x17e: {  	[tilespmem:s30+$0xFFFFFFD0] =	vst v0  }
0x17f: {  	v0 =	vld.idx.msk [tilespmem:v1+s11+$0x0], $0xffff  }
0x180: {  	v1 =	vor.u32 v16, v14;
	_ =	sdelay $0x3  }
0x181: {  	[tilespmem:s30+$0xFFFFFFE0] =	vst v0  }
0x182: {  	v0 =	vld.idx.msk [tilespmem:v1+s11+$0x0], $0xffff  }
0x183: {  	v1 =	vor.u32 v16, v15;
	_ =	sdelay $0x3  }
0x184: {  	[tilespmem:s30+$0xFFFFFFF0] =	vst v0  }
0x185: {  	v0 =	vld.idx.msk [tilespmem:v1+s11+$0x0], $0xffff;
	_ =	sdelay $0x4  }
0x186: {  	[tilespmem:s30+$0x0] =	vst v0  }
0x187: {  	v0 =	vld [tilespmem:$0x200];
	_ =	sdelay $0x1  }
0x188: {  	s31 =	simm.s32 $0x0  }
0x189: {  	v3 =	vmov s31;
	v1 =	vld [tilespmem:$0x210]  }
0x18a: {  	v3 =	vshll.u32 v3, $0x7;
	v2 =	vld [tilespmem:$0x220]  }
0x18b: {  	v3 =	vand.u32 $0x380, v3;
	v4 =	vld [tilespmem:$0x230];
	v6 =	vshll.u32 v0, $0x3  }
0x18c: {  	v16 =	vbroadcast v3, $0x0;
	v5 =	vld [tilespmem:$0x240];
	v0 =	vand.u32 $0x7F, v0;
	v6 =	vand.u32 $0xFFFFFC00, v6  }
0x18d: {  	v7 =	vld [tilespmem:$0x250];
	v0 =	vor.u32 v0, v6  }
0x18e: {  	v8 =	vld [tilespmem:$0x260];
	v3 =	vor.u32 v16, v0  }
0x18f: {  	v9 =	vld [tilespmem:$0x270]  }
0x190: {  	v10 =	vld [tilespmem:$0x280]  }
0x191: {  	v11 =	vld [tilespmem:$0x290];
	v6 =	vshll.u32 v1, $0x3  }
0x192: {  	v12 =	vld [tilespmem:$0x2A0];
	v1 =	vand.u32 $0x7F, v1;
	v6 =	vand.u32 $0xFFFFFC00, v6  }
0x193: {  	v1 =	vor.u32 v1, v6;
	v3 =	vld.idx.msk [tilespmem:v3+s11+$0x0], $0xffff  }
0x194: {  	v13 =	vld [tilespmem:$0x2B0];
	v6 =	vor.u32 v16, v1  }
0x195: {  	v14 =	vld [tilespmem:$0x2C0]  }
0x196: {  	v15 =	vld [tilespmem:$0x2D0]  }
0x197: {  	s23 =	simm.s32 $0x9C70;
	v17 =	vld [tilespmem:$0x2E0];
	v19 =	vshll.u32 v2, $0x3  }
0x198: {  	v18 =	vld [tilespmem:$0x2F0];
	v2 =	vand.u32 $0x7F, v2;
	v19 =	vand.u32 $0xFFFFFC00, v19;
	[tilespmem:s23+$0xFFFFFB90] =	vst v3  }
0x199: {  	v2 =	vor.u32 v2, v19;
	v3 =	vld.idx.msk [tilespmem:v6+s11+$0x0], $0xffff  }
0x19a: {  	v6 =	vor.u32 v16, v2;
	_ =	sdelay $0x2  }
0x19b: {  	v19 =	vshll.u32 v4, $0x3  }
0x19c: {  	v4 =	vand.u32 $0x7F, v4;
	v19 =	vand.u32 $0xFFFFFC00, v19;
	[tilespmem:s23+$0xFFFFFBA0] =	vst v3  }
0x19d: {  	v3 =	vor.u32 v4, v19;
	v4 =	vld.idx.msk [tilespmem:v6+s11+$0x0], $0xffff  }
0x19e: {  	v6 =	vor.u32 v16, v3;
	_ =	sdelay $0x2  }
0x19f: {  	v19 =	vshll.u32 v5, $0x3  }
0x1a0: {  	v5 =	vand.u32 $0x7F, v5;
	v19 =	vand.u32 $0xFFFFFC00, v19;
	[tilespmem:s23+$0xFFFFFBB0] =	vst v4  }
0x1a1: {  	v4 =	vor.u32 v5, v19;
	v5 =	vld.idx.msk [tilespmem:v6+s11+$0x0], $0xffff  }
0x1a2: {  	v6 =	vor.u32 v16, v4;
	_ =	sdelay $0x2  }
0x1a3: {  	v19 =	vshll.u32 v7, $0x3  }
0x1a4: {  	v7 =	vand.u32 $0x7F, v7;
	v19 =	vand.u32 $0xFFFFFC00, v19;
	[tilespmem:s23+$0xFFFFFBC0] =	vst v5  }
0x1a5: {  	v5 =	vor.u32 v7, v19;
	v6 =	vld.idx.msk [tilespmem:v6+s11+$0x0], $0xffff  }
0x1a6: {  	v7 =	vor.u32 v16, v5;
	_ =	sdelay $0x2  }
0x1a7: {  	v19 =	vshll.u32 v8, $0x3  }
0x1a8: {  	v8 =	vand.u32 $0x7F, v8;
	v19 =	vand.u32 $0xFFFFFC00, v19;
	[tilespmem:s23+$0xFFFFFBD0] =	vst v6  }
0x1a9: {  	v6 =	vor.u32 v8, v19;
	v7 =	vld.idx.msk [tilespmem:v7+s11+$0x0], $0xffff  }
0x1aa: {  	v8 =	vor.u32 v16, v6;
	_ =	sdelay $0x2  }
0x1ab: {  	v19 =	vshll.u32 v9, $0x3  }
0x1ac: {  	v9 =	vand.u32 $0x7F, v9;
	v19 =	vand.u32 $0xFFFFFC00, v19;
	[tilespmem:s23+$0xFFFFFBE0] =	vst v7  }
0x1ad: {  	v7 =	vor.u32 v9, v19;
	v8 =	vld.idx.msk [tilespmem:v8+s11+$0x0], $0xffff  }
0x1ae: {  	v9 =	vor.u32 v16, v7;
	_ =	sdelay $0x2  }
0x1af: {  	v19 =	vshll.u32 v10, $0x3  }
0x1b0: {  	v10 =	vand.u32 $0x7F, v10;
	v19 =	vand.u32 $0xFFFFFC00, v19;
	[tilespmem:s23+$0xFFFFFBF0] =	vst v8  }
0x1b1: {  	v8 =	vor.u32 v10, v19;
	v9 =	vld.idx.msk [tilespmem:v9+s11+$0x0], $0xffff  }
0x1b2: {  	v10 =	vor.u32 v16, v8;
	_ =	sdelay $0x2  }
0x1b3: {  	v19 =	vshll.u32 v11, $0x3  }
0x1b4: {  	v11 =	vand.u32 $0x7F, v11;
	v19 =	vand.u32 $0xFFFFFC00, v19;
	[tilespmem:s23+$0xFFFFFC00] =	vst v9  }
0x1b5: {  	v9 =	vor.u32 v11, v19;
	v10 =	vld.idx.msk [tilespmem:v10+s11+$0x0], $0xffff  }
0x1b6: {  	v11 =	vor.u32 v16, v9;
	_ =	sdelay $0x2  }
0x1b7: {  	v19 =	vshll.u32 v12, $0x3  }
0x1b8: {  	v12 =	vand.u32 $0x7F, v12;
	v19 =	vand.u32 $0xFFFFFC00, v19;
	[tilespmem:s23+$0xFFFFFF90] =	vst v10  }
0x1b9: {  	v10 =	vor.u32 v12, v19;
	v11 =	vld.idx.msk [tilespmem:v11+s11+$0x0], $0xffff  }
0x1ba: {  	v12 =	vor.u32 v16, v10;
	_ =	sdelay $0x2  }
0x1bb: {  	v19 =	vshll.u32 v13, $0x3  }
0x1bc: {  	v13 =	vand.u32 $0x7F, v13;
	v19 =	vand.u32 $0xFFFFFC00, v19;
	[tilespmem:s23+$0xFFFFFFA0] =	vst v11  }
0x1bd: {  	v11 =	vor.u32 v13, v19;
	v12 =	vld.idx.msk [tilespmem:v12+s11+$0x0], $0xffff  }
0x1be: {  	v13 =	vor.u32 v16, v11;
	_ =	sdelay $0x2  }
0x1bf: {  	v19 =	vshll.u32 v14, $0x3  }
0x1c0: {  	v14 =	vand.u32 $0x7F, v14;
	v19 =	vand.u32 $0xFFFFFC00, v19;
	[tilespmem:s23+$0xFFFFFFB0] =	vst v12  }
0x1c1: {  	v12 =	vor.u32 v14, v19;
	v13 =	vld.idx.msk [tilespmem:v13+s11+$0x0], $0xffff  }
0x1c2: {  	v14 =	vor.u32 v16, v12;
	_ =	sdelay $0x2  }
0x1c3: {  	v19 =	vshll.u32 v15, $0x3  }
0x1c4: {  	v15 =	vand.u32 $0x7F, v15;
	v19 =	vand.u32 $0xFFFFFC00, v19;
	[tilespmem:s23+$0xFFFFFFC0] =	vst v13  }
0x1c5: {  	v13 =	vor.u32 v15, v19;
	v14 =	vld.idx.msk [tilespmem:v14+s11+$0x0], $0xffff  }
0x1c6: {  	v15 =	vor.u32 v16, v13;
	_ =	sdelay $0x2  }
0x1c7: {  	v19 =	vshll.u32 v17, $0x3  }
0x1c8: {  	v17 =	vand.u32 $0x7F, v17;
	v19 =	vand.u32 $0xFFFFFC00, v19;
	[tilespmem:s23+$0xFFFFFFD0] =	vst v14  }
0x1c9: {  	v14 =	vor.u32 v17, v19;
	v17 =	vld.idx.msk [tilespmem:v15+s11+$0x0], $0xffff  }
0x1ca: {  	v19 =	vor.u32 v16, v14;
	_ =	sdelay $0x2  }
0x1cb: {  	v15 =	vshll.u32 v18, $0x3  }
0x1cc: {  	v18 =	vand.u32 $0x7F, v18;
	v15 =	vand.u32 $0xFFFFFC00, v15;
	[tilespmem:s23+$0xFFFFFFE0] =	vst v17  }
0x1cd: {  	v15 =	vor.u32 v18, v15;
	v18 =	vld.idx.msk [tilespmem:v19+s11+$0x0], $0xffff  }
0x1ce: {  	v17 =	vor.u32 v16, v15  }
0x1cf: {  	s24 =	simm.s32 $0x1  }
0x1d0: {  	v16 =	vmov s24;
	s24 =	simm.s32 $0x2  }
.LBB2_7:
0x1d1: {  	p1 =	sne.s32 s24, $0x7;
	v16 =	vshll.u32 v16, $0x7  }
0x1d2: {  	v16 =	vand.u32 $0x380, v16;
	[tilespmem:s23+$0xFFFFFFF0] =	vst v18  }
0x1d3: {  	v16 =	vbroadcast v16, $0x0;
	v17 =	vld.idx.msk [tilespmem:v17+s11+$0x0], $0xffff;
	_ =	sdelay $0x1  }
0x1d4: {  	v18 =	vor.u32 v16, v0;
	_ =	sdelay $0x3  }
0x1d5: {  	[tilespmem:s23+$0x0] =	vst v17  }
0x1d6: {  	v17 =	vld.idx.msk [tilespmem:v18+s11+$0x0], $0xffff;
	_ =	sdelay $0x1  }
0x1d7: {  	v18 =	vor.u32 v16, v1;
	_ =	sdelay $0x2  }
0x1d8: {  	s23 =	sadd.s32 $0x80, s23  }
0x1d9: {  	[tilespmem:s23+$0xFFFFFB90] =	vst v17  }
0x1da: {  	v17 =	vld.idx.msk [tilespmem:v18+s11+$0x0], $0xffff;
	_ =	sdelay $0x1  }
0x1db: {  	v18 =	vor.u32 v16, v2;
	_ =	sdelay $0x3  }
0x1dc: {  	[tilespmem:s23+$0xFFFFFBA0] =	vst v17  }
0x1dd: {  	v17 =	vld.idx.msk [tilespmem:v18+s11+$0x0], $0xffff;
	_ =	sdelay $0x1  }
0x1de: {  	v18 =	vor.u32 v16, v3;
	_ =	sdelay $0x3  }
0x1df: {  	[tilespmem:s23+$0xFFFFFBB0] =	vst v17  }
0x1e0: {  	v17 =	vld.idx.msk [tilespmem:v18+s11+$0x0], $0xffff;
	_ =	sdelay $0x1  }
0x1e1: {  	v18 =	vor.u32 v16, v4;
	_ =	sdelay $0x3  }
0x1e2: {  	[tilespmem:s23+$0xFFFFFBC0] =	vst v17  }
0x1e3: {  	v17 =	vld.idx.msk [tilespmem:v18+s11+$0x0], $0xffff;
	_ =	sdelay $0x1  }
0x1e4: {  	v18 =	vor.u32 v16, v5;
	_ =	sdelay $0x3  }
0x1e5: {  	[tilespmem:s23+$0xFFFFFBD0] =	vst v17  }
0x1e6: {  	v17 =	vld.idx.msk [tilespmem:v18+s11+$0x0], $0xffff;
	_ =	sdelay $0x1  }
0x1e7: {  	v18 =	vor.u32 v16, v6;
	_ =	sdelay $0x3  }
0x1e8: {  	[tilespmem:s23+$0xFFFFFBE0] =	vst v17  }
0x1e9: {  	v17 =	vld.idx.msk [tilespmem:v18+s11+$0x0], $0xffff;
	_ =	sdelay $0x1  }
0x1ea: {  	v18 =	vor.u32 v16, v7;
	_ =	sdelay $0x3  }
0x1eb: {  	[tilespmem:s23+$0xFFFFFBF0] =	vst v17  }
0x1ec: {  	v17 =	vld.idx.msk [tilespmem:v18+s11+$0x0], $0xffff;
	_ =	sdelay $0x1  }
0x1ed: {  	v18 =	vor.u32 v16, v8;
	_ =	sdelay $0x3  }
0x1ee: {  	[tilespmem:s23+$0xFFFFFC00] =	vst v17  }
0x1ef: {  	v17 =	vld.idx.msk [tilespmem:v18+s11+$0x0], $0xffff;
	_ =	sdelay $0x1  }
0x1f0: {  	v18 =	vor.u32 v16, v9;
	_ =	sdelay $0x3  }
0x1f1: {  	[tilespmem:s23+$0xFFFFFF90] =	vst v17  }
0x1f2: {  	v17 =	vld.idx.msk [tilespmem:v18+s11+$0x0], $0xffff;
	_ =	sdelay $0x1  }
0x1f3: {  	v18 =	vor.u32 v16, v10;
	_ =	sdelay $0x3  }
0x1f4: {  	[tilespmem:s23+$0xFFFFFFA0] =	vst v17  }
0x1f5: {  	v17 =	vld.idx.msk [tilespmem:v18+s11+$0x0], $0xffff;
	_ =	sdelay $0x1  }
0x1f6: {  	v18 =	vor.u32 v16, v11;
	_ =	sdelay $0x3  }
0x1f7: {  	[tilespmem:s23+$0xFFFFFFB0] =	vst v17  }
0x1f8: {  	v17 =	vld.idx.msk [tilespmem:v18+s11+$0x0], $0xffff;
	_ =	sdelay $0x1  }
0x1f9: {  	v18 =	vor.u32 v16, v12;
	_ =	sdelay $0x3  }
0x1fa: {  	[tilespmem:s23+$0xFFFFFFC0] =	vst v17  }
0x1fb: {  	v17 =	vld.idx.msk [tilespmem:v18+s11+$0x0], $0xffff;
	_ =	sdelay $0x1  }
0x1fc: {  	v18 =	vor.u32 v16, v13;
	_ =	sdelay $0x3  }
0x1fd: {  	[tilespmem:s23+$0xFFFFFFD0] =	vst v17  }
0x1fe: {  	v17 =	vld.idx.msk [tilespmem:v18+s11+$0x0], $0xffff;
	_ =	sdelay $0x1  }
0x1ff: {  	v18 =	vor.u32 v16, v14;
	_ =	sdelay $0x3  }
0x200: {  	[tilespmem:s23+$0xFFFFFFE0] =	vst v17  }
.Ltmp2:
0x201: {  	v18 =	vld.idx.msk [tilespmem:v18+s11+$0x0], $0xffff;
	(pc) =	sbr.rel @p1 .LBB2_7-.Ltmp2, $3  }
0x202: {  	_ = 	snop  }
0x203: {  	v17 =	vor.u32 v16, v15;
	_ =	sdelay $0x1  }
0x204: {  	v16 =	vmov s24;
	s24 =	sadd.s32 $0x1, s24  }
0x205: {  	_ = 	snop  }
0x206: {  	v16 =	vshll.u32 v16, $0x7  }
0x207: {  	v16 =	vand.u32 $0x380, v16  }
0x208: {  	[tilespmem:s23+$0xFFFFFFF0] =	vst v18;
	v16 =	vbroadcast v16, $0x0  }
0x209: {  	v17 =	vld.idx.msk [tilespmem:v17+s11+$0x0], $0xffff  }
0x20a: {  	v0 =	vor.u32 v16, v0;
	_ =	sdelay $0x3  }
0x20b: {  	[tilespmem:s23+$0x0] =	vst v17  }
0x20c: {  	v0 =	vld.idx.msk [tilespmem:v0+s11+$0x0], $0xffff  }
0x20d: {  	v1 =	vor.u32 v16, v1;
	_ =	sdelay $0x2  }
0x20e: {  	s30 =	sadd.s32 $0x80, s23  }
0x20f: {  	[tilespmem:s30+$0xFFFFFB90] =	vst v0  }
0x210: {  	v0 =	vld.idx.msk [tilespmem:v1+s11+$0x0], $0xffff  }
0x211: {  	v1 =	vor.u32 v16, v2;
	_ =	sdelay $0x3  }
0x212: {  	[tilespmem:s30+$0xFFFFFBA0] =	vst v0  }
0x213: {  	v0 =	vld.idx.msk [tilespmem:v1+s11+$0x0], $0xffff  }
0x214: {  	v1 =	vor.u32 v16, v3;
	_ =	sdelay $0x3  }
0x215: {  	[tilespmem:s30+$0xFFFFFBB0] =	vst v0  }
0x216: {  	v0 =	vld.idx.msk [tilespmem:v1+s11+$0x0], $0xffff  }
0x217: {  	v1 =	vor.u32 v16, v4;
	_ =	sdelay $0x3  }
0x218: {  	[tilespmem:s30+$0xFFFFFBC0] =	vst v0  }
0x219: {  	v0 =	vld.idx.msk [tilespmem:v1+s11+$0x0], $0xffff  }
0x21a: {  	v1 =	vor.u32 v16, v5;
	_ =	sdelay $0x3  }
0x21b: {  	[tilespmem:s30+$0xFFFFFBD0] =	vst v0  }
0x21c: {  	v0 =	vld.idx.msk [tilespmem:v1+s11+$0x0], $0xffff  }
0x21d: {  	v1 =	vor.u32 v16, v6;
	_ =	sdelay $0x3  }
0x21e: {  	[tilespmem:s30+$0xFFFFFBE0] =	vst v0  }
0x21f: {  	v0 =	vld.idx.msk [tilespmem:v1+s11+$0x0], $0xffff  }
0x220: {  	v1 =	vor.u32 v16, v7;
	_ =	sdelay $0x3  }
0x221: {  	[tilespmem:s30+$0xFFFFFBF0] =	vst v0  }
0x222: {  	v0 =	vld.idx.msk [tilespmem:v1+s11+$0x0], $0xffff  }
0x223: {  	v1 =	vor.u32 v16, v8;
	_ =	sdelay $0x3  }
0x224: {  	[tilespmem:s30+$0xFFFFFC00] =	vst v0  }
0x225: {  	v0 =	vld.idx.msk [tilespmem:v1+s11+$0x0], $0xffff  }
0x226: {  	v1 =	vor.u32 v16, v9;
	_ =	sdelay $0x3  }
0x227: {  	[tilespmem:s30+$0xFFFFFF90] =	vst v0  }
0x228: {  	v0 =	vld.idx.msk [tilespmem:v1+s11+$0x0], $0xffff  }
0x229: {  	v1 =	vor.u32 v16, v10;
	_ =	sdelay $0x3  }
0x22a: {  	[tilespmem:s30+$0xFFFFFFA0] =	vst v0  }
0x22b: {  	v0 =	vld.idx.msk [tilespmem:v1+s11+$0x0], $0xffff  }
0x22c: {  	v1 =	vor.u32 v16, v11;
	_ =	sdelay $0x3  }
0x22d: {  	[tilespmem:s30+$0xFFFFFFB0] =	vst v0  }
0x22e: {  	v0 =	vld.idx.msk [tilespmem:v1+s11+$0x0], $0xffff  }
0x22f: {  	v1 =	vor.u32 v16, v12;
	_ =	sdelay $0x3  }
0x230: {  	[tilespmem:s30+$0xFFFFFFC0] =	vst v0  }
0x231: {  	v0 =	vld.idx.msk [tilespmem:v1+s11+$0x0], $0xffff  }
0x232: {  	v1 =	vor.u32 v16, v13;
	_ =	sdelay $0x3  }
0x233: {  	[tilespmem:s30+$0xFFFFFFD0] =	vst v0  }
0x234: {  	v0 =	vld.idx.msk [tilespmem:v1+s11+$0x0], $0xffff  }
0x235: {  	v1 =	vor.u32 v16, v14;
	_ =	sdelay $0x3  }
0x236: {  	[tilespmem:s30+$0xFFFFFFE0] =	vst v0  }
0x237: {  	v0 =	vld.idx.msk [tilespmem:v1+s11+$0x0], $0xffff  }
0x238: {  	v1 =	vor.u32 v16, v15;
	_ =	sdelay $0x3  }
0x239: {  	[tilespmem:s30+$0xFFFFFFF0] =	vst v0  }
0x23a: {  	v0 =	vld.idx.msk [tilespmem:v1+s11+$0x0], $0xffff;
	_ =	sdelay $0x4  }
0x23b: {  	[tilespmem:s30+$0x0] =	vst v0  }
0x23c: {  	v0 =	vld [tilespmem:$0x300];
	_ =	sdelay $0x1  }
0x23d: {  	s31 =	simm.s32 $0x0  }
0x23e: {  	v3 =	vmov s31;
	v1 =	vld [tilespmem:$0x310]  }
0x23f: {  	v3 =	vshll.u32 v3, $0x7;
	v2 =	vld [tilespmem:$0x320]  }
0x240: {  	v3 =	vand.u32 $0x380, v3;
	v4 =	vld [tilespmem:$0x330];
	v6 =	vshll.u32 v0, $0x3  }
0x241: {  	v16 =	vbroadcast v3, $0x0;
	v5 =	vld [tilespmem:$0x340];
	v0 =	vand.u32 $0x7F, v0;
	v6 =	vand.u32 $0xFFFFFC00, v6  }
0x242: {  	v7 =	vld [tilespmem:$0x350];
	v0 =	vor.u32 v0, v6  }
0x243: {  	v8 =	vld [tilespmem:$0x360];
	v3 =	vor.u32 v16, v0  }
0x244: {  	v9 =	vld [tilespmem:$0x370]  }
0x245: {  	v10 =	vld [tilespmem:$0x380]  }
0x246: {  	v11 =	vld [tilespmem:$0x390];
	v6 =	vshll.u32 v1, $0x3  }
0x247: {  	v12 =	vld [tilespmem:$0x3A0];
	v1 =	vand.u32 $0x7F, v1;
	v6 =	vand.u32 $0xFFFFFC00, v6  }
0x248: {  	v1 =	vor.u32 v1, v6;
	v3 =	vld.idx.msk [tilespmem:v3+s11+$0x0], $0xffff  }
0x249: {  	v13 =	vld [tilespmem:$0x3B0];
	v6 =	vor.u32 v16, v1  }
0x24a: {  	v14 =	vld [tilespmem:$0x3C0]  }
0x24b: {  	v15 =	vld [tilespmem:$0x3D0]  }
0x24c: {  	s23 =	simm.s32 $0xA470;
	v17 =	vld [tilespmem:$0x3E0];
	v19 =	vshll.u32 v2, $0x3  }
0x24d: {  	v18 =	vld [tilespmem:$0x3F0];
	v2 =	vand.u32 $0x7F, v2;
	v19 =	vand.u32 $0xFFFFFC00, v19;
	[tilespmem:s23+$0xFFFFFB90] =	vst v3  }
0x24e: {  	v2 =	vor.u32 v2, v19;
	v3 =	vld.idx.msk [tilespmem:v6+s11+$0x0], $0xffff  }
0x24f: {  	v6 =	vor.u32 v16, v2;
	_ =	sdelay $0x2  }
0x250: {  	v19 =	vshll.u32 v4, $0x3  }
0x251: {  	v4 =	vand.u32 $0x7F, v4;
	v19 =	vand.u32 $0xFFFFFC00, v19;
	[tilespmem:s23+$0xFFFFFBA0] =	vst v3  }
0x252: {  	v3 =	vor.u32 v4, v19;
	v4 =	vld.idx.msk [tilespmem:v6+s11+$0x0], $0xffff  }
0x253: {  	v6 =	vor.u32 v16, v3;
	_ =	sdelay $0x2  }
0x254: {  	v19 =	vshll.u32 v5, $0x3  }
0x255: {  	v5 =	vand.u32 $0x7F, v5;
	v19 =	vand.u32 $0xFFFFFC00, v19;
	[tilespmem:s23+$0xFFFFFBB0] =	vst v4  }
0x256: {  	v4 =	vor.u32 v5, v19;
	v5 =	vld.idx.msk [tilespmem:v6+s11+$0x0], $0xffff  }
0x257: {  	v6 =	vor.u32 v16, v4;
	_ =	sdelay $0x2  }
0x258: {  	v19 =	vshll.u32 v7, $0x3  }
0x259: {  	v7 =	vand.u32 $0x7F, v7;
	v19 =	vand.u32 $0xFFFFFC00, v19;
	[tilespmem:s23+$0xFFFFFBC0] =	vst v5  }
0x25a: {  	v5 =	vor.u32 v7, v19;
	v6 =	vld.idx.msk [tilespmem:v6+s11+$0x0], $0xffff  }
0x25b: {  	v7 =	vor.u32 v16, v5;
	_ =	sdelay $0x2  }
0x25c: {  	v19 =	vshll.u32 v8, $0x3  }
0x25d: {  	v8 =	vand.u32 $0x7F, v8;
	v19 =	vand.u32 $0xFFFFFC00, v19;
	[tilespmem:s23+$0xFFFFFBD0] =	vst v6  }
0x25e: {  	v6 =	vor.u32 v8, v19;
	v7 =	vld.idx.msk [tilespmem:v7+s11+$0x0], $0xffff  }
0x25f: {  	v8 =	vor.u32 v16, v6;
	_ =	sdelay $0x2  }
0x260: {  	v19 =	vshll.u32 v9, $0x3  }
0x261: {  	v9 =	vand.u32 $0x7F, v9;
	v19 =	vand.u32 $0xFFFFFC00, v19;
	[tilespmem:s23+$0xFFFFFBE0] =	vst v7  }
0x262: {  	v7 =	vor.u32 v9, v19;
	v8 =	vld.idx.msk [tilespmem:v8+s11+$0x0], $0xffff  }
0x263: {  	v9 =	vor.u32 v16, v7;
	_ =	sdelay $0x2  }
0x264: {  	v19 =	vshll.u32 v10, $0x3  }
0x265: {  	v10 =	vand.u32 $0x7F, v10;
	v19 =	vand.u32 $0xFFFFFC00, v19;
	[tilespmem:s23+$0xFFFFFBF0] =	vst v8  }
0x266: {  	v8 =	vor.u32 v10, v19;
	v9 =	vld.idx.msk [tilespmem:v9+s11+$0x0], $0xffff  }
0x267: {  	v10 =	vor.u32 v16, v8;
	_ =	sdelay $0x2  }
0x268: {  	v19 =	vshll.u32 v11, $0x3  }
0x269: {  	v11 =	vand.u32 $0x7F, v11;
	v19 =	vand.u32 $0xFFFFFC00, v19;
	[tilespmem:s23+$0xFFFFFC00] =	vst v9  }
0x26a: {  	v9 =	vor.u32 v11, v19;
	v10 =	vld.idx.msk [tilespmem:v10+s11+$0x0], $0xffff  }
0x26b: {  	v11 =	vor.u32 v16, v9;
	_ =	sdelay $0x2  }
0x26c: {  	v19 =	vshll.u32 v12, $0x3  }
0x26d: {  	v12 =	vand.u32 $0x7F, v12;
	v19 =	vand.u32 $0xFFFFFC00, v19;
	[tilespmem:s23+$0xFFFFFF90] =	vst v10  }
0x26e: {  	v10 =	vor.u32 v12, v19;
	v11 =	vld.idx.msk [tilespmem:v11+s11+$0x0], $0xffff  }
0x26f: {  	v12 =	vor.u32 v16, v10;
	_ =	sdelay $0x2  }
0x270: {  	v19 =	vshll.u32 v13, $0x3  }
0x271: {  	v13 =	vand.u32 $0x7F, v13;
	v19 =	vand.u32 $0xFFFFFC00, v19;
	[tilespmem:s23+$0xFFFFFFA0] =	vst v11  }
0x272: {  	v11 =	vor.u32 v13, v19;
	v12 =	vld.idx.msk [tilespmem:v12+s11+$0x0], $0xffff  }
0x273: {  	v13 =	vor.u32 v16, v11;
	_ =	sdelay $0x2  }
0x274: {  	v19 =	vshll.u32 v14, $0x3  }
0x275: {  	v14 =	vand.u32 $0x7F, v14;
	v19 =	vand.u32 $0xFFFFFC00, v19;
	[tilespmem:s23+$0xFFFFFFB0] =	vst v12  }
0x276: {  	v12 =	vor.u32 v14, v19;
	v13 =	vld.idx.msk [tilespmem:v13+s11+$0x0], $0xffff  }
0x277: {  	v14 =	vor.u32 v16, v12;
	_ =	sdelay $0x2  }
0x278: {  	v19 =	vshll.u32 v15, $0x3  }
0x279: {  	v15 =	vand.u32 $0x7F, v15;
	v19 =	vand.u32 $0xFFFFFC00, v19;
	[tilespmem:s23+$0xFFFFFFC0] =	vst v13  }
0x27a: {  	v13 =	vor.u32 v15, v19;
	v14 =	vld.idx.msk [tilespmem:v14+s11+$0x0], $0xffff  }
0x27b: {  	v15 =	vor.u32 v16, v13;
	_ =	sdelay $0x2  }
0x27c: {  	v19 =	vshll.u32 v17, $0x3  }
0x27d: {  	v17 =	vand.u32 $0x7F, v17;
	v19 =	vand.u32 $0xFFFFFC00, v19;
	[tilespmem:s23+$0xFFFFFFD0] =	vst v14  }
0x27e: {  	v14 =	vor.u32 v17, v19;
	v17 =	vld.idx.msk [tilespmem:v15+s11+$0x0], $0xffff  }
0x27f: {  	v19 =	vor.u32 v16, v14;
	_ =	sdelay $0x2  }
0x280: {  	v15 =	vshll.u32 v18, $0x3  }
0x281: {  	v18 =	vand.u32 $0x7F, v18;
	v15 =	vand.u32 $0xFFFFFC00, v15;
	[tilespmem:s23+$0xFFFFFFE0] =	vst v17  }
0x282: {  	v15 =	vor.u32 v18, v15;
	v18 =	vld.idx.msk [tilespmem:v19+s11+$0x0], $0xffff  }
0x283: {  	v17 =	vor.u32 v16, v15  }
0x284: {  	s24 =	simm.s32 $0x1  }
0x285: {  	v16 =	vmov s24;
	s24 =	simm.s32 $0x2  }
.LBB2_9:
0x286: {  	p1 =	sne.s32 s24, $0x7;
	v16 =	vshll.u32 v16, $0x7  }
0x287: {  	v16 =	vand.u32 $0x380, v16;
	[tilespmem:s23+$0xFFFFFFF0] =	vst v18  }
0x288: {  	v16 =	vbroadcast v16, $0x0;
	v17 =	vld.idx.msk [tilespmem:v17+s11+$0x0], $0xffff;
	_ =	sdelay $0x1  }
0x289: {  	v18 =	vor.u32 v16, v0;
	_ =	sdelay $0x3  }
0x28a: {  	[tilespmem:s23+$0x0] =	vst v17  }
0x28b: {  	v17 =	vld.idx.msk [tilespmem:v18+s11+$0x0], $0xffff;
	_ =	sdelay $0x1  }
0x28c: {  	v18 =	vor.u32 v16, v1;
	_ =	sdelay $0x2  }
0x28d: {  	s23 =	sadd.s32 $0x80, s23  }
0x28e: {  	[tilespmem:s23+$0xFFFFFB90] =	vst v17  }
0x28f: {  	v17 =	vld.idx.msk [tilespmem:v18+s11+$0x0], $0xffff;
	_ =	sdelay $0x1  }
0x290: {  	v18 =	vor.u32 v16, v2;
	_ =	sdelay $0x3  }
0x291: {  	[tilespmem:s23+$0xFFFFFBA0] =	vst v17  }
0x292: {  	v17 =	vld.idx.msk [tilespmem:v18+s11+$0x0], $0xffff;
	_ =	sdelay $0x1  }
0x293: {  	v18 =	vor.u32 v16, v3;
	_ =	sdelay $0x3  }
0x294: {  	[tilespmem:s23+$0xFFFFFBB0] =	vst v17  }
0x295: {  	v17 =	vld.idx.msk [tilespmem:v18+s11+$0x0], $0xffff;
	_ =	sdelay $0x1  }
0x296: {  	v18 =	vor.u32 v16, v4;
	_ =	sdelay $0x3  }
0x297: {  	[tilespmem:s23+$0xFFFFFBC0] =	vst v17  }
0x298: {  	v17 =	vld.idx.msk [tilespmem:v18+s11+$0x0], $0xffff;
	_ =	sdelay $0x1  }
0x299: {  	v18 =	vor.u32 v16, v5;
	_ =	sdelay $0x3  }
0x29a: {  	[tilespmem:s23+$0xFFFFFBD0] =	vst v17  }
0x29b: {  	v17 =	vld.idx.msk [tilespmem:v18+s11+$0x0], $0xffff;
	_ =	sdelay $0x1  }
0x29c: {  	v18 =	vor.u32 v16, v6;
	_ =	sdelay $0x3  }
0x29d: {  	[tilespmem:s23+$0xFFFFFBE0] =	vst v17  }
0x29e: {  	v17 =	vld.idx.msk [tilespmem:v18+s11+$0x0], $0xffff;
	_ =	sdelay $0x1  }
0x29f: {  	v18 =	vor.u32 v16, v7;
	_ =	sdelay $0x3  }
0x2a0: {  	[tilespmem:s23+$0xFFFFFBF0] =	vst v17  }
0x2a1: {  	v17 =	vld.idx.msk [tilespmem:v18+s11+$0x0], $0xffff;
	_ =	sdelay $0x1  }
0x2a2: {  	v18 =	vor.u32 v16, v8;
	_ =	sdelay $0x3  }
0x2a3: {  	[tilespmem:s23+$0xFFFFFC00] =	vst v17  }
0x2a4: {  	v17 =	vld.idx.msk [tilespmem:v18+s11+$0x0], $0xffff;
	_ =	sdelay $0x1  }
0x2a5: {  	v18 =	vor.u32 v16, v9;
	_ =	sdelay $0x3  }
0x2a6: {  	[tilespmem:s23+$0xFFFFFF90] =	vst v17  }
0x2a7: {  	v17 =	vld.idx.msk [tilespmem:v18+s11+$0x0], $0xffff;
	_ =	sdelay $0x1  }
0x2a8: {  	v18 =	vor.u32 v16, v10;
	_ =	sdelay $0x3  }
0x2a9: {  	[tilespmem:s23+$0xFFFFFFA0] =	vst v17  }
0x2aa: {  	v17 =	vld.idx.msk [tilespmem:v18+s11+$0x0], $0xffff;
	_ =	sdelay $0x1  }
0x2ab: {  	v18 =	vor.u32 v16, v11;
	_ =	sdelay $0x3  }
0x2ac: {  	[tilespmem:s23+$0xFFFFFFB0] =	vst v17  }
0x2ad: {  	v17 =	vld.idx.msk [tilespmem:v18+s11+$0x0], $0xffff;
	_ =	sdelay $0x1  }
0x2ae: {  	v18 =	vor.u32 v16, v12;
	_ =	sdelay $0x3  }
0x2af: {  	[tilespmem:s23+$0xFFFFFFC0] =	vst v17  }
0x2b0: {  	v17 =	vld.idx.msk [tilespmem:v18+s11+$0x0], $0xffff;
	_ =	sdelay $0x1  }
0x2b1: {  	v18 =	vor.u32 v16, v13;
	_ =	sdelay $0x3  }
0x2b2: {  	[tilespmem:s23+$0xFFFFFFD0] =	vst v17  }
0x2b3: {  	v17 =	vld.idx.msk [tilespmem:v18+s11+$0x0], $0xffff;
	_ =	sdelay $0x1  }
0x2b4: {  	v18 =	vor.u32 v16, v14;
	_ =	sdelay $0x3  }
0x2b5: {  	[tilespmem:s23+$0xFFFFFFE0] =	vst v17  }
.Ltmp3:
0x2b6: {  	v18 =	vld.idx.msk [tilespmem:v18+s11+$0x0], $0xffff;
	(pc) =	sbr.rel @p1 .LBB2_9-.Ltmp3, $3  }
0x2b7: {  	_ = 	snop  }
0x2b8: {  	v17 =	vor.u32 v16, v15;
	_ =	sdelay $0x1  }
0x2b9: {  	v16 =	vmov s24;
	s24 =	sadd.s32 $0x1, s24  }
0x2ba: {  	_ = 	snop  }
0x2bb: {  	v16 =	vshll.u32 v16, $0x7  }
0x2bc: {  	v16 =	vand.u32 $0x380, v16  }
0x2bd: {  	[tilespmem:s23+$0xFFFFFFF0] =	vst v18;
	v16 =	vbroadcast v16, $0x0  }
0x2be: {  	v17 =	vld.idx.msk [tilespmem:v17+s11+$0x0], $0xffff  }
0x2bf: {  	v0 =	vor.u32 v16, v0;
	_ =	sdelay $0x3  }
0x2c0: {  	[tilespmem:s23+$0x0] =	vst v17  }
0x2c1: {  	v0 =	vld.idx.msk [tilespmem:v0+s11+$0x0], $0xffff  }
0x2c2: {  	v1 =	vor.u32 v16, v1;
	_ =	sdelay $0x2  }
0x2c3: {  	s30 =	sadd.s32 $0x80, s23  }
0x2c4: {  	[tilespmem:s30+$0xFFFFFB90] =	vst v0  }
0x2c5: {  	v0 =	vld.idx.msk [tilespmem:v1+s11+$0x0], $0xffff  }
0x2c6: {  	v1 =	vor.u32 v16, v2;
	_ =	sdelay $0x3  }
0x2c7: {  	[tilespmem:s30+$0xFFFFFBA0] =	vst v0  }
0x2c8: {  	v0 =	vld.idx.msk [tilespmem:v1+s11+$0x0], $0xffff  }
0x2c9: {  	v1 =	vor.u32 v16, v3;
	_ =	sdelay $0x3  }
0x2ca: {  	[tilespmem:s30+$0xFFFFFBB0] =	vst v0  }
0x2cb: {  	v0 =	vld.idx.msk [tilespmem:v1+s11+$0x0], $0xffff  }
0x2cc: {  	v1 =	vor.u32 v16, v4;
	_ =	sdelay $0x3  }
0x2cd: {  	[tilespmem:s30+$0xFFFFFBC0] =	vst v0  }
0x2ce: {  	v0 =	vld.idx.msk [tilespmem:v1+s11+$0x0], $0xffff  }
0x2cf: {  	v1 =	vor.u32 v16, v5;
	_ =	sdelay $0x3  }
0x2d0: {  	[tilespmem:s30+$0xFFFFFBD0] =	vst v0  }
0x2d1: {  	v0 =	vld.idx.msk [tilespmem:v1+s11+$0x0], $0xffff  }
0x2d2: {  	v1 =	vor.u32 v16, v6;
	_ =	sdelay $0x3  }
0x2d3: {  	[tilespmem:s30+$0xFFFFFBE0] =	vst v0  }
0x2d4: {  	v0 =	vld.idx.msk [tilespmem:v1+s11+$0x0], $0xffff  }
0x2d5: {  	v1 =	vor.u32 v16, v7;
	_ =	sdelay $0x3  }
0x2d6: {  	[tilespmem:s30+$0xFFFFFBF0] =	vst v0  }
0x2d7: {  	v0 =	vld.idx.msk [tilespmem:v1+s11+$0x0], $0xffff  }
0x2d8: {  	v1 =	vor.u32 v16, v8;
	_ =	sdelay $0x3  }
0x2d9: {  	[tilespmem:s30+$0xFFFFFC00] =	vst v0  }
0x2da: {  	v0 =	vld.idx.msk [tilespmem:v1+s11+$0x0], $0xffff  }
0x2db: {  	v1 =	vor.u32 v16, v9;
	_ =	sdelay $0x3  }
0x2dc: {  	[tilespmem:s30+$0xFFFFFF90] =	vst v0  }
0x2dd: {  	v0 =	vld.idx.msk [tilespmem:v1+s11+$0x0], $0xffff  }
0x2de: {  	v1 =	vor.u32 v16, v10;
	_ =	sdelay $0x3  }
0x2df: {  	[tilespmem:s30+$0xFFFFFFA0] =	vst v0  }
0x2e0: {  	v0 =	vld.idx.msk [tilespmem:v1+s11+$0x0], $0xffff  }
0x2e1: {  	v1 =	vor.u32 v16, v11;
	_ =	sdelay $0x3  }
0x2e2: {  	[tilespmem:s30+$0xFFFFFFB0] =	vst v0  }
0x2e3: {  	v0 =	vld.idx.msk [tilespmem:v1+s11+$0x0], $0xffff  }
0x2e4: {  	v1 =	vor.u32 v16, v12;
	_ =	sdelay $0x3  }
0x2e5: {  	[tilespmem:s30+$0xFFFFFFC0] =	vst v0  }
0x2e6: {  	v0 =	vld.idx.msk [tilespmem:v1+s11+$0x0], $0xffff  }
0x2e7: {  	v1 =	vor.u32 v16, v13;
	_ =	sdelay $0x3  }
0x2e8: {  	[tilespmem:s30+$0xFFFFFFD0] =	vst v0  }
0x2e9: {  	v0 =	vld.idx.msk [tilespmem:v1+s11+$0x0], $0xffff  }
0x2ea: {  	v1 =	vor.u32 v16, v14;
	_ =	sdelay $0x3  }
0x2eb: {  	[tilespmem:s30+$0xFFFFFFE0] =	vst v0  }
0x2ec: {  	v0 =	vld.idx.msk [tilespmem:v1+s11+$0x0], $0xffff  }
0x2ed: {  	v1 =	vor.u32 v16, v15;
	_ =	sdelay $0x3  }
0x2ee: {  	[tilespmem:s30+$0xFFFFFFF0] =	vst v0  }
0x2ef: {  	v0 =	vld.idx.msk [tilespmem:v1+s11+$0x0], $0xffff;
	_ =	sdelay $0x4  }
0x2f0: {  	[tilespmem:s30+$0x0] =	vst v0  }
0x2f1: {  	v0 =	vld [tilespmem:$0x400];
	_ =	sdelay $0x1  }
0x2f2: {  	s31 =	simm.s32 $0x0  }
0x2f3: {  	v3 =	vmov s31;
	v1 =	vld [tilespmem:$0x410]  }
0x2f4: {  	v3 =	vshll.u32 v3, $0x7;
	v2 =	vld [tilespmem:$0x420]  }
0x2f5: {  	v3 =	vand.u32 $0x380, v3;
	v4 =	vld [tilespmem:$0x430];
	v6 =	vshll.u32 v0, $0x3  }
0x2f6: {  	v16 =	vbroadcast v3, $0x0;
	v5 =	vld [tilespmem:$0x440];
	v0 =	vand.u32 $0x7F, v0;
	v6 =	vand.u32 $0xFFFFFC00, v6  }
0x2f7: {  	v7 =	vld [tilespmem:$0x450];
	v0 =	vor.u32 v0, v6  }
0x2f8: {  	v8 =	vld [tilespmem:$0x460];
	v3 =	vor.u32 v16, v0  }
0x2f9: {  	v9 =	vld [tilespmem:$0x470]  }
0x2fa: {  	v10 =	vld [tilespmem:$0x480]  }
0x2fb: {  	v11 =	vld [tilespmem:$0x490];
	v6 =	vshll.u32 v1, $0x3  }
0x2fc: {  	v12 =	vld [tilespmem:$0x4A0];
	v1 =	vand.u32 $0x7F, v1;
	v6 =	vand.u32 $0xFFFFFC00, v6  }
0x2fd: {  	v1 =	vor.u32 v1, v6;
	v3 =	vld.idx.msk [tilespmem:v3+s11+$0x0], $0xffff  }
0x2fe: {  	v13 =	vld [tilespmem:$0x4B0];
	v6 =	vor.u32 v16, v1  }
0x2ff: {  	v14 =	vld [tilespmem:$0x4C0]  }
0x300: {  	v15 =	vld [tilespmem:$0x4D0]  }
0x301: {  	s23 =	simm.s32 $0xAC70;
	v17 =	vld [tilespmem:$0x4E0];
	v19 =	vshll.u32 v2, $0x3  }
0x302: {  	v18 =	vld [tilespmem:$0x4F0];
	v2 =	vand.u32 $0x7F, v2;
	v19 =	vand.u32 $0xFFFFFC00, v19;
	[tilespmem:s23+$0xFFFFFB90] =	vst v3  }
0x303: {  	v2 =	vor.u32 v2, v19;
	v3 =	vld.idx.msk [tilespmem:v6+s11+$0x0], $0xffff  }
0x304: {  	v6 =	vor.u32 v16, v2;
	_ =	sdelay $0x2  }
0x305: {  	v19 =	vshll.u32 v4, $0x3  }
0x306: {  	v4 =	vand.u32 $0x7F, v4;
	v19 =	vand.u32 $0xFFFFFC00, v19;
	[tilespmem:s23+$0xFFFFFBA0] =	vst v3  }
0x307: {  	v3 =	vor.u32 v4, v19;
	v4 =	vld.idx.msk [tilespmem:v6+s11+$0x0], $0xffff  }
0x308: {  	v6 =	vor.u32 v16, v3;
	_ =	sdelay $0x2  }
0x309: {  	v19 =	vshll.u32 v5, $0x3  }
0x30a: {  	v5 =	vand.u32 $0x7F, v5;
	v19 =	vand.u32 $0xFFFFFC00, v19;
	[tilespmem:s23+$0xFFFFFBB0] =	vst v4  }
0x30b: {  	v4 =	vor.u32 v5, v19;
	v5 =	vld.idx.msk [tilespmem:v6+s11+$0x0], $0xffff  }
0x30c: {  	v6 =	vor.u32 v16, v4;
	_ =	sdelay $0x2  }
0x30d: {  	v19 =	vshll.u32 v7, $0x3  }
0x30e: {  	v7 =	vand.u32 $0x7F, v7;
	v19 =	vand.u32 $0xFFFFFC00, v19;
	[tilespmem:s23+$0xFFFFFBC0] =	vst v5  }
0x30f: {  	v5 =	vor.u32 v7, v19;
	v6 =	vld.idx.msk [tilespmem:v6+s11+$0x0], $0xffff  }
0x310: {  	v7 =	vor.u32 v16, v5;
	_ =	sdelay $0x2  }
0x311: {  	v19 =	vshll.u32 v8, $0x3  }
0x312: {  	v8 =	vand.u32 $0x7F, v8;
	v19 =	vand.u32 $0xFFFFFC00, v19;
	[tilespmem:s23+$0xFFFFFBD0] =	vst v6  }
0x313: {  	v6 =	vor.u32 v8, v19;
	v7 =	vld.idx.msk [tilespmem:v7+s11+$0x0], $0xffff  }
0x314: {  	v8 =	vor.u32 v16, v6;
	_ =	sdelay $0x2  }
0x315: {  	v19 =	vshll.u32 v9, $0x3  }
0x316: {  	v9 =	vand.u32 $0x7F, v9;
	v19 =	vand.u32 $0xFFFFFC00, v19;
	[tilespmem:s23+$0xFFFFFBE0] =	vst v7  }
0x317: {  	v7 =	vor.u32 v9, v19;
	v8 =	vld.idx.msk [tilespmem:v8+s11+$0x0], $0xffff  }
0x318: {  	v9 =	vor.u32 v16, v7;
	_ =	sdelay $0x2  }
0x319: {  	v19 =	vshll.u32 v10, $0x3  }
0x31a: {  	v10 =	vand.u32 $0x7F, v10;
	v19 =	vand.u32 $0xFFFFFC00, v19;
	[tilespmem:s23+$0xFFFFFBF0] =	vst v8  }
0x31b: {  	v8 =	vor.u32 v10, v19;
	v9 =	vld.idx.msk [tilespmem:v9+s11+$0x0], $0xffff  }
0x31c: {  	v10 =	vor.u32 v16, v8;
	_ =	sdelay $0x2  }
0x31d: {  	v19 =	vshll.u32 v11, $0x3  }
0x31e: {  	v11 =	vand.u32 $0x7F, v11;
	v19 =	vand.u32 $0xFFFFFC00, v19;
	[tilespmem:s23+$0xFFFFFC00] =	vst v9  }
0x31f: {  	v9 =	vor.u32 v11, v19;
	v10 =	vld.idx.msk [tilespmem:v10+s11+$0x0], $0xffff  }
0x320: {  	v11 =	vor.u32 v16, v9;
	_ =	sdelay $0x2  }
0x321: {  	v19 =	vshll.u32 v12, $0x3  }
0x322: {  	v12 =	vand.u32 $0x7F, v12;
	v19 =	vand.u32 $0xFFFFFC00, v19;
	[tilespmem:s23+$0xFFFFFF90] =	vst v10  }
0x323: {  	v10 =	vor.u32 v12, v19;
	v11 =	vld.idx.msk [tilespmem:v11+s11+$0x0], $0xffff  }
0x324: {  	v12 =	vor.u32 v16, v10;
	_ =	sdelay $0x2  }
0x325: {  	v19 =	vshll.u32 v13, $0x3  }
0x326: {  	v13 =	vand.u32 $0x7F, v13;
	v19 =	vand.u32 $0xFFFFFC00, v19;
	[tilespmem:s23+$0xFFFFFFA0] =	vst v11  }
0x327: {  	v11 =	vor.u32 v13, v19;
	v12 =	vld.idx.msk [tilespmem:v12+s11+$0x0], $0xffff  }
0x328: {  	v13 =	vor.u32 v16, v11;
	_ =	sdelay $0x2  }
0x329: {  	v19 =	vshll.u32 v14, $0x3  }
0x32a: {  	v14 =	vand.u32 $0x7F, v14;
	v19 =	vand.u32 $0xFFFFFC00, v19;
	[tilespmem:s23+$0xFFFFFFB0] =	vst v12  }
0x32b: {  	v12 =	vor.u32 v14, v19;
	v13 =	vld.idx.msk [tilespmem:v13+s11+$0x0], $0xffff  }
0x32c: {  	v14 =	vor.u32 v16, v12;
	_ =	sdelay $0x2  }
0x32d: {  	v19 =	vshll.u32 v15, $0x3  }
0x32e: {  	v15 =	vand.u32 $0x7F, v15;
	v19 =	vand.u32 $0xFFFFFC00, v19;
	[tilespmem:s23+$0xFFFFFFC0] =	vst v13  }
0x32f: {  	v13 =	vor.u32 v15, v19;
	v14 =	vld.idx.msk [tilespmem:v14+s11+$0x0], $0xffff  }
0x330: {  	v15 =	vor.u32 v16, v13;
	_ =	sdelay $0x2  }
0x331: {  	v19 =	vshll.u32 v17, $0x3  }
0x332: {  	v17 =	vand.u32 $0x7F, v17;
	v19 =	vand.u32 $0xFFFFFC00, v19;
	[tilespmem:s23+$0xFFFFFFD0] =	vst v14  }
0x333: {  	v14 =	vor.u32 v17, v19;
	v17 =	vld.idx.msk [tilespmem:v15+s11+$0x0], $0xffff  }
0x334: {  	v19 =	vor.u32 v16, v14;
	_ =	sdelay $0x2  }
0x335: {  	v15 =	vshll.u32 v18, $0x3  }
0x336: {  	v18 =	vand.u32 $0x7F, v18;
	v15 =	vand.u32 $0xFFFFFC00, v15;
	[tilespmem:s23+$0xFFFFFFE0] =	vst v17  }
0x337: {  	v15 =	vor.u32 v18, v15;
	v18 =	vld.idx.msk [tilespmem:v19+s11+$0x0], $0xffff  }
0x338: {  	v17 =	vor.u32 v16, v15  }
0x339: {  	s24 =	simm.s32 $0x1  }
0x33a: {  	v16 =	vmov s24;
	s24 =	simm.s32 $0x2  }
.LBB2_11:
0x33b: {  	p1 =	sne.s32 s24, $0x7;
	v16 =	vshll.u32 v16, $0x7  }
0x33c: {  	v16 =	vand.u32 $0x380, v16;
	[tilespmem:s23+$0xFFFFFFF0] =	vst v18  }
0x33d: {  	v16 =	vbroadcast v16, $0x0;
	v17 =	vld.idx.msk [tilespmem:v17+s11+$0x0], $0xffff;
	_ =	sdelay $0x1  }
0x33e: {  	v18 =	vor.u32 v16, v0;
	_ =	sdelay $0x3  }
0x33f: {  	[tilespmem:s23+$0x0] =	vst v17  }
0x340: {  	v17 =	vld.idx.msk [tilespmem:v18+s11+$0x0], $0xffff;
	_ =	sdelay $0x1  }
0x341: {  	v18 =	vor.u32 v16, v1;
	_ =	sdelay $0x2  }
0x342: {  	s23 =	sadd.s32 $0x80, s23  }
0x343: {  	[tilespmem:s23+$0xFFFFFB90] =	vst v17  }
0x344: {  	v17 =	vld.idx.msk [tilespmem:v18+s11+$0x0], $0xffff;
	_ =	sdelay $0x1  }
0x345: {  	v18 =	vor.u32 v16, v2;
	_ =	sdelay $0x3  }
0x346: {  	[tilespmem:s23+$0xFFFFFBA0] =	vst v17  }
0x347: {  	v17 =	vld.idx.msk [tilespmem:v18+s11+$0x0], $0xffff;
	_ =	sdelay $0x1  }
0x348: {  	v18 =	vor.u32 v16, v3;
	_ =	sdelay $0x3  }
0x349: {  	[tilespmem:s23+$0xFFFFFBB0] =	vst v17  }
0x34a: {  	v17 =	vld.idx.msk [tilespmem:v18+s11+$0x0], $0xffff;
	_ =	sdelay $0x1  }
0x34b: {  	v18 =	vor.u32 v16, v4;
	_ =	sdelay $0x3  }
0x34c: {  	[tilespmem:s23+$0xFFFFFBC0] =	vst v17  }
0x34d: {  	v17 =	vld.idx.msk [tilespmem:v18+s11+$0x0], $0xffff;
	_ =	sdelay $0x1  }
0x34e: {  	v18 =	vor.u32 v16, v5;
	_ =	sdelay $0x3  }
0x34f: {  	[tilespmem:s23+$0xFFFFFBD0] =	vst v17  }
0x350: {  	v17 =	vld.idx.msk [tilespmem:v18+s11+$0x0], $0xffff;
	_ =	sdelay $0x1  }
0x351: {  	v18 =	vor.u32 v16, v6;
	_ =	sdelay $0x3  }
0x352: {  	[tilespmem:s23+$0xFFFFFBE0] =	vst v17  }
0x353: {  	v17 =	vld.idx.msk [tilespmem:v18+s11+$0x0], $0xffff;
	_ =	sdelay $0x1  }
0x354: {  	v18 =	vor.u32 v16, v7;
	_ =	sdelay $0x3  }
0x355: {  	[tilespmem:s23+$0xFFFFFBF0] =	vst v17  }
0x356: {  	v17 =	vld.idx.msk [tilespmem:v18+s11+$0x0], $0xffff;
	_ =	sdelay $0x1  }
0x357: {  	v18 =	vor.u32 v16, v8;
	_ =	sdelay $0x3  }
0x358: {  	[tilespmem:s23+$0xFFFFFC00] =	vst v17  }
0x359: {  	v17 =	vld.idx.msk [tilespmem:v18+s11+$0x0], $0xffff;
	_ =	sdelay $0x1  }
0x35a: {  	v18 =	vor.u32 v16, v9;
	_ =	sdelay $0x3  }
0x35b: {  	[tilespmem:s23+$0xFFFFFF90] =	vst v17  }
0x35c: {  	v17 =	vld.idx.msk [tilespmem:v18+s11+$0x0], $0xffff;
	_ =	sdelay $0x1  }
0x35d: {  	v18 =	vor.u32 v16, v10;
	_ =	sdelay $0x3  }
0x35e: {  	[tilespmem:s23+$0xFFFFFFA0] =	vst v17  }
0x35f: {  	v17 =	vld.idx.msk [tilespmem:v18+s11+$0x0], $0xffff;
	_ =	sdelay $0x1  }
0x360: {  	v18 =	vor.u32 v16, v11;
	_ =	sdelay $0x3  }
0x361: {  	[tilespmem:s23+$0xFFFFFFB0] =	vst v17  }
0x362: {  	v17 =	vld.idx.msk [tilespmem:v18+s11+$0x0], $0xffff;
	_ =	sdelay $0x1  }
0x363: {  	v18 =	vor.u32 v16, v12;
	_ =	sdelay $0x3  }
0x364: {  	[tilespmem:s23+$0xFFFFFFC0] =	vst v17  }
0x365: {  	v17 =	vld.idx.msk [tilespmem:v18+s11+$0x0], $0xffff;
	_ =	sdelay $0x1  }
0x366: {  	v18 =	vor.u32 v16, v13;
	_ =	sdelay $0x3  }
0x367: {  	[tilespmem:s23+$0xFFFFFFD0] =	vst v17  }
0x368: {  	v17 =	vld.idx.msk [tilespmem:v18+s11+$0x0], $0xffff;
	_ =	sdelay $0x1  }
0x369: {  	v18 =	vor.u32 v16, v14;
	_ =	sdelay $0x3  }
0x36a: {  	[tilespmem:s23+$0xFFFFFFE0] =	vst v17  }
.Ltmp4:
0x36b: {  	v18 =	vld.idx.msk [tilespmem:v18+s11+$0x0], $0xffff;
	(pc) =	sbr.rel @p1 .LBB2_11-.Ltmp4, $3  }
0x36c: {  	_ = 	snop  }
0x36d: {  	v17 =	vor.u32 v16, v15;
	_ =	sdelay $0x1  }
0x36e: {  	v16 =	vmov s24;
	s24 =	sadd.s32 $0x1, s24  }
0x36f: {  	_ = 	snop  }
0x370: {  	v16 =	vshll.u32 v16, $0x7  }
0x371: {  	v16 =	vand.u32 $0x380, v16  }
0x372: {  	[tilespmem:s23+$0xFFFFFFF0] =	vst v18;
	v16 =	vbroadcast v16, $0x0  }
0x373: {  	v17 =	vld.idx.msk [tilespmem:v17+s11+$0x0], $0xffff  }
0x374: {  	v0 =	vor.u32 v16, v0;
	_ =	sdelay $0x3  }
0x375: {  	[tilespmem:s23+$0x0] =	vst v17  }
0x376: {  	v0 =	vld.idx.msk [tilespmem:v0+s11+$0x0], $0xffff  }
0x377: {  	v1 =	vor.u32 v16, v1;
	_ =	sdelay $0x2  }
0x378: {  	s30 =	sadd.s32 $0x80, s23  }
0x379: {  	[tilespmem:s30+$0xFFFFFB90] =	vst v0  }
0x37a: {  	v0 =	vld.idx.msk [tilespmem:v1+s11+$0x0], $0xffff  }
0x37b: {  	v1 =	vor.u32 v16, v2;
	_ =	sdelay $0x3  }
0x37c: {  	[tilespmem:s30+$0xFFFFFBA0] =	vst v0  }
0x37d: {  	v0 =	vld.idx.msk [tilespmem:v1+s11+$0x0], $0xffff  }
0x37e: {  	v1 =	vor.u32 v16, v3;
	_ =	sdelay $0x3  }
0x37f: {  	[tilespmem:s30+$0xFFFFFBB0] =	vst v0  }
0x380: {  	v0 =	vld.idx.msk [tilespmem:v1+s11+$0x0], $0xffff  }
0x381: {  	v1 =	vor.u32 v16, v4;
	_ =	sdelay $0x3  }
0x382: {  	[tilespmem:s30+$0xFFFFFBC0] =	vst v0  }
0x383: {  	v0 =	vld.idx.msk [tilespmem:v1+s11+$0x0], $0xffff  }
0x384: {  	v1 =	vor.u32 v16, v5;
	_ =	sdelay $0x3  }
0x385: {  	[tilespmem:s30+$0xFFFFFBD0] =	vst v0  }
0x386: {  	v0 =	vld.idx.msk [tilespmem:v1+s11+$0x0], $0xffff  }
0x387: {  	v1 =	vor.u32 v16, v6;
	_ =	sdelay $0x3  }
0x388: {  	[tilespmem:s30+$0xFFFFFBE0] =	vst v0  }
0x389: {  	v0 =	vld.idx.msk [tilespmem:v1+s11+$0x0], $0xffff  }
0x38a: {  	v1 =	vor.u32 v16, v7;
	_ =	sdelay $0x3  }
0x38b: {  	[tilespmem:s30+$0xFFFFFBF0] =	vst v0  }
0x38c: {  	v0 =	vld.idx.msk [tilespmem:v1+s11+$0x0], $0xffff  }
0x38d: {  	v1 =	vor.u32 v16, v8;
	_ =	sdelay $0x3  }
0x38e: {  	[tilespmem:s30+$0xFFFFFC00] =	vst v0  }
0x38f: {  	v0 =	vld.idx.msk [tilespmem:v1+s11+$0x0], $0xffff  }
0x390: {  	v1 =	vor.u32 v16, v9;
	_ =	sdelay $0x3  }
0x391: {  	[tilespmem:s30+$0xFFFFFF90] =	vst v0  }
0x392: {  	v0 =	vld.idx.msk [tilespmem:v1+s11+$0x0], $0xffff  }
0x393: {  	v1 =	vor.u32 v16, v10;
	_ =	sdelay $0x3  }
0x394: {  	[tilespmem:s30+$0xFFFFFFA0] =	vst v0  }
0x395: {  	v0 =	vld.idx.msk [tilespmem:v1+s11+$0x0], $0xffff  }
0x396: {  	v1 =	vor.u32 v16, v11;
	_ =	sdelay $0x3  }
0x397: {  	[tilespmem:s30+$0xFFFFFFB0] =	vst v0  }
0x398: {  	v0 =	vld.idx.msk [tilespmem:v1+s11+$0x0], $0xffff  }
0x399: {  	v1 =	vor.u32 v16, v12;
	_ =	sdelay $0x3  }
0x39a: {  	[tilespmem:s30+$0xFFFFFFC0] =	vst v0  }
0x39b: {  	v0 =	vld.idx.msk [tilespmem:v1+s11+$0x0], $0xffff  }
0x39c: {  	v1 =	vor.u32 v16, v13;
	_ =	sdelay $0x3  }
0x39d: {  	[tilespmem:s30+$0xFFFFFFD0] =	vst v0  }
0x39e: {  	v0 =	vld.idx.msk [tilespmem:v1+s11+$0x0], $0xffff  }
0x39f: {  	v1 =	vor.u32 v16, v14;
	_ =	sdelay $0x3  }
0x3a0: {  	[tilespmem:s30+$0xFFFFFFE0] =	vst v0  }
0x3a1: {  	v0 =	vld.idx.msk [tilespmem:v1+s11+$0x0], $0xffff  }
0x3a2: {  	v1 =	vor.u32 v16, v15;
	_ =	sdelay $0x3  }
0x3a3: {  	[tilespmem:s30+$0xFFFFFFF0] =	vst v0  }
0x3a4: {  	v0 =	vld.idx.msk [tilespmem:v1+s11+$0x0], $0xffff;
	_ =	sdelay $0x4  }
0x3a5: {  	[tilespmem:s30+$0x0] =	vst v0  }
0x3a6: {  	v0 =	vld [tilespmem:$0x500];
	_ =	sdelay $0x1  }
0x3a7: {  	s31 =	simm.s32 $0x0  }
0x3a8: {  	v3 =	vmov s31;
	v1 =	vld [tilespmem:$0x510]  }
0x3a9: {  	v3 =	vshll.u32 v3, $0x7;
	v2 =	vld [tilespmem:$0x520]  }
0x3aa: {  	v3 =	vand.u32 $0x380, v3;
	v4 =	vld [tilespmem:$0x530];
	v6 =	vshll.u32 v0, $0x3  }
0x3ab: {  	v16 =	vbroadcast v3, $0x0;
	v5 =	vld [tilespmem:$0x540];
	v0 =	vand.u32 $0x7F, v0;
	v6 =	vand.u32 $0xFFFFFC00, v6  }
0x3ac: {  	v7 =	vld [tilespmem:$0x550];
	v0 =	vor.u32 v0, v6  }
0x3ad: {  	v8 =	vld [tilespmem:$0x560];
	v3 =	vor.u32 v16, v0  }
0x3ae: {  	v9 =	vld [tilespmem:$0x570]  }
0x3af: {  	v10 =	vld [tilespmem:$0x580]  }
0x3b0: {  	v11 =	vld [tilespmem:$0x590];
	v6 =	vshll.u32 v1, $0x3  }
0x3b1: {  	v12 =	vld [tilespmem:$0x5A0];
	v1 =	vand.u32 $0x7F, v1;
	v6 =	vand.u32 $0xFFFFFC00, v6  }
0x3b2: {  	v1 =	vor.u32 v1, v6;
	v3 =	vld.idx.msk [tilespmem:v3+s11+$0x0], $0xffff  }
0x3b3: {  	v13 =	vld [tilespmem:$0x5B0];
	v6 =	vor.u32 v16, v1  }
0x3b4: {  	v14 =	vld [tilespmem:$0x5C0]  }
0x3b5: {  	v15 =	vld [tilespmem:$0x5D0]  }
0x3b6: {  	s23 =	simm.s32 $0xB470;
	v17 =	vld [tilespmem:$0x5E0];
	v19 =	vshll.u32 v2, $0x3  }
0x3b7: {  	v18 =	vld [tilespmem:$0x5F0];
	v2 =	vand.u32 $0x7F, v2;
	v19 =	vand.u32 $0xFFFFFC00, v19;
	[tilespmem:s23+$0xFFFFFB90] =	vst v3  }
0x3b8: {  	v2 =	vor.u32 v2, v19;
	v3 =	vld.idx.msk [tilespmem:v6+s11+$0x0], $0xffff  }
0x3b9: {  	v6 =	vor.u32 v16, v2;
	_ =	sdelay $0x2  }
0x3ba: {  	v19 =	vshll.u32 v4, $0x3  }
0x3bb: {  	v4 =	vand.u32 $0x7F, v4;
	v19 =	vand.u32 $0xFFFFFC00, v19;
	[tilespmem:s23+$0xFFFFFBA0] =	vst v3  }
0x3bc: {  	v3 =	vor.u32 v4, v19;
	v4 =	vld.idx.msk [tilespmem:v6+s11+$0x0], $0xffff  }
0x3bd: {  	v6 =	vor.u32 v16, v3;
	_ =	sdelay $0x2  }
0x3be: {  	v19 =	vshll.u32 v5, $0x3  }
0x3bf: {  	v5 =	vand.u32 $0x7F, v5;
	v19 =	vand.u32 $0xFFFFFC00, v19;
	[tilespmem:s23+$0xFFFFFBB0] =	vst v4  }
0x3c0: {  	v4 =	vor.u32 v5, v19;
	v5 =	vld.idx.msk [tilespmem:v6+s11+$0x0], $0xffff  }
0x3c1: {  	v6 =	vor.u32 v16, v4;
	_ =	sdelay $0x2  }
0x3c2: {  	v19 =	vshll.u32 v7, $0x3  }
0x3c3: {  	v7 =	vand.u32 $0x7F, v7;
	v19 =	vand.u32 $0xFFFFFC00, v19;
	[tilespmem:s23+$0xFFFFFBC0] =	vst v5  }
0x3c4: {  	v5 =	vor.u32 v7, v19;
	v6 =	vld.idx.msk [tilespmem:v6+s11+$0x0], $0xffff  }
0x3c5: {  	v7 =	vor.u32 v16, v5;
	_ =	sdelay $0x2  }
0x3c6: {  	v19 =	vshll.u32 v8, $0x3  }
0x3c7: {  	v8 =	vand.u32 $0x7F, v8;
	v19 =	vand.u32 $0xFFFFFC00, v19;
	[tilespmem:s23+$0xFFFFFBD0] =	vst v6  }
0x3c8: {  	v6 =	vor.u32 v8, v19;
	v7 =	vld.idx.msk [tilespmem:v7+s11+$0x0], $0xffff  }
0x3c9: {  	v8 =	vor.u32 v16, v6;
	_ =	sdelay $0x2  }
0x3ca: {  	v19 =	vshll.u32 v9, $0x3  }
0x3cb: {  	v9 =	vand.u32 $0x7F, v9;
	v19 =	vand.u32 $0xFFFFFC00, v19;
	[tilespmem:s23+$0xFFFFFBE0] =	vst v7  }
0x3cc: {  	v7 =	vor.u32 v9, v19;
	v8 =	vld.idx.msk [tilespmem:v8+s11+$0x0], $0xffff  }
0x3cd: {  	v9 =	vor.u32 v16, v7;
	_ =	sdelay $0x2  }
0x3ce: {  	v19 =	vshll.u32 v10, $0x3  }
0x3cf: {  	v10 =	vand.u32 $0x7F, v10;
	v19 =	vand.u32 $0xFFFFFC00, v19;
	[tilespmem:s23+$0xFFFFFBF0] =	vst v8  }
0x3d0: {  	v8 =	vor.u32 v10, v19;
	v9 =	vld.idx.msk [tilespmem:v9+s11+$0x0], $0xffff  }
0x3d1: {  	v10 =	vor.u32 v16, v8;
	_ =	sdelay $0x2  }
0x3d2: {  	v19 =	vshll.u32 v11, $0x3  }
0x3d3: {  	v11 =	vand.u32 $0x7F, v11;
	v19 =	vand.u32 $0xFFFFFC00, v19;
	[tilespmem:s23+$0xFFFFFC00] =	vst v9  }
0x3d4: {  	v9 =	vor.u32 v11, v19;
	v10 =	vld.idx.msk [tilespmem:v10+s11+$0x0], $0xffff  }
0x3d5: {  	v11 =	vor.u32 v16, v9;
	_ =	sdelay $0x2  }
0x3d6: {  	v19 =	vshll.u32 v12, $0x3  }
0x3d7: {  	v12 =	vand.u32 $0x7F, v12;
	v19 =	vand.u32 $0xFFFFFC00, v19;
	[tilespmem:s23+$0xFFFFFF90] =	vst v10  }
0x3d8: {  	v10 =	vor.u32 v12, v19;
	v11 =	vld.idx.msk [tilespmem:v11+s11+$0x0], $0xffff  }
0x3d9: {  	v12 =	vor.u32 v16, v10;
	_ =	sdelay $0x2  }
0x3da: {  	v19 =	vshll.u32 v13, $0x3  }
0x3db: {  	v13 =	vand.u32 $0x7F, v13;
	v19 =	vand.u32 $0xFFFFFC00, v19;
	[tilespmem:s23+$0xFFFFFFA0] =	vst v11  }
0x3dc: {  	v11 =	vor.u32 v13, v19;
	v12 =	vld.idx.msk [tilespmem:v12+s11+$0x0], $0xffff  }
0x3dd: {  	v13 =	vor.u32 v16, v11;
	_ =	sdelay $0x2  }
0x3de: {  	v19 =	vshll.u32 v14, $0x3  }
0x3df: {  	v14 =	vand.u32 $0x7F, v14;
	v19 =	vand.u32 $0xFFFFFC00, v19;
	[tilespmem:s23+$0xFFFFFFB0] =	vst v12  }
0x3e0: {  	v12 =	vor.u32 v14, v19;
	v13 =	vld.idx.msk [tilespmem:v13+s11+$0x0], $0xffff  }
0x3e1: {  	v14 =	vor.u32 v16, v12;
	_ =	sdelay $0x2  }
0x3e2: {  	v19 =	vshll.u32 v15, $0x3  }
0x3e3: {  	v15 =	vand.u32 $0x7F, v15;
	v19 =	vand.u32 $0xFFFFFC00, v19;
	[tilespmem:s23+$0xFFFFFFC0] =	vst v13  }
0x3e4: {  	v13 =	vor.u32 v15, v19;
	v14 =	vld.idx.msk [tilespmem:v14+s11+$0x0], $0xffff  }
0x3e5: {  	v15 =	vor.u32 v16, v13;
	_ =	sdelay $0x2  }
0x3e6: {  	v19 =	vshll.u32 v17, $0x3  }
0x3e7: {  	v17 =	vand.u32 $0x7F, v17;
	v19 =	vand.u32 $0xFFFFFC00, v19;
	[tilespmem:s23+$0xFFFFFFD0] =	vst v14  }
0x3e8: {  	v14 =	vor.u32 v17, v19;
	v17 =	vld.idx.msk [tilespmem:v15+s11+$0x0], $0xffff  }
0x3e9: {  	v19 =	vor.u32 v16, v14;
	_ =	sdelay $0x2  }
0x3ea: {  	v15 =	vshll.u32 v18, $0x3  }
0x3eb: {  	v18 =	vand.u32 $0x7F, v18;
	v15 =	vand.u32 $0xFFFFFC00, v15;
	[tilespmem:s23+$0xFFFFFFE0] =	vst v17  }
0x3ec: {  	v15 =	vor.u32 v18, v15;
	v18 =	vld.idx.msk [tilespmem:v19+s11+$0x0], $0xffff  }
0x3ed: {  	v17 =	vor.u32 v16, v15  }
0x3ee: {  	s24 =	simm.s32 $0x1  }
0x3ef: {  	v16 =	vmov s24;
	s24 =	simm.s32 $0x2  }
.LBB2_13:
0x3f0: {  	p1 =	sne.s32 s24, $0x7;
	v16 =	vshll.u32 v16, $0x7  }
0x3f1: {  	v16 =	vand.u32 $0x380, v16;
	[tilespmem:s23+$0xFFFFFFF0] =	vst v18  }
0x3f2: {  	v16 =	vbroadcast v16, $0x0;
	v17 =	vld.idx.msk [tilespmem:v17+s11+$0x0], $0xffff;
	_ =	sdelay $0x1  }
0x3f3: {  	v18 =	vor.u32 v16, v0;
	_ =	sdelay $0x3  }
0x3f4: {  	[tilespmem:s23+$0x0] =	vst v17  }
0x3f5: {  	v17 =	vld.idx.msk [tilespmem:v18+s11+$0x0], $0xffff;
	_ =	sdelay $0x1  }
0x3f6: {  	v18 =	vor.u32 v16, v1;
	_ =	sdelay $0x2  }
0x3f7: {  	s23 =	sadd.s32 $0x80, s23  }
0x3f8: {  	[tilespmem:s23+$0xFFFFFB90] =	vst v17  }
0x3f9: {  	v17 =	vld.idx.msk [tilespmem:v18+s11+$0x0], $0xffff;
	_ =	sdelay $0x1  }
0x3fa: {  	v18 =	vor.u32 v16, v2;
	_ =	sdelay $0x3  }
0x3fb: {  	[tilespmem:s23+$0xFFFFFBA0] =	vst v17  }
0x3fc: {  	v17 =	vld.idx.msk [tilespmem:v18+s11+$0x0], $0xffff;
	_ =	sdelay $0x1  }
0x3fd: {  	v18 =	vor.u32 v16, v3;
	_ =	sdelay $0x3  }
0x3fe: {  	[tilespmem:s23+$0xFFFFFBB0] =	vst v17  }
0x3ff: {  	v17 =	vld.idx.msk [tilespmem:v18+s11+$0x0], $0xffff;
	_ =	sdelay $0x1  }
0x400: {  	v18 =	vor.u32 v16, v4;
	_ =	sdelay $0x3  }
0x401: {  	[tilespmem:s23+$0xFFFFFBC0] =	vst v17  }
0x402: {  	v17 =	vld.idx.msk [tilespmem:v18+s11+$0x0], $0xffff;
	_ =	sdelay $0x1  }
0x403: {  	v18 =	vor.u32 v16, v5;
	_ =	sdelay $0x3  }
0x404: {  	[tilespmem:s23+$0xFFFFFBD0] =	vst v17  }
0x405: {  	v17 =	vld.idx.msk [tilespmem:v18+s11+$0x0], $0xffff;
	_ =	sdelay $0x1  }
0x406: {  	v18 =	vor.u32 v16, v6;
	_ =	sdelay $0x3  }
0x407: {  	[tilespmem:s23+$0xFFFFFBE0] =	vst v17  }
0x408: {  	v17 =	vld.idx.msk [tilespmem:v18+s11+$0x0], $0xffff;
	_ =	sdelay $0x1  }
0x409: {  	v18 =	vor.u32 v16, v7;
	_ =	sdelay $0x3  }
0x40a: {  	[tilespmem:s23+$0xFFFFFBF0] =	vst v17  }
0x40b: {  	v17 =	vld.idx.msk [tilespmem:v18+s11+$0x0], $0xffff;
	_ =	sdelay $0x1  }
0x40c: {  	v18 =	vor.u32 v16, v8;
	_ =	sdelay $0x3  }
0x40d: {  	[tilespmem:s23+$0xFFFFFC00] =	vst v17  }
0x40e: {  	v17 =	vld.idx.msk [tilespmem:v18+s11+$0x0], $0xffff;
	_ =	sdelay $0x1  }
0x40f: {  	v18 =	vor.u32 v16, v9;
	_ =	sdelay $0x3  }
0x410: {  	[tilespmem:s23+$0xFFFFFF90] =	vst v17  }
0x411: {  	v17 =	vld.idx.msk [tilespmem:v18+s11+$0x0], $0xffff;
	_ =	sdelay $0x1  }
0x412: {  	v18 =	vor.u32 v16, v10;
	_ =	sdelay $0x3  }
0x413: {  	[tilespmem:s23+$0xFFFFFFA0] =	vst v17  }
0x414: {  	v17 =	vld.idx.msk [tilespmem:v18+s11+$0x0], $0xffff;
	_ =	sdelay $0x1  }
0x415: {  	v18 =	vor.u32 v16, v11;
	_ =	sdelay $0x3  }
0x416: {  	[tilespmem:s23+$0xFFFFFFB0] =	vst v17  }
0x417: {  	v17 =	vld.idx.msk [tilespmem:v18+s11+$0x0], $0xffff;
	_ =	sdelay $0x1  }
0x418: {  	v18 =	vor.u32 v16, v12;
	_ =	sdelay $0x3  }
0x419: {  	[tilespmem:s23+$0xFFFFFFC0] =	vst v17  }
0x41a: {  	v17 =	vld.idx.msk [tilespmem:v18+s11+$0x0], $0xffff;
	_ =	sdelay $0x1  }
0x41b: {  	v18 =	vor.u32 v16, v13;
	_ =	sdelay $0x3  }
0x41c: {  	[tilespmem:s23+$0xFFFFFFD0] =	vst v17  }
0x41d: {  	v17 =	vld.idx.msk [tilespmem:v18+s11+$0x0], $0xffff;
	_ =	sdelay $0x1  }
0x41e: {  	v18 =	vor.u32 v16, v14;
	_ =	sdelay $0x3  }
0x41f: {  	[tilespmem:s23+$0xFFFFFFE0] =	vst v17  }
.Ltmp5:
0x420: {  	v18 =	vld.idx.msk [tilespmem:v18+s11+$0x0], $0xffff;
	(pc) =	sbr.rel @p1 .LBB2_13-.Ltmp5, $3  }
0x421: {  	_ = 	snop  }
0x422: {  	v17 =	vor.u32 v16, v15;
	_ =	sdelay $0x1  }
0x423: {  	v16 =	vmov s24;
	s24 =	sadd.s32 $0x1, s24  }
0x424: {  	_ = 	snop  }
0x425: {  	v16 =	vshll.u32 v16, $0x7  }
0x426: {  	v16 =	vand.u32 $0x380, v16  }
0x427: {  	[tilespmem:s23+$0xFFFFFFF0] =	vst v18;
	v16 =	vbroadcast v16, $0x0  }
0x428: {  	v17 =	vld.idx.msk [tilespmem:v17+s11+$0x0], $0xffff  }
0x429: {  	v0 =	vor.u32 v16, v0;
	_ =	sdelay $0x3  }
0x42a: {  	[tilespmem:s23+$0x0] =	vst v17  }
0x42b: {  	v0 =	vld.idx.msk [tilespmem:v0+s11+$0x0], $0xffff  }
0x42c: {  	v1 =	vor.u32 v16, v1;
	_ =	sdelay $0x2  }
0x42d: {  	s30 =	sadd.s32 $0x80, s23  }
0x42e: {  	[tilespmem:s30+$0xFFFFFB90] =	vst v0  }
0x42f: {  	v0 =	vld.idx.msk [tilespmem:v1+s11+$0x0], $0xffff  }
0x430: {  	v1 =	vor.u32 v16, v2;
	_ =	sdelay $0x3  }
0x431: {  	[tilespmem:s30+$0xFFFFFBA0] =	vst v0  }
0x432: {  	v0 =	vld.idx.msk [tilespmem:v1+s11+$0x0], $0xffff  }
0x433: {  	v1 =	vor.u32 v16, v3;
	_ =	sdelay $0x3  }
0x434: {  	[tilespmem:s30+$0xFFFFFBB0] =	vst v0  }
0x435: {  	v0 =	vld.idx.msk [tilespmem:v1+s11+$0x0], $0xffff  }
0x436: {  	v1 =	vor.u32 v16, v4;
	_ =	sdelay $0x3  }
0x437: {  	[tilespmem:s30+$0xFFFFFBC0] =	vst v0  }
0x438: {  	v0 =	vld.idx.msk [tilespmem:v1+s11+$0x0], $0xffff  }
0x439: {  	v1 =	vor.u32 v16, v5;
	_ =	sdelay $0x3  }
0x43a: {  	[tilespmem:s30+$0xFFFFFBD0] =	vst v0  }
0x43b: {  	v0 =	vld.idx.msk [tilespmem:v1+s11+$0x0], $0xffff  }
0x43c: {  	v1 =	vor.u32 v16, v6;
	_ =	sdelay $0x3  }
0x43d: {  	[tilespmem:s30+$0xFFFFFBE0] =	vst v0  }
0x43e: {  	v0 =	vld.idx.msk [tilespmem:v1+s11+$0x0], $0xffff  }
0x43f: {  	v1 =	vor.u32 v16, v7;
	_ =	sdelay $0x3  }
0x440: {  	[tilespmem:s30+$0xFFFFFBF0] =	vst v0  }
0x441: {  	v0 =	vld.idx.msk [tilespmem:v1+s11+$0x0], $0xffff  }
0x442: {  	v1 =	vor.u32 v16, v8;
	_ =	sdelay $0x3  }
0x443: {  	[tilespmem:s30+$0xFFFFFC00] =	vst v0  }
0x444: {  	v0 =	vld.idx.msk [tilespmem:v1+s11+$0x0], $0xffff  }
0x445: {  	v1 =	vor.u32 v16, v9;
	_ =	sdelay $0x3  }
0x446: {  	[tilespmem:s30+$0xFFFFFF90] =	vst v0  }
0x447: {  	v0 =	vld.idx.msk [tilespmem:v1+s11+$0x0], $0xffff  }
0x448: {  	v1 =	vor.u32 v16, v10;
	_ =	sdelay $0x3  }
0x449: {  	[tilespmem:s30+$0xFFFFFFA0] =	vst v0  }
0x44a: {  	v0 =	vld.idx.msk [tilespmem:v1+s11+$0x0], $0xffff  }
0x44b: {  	v1 =	vor.u32 v16, v11;
	_ =	sdelay $0x3  }
0x44c: {  	[tilespmem:s30+$0xFFFFFFB0] =	vst v0  }
0x44d: {  	v0 =	vld.idx.msk [tilespmem:v1+s11+$0x0], $0xffff  }
0x44e: {  	v1 =	vor.u32 v16, v12;
	_ =	sdelay $0x3  }
0x44f: {  	[tilespmem:s30+$0xFFFFFFC0] =	vst v0  }
0x450: {  	v0 =	vld.idx.msk [tilespmem:v1+s11+$0x0], $0xffff  }
0x451: {  	v1 =	vor.u32 v16, v13;
	_ =	sdelay $0x3  }
0x452: {  	[tilespmem:s30+$0xFFFFFFD0] =	vst v0  }
0x453: {  	v0 =	vld.idx.msk [tilespmem:v1+s11+$0x0], $0xffff  }
0x454: {  	v1 =	vor.u32 v16, v14;
	_ =	sdelay $0x3  }
0x455: {  	[tilespmem:s30+$0xFFFFFFE0] =	vst v0  }
0x456: {  	v0 =	vld.idx.msk [tilespmem:v1+s11+$0x0], $0xffff  }
0x457: {  	v1 =	vor.u32 v16, v15;
	_ =	sdelay $0x3  }
0x458: {  	[tilespmem:s30+$0xFFFFFFF0] =	vst v0  }
0x459: {  	v0 =	vld.idx.msk [tilespmem:v1+s11+$0x0], $0xffff;
	_ =	sdelay $0x4  }
0x45a: {  	[tilespmem:s30+$0x0] =	vst v0  }
0x45b: {  	v0 =	vld [tilespmem:$0x600];
	_ =	sdelay $0x1  }
0x45c: {  	s31 =	simm.s32 $0x0  }
0x45d: {  	v3 =	vmov s31;
	v1 =	vld [tilespmem:$0x610]  }
0x45e: {  	v3 =	vshll.u32 v3, $0x7;
	v2 =	vld [tilespmem:$0x620]  }
0x45f: {  	v3 =	vand.u32 $0x380, v3;
	v4 =	vld [tilespmem:$0x630];
	v6 =	vshll.u32 v0, $0x3  }
0x460: {  	v16 =	vbroadcast v3, $0x0;
	v5 =	vld [tilespmem:$0x640];
	v0 =	vand.u32 $0x7F, v0;
	v6 =	vand.u32 $0xFFFFFC00, v6  }
0x461: {  	v7 =	vld [tilespmem:$0x650];
	v0 =	vor.u32 v0, v6  }
0x462: {  	v8 =	vld [tilespmem:$0x660];
	v3 =	vor.u32 v16, v0  }
0x463: {  	v9 =	vld [tilespmem:$0x670]  }
0x464: {  	v10 =	vld [tilespmem:$0x680]  }
0x465: {  	v11 =	vld [tilespmem:$0x690];
	v6 =	vshll.u32 v1, $0x3  }
0x466: {  	v12 =	vld [tilespmem:$0x6A0];
	v1 =	vand.u32 $0x7F, v1;
	v6 =	vand.u32 $0xFFFFFC00, v6  }
0x467: {  	v1 =	vor.u32 v1, v6;
	v3 =	vld.idx.msk [tilespmem:v3+s11+$0x0], $0xffff  }
0x468: {  	v13 =	vld [tilespmem:$0x6B0];
	v6 =	vor.u32 v16, v1  }
0x469: {  	v14 =	vld [tilespmem:$0x6C0]  }
0x46a: {  	v15 =	vld [tilespmem:$0x6D0]  }
0x46b: {  	s23 =	simm.s32 $0xBC70;
	v17 =	vld [tilespmem:$0x6E0];
	v19 =	vshll.u32 v2, $0x3  }
0x46c: {  	v18 =	vld [tilespmem:$0x6F0];
	v2 =	vand.u32 $0x7F, v2;
	v19 =	vand.u32 $0xFFFFFC00, v19;
	[tilespmem:s23+$0xFFFFFB90] =	vst v3  }
0x46d: {  	v2 =	vor.u32 v2, v19;
	v3 =	vld.idx.msk [tilespmem:v6+s11+$0x0], $0xffff  }
0x46e: {  	v6 =	vor.u32 v16, v2;
	_ =	sdelay $0x2  }
0x46f: {  	v19 =	vshll.u32 v4, $0x3  }
0x470: {  	v4 =	vand.u32 $0x7F, v4;
	v19 =	vand.u32 $0xFFFFFC00, v19;
	[tilespmem:s23+$0xFFFFFBA0] =	vst v3  }
0x471: {  	v3 =	vor.u32 v4, v19;
	v4 =	vld.idx.msk [tilespmem:v6+s11+$0x0], $0xffff  }
0x472: {  	v6 =	vor.u32 v16, v3;
	_ =	sdelay $0x2  }
0x473: {  	v19 =	vshll.u32 v5, $0x3  }
0x474: {  	v5 =	vand.u32 $0x7F, v5;
	v19 =	vand.u32 $0xFFFFFC00, v19;
	[tilespmem:s23+$0xFFFFFBB0] =	vst v4  }
0x475: {  	v4 =	vor.u32 v5, v19;
	v5 =	vld.idx.msk [tilespmem:v6+s11+$0x0], $0xffff  }
0x476: {  	v6 =	vor.u32 v16, v4;
	_ =	sdelay $0x2  }
0x477: {  	v19 =	vshll.u32 v7, $0x3  }
0x478: {  	v7 =	vand.u32 $0x7F, v7;
	v19 =	vand.u32 $0xFFFFFC00, v19;
	[tilespmem:s23+$0xFFFFFBC0] =	vst v5  }
0x479: {  	v5 =	vor.u32 v7, v19;
	v6 =	vld.idx.msk [tilespmem:v6+s11+$0x0], $0xffff  }
0x47a: {  	v7 =	vor.u32 v16, v5;
	_ =	sdelay $0x2  }
0x47b: {  	v19 =	vshll.u32 v8, $0x3  }
0x47c: {  	v8 =	vand.u32 $0x7F, v8;
	v19 =	vand.u32 $0xFFFFFC00, v19;
	[tilespmem:s23+$0xFFFFFBD0] =	vst v6  }
0x47d: {  	v6 =	vor.u32 v8, v19;
	v7 =	vld.idx.msk [tilespmem:v7+s11+$0x0], $0xffff  }
0x47e: {  	v8 =	vor.u32 v16, v6;
	_ =	sdelay $0x2  }
0x47f: {  	v19 =	vshll.u32 v9, $0x3  }
0x480: {  	v9 =	vand.u32 $0x7F, v9;
	v19 =	vand.u32 $0xFFFFFC00, v19;
	[tilespmem:s23+$0xFFFFFBE0] =	vst v7  }
0x481: {  	v7 =	vor.u32 v9, v19;
	v8 =	vld.idx.msk [tilespmem:v8+s11+$0x0], $0xffff  }
0x482: {  	v9 =	vor.u32 v16, v7;
	_ =	sdelay $0x2  }
0x483: {  	v19 =	vshll.u32 v10, $0x3  }
0x484: {  	v10 =	vand.u32 $0x7F, v10;
	v19 =	vand.u32 $0xFFFFFC00, v19;
	[tilespmem:s23+$0xFFFFFBF0] =	vst v8  }
0x485: {  	v8 =	vor.u32 v10, v19;
	v9 =	vld.idx.msk [tilespmem:v9+s11+$0x0], $0xffff  }
0x486: {  	v10 =	vor.u32 v16, v8;
	_ =	sdelay $0x2  }
0x487: {  	v19 =	vshll.u32 v11, $0x3  }
0x488: {  	v11 =	vand.u32 $0x7F, v11;
	v19 =	vand.u32 $0xFFFFFC00, v19;
	[tilespmem:s23+$0xFFFFFC00] =	vst v9  }
0x489: {  	v9 =	vor.u32 v11, v19;
	v10 =	vld.idx.msk [tilespmem:v10+s11+$0x0], $0xffff  }
0x48a: {  	v11 =	vor.u32 v16, v9;
	_ =	sdelay $0x2  }
0x48b: {  	v19 =	vshll.u32 v12, $0x3  }
0x48c: {  	v12 =	vand.u32 $0x7F, v12;
	v19 =	vand.u32 $0xFFFFFC00, v19;
	[tilespmem:s23+$0xFFFFFF90] =	vst v10  }
0x48d: {  	v10 =	vor.u32 v12, v19;
	v11 =	vld.idx.msk [tilespmem:v11+s11+$0x0], $0xffff  }
0x48e: {  	v12 =	vor.u32 v16, v10;
	_ =	sdelay $0x2  }
0x48f: {  	v19 =	vshll.u32 v13, $0x3  }
0x490: {  	v13 =	vand.u32 $0x7F, v13;
	v19 =	vand.u32 $0xFFFFFC00, v19;
	[tilespmem:s23+$0xFFFFFFA0] =	vst v11  }
0x491: {  	v11 =	vor.u32 v13, v19;
	v12 =	vld.idx.msk [tilespmem:v12+s11+$0x0], $0xffff  }
0x492: {  	v13 =	vor.u32 v16, v11;
	_ =	sdelay $0x2  }
0x493: {  	v19 =	vshll.u32 v14, $0x3  }
0x494: {  	v14 =	vand.u32 $0x7F, v14;
	v19 =	vand.u32 $0xFFFFFC00, v19;
	[tilespmem:s23+$0xFFFFFFB0] =	vst v12  }
0x495: {  	v12 =	vor.u32 v14, v19;
	v13 =	vld.idx.msk [tilespmem:v13+s11+$0x0], $0xffff  }
0x496: {  	v14 =	vor.u32 v16, v12;
	_ =	sdelay $0x2  }
0x497: {  	v19 =	vshll.u32 v15, $0x3  }
0x498: {  	v15 =	vand.u32 $0x7F, v15;
	v19 =	vand.u32 $0xFFFFFC00, v19;
	[tilespmem:s23+$0xFFFFFFC0] =	vst v13  }
0x499: {  	v13 =	vor.u32 v15, v19;
	v14 =	vld.idx.msk [tilespmem:v14+s11+$0x0], $0xffff  }
0x49a: {  	v15 =	vor.u32 v16, v13;
	_ =	sdelay $0x2  }
0x49b: {  	v19 =	vshll.u32 v17, $0x3  }
0x49c: {  	v17 =	vand.u32 $0x7F, v17;
	v19 =	vand.u32 $0xFFFFFC00, v19;
	[tilespmem:s23+$0xFFFFFFD0] =	vst v14  }
0x49d: {  	v14 =	vor.u32 v17, v19;
	v17 =	vld.idx.msk [tilespmem:v15+s11+$0x0], $0xffff  }
0x49e: {  	v19 =	vor.u32 v16, v14;
	_ =	sdelay $0x2  }
0x49f: {  	v15 =	vshll.u32 v18, $0x3  }
0x4a0: {  	v18 =	vand.u32 $0x7F, v18;
	v15 =	vand.u32 $0xFFFFFC00, v15;
	[tilespmem:s23+$0xFFFFFFE0] =	vst v17  }
0x4a1: {  	v15 =	vor.u32 v18, v15;
	v18 =	vld.idx.msk [tilespmem:v19+s11+$0x0], $0xffff  }
0x4a2: {  	v17 =	vor.u32 v16, v15  }
0x4a3: {  	s24 =	simm.s32 $0x1  }
0x4a4: {  	v16 =	vmov s24;
	s24 =	simm.s32 $0x2  }
.LBB2_15:
0x4a5: {  	p1 =	sne.s32 s24, $0x7;
	v16 =	vshll.u32 v16, $0x7  }
0x4a6: {  	v16 =	vand.u32 $0x380, v16;
	[tilespmem:s23+$0xFFFFFFF0] =	vst v18  }
0x4a7: {  	v16 =	vbroadcast v16, $0x0;
	v17 =	vld.idx.msk [tilespmem:v17+s11+$0x0], $0xffff;
	_ =	sdelay $0x1  }
0x4a8: {  	v18 =	vor.u32 v16, v0;
	_ =	sdelay $0x3  }
0x4a9: {  	[tilespmem:s23+$0x0] =	vst v17  }
0x4aa: {  	v17 =	vld.idx.msk [tilespmem:v18+s11+$0x0], $0xffff;
	_ =	sdelay $0x1  }
0x4ab: {  	v18 =	vor.u32 v16, v1;
	_ =	sdelay $0x2  }
0x4ac: {  	s23 =	sadd.s32 $0x80, s23  }
0x4ad: {  	[tilespmem:s23+$0xFFFFFB90] =	vst v17  }
0x4ae: {  	v17 =	vld.idx.msk [tilespmem:v18+s11+$0x0], $0xffff;
	_ =	sdelay $0x1  }
0x4af: {  	v18 =	vor.u32 v16, v2;
	_ =	sdelay $0x3  }
0x4b0: {  	[tilespmem:s23+$0xFFFFFBA0] =	vst v17  }
0x4b1: {  	v17 =	vld.idx.msk [tilespmem:v18+s11+$0x0], $0xffff;
	_ =	sdelay $0x1  }
0x4b2: {  	v18 =	vor.u32 v16, v3;
	_ =	sdelay $0x3  }
0x4b3: {  	[tilespmem:s23+$0xFFFFFBB0] =	vst v17  }
0x4b4: {  	v17 =	vld.idx.msk [tilespmem:v18+s11+$0x0], $0xffff;
	_ =	sdelay $0x1  }
0x4b5: {  	v18 =	vor.u32 v16, v4;
	_ =	sdelay $0x3  }
0x4b6: {  	[tilespmem:s23+$0xFFFFFBC0] =	vst v17  }
0x4b7: {  	v17 =	vld.idx.msk [tilespmem:v18+s11+$0x0], $0xffff;
	_ =	sdelay $0x1  }
0x4b8: {  	v18 =	vor.u32 v16, v5;
	_ =	sdelay $0x3  }
0x4b9: {  	[tilespmem:s23+$0xFFFFFBD0] =	vst v17  }
0x4ba: {  	v17 =	vld.idx.msk [tilespmem:v18+s11+$0x0], $0xffff;
	_ =	sdelay $0x1  }
0x4bb: {  	v18 =	vor.u32 v16, v6;
	_ =	sdelay $0x3  }
0x4bc: {  	[tilespmem:s23+$0xFFFFFBE0] =	vst v17  }
0x4bd: {  	v17 =	vld.idx.msk [tilespmem:v18+s11+$0x0], $0xffff;
	_ =	sdelay $0x1  }
0x4be: {  	v18 =	vor.u32 v16, v7;
	_ =	sdelay $0x3  }
0x4bf: {  	[tilespmem:s23+$0xFFFFFBF0] =	vst v17  }
0x4c0: {  	v17 =	vld.idx.msk [tilespmem:v18+s11+$0x0], $0xffff;
	_ =	sdelay $0x1  }
0x4c1: {  	v18 =	vor.u32 v16, v8;
	_ =	sdelay $0x3  }
0x4c2: {  	[tilespmem:s23+$0xFFFFFC00] =	vst v17  }
0x4c3: {  	v17 =	vld.idx.msk [tilespmem:v18+s11+$0x0], $0xffff;
	_ =	sdelay $0x1  }
0x4c4: {  	v18 =	vor.u32 v16, v9;
	_ =	sdelay $0x3  }
0x4c5: {  	[tilespmem:s23+$0xFFFFFF90] =	vst v17  }
0x4c6: {  	v17 =	vld.idx.msk [tilespmem:v18+s11+$0x0], $0xffff;
	_ =	sdelay $0x1  }
0x4c7: {  	v18 =	vor.u32 v16, v10;
	_ =	sdelay $0x3  }
0x4c8: {  	[tilespmem:s23+$0xFFFFFFA0] =	vst v17  }
0x4c9: {  	v17 =	vld.idx.msk [tilespmem:v18+s11+$0x0], $0xffff;
	_ =	sdelay $0x1  }
0x4ca: {  	v18 =	vor.u32 v16, v11;
	_ =	sdelay $0x3  }
0x4cb: {  	[tilespmem:s23+$0xFFFFFFB0] =	vst v17  }
0x4cc: {  	v17 =	vld.idx.msk [tilespmem:v18+s11+$0x0], $0xffff;
	_ =	sdelay $0x1  }
0x4cd: {  	v18 =	vor.u32 v16, v12;
	_ =	sdelay $0x3  }
0x4ce: {  	[tilespmem:s23+$0xFFFFFFC0] =	vst v17  }
0x4cf: {  	v17 =	vld.idx.msk [tilespmem:v18+s11+$0x0], $0xffff;
	_ =	sdelay $0x1  }
0x4d0: {  	v18 =	vor.u32 v16, v13;
	_ =	sdelay $0x3  }
0x4d1: {  	[tilespmem:s23+$0xFFFFFFD0] =	vst v17  }
0x4d2: {  	v17 =	vld.idx.msk [tilespmem:v18+s11+$0x0], $0xffff;
	_ =	sdelay $0x1  }
0x4d3: {  	v18 =	vor.u32 v16, v14;
	_ =	sdelay $0x3  }
0x4d4: {  	[tilespmem:s23+$0xFFFFFFE0] =	vst v17  }
.Ltmp6:
0x4d5: {  	v18 =	vld.idx.msk [tilespmem:v18+s11+$0x0], $0xffff;
	(pc) =	sbr.rel @p1 .LBB2_15-.Ltmp6, $3  }
0x4d6: {  	_ = 	snop  }
0x4d7: {  	v17 =	vor.u32 v16, v15;
	_ =	sdelay $0x1  }
0x4d8: {  	v16 =	vmov s24;
	s24 =	sadd.s32 $0x1, s24  }
0x4d9: {  	_ = 	snop  }
0x4da: {  	v16 =	vshll.u32 v16, $0x7  }
0x4db: {  	v16 =	vand.u32 $0x380, v16  }
0x4dc: {  	[tilespmem:s23+$0xFFFFFFF0] =	vst v18;
	v16 =	vbroadcast v16, $0x0  }
0x4dd: {  	v17 =	vld.idx.msk [tilespmem:v17+s11+$0x0], $0xffff  }
0x4de: {  	v0 =	vor.u32 v16, v0;
	_ =	sdelay $0x3  }
0x4df: {  	[tilespmem:s23+$0x0] =	vst v17  }
0x4e0: {  	v0 =	vld.idx.msk [tilespmem:v0+s11+$0x0], $0xffff  }
0x4e1: {  	v1 =	vor.u32 v16, v1;
	_ =	sdelay $0x2  }
0x4e2: {  	s30 =	sadd.s32 $0x80, s23  }
0x4e3: {  	[tilespmem:s30+$0xFFFFFB90] =	vst v0  }
0x4e4: {  	v0 =	vld.idx.msk [tilespmem:v1+s11+$0x0], $0xffff  }
0x4e5: {  	v1 =	vor.u32 v16, v2;
	_ =	sdelay $0x3  }
0x4e6: {  	[tilespmem:s30+$0xFFFFFBA0] =	vst v0  }
0x4e7: {  	v0 =	vld.idx.msk [tilespmem:v1+s11+$0x0], $0xffff  }
0x4e8: {  	v1 =	vor.u32 v16, v3;
	_ =	sdelay $0x3  }
0x4e9: {  	[tilespmem:s30+$0xFFFFFBB0] =	vst v0  }
0x4ea: {  	v0 =	vld.idx.msk [tilespmem:v1+s11+$0x0], $0xffff  }
0x4eb: {  	v1 =	vor.u32 v16, v4;
	_ =	sdelay $0x3  }
0x4ec: {  	[tilespmem:s30+$0xFFFFFBC0] =	vst v0  }
0x4ed: {  	v0 =	vld.idx.msk [tilespmem:v1+s11+$0x0], $0xffff  }
0x4ee: {  	v1 =	vor.u32 v16, v5;
	_ =	sdelay $0x3  }
0x4ef: {  	[tilespmem:s30+$0xFFFFFBD0] =	vst v0  }
0x4f0: {  	v0 =	vld.idx.msk [tilespmem:v1+s11+$0x0], $0xffff  }
0x4f1: {  	v1 =	vor.u32 v16, v6;
	_ =	sdelay $0x3  }
0x4f2: {  	[tilespmem:s30+$0xFFFFFBE0] =	vst v0  }
0x4f3: {  	v0 =	vld.idx.msk [tilespmem:v1+s11+$0x0], $0xffff  }
0x4f4: {  	v1 =	vor.u32 v16, v7;
	_ =	sdelay $0x3  }
0x4f5: {  	[tilespmem:s30+$0xFFFFFBF0] =	vst v0  }
0x4f6: {  	v0 =	vld.idx.msk [tilespmem:v1+s11+$0x0], $0xffff  }
0x4f7: {  	v1 =	vor.u32 v16, v8;
	_ =	sdelay $0x3  }
0x4f8: {  	[tilespmem:s30+$0xFFFFFC00] =	vst v0  }
0x4f9: {  	v0 =	vld.idx.msk [tilespmem:v1+s11+$0x0], $0xffff  }
0x4fa: {  	v1 =	vor.u32 v16, v9;
	_ =	sdelay $0x3  }
0x4fb: {  	[tilespmem:s30+$0xFFFFFF90] =	vst v0  }
0x4fc: {  	v0 =	vld.idx.msk [tilespmem:v1+s11+$0x0], $0xffff  }
0x4fd: {  	v1 =	vor.u32 v16, v10;
	_ =	sdelay $0x3  }
0x4fe: {  	[tilespmem:s30+$0xFFFFFFA0] =	vst v0  }
0x4ff: {  	v0 =	vld.idx.msk [tilespmem:v1+s11+$0x0], $0xffff  }
0x500: {  	v1 =	vor.u32 v16, v11;
	_ =	sdelay $0x3  }
0x501: {  	[tilespmem:s30+$0xFFFFFFB0] =	vst v0  }
0x502: {  	v0 =	vld.idx.msk [tilespmem:v1+s11+$0x0], $0xffff  }
0x503: {  	v1 =	vor.u32 v16, v12;
	_ =	sdelay $0x3  }
0x504: {  	[tilespmem:s30+$0xFFFFFFC0] =	vst v0  }
0x505: {  	v0 =	vld.idx.msk [tilespmem:v1+s11+$0x0], $0xffff  }
0x506: {  	v1 =	vor.u32 v16, v13;
	_ =	sdelay $0x3  }
0x507: {  	[tilespmem:s30+$0xFFFFFFD0] =	vst v0  }
0x508: {  	v0 =	vld.idx.msk [tilespmem:v1+s11+$0x0], $0xffff  }
0x509: {  	v1 =	vor.u32 v16, v14;
	_ =	sdelay $0x3  }
0x50a: {  	[tilespmem:s30+$0xFFFFFFE0] =	vst v0  }
0x50b: {  	v0 =	vld.idx.msk [tilespmem:v1+s11+$0x0], $0xffff  }
0x50c: {  	v1 =	vor.u32 v16, v15;
	_ =	sdelay $0x3  }
0x50d: {  	[tilespmem:s30+$0xFFFFFFF0] =	vst v0  }
0x50e: {  	v0 =	vld.idx.msk [tilespmem:v1+s11+$0x0], $0xffff;
	_ =	sdelay $0x4  }
0x50f: {  	[tilespmem:s30+$0x0] =	vst v0  }
0x510: {  	v0 =	vld [tilespmem:$0x700];
	_ =	sdelay $0x1  }
0x511: {  	s31 =	simm.s32 $0x0  }
0x512: {  	v3 =	vmov s31;
	v1 =	vld [tilespmem:$0x710]  }
0x513: {  	v3 =	vshll.u32 v3, $0x7;
	v2 =	vld [tilespmem:$0x720]  }
0x514: {  	v3 =	vand.u32 $0x380, v3;
	v4 =	vld [tilespmem:$0x730];
	v6 =	vshll.u32 v0, $0x3  }
0x515: {  	v16 =	vbroadcast v3, $0x0;
	v5 =	vld [tilespmem:$0x740];
	v0 =	vand.u32 $0x7F, v0;
	v6 =	vand.u32 $0xFFFFFC00, v6  }
0x516: {  	v7 =	vld [tilespmem:$0x750];
	v0 =	vor.u32 v0, v6  }
0x517: {  	v8 =	vld [tilespmem:$0x760];
	v3 =	vor.u32 v16, v0  }
0x518: {  	v9 =	vld [tilespmem:$0x770]  }
0x519: {  	v10 =	vld [tilespmem:$0x780]  }
0x51a: {  	v11 =	vld [tilespmem:$0x790];
	v6 =	vshll.u32 v1, $0x3  }
0x51b: {  	v12 =	vld [tilespmem:$0x7A0];
	v1 =	vand.u32 $0x7F, v1;
	v6 =	vand.u32 $0xFFFFFC00, v6  }
0x51c: {  	v1 =	vor.u32 v1, v6;
	v3 =	vld.idx.msk [tilespmem:v3+s11+$0x0], $0xffff  }
0x51d: {  	v13 =	vld [tilespmem:$0x7B0];
	v6 =	vor.u32 v16, v1  }
0x51e: {  	v14 =	vld [tilespmem:$0x7C0]  }
0x51f: {  	v15 =	vld [tilespmem:$0x7D0]  }
0x520: {  	s23 =	simm.s32 $0xC470;
	v17 =	vld [tilespmem:$0x7E0];
	v19 =	vshll.u32 v2, $0x3  }
0x521: {  	v18 =	vld [tilespmem:$0x7F0];
	v2 =	vand.u32 $0x7F, v2;
	v19 =	vand.u32 $0xFFFFFC00, v19;
	[tilespmem:s23+$0xFFFFFB90] =	vst v3  }
0x522: {  	v2 =	vor.u32 v2, v19;
	v3 =	vld.idx.msk [tilespmem:v6+s11+$0x0], $0xffff  }
0x523: {  	v6 =	vor.u32 v16, v2;
	_ =	sdelay $0x2  }
0x524: {  	v19 =	vshll.u32 v4, $0x3  }
0x525: {  	v4 =	vand.u32 $0x7F, v4;
	v19 =	vand.u32 $0xFFFFFC00, v19;
	[tilespmem:s23+$0xFFFFFBA0] =	vst v3  }
0x526: {  	v3 =	vor.u32 v4, v19;
	v4 =	vld.idx.msk [tilespmem:v6+s11+$0x0], $0xffff  }
0x527: {  	v6 =	vor.u32 v16, v3;
	_ =	sdelay $0x2  }
0x528: {  	v19 =	vshll.u32 v5, $0x3  }
0x529: {  	v5 =	vand.u32 $0x7F, v5;
	v19 =	vand.u32 $0xFFFFFC00, v19;
	[tilespmem:s23+$0xFFFFFBB0] =	vst v4  }
0x52a: {  	v4 =	vor.u32 v5, v19;
	v5 =	vld.idx.msk [tilespmem:v6+s11+$0x0], $0xffff  }
0x52b: {  	v6 =	vor.u32 v16, v4;
	_ =	sdelay $0x2  }
0x52c: {  	v19 =	vshll.u32 v7, $0x3  }
0x52d: {  	v7 =	vand.u32 $0x7F, v7;
	v19 =	vand.u32 $0xFFFFFC00, v19;
	[tilespmem:s23+$0xFFFFFBC0] =	vst v5  }
0x52e: {  	v5 =	vor.u32 v7, v19;
	v6 =	vld.idx.msk [tilespmem:v6+s11+$0x0], $0xffff  }
0x52f: {  	v7 =	vor.u32 v16, v5;
	_ =	sdelay $0x2  }
0x530: {  	v19 =	vshll.u32 v8, $0x3  }
0x531: {  	v8 =	vand.u32 $0x7F, v8;
	v19 =	vand.u32 $0xFFFFFC00, v19;
	[tilespmem:s23+$0xFFFFFBD0] =	vst v6  }
0x532: {  	v6 =	vor.u32 v8, v19;
	v7 =	vld.idx.msk [tilespmem:v7+s11+$0x0], $0xffff  }
0x533: {  	v8 =	vor.u32 v16, v6;
	_ =	sdelay $0x2  }
0x534: {  	v19 =	vshll.u32 v9, $0x3  }
0x535: {  	v9 =	vand.u32 $0x7F, v9;
	v19 =	vand.u32 $0xFFFFFC00, v19;
	[tilespmem:s23+$0xFFFFFBE0] =	vst v7  }
0x536: {  	v7 =	vor.u32 v9, v19;
	v8 =	vld.idx.msk [tilespmem:v8+s11+$0x0], $0xffff  }
0x537: {  	v9 =	vor.u32 v16, v7;
	_ =	sdelay $0x2  }
0x538: {  	v19 =	vshll.u32 v10, $0x3  }
0x539: {  	v10 =	vand.u32 $0x7F, v10;
	v19 =	vand.u32 $0xFFFFFC00, v19;
	[tilespmem:s23+$0xFFFFFBF0] =	vst v8  }
0x53a: {  	v8 =	vor.u32 v10, v19;
	v9 =	vld.idx.msk [tilespmem:v9+s11+$0x0], $0xffff  }
0x53b: {  	v10 =	vor.u32 v16, v8;
	_ =	sdelay $0x2  }
0x53c: {  	v19 =	vshll.u32 v11, $0x3  }
0x53d: {  	v11 =	vand.u32 $0x7F, v11;
	v19 =	vand.u32 $0xFFFFFC00, v19;
	[tilespmem:s23+$0xFFFFFC00] =	vst v9  }
0x53e: {  	v9 =	vor.u32 v11, v19;
	v10 =	vld.idx.msk [tilespmem:v10+s11+$0x0], $0xffff  }
0x53f: {  	v11 =	vor.u32 v16, v9;
	_ =	sdelay $0x2  }
0x540: {  	v19 =	vshll.u32 v12, $0x3  }
0x541: {  	v12 =	vand.u32 $0x7F, v12;
	v19 =	vand.u32 $0xFFFFFC00, v19;
	[tilespmem:s23+$0xFFFFFF90] =	vst v10  }
0x542: {  	v10 =	vor.u32 v12, v19;
	v11 =	vld.idx.msk [tilespmem:v11+s11+$0x0], $0xffff  }
0x543: {  	v12 =	vor.u32 v16, v10;
	_ =	sdelay $0x2  }
0x544: {  	v19 =	vshll.u32 v13, $0x3  }
0x545: {  	v13 =	vand.u32 $0x7F, v13;
	v19 =	vand.u32 $0xFFFFFC00, v19;
	[tilespmem:s23+$0xFFFFFFA0] =	vst v11  }
0x546: {  	v11 =	vor.u32 v13, v19;
	v12 =	vld.idx.msk [tilespmem:v12+s11+$0x0], $0xffff  }
0x547: {  	v13 =	vor.u32 v16, v11;
	_ =	sdelay $0x2  }
0x548: {  	v19 =	vshll.u32 v14, $0x3  }
0x549: {  	v14 =	vand.u32 $0x7F, v14;
	v19 =	vand.u32 $0xFFFFFC00, v19;
	[tilespmem:s23+$0xFFFFFFB0] =	vst v12  }
0x54a: {  	v12 =	vor.u32 v14, v19;
	v13 =	vld.idx.msk [tilespmem:v13+s11+$0x0], $0xffff  }
0x54b: {  	v14 =	vor.u32 v16, v12;
	_ =	sdelay $0x2  }
0x54c: {  	v19 =	vshll.u32 v15, $0x3  }
0x54d: {  	v15 =	vand.u32 $0x7F, v15;
	v19 =	vand.u32 $0xFFFFFC00, v19;
	[tilespmem:s23+$0xFFFFFFC0] =	vst v13  }
0x54e: {  	v13 =	vor.u32 v15, v19;
	v14 =	vld.idx.msk [tilespmem:v14+s11+$0x0], $0xffff  }
0x54f: {  	v15 =	vor.u32 v16, v13;
	_ =	sdelay $0x2  }
0x550: {  	v19 =	vshll.u32 v17, $0x3  }
0x551: {  	v17 =	vand.u32 $0x7F, v17;
	v19 =	vand.u32 $0xFFFFFC00, v19;
	[tilespmem:s23+$0xFFFFFFD0] =	vst v14  }
0x552: {  	v14 =	vor.u32 v17, v19;
	v17 =	vld.idx.msk [tilespmem:v15+s11+$0x0], $0xffff  }
0x553: {  	v19 =	vor.u32 v16, v14;
	_ =	sdelay $0x2  }
0x554: {  	v15 =	vshll.u32 v18, $0x3  }
0x555: {  	v18 =	vand.u32 $0x7F, v18;
	v15 =	vand.u32 $0xFFFFFC00, v15;
	[tilespmem:s23+$0xFFFFFFE0] =	vst v17  }
0x556: {  	v15 =	vor.u32 v18, v15;
	v18 =	vld.idx.msk [tilespmem:v19+s11+$0x0], $0xffff  }
0x557: {  	v17 =	vor.u32 v16, v15  }
0x558: {  	s24 =	simm.s32 $0x1  }
0x559: {  	v16 =	vmov s24;
	s24 =	simm.s32 $0x2  }
.LBB2_17:
0x55a: {  	p1 =	sne.s32 s24, $0x7;
	v16 =	vshll.u32 v16, $0x7  }
0x55b: {  	v16 =	vand.u32 $0x380, v16;
	[tilespmem:s23+$0xFFFFFFF0] =	vst v18  }
0x55c: {  	v16 =	vbroadcast v16, $0x0;
	v17 =	vld.idx.msk [tilespmem:v17+s11+$0x0], $0xffff;
	_ =	sdelay $0x1  }
0x55d: {  	v18 =	vor.u32 v16, v0;
	_ =	sdelay $0x3  }
0x55e: {  	[tilespmem:s23+$0x0] =	vst v17  }
0x55f: {  	v17 =	vld.idx.msk [tilespmem:v18+s11+$0x0], $0xffff;
	_ =	sdelay $0x1  }
0x560: {  	v18 =	vor.u32 v16, v1;
	_ =	sdelay $0x2  }
0x561: {  	s23 =	sadd.s32 $0x80, s23  }
0x562: {  	[tilespmem:s23+$0xFFFFFB90] =	vst v17  }
0x563: {  	v17 =	vld.idx.msk [tilespmem:v18+s11+$0x0], $0xffff;
	_ =	sdelay $0x1  }
0x564: {  	v18 =	vor.u32 v16, v2;
	_ =	sdelay $0x3  }
0x565: {  	[tilespmem:s23+$0xFFFFFBA0] =	vst v17  }
0x566: {  	v17 =	vld.idx.msk [tilespmem:v18+s11+$0x0], $0xffff;
	_ =	sdelay $0x1  }
0x567: {  	v18 =	vor.u32 v16, v3;
	_ =	sdelay $0x3  }
0x568: {  	[tilespmem:s23+$0xFFFFFBB0] =	vst v17  }
0x569: {  	v17 =	vld.idx.msk [tilespmem:v18+s11+$0x0], $0xffff;
	_ =	sdelay $0x1  }
0x56a: {  	v18 =	vor.u32 v16, v4;
	_ =	sdelay $0x3  }
0x56b: {  	[tilespmem:s23+$0xFFFFFBC0] =	vst v17  }
0x56c: {  	v17 =	vld.idx.msk [tilespmem:v18+s11+$0x0], $0xffff;
	_ =	sdelay $0x1  }
0x56d: {  	v18 =	vor.u32 v16, v5;
	_ =	sdelay $0x3  }
0x56e: {  	[tilespmem:s23+$0xFFFFFBD0] =	vst v17  }
0x56f: {  	v17 =	vld.idx.msk [tilespmem:v18+s11+$0x0], $0xffff;
	_ =	sdelay $0x1  }
0x570: {  	v18 =	vor.u32 v16, v6;
	_ =	sdelay $0x3  }
0x571: {  	[tilespmem:s23+$0xFFFFFBE0] =	vst v17  }
0x572: {  	v17 =	vld.idx.msk [tilespmem:v18+s11+$0x0], $0xffff;
	_ =	sdelay $0x1  }
0x573: {  	v18 =	vor.u32 v16, v7;
	_ =	sdelay $0x3  }
0x574: {  	[tilespmem:s23+$0xFFFFFBF0] =	vst v17  }
0x575: {  	v17 =	vld.idx.msk [tilespmem:v18+s11+$0x0], $0xffff;
	_ =	sdelay $0x1  }
0x576: {  	v18 =	vor.u32 v16, v8;
	_ =	sdelay $0x3  }
0x577: {  	[tilespmem:s23+$0xFFFFFC00] =	vst v17  }
0x578: {  	v17 =	vld.idx.msk [tilespmem:v18+s11+$0x0], $0xffff;
	_ =	sdelay $0x1  }
0x579: {  	v18 =	vor.u32 v16, v9;
	_ =	sdelay $0x3  }
0x57a: {  	[tilespmem:s23+$0xFFFFFF90] =	vst v17  }
0x57b: {  	v17 =	vld.idx.msk [tilespmem:v18+s11+$0x0], $0xffff;
	_ =	sdelay $0x1  }
0x57c: {  	v18 =	vor.u32 v16, v10;
	_ =	sdelay $0x3  }
0x57d: {  	[tilespmem:s23+$0xFFFFFFA0] =	vst v17  }
0x57e: {  	v17 =	vld.idx.msk [tilespmem:v18+s11+$0x0], $0xffff;
	_ =	sdelay $0x1  }
0x57f: {  	v18 =	vor.u32 v16, v11;
	_ =	sdelay $0x3  }
0x580: {  	[tilespmem:s23+$0xFFFFFFB0] =	vst v17  }
0x581: {  	v17 =	vld.idx.msk [tilespmem:v18+s11+$0x0], $0xffff;
	_ =	sdelay $0x1  }
0x582: {  	v18 =	vor.u32 v16, v12;
	_ =	sdelay $0x3  }
0x583: {  	[tilespmem:s23+$0xFFFFFFC0] =	vst v17  }
0x584: {  	v17 =	vld.idx.msk [tilespmem:v18+s11+$0x0], $0xffff;
	_ =	sdelay $0x1  }
0x585: {  	v18 =	vor.u32 v16, v13;
	_ =	sdelay $0x3  }
0x586: {  	[tilespmem:s23+$0xFFFFFFD0] =	vst v17  }
0x587: {  	v17 =	vld.idx.msk [tilespmem:v18+s11+$0x0], $0xffff;
	_ =	sdelay $0x1  }
0x588: {  	v18 =	vor.u32 v16, v14;
	_ =	sdelay $0x3  }
0x589: {  	[tilespmem:s23+$0xFFFFFFE0] =	vst v17  }
.Ltmp7:
0x58a: {  	v18 =	vld.idx.msk [tilespmem:v18+s11+$0x0], $0xffff;
	(pc) =	sbr.rel @p1 .LBB2_17-.Ltmp7, $3  }
0x58b: {  	_ = 	snop  }
0x58c: {  	v17 =	vor.u32 v16, v15;
	_ =	sdelay $0x1  }
0x58d: {  	v16 =	vmov s24;
	s24 =	sadd.s32 $0x1, s24  }
0x58e: {  	_ = 	snop  }
0x58f: {  	v16 =	vshll.u32 v16, $0x7  }
0x590: {  	v16 =	vand.u32 $0x380, v16  }
0x591: {  	[tilespmem:s23+$0xFFFFFFF0] =	vst v18;
	v16 =	vbroadcast v16, $0x0  }
0x592: {  	v17 =	vld.idx.msk [tilespmem:v17+s11+$0x0], $0xffff  }
0x593: {  	v0 =	vor.u32 v16, v0;
	_ =	sdelay $0x3  }
0x594: {  	[tilespmem:s23+$0x0] =	vst v17  }
0x595: {  	v0 =	vld.idx.msk [tilespmem:v0+s11+$0x0], $0xffff  }
0x596: {  	v1 =	vor.u32 v16, v1;
	_ =	sdelay $0x2  }
0x597: {  	s30 =	sadd.s32 $0x80, s23  }
0x598: {  	[tilespmem:s30+$0xFFFFFB90] =	vst v0  }
0x599: {  	v0 =	vld.idx.msk [tilespmem:v1+s11+$0x0], $0xffff  }
0x59a: {  	v50 =	vor.u32 v16, v2;
	_ =	sdelay $0x3  }
0x59b: {  	[tilespmem:s30+$0xFFFFFBA0] =	vst v0  }
0x59c: {  	v0 =	vld.idx.msk [tilespmem:v50+s11+$0x0], $0xffff  }
0x59d: {  	v51 =	vor.u32 v16, v3;
	_ =	sdelay $0x3  }
0x59e: {  	[tilespmem:s30+$0xFFFFFBB0] =	vst v0  }
0x59f: {  	v0 =	vld.idx.msk [tilespmem:v51+s11+$0x0], $0xffff  }
0x5a0: {  	v52 =	vor.u32 v16, v4;
	_ =	sdelay $0x3  }
0x5a1: {  	[tilespmem:s30+$0xFFFFFBC0] =	vst v0  }
0x5a2: {  	v0 =	vld.idx.msk [tilespmem:v52+s11+$0x0], $0xffff  }
0x5a3: {  	v53 =	vor.u32 v16, v5;
	_ =	sdelay $0x3  }
0x5a4: {  	[tilespmem:s30+$0xFFFFFBD0] =	vst v0  }
0x5a5: {  	v0 =	vld.idx.msk [tilespmem:v53+s11+$0x0], $0xffff  }
0x5a6: {  	v54 =	vor.u32 v16, v6;
	_ =	sdelay $0x3  }
0x5a7: {  	[tilespmem:s30+$0xFFFFFBE0] =	vst v0  }
0x5a8: {  	v0 =	vld.idx.msk [tilespmem:v54+s11+$0x0], $0xffff  }
0x5a9: {  	v55 =	vor.u32 v16, v7;
	_ =	sdelay $0x3  }
0x5aa: {  	[tilespmem:s30+$0xFFFFFBF0] =	vst v0  }
0x5ab: {  	v0 =	vld.idx.msk [tilespmem:v55+s11+$0x0], $0xffff  }
0x5ac: {  	v56 =	vor.u32 v16, v8;
	_ =	sdelay $0x3  }
0x5ad: {  	[tilespmem:s30+$0xFFFFFC00] =	vst v0  }
0x5ae: {  	v0 =	vld.idx.msk [tilespmem:v56+s11+$0x0], $0xffff  }
0x5af: {  	v57 =	vor.u32 v16, v9;
	_ =	sdelay $0x3  }
0x5b0: {  	[tilespmem:s30+$0xFFFFFF90] =	vst v0  }
0x5b1: {  	v0 =	vld.idx.msk [tilespmem:v57+s11+$0x0], $0xffff  }
0x5b2: {  	v58 =	vor.u32 v16, v10;
	_ =	sdelay $0x3  }
0x5b3: {  	[tilespmem:s30+$0xFFFFFFA0] =	vst v0  }
0x5b4: {  	v0 =	vld.idx.msk [tilespmem:v58+s11+$0x0], $0xffff  }
0x5b5: {  	v59 =	vor.u32 v16, v11;
	_ =	sdelay $0x3  }
0x5b6: {  	[tilespmem:s30+$0xFFFFFFB0] =	vst v0  }
0x5b7: {  	v0 =	vld.idx.msk [tilespmem:v59+s11+$0x0], $0xffff  }
0x5b8: {  	v60 =	vor.u32 v16, v12;
	_ =	sdelay $0x3  }
0x5b9: {  	[tilespmem:s30+$0xFFFFFFC0] =	vst v0  }
0x5ba: {  	v0 =	vld.idx.msk [tilespmem:v60+s11+$0x0], $0xffff  }
0x5bb: {  	v61 =	vor.u32 v16, v13;
	_ =	sdelay $0x3  }
0x5bc: {  	[tilespmem:s30+$0xFFFFFFD0] =	vst v0  }
0x5bd: {  	v0 =	vld.idx.msk [tilespmem:v61+s11+$0x0], $0xffff  }
0x5be: {  	v62 =	vor.u32 v16, v14;
	_ =	sdelay $0x3  }
0x5bf: {  	[tilespmem:s30+$0xFFFFFFE0] =	vst v0  }
0x5c0: {  	v0 =	vld.idx.msk [tilespmem:v62+s11+$0x0], $0xffff  }
0x5c1: {  	v63 =	vor.u32 v16, v15;
	_ =	sdelay $0x3  }
0x5c2: {  	[tilespmem:s30+$0xFFFFFFF0] =	vst v0  }
0x5c3: {  	v0 =	vld.idx.msk [tilespmem:v63+s11+$0x0], $0xffff  }
0x5c4: {  	p1 =	sne.s32 s20, $0xF  }
.Ltmp8:
0x5c5: {  	_ = 	snop;
	(pc) =	sbr.rel @p1 .LBB2_20-.Ltmp8, $3  }
0x5c6: {  	_ =	sdelay $0x1  }
0x5c7: {  	s31 =	sadd.s32 s4, s22;
	[tilespmem:s30+$0x0] =	vst v0  }
0x5c8: {  	[hbm4b:s31+s5] =	stream.linear.scatter [tilespmem:s14], [sflag:$0x3], $0x4000, $0x38;
	[tilespmem:$0x10800] =	vst v63  }
.Ltmp9:
0x5c9: {  	(pc) =	sbr.rel .LBB2_21-.Ltmp9, $4  }
0x5ca: {  	_ = 	snop  }
0x5cb: {  	_ =	swait.ge [sflag:s15], $0x4000  }
0x5cc: {  	[sflag:s15] =	ssyncset.done $0x0  }
0x5cd: {  	[sflag:s15] =	ssyncadd.s32 $0xFFFFC000  }
.LBB2_20:
.Ltmp10:
0x5ce: {  	s22 =	sadd.s32 s22, s8;
	(pc) =	sbr.rel @p0 .LBB2_22-.Ltmp10, $4  }
0x5cf: {  	[tilespmem:s11], [sflag:$0x1] =	stream.linear.gather [hbm4b:s22+s5], $0x4000, $0x38;
	[tilespmem:$0x10800] =	vst v63  }
0x5d0: {  	_ =	swait.ge [sflag:s15], $0x4000  }
0x5d1: {  	[sflag:s15] =	ssyncset.done $0x0  }
0x5d2: {  	[sflag:s15] =	ssyncadd.s32 $0xFFFFC000  }
.LBB2_21:
0x5d3: {  	_ =	swait.ge [sflag:s16], $0x4000  }
0x5d4: {  	[sflag:s16] =	ssyncset.done $0x0  }
0x5d5: {  	[sflag:s16] =	ssyncadd.s32 $0xFFFFC000  }
.LBB2_22:
0x5d6: {  	v0 =	vld [tilespmem:$0x0];
	_ =	sdelay $0x1  }
0x5d7: {  	s22 =	simm.s32 $0x0  }
0x5d8: {  	v1 =	vld [tilespmem:$0x10];
	v3 =	vmov s22  }
0x5d9: {  	v2 =	vld [tilespmem:$0x20];
	v3 =	vshll.u32 v3, $0x7  }
0x5da: {  	v4 =	vld [tilespmem:$0x30];
	v3 =	vand.u32 $0x380, v3;
	v6 =	vshll.u32 v0, $0x3  }
0x5db: {  	v5 =	vld [tilespmem:$0x40];
	v16 =	vbroadcast v3, $0x0;
	v0 =	vand.u32 $0x7F, v0;
	v6 =	vand.u32 $0xFFFFFC00, v6  }
0x5dc: {  	v7 =	vld [tilespmem:$0x50];
	v0 =	vor.u32 v0, v6  }
0x5dd: {  	v8 =	vld [tilespmem:$0x60];
	v3 =	vor.u32 v16, v0  }
0x5de: {  	v9 =	vld [tilespmem:$0x70]  }
0x5df: {  	v10 =	vld [tilespmem:$0x80]  }
0x5e0: {  	v11 =	vld [tilespmem:$0x90];
	v6 =	vshll.u32 v1, $0x3  }
0x5e1: {  	v12 =	vld [tilespmem:$0xA0];
	v1 =	vand.u32 $0x7F, v1;
	v6 =	vand.u32 $0xFFFFFC00, v6  }
0x5e2: {  	v1 =	vor.u32 v1, v6;
	v3 =	vld.idx.msk [tilespmem:v3+s12+$0x0], $0xffff  }
0x5e3: {  	v13 =	vld [tilespmem:$0xB0];
	v6 =	vor.u32 v16, v1  }
0x5e4: {  	v14 =	vld [tilespmem:$0xC0]  }
0x5e5: {  	v15 =	vld [tilespmem:$0xD0]  }
0x5e6: {  	v17 =	vld [tilespmem:$0xE0];
	s22 =	simm.s32 $0xCC00;
	v19 =	vshll.u32 v2, $0x3  }
0x5e7: {  	v18 =	vld [tilespmem:$0xF0];
	v2 =	vand.u32 $0x7F, v2;
	v19 =	vand.u32 $0xFFFFFC00, v19;
	[tilespmem:s22+$0xFFFFFC00] =	vst v3  }
0x5e8: {  	v2 =	vor.u32 v2, v19;
	v3 =	vld.idx.msk [tilespmem:v6+s12+$0x0], $0xffff  }
0x5e9: {  	v6 =	vor.u32 v16, v2;
	_ =	sdelay $0x2  }
0x5ea: {  	v19 =	vshll.u32 v4, $0x3  }
0x5eb: {  	v4 =	vand.u32 $0x7F, v4;
	v19 =	vand.u32 $0xFFFFFC00, v19;
	[tilespmem:s22+$0xFFFFFC10] =	vst v3  }
0x5ec: {  	v3 =	vor.u32 v4, v19;
	v4 =	vld.idx.msk [tilespmem:v6+s12+$0x0], $0xffff  }
0x5ed: {  	v6 =	vor.u32 v16, v3;
	_ =	sdelay $0x2  }
0x5ee: {  	v19 =	vshll.u32 v5, $0x3  }
0x5ef: {  	v5 =	vand.u32 $0x7F, v5;
	v19 =	vand.u32 $0xFFFFFC00, v19;
	[tilespmem:s22+$0xFFFFFC20] =	vst v4  }
0x5f0: {  	v4 =	vor.u32 v5, v19;
	v5 =	vld.idx.msk [tilespmem:v6+s12+$0x0], $0xffff  }
0x5f1: {  	v6 =	vor.u32 v16, v4;
	_ =	sdelay $0x2  }
0x5f2: {  	v19 =	vshll.u32 v7, $0x3  }
0x5f3: {  	v7 =	vand.u32 $0x7F, v7;
	v19 =	vand.u32 $0xFFFFFC00, v19;
	[tilespmem:s22+$0xFFFFFC30] =	vst v5  }
0x5f4: {  	v5 =	vor.u32 v7, v19;
	v6 =	vld.idx.msk [tilespmem:v6+s12+$0x0], $0xffff  }
0x5f5: {  	v7 =	vor.u32 v16, v5;
	_ =	sdelay $0x2  }
0x5f6: {  	v19 =	vshll.u32 v8, $0x3  }
0x5f7: {  	v8 =	vand.u32 $0x7F, v8;
	v19 =	vand.u32 $0xFFFFFC00, v19;
	[tilespmem:s22+$0xFFFFFC40] =	vst v6  }
0x5f8: {  	v6 =	vor.u32 v8, v19;
	v7 =	vld.idx.msk [tilespmem:v7+s12+$0x0], $0xffff  }
0x5f9: {  	v8 =	vor.u32 v16, v6;
	_ =	sdelay $0x2  }
0x5fa: {  	v19 =	vshll.u32 v9, $0x3  }
0x5fb: {  	v9 =	vand.u32 $0x7F, v9;
	v19 =	vand.u32 $0xFFFFFC00, v19;
	[tilespmem:s22+$0xFFFFFC50] =	vst v7  }
0x5fc: {  	v7 =	vor.u32 v9, v19;
	v8 =	vld.idx.msk [tilespmem:v8+s12+$0x0], $0xffff  }
0x5fd: {  	v9 =	vor.u32 v16, v7;
	_ =	sdelay $0x2  }
0x5fe: {  	v19 =	vshll.u32 v10, $0x3  }
0x5ff: {  	v10 =	vand.u32 $0x7F, v10;
	v19 =	vand.u32 $0xFFFFFC00, v19;
	[tilespmem:s22+$0xFFFFFC60] =	vst v8  }
0x600: {  	v8 =	vor.u32 v10, v19;
	v9 =	vld.idx.msk [tilespmem:v9+s12+$0x0], $0xffff  }
0x601: {  	v10 =	vor.u32 v16, v8;
	_ =	sdelay $0x2  }
0x602: {  	v19 =	vshll.u32 v11, $0x3  }
0x603: {  	v11 =	vand.u32 $0x7F, v11;
	v19 =	vand.u32 $0xFFFFFC00, v19;
	[tilespmem:s22+$0xFFFFFC70] =	vst v9  }
0x604: {  	v9 =	vor.u32 v11, v19;
	v10 =	vld.idx.msk [tilespmem:v10+s12+$0x0], $0xffff  }
0x605: {  	v11 =	vor.u32 v16, v9;
	_ =	sdelay $0x2  }
0x606: {  	v19 =	vshll.u32 v12, $0x3  }
0x607: {  	v12 =	vand.u32 $0x7F, v12;
	v19 =	vand.u32 $0xFFFFFC00, v19;
	[tilespmem:s22+$0x0] =	vst v10  }
0x608: {  	v10 =	vor.u32 v12, v19;
	v11 =	vld.idx.msk [tilespmem:v11+s12+$0x0], $0xffff  }
0x609: {  	v12 =	vor.u32 v16, v10;
	_ =	sdelay $0x2  }
0x60a: {  	v19 =	vshll.u32 v13, $0x3  }
0x60b: {  	v13 =	vand.u32 $0x7F, v13;
	v19 =	vand.u32 $0xFFFFFC00, v19;
	[tilespmem:s22+$0x10] =	vst v11  }
0x60c: {  	v11 =	vor.u32 v13, v19;
	v12 =	vld.idx.msk [tilespmem:v12+s12+$0x0], $0xffff  }
0x60d: {  	v13 =	vor.u32 v16, v11;
	_ =	sdelay $0x2  }
0x60e: {  	v19 =	vshll.u32 v14, $0x3  }
0x60f: {  	v14 =	vand.u32 $0x7F, v14;
	v19 =	vand.u32 $0xFFFFFC00, v19;
	[tilespmem:s22+$0x20] =	vst v12  }
0x610: {  	v12 =	vor.u32 v14, v19;
	v13 =	vld.idx.msk [tilespmem:v13+s12+$0x0], $0xffff  }
0x611: {  	v14 =	vor.u32 v16, v12;
	_ =	sdelay $0x2  }
0x612: {  	v19 =	vshll.u32 v15, $0x3  }
0x613: {  	v15 =	vand.u32 $0x7F, v15;
	v19 =	vand.u32 $0xFFFFFC00, v19;
	[tilespmem:s22+$0x30] =	vst v13  }
0x614: {  	v13 =	vor.u32 v15, v19;
	v14 =	vld.idx.msk [tilespmem:v14+s12+$0x0], $0xffff  }
0x615: {  	v15 =	vor.u32 v16, v13;
	_ =	sdelay $0x2  }
0x616: {  	v19 =	vshll.u32 v17, $0x3  }
0x617: {  	v17 =	vand.u32 $0x7F, v17;
	v19 =	vand.u32 $0xFFFFFC00, v19;
	[tilespmem:s22+$0x40] =	vst v14  }
0x618: {  	v14 =	vor.u32 v17, v19;
	v17 =	vld.idx.msk [tilespmem:v15+s12+$0x0], $0xffff  }
0x619: {  	v19 =	vor.u32 v16, v14;
	_ =	sdelay $0x2  }
0x61a: {  	v15 =	vshll.u32 v18, $0x3  }
0x61b: {  	v18 =	vand.u32 $0x7F, v18;
	v15 =	vand.u32 $0xFFFFFC00, v15;
	[tilespmem:s22+$0x50] =	vst v17  }
0x61c: {  	v15 =	vor.u32 v18, v15;
	v18 =	vld.idx.msk [tilespmem:v19+s12+$0x0], $0xffff  }
0x61d: {  	v17 =	vor.u32 v16, v15  }
0x61e: {  	s23 =	simm.s32 $0x1  }
0x61f: {  	v16 =	vmov s23;
	s23 =	simm.s32 $0x2  }
.LBB2_23:
0x620: {  	p0 =	sne.s32 s23, $0x7;
	v16 =	vshll.u32 v16, $0x7  }
0x621: {  	v16 =	vand.u32 $0x380, v16;
	[tilespmem:s22+$0x60] =	vst v18  }
0x622: {  	v16 =	vbroadcast v16, $0x0;
	v17 =	vld.idx.msk [tilespmem:v17+s12+$0x0], $0xffff;
	_ =	sdelay $0x1  }
0x623: {  	v18 =	vor.u32 v16, v0;
	_ =	sdelay $0x3  }
0x624: {  	[tilespmem:s22+$0x70] =	vst v17  }
0x625: {  	v17 =	vld.idx.msk [tilespmem:v18+s12+$0x0], $0xffff;
	_ =	sdelay $0x1  }
0x626: {  	v18 =	vor.u32 v16, v1;
	_ =	sdelay $0x2  }
0x627: {  	s22 =	sadd.s32 $0x80, s22  }
0x628: {  	[tilespmem:s22+$0xFFFFFC00] =	vst v17  }
0x629: {  	v17 =	vld.idx.msk [tilespmem:v18+s12+$0x0], $0xffff;
	_ =	sdelay $0x1  }
0x62a: {  	v18 =	vor.u32 v16, v2;
	_ =	sdelay $0x3  }
0x62b: {  	[tilespmem:s22+$0xFFFFFC10] =	vst v17  }
0x62c: {  	v17 =	vld.idx.msk [tilespmem:v18+s12+$0x0], $0xffff;
	_ =	sdelay $0x1  }
0x62d: {  	v18 =	vor.u32 v16, v3;
	_ =	sdelay $0x3  }
0x62e: {  	[tilespmem:s22+$0xFFFFFC20] =	vst v17  }
0x62f: {  	v17 =	vld.idx.msk [tilespmem:v18+s12+$0x0], $0xffff;
	_ =	sdelay $0x1  }
0x630: {  	v18 =	vor.u32 v16, v4;
	_ =	sdelay $0x3  }
0x631: {  	[tilespmem:s22+$0xFFFFFC30] =	vst v17  }
0x632: {  	v17 =	vld.idx.msk [tilespmem:v18+s12+$0x0], $0xffff;
	_ =	sdelay $0x1  }
0x633: {  	v18 =	vor.u32 v16, v5;
	_ =	sdelay $0x3  }
0x634: {  	[tilespmem:s22+$0xFFFFFC40] =	vst v17  }
0x635: {  	v17 =	vld.idx.msk [tilespmem:v18+s12+$0x0], $0xffff;
	_ =	sdelay $0x1  }
0x636: {  	v18 =	vor.u32 v16, v6;
	_ =	sdelay $0x3  }
0x637: {  	[tilespmem:s22+$0xFFFFFC50] =	vst v17  }
0x638: {  	v17 =	vld.idx.msk [tilespmem:v18+s12+$0x0], $0xffff;
	_ =	sdelay $0x1  }
0x639: {  	v18 =	vor.u32 v16, v7;
	_ =	sdelay $0x3  }
0x63a: {  	[tilespmem:s22+$0xFFFFFC60] =	vst v17  }
0x63b: {  	v17 =	vld.idx.msk [tilespmem:v18+s12+$0x0], $0xffff;
	_ =	sdelay $0x1  }
0x63c: {  	v18 =	vor.u32 v16, v8;
	_ =	sdelay $0x3  }
0x63d: {  	[tilespmem:s22+$0xFFFFFC70] =	vst v17  }
0x63e: {  	v17 =	vld.idx.msk [tilespmem:v18+s12+$0x0], $0xffff;
	_ =	sdelay $0x1  }
0x63f: {  	v18 =	vor.u32 v16, v9;
	_ =	sdelay $0x3  }
0x640: {  	[tilespmem:s22+$0x0] =	vst v17  }
0x641: {  	v17 =	vld.idx.msk [tilespmem:v18+s12+$0x0], $0xffff;
	_ =	sdelay $0x1  }
0x642: {  	v18 =	vor.u32 v16, v10;
	_ =	sdelay $0x3  }
0x643: {  	[tilespmem:s22+$0x10] =	vst v17  }
0x644: {  	v17 =	vld.idx.msk [tilespmem:v18+s12+$0x0], $0xffff;
	_ =	sdelay $0x1  }
0x645: {  	v18 =	vor.u32 v16, v11;
	_ =	sdelay $0x3  }
0x646: {  	[tilespmem:s22+$0x20] =	vst v17  }
0x647: {  	v17 =	vld.idx.msk [tilespmem:v18+s12+$0x0], $0xffff;
	_ =	sdelay $0x1  }
0x648: {  	v18 =	vor.u32 v16, v12;
	_ =	sdelay $0x3  }
0x649: {  	[tilespmem:s22+$0x30] =	vst v17  }
0x64a: {  	v17 =	vld.idx.msk [tilespmem:v18+s12+$0x0], $0xffff;
	_ =	sdelay $0x1  }
0x64b: {  	v18 =	vor.u32 v16, v13;
	_ =	sdelay $0x3  }
0x64c: {  	[tilespmem:s22+$0x40] =	vst v17  }
0x64d: {  	v17 =	vld.idx.msk [tilespmem:v18+s12+$0x0], $0xffff;
	_ =	sdelay $0x1  }
0x64e: {  	v18 =	vor.u32 v16, v14;
	_ =	sdelay $0x3  }
0x64f: {  	[tilespmem:s22+$0x50] =	vst v17  }
.Ltmp11:
0x650: {  	v18 =	vld.idx.msk [tilespmem:v18+s12+$0x0], $0xffff;
	(pc) =	sbr.rel @p0 .LBB2_23-.Ltmp11, $3  }
0x651: {  	_ = 	snop  }
0x652: {  	v17 =	vor.u32 v16, v15;
	_ =	sdelay $0x1  }
0x653: {  	v16 =	vmov s23;
	s23 =	sadd.s32 $0x1, s23  }
0x654: {  	_ = 	snop  }
0x655: {  	v16 =	vshll.u32 v16, $0x7  }
0x656: {  	v16 =	vand.u32 $0x380, v16  }
0x657: {  	[tilespmem:s22+$0x60] =	vst v18;
	v16 =	vbroadcast v16, $0x0  }
0x658: {  	v17 =	vld.idx.msk [tilespmem:v17+s12+$0x0], $0xffff  }
0x659: {  	v0 =	vor.u32 v16, v0;
	_ =	sdelay $0x3  }
0x65a: {  	[tilespmem:s22+$0x70] =	vst v17  }
0x65b: {  	v0 =	vld.idx.msk [tilespmem:v0+s12+$0x0], $0xffff  }
0x65c: {  	v1 =	vor.u32 v16, v1;
	_ =	sdelay $0x2  }
0x65d: {  	s30 =	sadd.s32 $0x80, s22  }
0x65e: {  	[tilespmem:s30+$0xFFFFFC00] =	vst v0  }
0x65f: {  	v0 =	vld.idx.msk [tilespmem:v1+s12+$0x0], $0xffff  }
0x660: {  	v1 =	vor.u32 v16, v2;
	_ =	sdelay $0x3  }
0x661: {  	[tilespmem:s30+$0xFFFFFC10] =	vst v0  }
0x662: {  	v0 =	vld.idx.msk [tilespmem:v1+s12+$0x0], $0xffff  }
0x663: {  	v1 =	vor.u32 v16, v3;
	_ =	sdelay $0x3  }
0x664: {  	[tilespmem:s30+$0xFFFFFC20] =	vst v0  }
0x665: {  	v0 =	vld.idx.msk [tilespmem:v1+s12+$0x0], $0xffff  }
0x666: {  	v1 =	vor.u32 v16, v4;
	_ =	sdelay $0x3  }
0x667: {  	[tilespmem:s30+$0xFFFFFC30] =	vst v0  }
0x668: {  	v0 =	vld.idx.msk [tilespmem:v1+s12+$0x0], $0xffff  }
0x669: {  	v1 =	vor.u32 v16, v5;
	_ =	sdelay $0x3  }
0x66a: {  	[tilespmem:s30+$0xFFFFFC40] =	vst v0  }
0x66b: {  	v0 =	vld.idx.msk [tilespmem:v1+s12+$0x0], $0xffff  }
0x66c: {  	v1 =	vor.u32 v16, v6;
	_ =	sdelay $0x3  }
0x66d: {  	[tilespmem:s30+$0xFFFFFC50] =	vst v0  }
0x66e: {  	v0 =	vld.idx.msk [tilespmem:v1+s12+$0x0], $0xffff  }
0x66f: {  	v1 =	vor.u32 v16, v7;
	_ =	sdelay $0x3  }
0x670: {  	[tilespmem:s30+$0xFFFFFC60] =	vst v0  }
0x671: {  	v0 =	vld.idx.msk [tilespmem:v1+s12+$0x0], $0xffff  }
0x672: {  	v1 =	vor.u32 v16, v8;
	_ =	sdelay $0x3  }
0x673: {  	[tilespmem:s30+$0xFFFFFC70] =	vst v0  }
0x674: {  	v0 =	vld.idx.msk [tilespmem:v1+s12+$0x0], $0xffff  }
0x675: {  	v1 =	vor.u32 v16, v9;
	_ =	sdelay $0x3  }
0x676: {  	[tilespmem:s30+$0x0] =	vst v0  }
0x677: {  	v0 =	vld.idx.msk [tilespmem:v1+s12+$0x0], $0xffff  }
0x678: {  	v1 =	vor.u32 v16, v10;
	_ =	sdelay $0x3  }
0x679: {  	[tilespmem:s30+$0x10] =	vst v0  }
0x67a: {  	v0 =	vld.idx.msk [tilespmem:v1+s12+$0x0], $0xffff  }
0x67b: {  	v1 =	vor.u32 v16, v11;
	_ =	sdelay $0x3  }
0x67c: {  	[tilespmem:s30+$0x20] =	vst v0  }
0x67d: {  	v0 =	vld.idx.msk [tilespmem:v1+s12+$0x0], $0xffff  }
0x67e: {  	v1 =	vor.u32 v16, v12;
	_ =	sdelay $0x3  }
0x67f: {  	[tilespmem:s30+$0x30] =	vst v0  }
0x680: {  	v0 =	vld.idx.msk [tilespmem:v1+s12+$0x0], $0xffff  }
0x681: {  	v1 =	vor.u32 v16, v13;
	_ =	sdelay $0x3  }
0x682: {  	[tilespmem:s30+$0x40] =	vst v0  }
0x683: {  	v0 =	vld.idx.msk [tilespmem:v1+s12+$0x0], $0xffff  }
0x684: {  	v1 =	vor.u32 v16, v14;
	_ =	sdelay $0x3  }
0x685: {  	[tilespmem:s30+$0x50] =	vst v0  }
0x686: {  	v0 =	vld.idx.msk [tilespmem:v1+s12+$0x0], $0xffff  }
0x687: {  	v1 =	vor.u32 v16, v15;
	_ =	sdelay $0x3  }
0x688: {  	[tilespmem:s30+$0x60] =	vst v0  }
0x689: {  	v0 =	vld.idx.msk [tilespmem:v1+s12+$0x0], $0xffff;
	_ =	sdelay $0x4  }
0x68a: {  	[tilespmem:s30+$0x70] =	vst v0  }
0x68b: {  	v0 =	vld [tilespmem:$0x100];
	_ =	sdelay $0x1  }
0x68c: {  	s31 =	simm.s32 $0x0  }
0x68d: {  	v3 =	vmov s31;
	v1 =	vld [tilespmem:$0x110]  }
0x68e: {  	v3 =	vshll.u32 v3, $0x7;
	v2 =	vld [tilespmem:$0x120]  }
0x68f: {  	v3 =	vand.u32 $0x380, v3;
	v4 =	vld [tilespmem:$0x130];
	v6 =	vshll.u32 v0, $0x3  }
0x690: {  	v16 =	vbroadcast v3, $0x0;
	v5 =	vld [tilespmem:$0x140];
	v0 =	vand.u32 $0x7F, v0;
	v6 =	vand.u32 $0xFFFFFC00, v6  }
0x691: {  	v7 =	vld [tilespmem:$0x150];
	v0 =	vor.u32 v0, v6  }
0x692: {  	v8 =	vld [tilespmem:$0x160];
	v3 =	vor.u32 v16, v0  }
0x693: {  	v9 =	vld [tilespmem:$0x170]  }
0x694: {  	v10 =	vld [tilespmem:$0x180]  }
0x695: {  	v11 =	vld [tilespmem:$0x190];
	v6 =	vshll.u32 v1, $0x3  }
0x696: {  	v12 =	vld [tilespmem:$0x1A0];
	v1 =	vand.u32 $0x7F, v1;
	v6 =	vand.u32 $0xFFFFFC00, v6  }
0x697: {  	v1 =	vor.u32 v1, v6;
	v3 =	vld.idx.msk [tilespmem:v3+s12+$0x0], $0xffff  }
0x698: {  	v13 =	vld [tilespmem:$0x1B0];
	v6 =	vor.u32 v16, v1  }
0x699: {  	v14 =	vld [tilespmem:$0x1C0]  }
0x69a: {  	v15 =	vld [tilespmem:$0x1D0]  }
0x69b: {  	s22 =	simm.s32 $0xD470;
	v17 =	vld [tilespmem:$0x1E0];
	v19 =	vshll.u32 v2, $0x3  }
0x69c: {  	v18 =	vld [tilespmem:$0x1F0];
	v2 =	vand.u32 $0x7F, v2;
	v19 =	vand.u32 $0xFFFFFC00, v19;
	[tilespmem:s22+$0xFFFFFB90] =	vst v3  }
0x69d: {  	v2 =	vor.u32 v2, v19;
	v3 =	vld.idx.msk [tilespmem:v6+s12+$0x0], $0xffff  }
0x69e: {  	v6 =	vor.u32 v16, v2;
	_ =	sdelay $0x2  }
0x69f: {  	v19 =	vshll.u32 v4, $0x3  }
0x6a0: {  	v4 =	vand.u32 $0x7F, v4;
	v19 =	vand.u32 $0xFFFFFC00, v19;
	[tilespmem:s22+$0xFFFFFBA0] =	vst v3  }
0x6a1: {  	v3 =	vor.u32 v4, v19;
	v4 =	vld.idx.msk [tilespmem:v6+s12+$0x0], $0xffff  }
0x6a2: {  	v6 =	vor.u32 v16, v3;
	_ =	sdelay $0x2  }
0x6a3: {  	v19 =	vshll.u32 v5, $0x3  }
0x6a4: {  	v5 =	vand.u32 $0x7F, v5;
	v19 =	vand.u32 $0xFFFFFC00, v19;
	[tilespmem:s22+$0xFFFFFBB0] =	vst v4  }
0x6a5: {  	v4 =	vor.u32 v5, v19;
	v5 =	vld.idx.msk [tilespmem:v6+s12+$0x0], $0xffff  }
0x6a6: {  	v6 =	vor.u32 v16, v4;
	_ =	sdelay $0x2  }
0x6a7: {  	v19 =	vshll.u32 v7, $0x3  }
0x6a8: {  	v7 =	vand.u32 $0x7F, v7;
	v19 =	vand.u32 $0xFFFFFC00, v19;
	[tilespmem:s22+$0xFFFFFBC0] =	vst v5  }
0x6a9: {  	v5 =	vor.u32 v7, v19;
	v6 =	vld.idx.msk [tilespmem:v6+s12+$0x0], $0xffff  }
0x6aa: {  	v7 =	vor.u32 v16, v5;
	_ =	sdelay $0x2  }
0x6ab: {  	v19 =	vshll.u32 v8, $0x3  }
0x6ac: {  	v8 =	vand.u32 $0x7F, v8;
	v19 =	vand.u32 $0xFFFFFC00, v19;
	[tilespmem:s22+$0xFFFFFBD0] =	vst v6  }
0x6ad: {  	v6 =	vor.u32 v8, v19;
	v7 =	vld.idx.msk [tilespmem:v7+s12+$0x0], $0xffff  }
0x6ae: {  	v8 =	vor.u32 v16, v6;
	_ =	sdelay $0x2  }
0x6af: {  	v19 =	vshll.u32 v9, $0x3  }
0x6b0: {  	v9 =	vand.u32 $0x7F, v9;
	v19 =	vand.u32 $0xFFFFFC00, v19;
	[tilespmem:s22+$0xFFFFFBE0] =	vst v7  }
0x6b1: {  	v7 =	vor.u32 v9, v19;
	v8 =	vld.idx.msk [tilespmem:v8+s12+$0x0], $0xffff  }
0x6b2: {  	v9 =	vor.u32 v16, v7;
	_ =	sdelay $0x2  }
0x6b3: {  	v19 =	vshll.u32 v10, $0x3  }
0x6b4: {  	v10 =	vand.u32 $0x7F, v10;
	v19 =	vand.u32 $0xFFFFFC00, v19;
	[tilespmem:s22+$0xFFFFFBF0] =	vst v8  }
0x6b5: {  	v8 =	vor.u32 v10, v19;
	v9 =	vld.idx.msk [tilespmem:v9+s12+$0x0], $0xffff  }
0x6b6: {  	v10 =	vor.u32 v16, v8;
	_ =	sdelay $0x2  }
0x6b7: {  	v19 =	vshll.u32 v11, $0x3  }
0x6b8: {  	v11 =	vand.u32 $0x7F, v11;
	v19 =	vand.u32 $0xFFFFFC00, v19;
	[tilespmem:s22+$0xFFFFFC00] =	vst v9  }
0x6b9: {  	v9 =	vor.u32 v11, v19;
	v10 =	vld.idx.msk [tilespmem:v10+s12+$0x0], $0xffff  }
0x6ba: {  	v11 =	vor.u32 v16, v9;
	_ =	sdelay $0x2  }
0x6bb: {  	v19 =	vshll.u32 v12, $0x3  }
0x6bc: {  	v12 =	vand.u32 $0x7F, v12;
	v19 =	vand.u32 $0xFFFFFC00, v19;
	[tilespmem:s22+$0xFFFFFF90] =	vst v10  }
0x6bd: {  	v10 =	vor.u32 v12, v19;
	v11 =	vld.idx.msk [tilespmem:v11+s12+$0x0], $0xffff  }
0x6be: {  	v12 =	vor.u32 v16, v10;
	_ =	sdelay $0x2  }
0x6bf: {  	v19 =	vshll.u32 v13, $0x3  }
0x6c0: {  	v13 =	vand.u32 $0x7F, v13;
	v19 =	vand.u32 $0xFFFFFC00, v19;
	[tilespmem:s22+$0xFFFFFFA0] =	vst v11  }
0x6c1: {  	v11 =	vor.u32 v13, v19;
	v12 =	vld.idx.msk [tilespmem:v12+s12+$0x0], $0xffff  }
0x6c2: {  	v13 =	vor.u32 v16, v11;
	_ =	sdelay $0x2  }
0x6c3: {  	v19 =	vshll.u32 v14, $0x3  }
0x6c4: {  	v14 =	vand.u32 $0x7F, v14;
	v19 =	vand.u32 $0xFFFFFC00, v19;
	[tilespmem:s22+$0xFFFFFFB0] =	vst v12  }
0x6c5: {  	v12 =	vor.u32 v14, v19;
	v13 =	vld.idx.msk [tilespmem:v13+s12+$0x0], $0xffff  }
0x6c6: {  	v14 =	vor.u32 v16, v12;
	_ =	sdelay $0x2  }
0x6c7: {  	v19 =	vshll.u32 v15, $0x3  }
0x6c8: {  	v15 =	vand.u32 $0x7F, v15;
	v19 =	vand.u32 $0xFFFFFC00, v19;
	[tilespmem:s22+$0xFFFFFFC0] =	vst v13  }
0x6c9: {  	v13 =	vor.u32 v15, v19;
	v14 =	vld.idx.msk [tilespmem:v14+s12+$0x0], $0xffff  }
0x6ca: {  	v15 =	vor.u32 v16, v13;
	_ =	sdelay $0x2  }
0x6cb: {  	v19 =	vshll.u32 v17, $0x3  }
0x6cc: {  	v17 =	vand.u32 $0x7F, v17;
	v19 =	vand.u32 $0xFFFFFC00, v19;
	[tilespmem:s22+$0xFFFFFFD0] =	vst v14  }
0x6cd: {  	v14 =	vor.u32 v17, v19;
	v17 =	vld.idx.msk [tilespmem:v15+s12+$0x0], $0xffff  }
0x6ce: {  	v19 =	vor.u32 v16, v14;
	_ =	sdelay $0x2  }
0x6cf: {  	v15 =	vshll.u32 v18, $0x3  }
0x6d0: {  	v18 =	vand.u32 $0x7F, v18;
	v15 =	vand.u32 $0xFFFFFC00, v15;
	[tilespmem:s22+$0xFFFFFFE0] =	vst v17  }
0x6d1: {  	v15 =	vor.u32 v18, v15;
	v18 =	vld.idx.msk [tilespmem:v19+s12+$0x0], $0xffff  }
0x6d2: {  	v17 =	vor.u32 v16, v15  }
0x6d3: {  	s23 =	simm.s32 $0x1  }
0x6d4: {  	v16 =	vmov s23;
	s23 =	simm.s32 $0x2  }
.LBB2_25:
0x6d5: {  	p0 =	sne.s32 s23, $0x7;
	v16 =	vshll.u32 v16, $0x7  }
0x6d6: {  	v16 =	vand.u32 $0x380, v16;
	[tilespmem:s22+$0xFFFFFFF0] =	vst v18  }
0x6d7: {  	v16 =	vbroadcast v16, $0x0;
	v17 =	vld.idx.msk [tilespmem:v17+s12+$0x0], $0xffff;
	_ =	sdelay $0x1  }
0x6d8: {  	v18 =	vor.u32 v16, v0;
	_ =	sdelay $0x3  }
0x6d9: {  	[tilespmem:s22+$0x0] =	vst v17  }
0x6da: {  	v17 =	vld.idx.msk [tilespmem:v18+s12+$0x0], $0xffff;
	_ =	sdelay $0x1  }
0x6db: {  	v18 =	vor.u32 v16, v1;
	_ =	sdelay $0x2  }
0x6dc: {  	s22 =	sadd.s32 $0x80, s22  }
0x6dd: {  	[tilespmem:s22+$0xFFFFFB90] =	vst v17  }
0x6de: {  	v17 =	vld.idx.msk [tilespmem:v18+s12+$0x0], $0xffff;
	_ =	sdelay $0x1  }
0x6df: {  	v18 =	vor.u32 v16, v2;
	_ =	sdelay $0x3  }
0x6e0: {  	[tilespmem:s22+$0xFFFFFBA0] =	vst v17  }
0x6e1: {  	v17 =	vld.idx.msk [tilespmem:v18+s12+$0x0], $0xffff;
	_ =	sdelay $0x1  }
0x6e2: {  	v18 =	vor.u32 v16, v3;
	_ =	sdelay $0x3  }
0x6e3: {  	[tilespmem:s22+$0xFFFFFBB0] =	vst v17  }
0x6e4: {  	v17 =	vld.idx.msk [tilespmem:v18+s12+$0x0], $0xffff;
	_ =	sdelay $0x1  }
0x6e5: {  	v18 =	vor.u32 v16, v4;
	_ =	sdelay $0x3  }
0x6e6: {  	[tilespmem:s22+$0xFFFFFBC0] =	vst v17  }
0x6e7: {  	v17 =	vld.idx.msk [tilespmem:v18+s12+$0x0], $0xffff;
	_ =	sdelay $0x1  }
0x6e8: {  	v18 =	vor.u32 v16, v5;
	_ =	sdelay $0x3  }
0x6e9: {  	[tilespmem:s22+$0xFFFFFBD0] =	vst v17  }
0x6ea: {  	v17 =	vld.idx.msk [tilespmem:v18+s12+$0x0], $0xffff;
	_ =	sdelay $0x1  }
0x6eb: {  	v18 =	vor.u32 v16, v6;
	_ =	sdelay $0x3  }
0x6ec: {  	[tilespmem:s22+$0xFFFFFBE0] =	vst v17  }
0x6ed: {  	v17 =	vld.idx.msk [tilespmem:v18+s12+$0x0], $0xffff;
	_ =	sdelay $0x1  }
0x6ee: {  	v18 =	vor.u32 v16, v7;
	_ =	sdelay $0x3  }
0x6ef: {  	[tilespmem:s22+$0xFFFFFBF0] =	vst v17  }
0x6f0: {  	v17 =	vld.idx.msk [tilespmem:v18+s12+$0x0], $0xffff;
	_ =	sdelay $0x1  }
0x6f1: {  	v18 =	vor.u32 v16, v8;
	_ =	sdelay $0x3  }
0x6f2: {  	[tilespmem:s22+$0xFFFFFC00] =	vst v17  }
0x6f3: {  	v17 =	vld.idx.msk [tilespmem:v18+s12+$0x0], $0xffff;
	_ =	sdelay $0x1  }
0x6f4: {  	v18 =	vor.u32 v16, v9;
	_ =	sdelay $0x3  }
0x6f5: {  	[tilespmem:s22+$0xFFFFFF90] =	vst v17  }
0x6f6: {  	v17 =	vld.idx.msk [tilespmem:v18+s12+$0x0], $0xffff;
	_ =	sdelay $0x1  }
0x6f7: {  	v18 =	vor.u32 v16, v10;
	_ =	sdelay $0x3  }
0x6f8: {  	[tilespmem:s22+$0xFFFFFFA0] =	vst v17  }
0x6f9: {  	v17 =	vld.idx.msk [tilespmem:v18+s12+$0x0], $0xffff;
	_ =	sdelay $0x1  }
0x6fa: {  	v18 =	vor.u32 v16, v11;
	_ =	sdelay $0x3  }
0x6fb: {  	[tilespmem:s22+$0xFFFFFFB0] =	vst v17  }
0x6fc: {  	v17 =	vld.idx.msk [tilespmem:v18+s12+$0x0], $0xffff;
	_ =	sdelay $0x1  }
0x6fd: {  	v18 =	vor.u32 v16, v12;
	_ =	sdelay $0x3  }
0x6fe: {  	[tilespmem:s22+$0xFFFFFFC0] =	vst v17  }
0x6ff: {  	v17 =	vld.idx.msk [tilespmem:v18+s12+$0x0], $0xffff;
	_ =	sdelay $0x1  }
0x700: {  	v18 =	vor.u32 v16, v13;
	_ =	sdelay $0x3  }
0x701: {  	[tilespmem:s22+$0xFFFFFFD0] =	vst v17  }
0x702: {  	v17 =	vld.idx.msk [tilespmem:v18+s12+$0x0], $0xffff;
	_ =	sdelay $0x1  }
0x703: {  	v18 =	vor.u32 v16, v14;
	_ =	sdelay $0x3  }
0x704: {  	[tilespmem:s22+$0xFFFFFFE0] =	vst v17  }
.Ltmp12:
0x705: {  	v18 =	vld.idx.msk [tilespmem:v18+s12+$0x0], $0xffff;
	(pc) =	sbr.rel @p0 .LBB2_25-.Ltmp12, $3  }
0x706: {  	_ = 	snop  }
0x707: {  	v17 =	vor.u32 v16, v15;
	_ =	sdelay $0x1  }
0x708: {  	v16 =	vmov s23;
	s23 =	sadd.s32 $0x1, s23  }
0x709: {  	_ = 	snop  }
0x70a: {  	v16 =	vshll.u32 v16, $0x7  }
0x70b: {  	v16 =	vand.u32 $0x380, v16  }
0x70c: {  	[tilespmem:s22+$0xFFFFFFF0] =	vst v18;
	v16 =	vbroadcast v16, $0x0  }
0x70d: {  	v17 =	vld.idx.msk [tilespmem:v17+s12+$0x0], $0xffff  }
0x70e: {  	v0 =	vor.u32 v16, v0;
	_ =	sdelay $0x3  }
0x70f: {  	[tilespmem:s22+$0x0] =	vst v17  }
0x710: {  	v0 =	vld.idx.msk [tilespmem:v0+s12+$0x0], $0xffff  }
0x711: {  	v1 =	vor.u32 v16, v1;
	_ =	sdelay $0x2  }
0x712: {  	s30 =	sadd.s32 $0x80, s22  }
0x713: {  	[tilespmem:s30+$0xFFFFFB90] =	vst v0  }
0x714: {  	v0 =	vld.idx.msk [tilespmem:v1+s12+$0x0], $0xffff  }
0x715: {  	v1 =	vor.u32 v16, v2;
	_ =	sdelay $0x3  }
0x716: {  	[tilespmem:s30+$0xFFFFFBA0] =	vst v0  }
0x717: {  	v0 =	vld.idx.msk [tilespmem:v1+s12+$0x0], $0xffff  }
0x718: {  	v1 =	vor.u32 v16, v3;
	_ =	sdelay $0x3  }
0x719: {  	[tilespmem:s30+$0xFFFFFBB0] =	vst v0  }
0x71a: {  	v0 =	vld.idx.msk [tilespmem:v1+s12+$0x0], $0xffff  }
0x71b: {  	v1 =	vor.u32 v16, v4;
	_ =	sdelay $0x3  }
0x71c: {  	[tilespmem:s30+$0xFFFFFBC0] =	vst v0  }
0x71d: {  	v0 =	vld.idx.msk [tilespmem:v1+s12+$0x0], $0xffff  }
0x71e: {  	v1 =	vor.u32 v16, v5;
	_ =	sdelay $0x3  }
0x71f: {  	[tilespmem:s30+$0xFFFFFBD0] =	vst v0  }
0x720: {  	v0 =	vld.idx.msk [tilespmem:v1+s12+$0x0], $0xffff  }
0x721: {  	v1 =	vor.u32 v16, v6;
	_ =	sdelay $0x3  }
0x722: {  	[tilespmem:s30+$0xFFFFFBE0] =	vst v0  }
0x723: {  	v0 =	vld.idx.msk [tilespmem:v1+s12+$0x0], $0xffff  }
0x724: {  	v1 =	vor.u32 v16, v7;
	_ =	sdelay $0x3  }
0x725: {  	[tilespmem:s30+$0xFFFFFBF0] =	vst v0  }
0x726: {  	v0 =	vld.idx.msk [tilespmem:v1+s12+$0x0], $0xffff  }
0x727: {  	v1 =	vor.u32 v16, v8;
	_ =	sdelay $0x3  }
0x728: {  	[tilespmem:s30+$0xFFFFFC00] =	vst v0  }
0x729: {  	v0 =	vld.idx.msk [tilespmem:v1+s12+$0x0], $0xffff  }
0x72a: {  	v1 =	vor.u32 v16, v9;
	_ =	sdelay $0x3  }
0x72b: {  	[tilespmem:s30+$0xFFFFFF90] =	vst v0  }
0x72c: {  	v0 =	vld.idx.msk [tilespmem:v1+s12+$0x0], $0xffff  }
0x72d: {  	v1 =	vor.u32 v16, v10;
	_ =	sdelay $0x3  }
0x72e: {  	[tilespmem:s30+$0xFFFFFFA0] =	vst v0  }
0x72f: {  	v0 =	vld.idx.msk [tilespmem:v1+s12+$0x0], $0xffff  }
0x730: {  	v1 =	vor.u32 v16, v11;
	_ =	sdelay $0x3  }
0x731: {  	[tilespmem:s30+$0xFFFFFFB0] =	vst v0  }
0x732: {  	v0 =	vld.idx.msk [tilespmem:v1+s12+$0x0], $0xffff  }
0x733: {  	v1 =	vor.u32 v16, v12;
	_ =	sdelay $0x3  }
0x734: {  	[tilespmem:s30+$0xFFFFFFC0] =	vst v0  }
0x735: {  	v0 =	vld.idx.msk [tilespmem:v1+s12+$0x0], $0xffff  }
0x736: {  	v1 =	vor.u32 v16, v13;
	_ =	sdelay $0x3  }
0x737: {  	[tilespmem:s30+$0xFFFFFFD0] =	vst v0  }
0x738: {  	v0 =	vld.idx.msk [tilespmem:v1+s12+$0x0], $0xffff  }
0x739: {  	v1 =	vor.u32 v16, v14;
	_ =	sdelay $0x3  }
0x73a: {  	[tilespmem:s30+$0xFFFFFFE0] =	vst v0  }
0x73b: {  	v0 =	vld.idx.msk [tilespmem:v1+s12+$0x0], $0xffff  }
0x73c: {  	v1 =	vor.u32 v16, v15;
	_ =	sdelay $0x3  }
0x73d: {  	[tilespmem:s30+$0xFFFFFFF0] =	vst v0  }
0x73e: {  	v0 =	vld.idx.msk [tilespmem:v1+s12+$0x0], $0xffff;
	_ =	sdelay $0x4  }
0x73f: {  	[tilespmem:s30+$0x0] =	vst v0  }
0x740: {  	v0 =	vld [tilespmem:$0x200];
	_ =	sdelay $0x1  }
0x741: {  	s31 =	simm.s32 $0x0  }
0x742: {  	v3 =	vmov s31;
	v1 =	vld [tilespmem:$0x210]  }
0x743: {  	v3 =	vshll.u32 v3, $0x7;
	v2 =	vld [tilespmem:$0x220]  }
0x744: {  	v3 =	vand.u32 $0x380, v3;
	v4 =	vld [tilespmem:$0x230];
	v6 =	vshll.u32 v0, $0x3  }
0x745: {  	v16 =	vbroadcast v3, $0x0;
	v5 =	vld [tilespmem:$0x240];
	v0 =	vand.u32 $0x7F, v0;
	v6 =	vand.u32 $0xFFFFFC00, v6  }
0x746: {  	v7 =	vld [tilespmem:$0x250];
	v0 =	vor.u32 v0, v6  }
0x747: {  	v8 =	vld [tilespmem:$0x260];
	v3 =	vor.u32 v16, v0  }
0x748: {  	v9 =	vld [tilespmem:$0x270]  }
0x749: {  	v10 =	vld [tilespmem:$0x280]  }
0x74a: {  	v11 =	vld [tilespmem:$0x290];
	v6 =	vshll.u32 v1, $0x3  }
0x74b: {  	v12 =	vld [tilespmem:$0x2A0];
	v1 =	vand.u32 $0x7F, v1;
	v6 =	vand.u32 $0xFFFFFC00, v6  }
0x74c: {  	v1 =	vor.u32 v1, v6;
	v3 =	vld.idx.msk [tilespmem:v3+s12+$0x0], $0xffff  }
0x74d: {  	v13 =	vld [tilespmem:$0x2B0];
	v6 =	vor.u32 v16, v1  }
0x74e: {  	v14 =	vld [tilespmem:$0x2C0]  }
0x74f: {  	v15 =	vld [tilespmem:$0x2D0]  }
0x750: {  	s22 =	simm.s32 $0xDC70;
	v17 =	vld [tilespmem:$0x2E0];
	v19 =	vshll.u32 v2, $0x3  }
0x751: {  	v18 =	vld [tilespmem:$0x2F0];
	v2 =	vand.u32 $0x7F, v2;
	v19 =	vand.u32 $0xFFFFFC00, v19;
	[tilespmem:s22+$0xFFFFFB90] =	vst v3  }
0x752: {  	v2 =	vor.u32 v2, v19;
	v3 =	vld.idx.msk [tilespmem:v6+s12+$0x0], $0xffff  }
0x753: {  	v6 =	vor.u32 v16, v2;
	_ =	sdelay $0x2  }
0x754: {  	v19 =	vshll.u32 v4, $0x3  }
0x755: {  	v4 =	vand.u32 $0x7F, v4;
	v19 =	vand.u32 $0xFFFFFC00, v19;
	[tilespmem:s22+$0xFFFFFBA0] =	vst v3  }
0x756: {  	v3 =	vor.u32 v4, v19;
	v4 =	vld.idx.msk [tilespmem:v6+s12+$0x0], $0xffff  }
0x757: {  	v6 =	vor.u32 v16, v3;
	_ =	sdelay $0x2  }
0x758: {  	v19 =	vshll.u32 v5, $0x3  }
0x759: {  	v5 =	vand.u32 $0x7F, v5;
	v19 =	vand.u32 $0xFFFFFC00, v19;
	[tilespmem:s22+$0xFFFFFBB0] =	vst v4  }
0x75a: {  	v4 =	vor.u32 v5, v19;
	v5 =	vld.idx.msk [tilespmem:v6+s12+$0x0], $0xffff  }
0x75b: {  	v6 =	vor.u32 v16, v4;
	_ =	sdelay $0x2  }
0x75c: {  	v19 =	vshll.u32 v7, $0x3  }
0x75d: {  	v7 =	vand.u32 $0x7F, v7;
	v19 =	vand.u32 $0xFFFFFC00, v19;
	[tilespmem:s22+$0xFFFFFBC0] =	vst v5  }
0x75e: {  	v5 =	vor.u32 v7, v19;
	v6 =	vld.idx.msk [tilespmem:v6+s12+$0x0], $0xffff  }
0x75f: {  	v7 =	vor.u32 v16, v5;
	_ =	sdelay $0x2  }
0x760: {  	v19 =	vshll.u32 v8, $0x3  }
0x761: {  	v8 =	vand.u32 $0x7F, v8;
	v19 =	vand.u32 $0xFFFFFC00, v19;
	[tilespmem:s22+$0xFFFFFBD0] =	vst v6  }
0x762: {  	v6 =	vor.u32 v8, v19;
	v7 =	vld.idx.msk [tilespmem:v7+s12+$0x0], $0xffff  }
0x763: {  	v8 =	vor.u32 v16, v6;
	_ =	sdelay $0x2  }
0x764: {  	v19 =	vshll.u32 v9, $0x3  }
0x765: {  	v9 =	vand.u32 $0x7F, v9;
	v19 =	vand.u32 $0xFFFFFC00, v19;
	[tilespmem:s22+$0xFFFFFBE0] =	vst v7  }
0x766: {  	v7 =	vor.u32 v9, v19;
	v8 =	vld.idx.msk [tilespmem:v8+s12+$0x0], $0xffff  }
0x767: {  	v9 =	vor.u32 v16, v7;
	_ =	sdelay $0x2  }
0x768: {  	v19 =	vshll.u32 v10, $0x3  }
0x769: {  	v10 =	vand.u32 $0x7F, v10;
	v19 =	vand.u32 $0xFFFFFC00, v19;
	[tilespmem:s22+$0xFFFFFBF0] =	vst v8  }
0x76a: {  	v8 =	vor.u32 v10, v19;
	v9 =	vld.idx.msk [tilespmem:v9+s12+$0x0], $0xffff  }
0x76b: {  	v10 =	vor.u32 v16, v8;
	_ =	sdelay $0x2  }
0x76c: {  	v19 =	vshll.u32 v11, $0x3  }
0x76d: {  	v11 =	vand.u32 $0x7F, v11;
	v19 =	vand.u32 $0xFFFFFC00, v19;
	[tilespmem:s22+$0xFFFFFC00] =	vst v9  }
0x76e: {  	v9 =	vor.u32 v11, v19;
	v10 =	vld.idx.msk [tilespmem:v10+s12+$0x0], $0xffff  }
0x76f: {  	v11 =	vor.u32 v16, v9;
	_ =	sdelay $0x2  }
0x770: {  	v19 =	vshll.u32 v12, $0x3  }
0x771: {  	v12 =	vand.u32 $0x7F, v12;
	v19 =	vand.u32 $0xFFFFFC00, v19;
	[tilespmem:s22+$0xFFFFFF90] =	vst v10  }
0x772: {  	v10 =	vor.u32 v12, v19;
	v11 =	vld.idx.msk [tilespmem:v11+s12+$0x0], $0xffff  }
0x773: {  	v12 =	vor.u32 v16, v10;
	_ =	sdelay $0x2  }
0x774: {  	v19 =	vshll.u32 v13, $0x3  }
0x775: {  	v13 =	vand.u32 $0x7F, v13;
	v19 =	vand.u32 $0xFFFFFC00, v19;
	[tilespmem:s22+$0xFFFFFFA0] =	vst v11  }
0x776: {  	v11 =	vor.u32 v13, v19;
	v12 =	vld.idx.msk [tilespmem:v12+s12+$0x0], $0xffff  }
0x777: {  	v13 =	vor.u32 v16, v11;
	_ =	sdelay $0x2  }
0x778: {  	v19 =	vshll.u32 v14, $0x3  }
0x779: {  	v14 =	vand.u32 $0x7F, v14;
	v19 =	vand.u32 $0xFFFFFC00, v19;
	[tilespmem:s22+$0xFFFFFFB0] =	vst v12  }
0x77a: {  	v12 =	vor.u32 v14, v19;
	v13 =	vld.idx.msk [tilespmem:v13+s12+$0x0], $0xffff  }
0x77b: {  	v14 =	vor.u32 v16, v12;
	_ =	sdelay $0x2  }
0x77c: {  	v19 =	vshll.u32 v15, $0x3  }
0x77d: {  	v15 =	vand.u32 $0x7F, v15;
	v19 =	vand.u32 $0xFFFFFC00, v19;
	[tilespmem:s22+$0xFFFFFFC0] =	vst v13  }
0x77e: {  	v13 =	vor.u32 v15, v19;
	v14 =	vld.idx.msk [tilespmem:v14+s12+$0x0], $0xffff  }
0x77f: {  	v15 =	vor.u32 v16, v13;
	_ =	sdelay $0x2  }
0x780: {  	v19 =	vshll.u32 v17, $0x3  }
0x781: {  	v17 =	vand.u32 $0x7F, v17;
	v19 =	vand.u32 $0xFFFFFC00, v19;
	[tilespmem:s22+$0xFFFFFFD0] =	vst v14  }
0x782: {  	v14 =	vor.u32 v17, v19;
	v17 =	vld.idx.msk [tilespmem:v15+s12+$0x0], $0xffff  }
0x783: {  	v19 =	vor.u32 v16, v14;
	_ =	sdelay $0x2  }
0x784: {  	v15 =	vshll.u32 v18, $0x3  }
0x785: {  	v18 =	vand.u32 $0x7F, v18;
	v15 =	vand.u32 $0xFFFFFC00, v15;
	[tilespmem:s22+$0xFFFFFFE0] =	vst v17  }
0x786: {  	v15 =	vor.u32 v18, v15;
	v18 =	vld.idx.msk [tilespmem:v19+s12+$0x0], $0xffff  }
0x787: {  	v17 =	vor.u32 v16, v15  }
0x788: {  	s23 =	simm.s32 $0x1  }
0x789: {  	v16 =	vmov s23;
	s23 =	simm.s32 $0x2  }
.LBB2_27:
0x78a: {  	p0 =	sne.s32 s23, $0x7;
	v16 =	vshll.u32 v16, $0x7  }
0x78b: {  	v16 =	vand.u32 $0x380, v16;
	[tilespmem:s22+$0xFFFFFFF0] =	vst v18  }
0x78c: {  	v16 =	vbroadcast v16, $0x0;
	v17 =	vld.idx.msk [tilespmem:v17+s12+$0x0], $0xffff;
	_ =	sdelay $0x1  }
0x78d: {  	v18 =	vor.u32 v16, v0;
	_ =	sdelay $0x3  }
0x78e: {  	[tilespmem:s22+$0x0] =	vst v17  }
0x78f: {  	v17 =	vld.idx.msk [tilespmem:v18+s12+$0x0], $0xffff;
	_ =	sdelay $0x1  }
0x790: {  	v18 =	vor.u32 v16, v1;
	_ =	sdelay $0x2  }
0x791: {  	s22 =	sadd.s32 $0x80, s22  }
0x792: {  	[tilespmem:s22+$0xFFFFFB90] =	vst v17  }
0x793: {  	v17 =	vld.idx.msk [tilespmem:v18+s12+$0x0], $0xffff;
	_ =	sdelay $0x1  }
0x794: {  	v18 =	vor.u32 v16, v2;
	_ =	sdelay $0x3  }
0x795: {  	[tilespmem:s22+$0xFFFFFBA0] =	vst v17  }
0x796: {  	v17 =	vld.idx.msk [tilespmem:v18+s12+$0x0], $0xffff;
	_ =	sdelay $0x1  }
0x797: {  	v18 =	vor.u32 v16, v3;
	_ =	sdelay $0x3  }
0x798: {  	[tilespmem:s22+$0xFFFFFBB0] =	vst v17  }
0x799: {  	v17 =	vld.idx.msk [tilespmem:v18+s12+$0x0], $0xffff;
	_ =	sdelay $0x1  }
0x79a: {  	v18 =	vor.u32 v16, v4;
	_ =	sdelay $0x3  }
0x79b: {  	[tilespmem:s22+$0xFFFFFBC0] =	vst v17  }
0x79c: {  	v17 =	vld.idx.msk [tilespmem:v18+s12+$0x0], $0xffff;
	_ =	sdelay $0x1  }
0x79d: {  	v18 =	vor.u32 v16, v5;
	_ =	sdelay $0x3  }
0x79e: {  	[tilespmem:s22+$0xFFFFFBD0] =	vst v17  }
0x79f: {  	v17 =	vld.idx.msk [tilespmem:v18+s12+$0x0], $0xffff;
	_ =	sdelay $0x1  }
0x7a0: {  	v18 =	vor.u32 v16, v6;
	_ =	sdelay $0x3  }
0x7a1: {  	[tilespmem:s22+$0xFFFFFBE0] =	vst v17  }
0x7a2: {  	v17 =	vld.idx.msk [tilespmem:v18+s12+$0x0], $0xffff;
	_ =	sdelay $0x1  }
0x7a3: {  	v18 =	vor.u32 v16, v7;
	_ =	sdelay $0x3  }
0x7a4: {  	[tilespmem:s22+$0xFFFFFBF0] =	vst v17  }
0x7a5: {  	v17 =	vld.idx.msk [tilespmem:v18+s12+$0x0], $0xffff;
	_ =	sdelay $0x1  }
0x7a6: {  	v18 =	vor.u32 v16, v8;
	_ =	sdelay $0x3  }
0x7a7: {  	[tilespmem:s22+$0xFFFFFC00] =	vst v17  }
0x7a8: {  	v17 =	vld.idx.msk [tilespmem:v18+s12+$0x0], $0xffff;
	_ =	sdelay $0x1  }
0x7a9: {  	v18 =	vor.u32 v16, v9;
	_ =	sdelay $0x3  }
0x7aa: {  	[tilespmem:s22+$0xFFFFFF90] =	vst v17  }
0x7ab: {  	v17 =	vld.idx.msk [tilespmem:v18+s12+$0x0], $0xffff;
	_ =	sdelay $0x1  }
0x7ac: {  	v18 =	vor.u32 v16, v10;
	_ =	sdelay $0x3  }
0x7ad: {  	[tilespmem:s22+$0xFFFFFFA0] =	vst v17  }
0x7ae: {  	v17 =	vld.idx.msk [tilespmem:v18+s12+$0x0], $0xffff;
	_ =	sdelay $0x1  }
0x7af: {  	v18 =	vor.u32 v16, v11;
	_ =	sdelay $0x3  }
0x7b0: {  	[tilespmem:s22+$0xFFFFFFB0] =	vst v17  }
0x7b1: {  	v17 =	vld.idx.msk [tilespmem:v18+s12+$0x0], $0xffff;
	_ =	sdelay $0x1  }
0x7b2: {  	v18 =	vor.u32 v16, v12;
	_ =	sdelay $0x3  }
0x7b3: {  	[tilespmem:s22+$0xFFFFFFC0] =	vst v17  }
0x7b4: {  	v17 =	vld.idx.msk [tilespmem:v18+s12+$0x0], $0xffff;
	_ =	sdelay $0x1  }
0x7b5: {  	v18 =	vor.u32 v16, v13;
	_ =	sdelay $0x3  }
0x7b6: {  	[tilespmem:s22+$0xFFFFFFD0] =	vst v17  }
0x7b7: {  	v17 =	vld.idx.msk [tilespmem:v18+s12+$0x0], $0xffff;
	_ =	sdelay $0x1  }
0x7b8: {  	v18 =	vor.u32 v16, v14;
	_ =	sdelay $0x3  }
0x7b9: {  	[tilespmem:s22+$0xFFFFFFE0] =	vst v17  }
.Ltmp13:
0x7ba: {  	v18 =	vld.idx.msk [tilespmem:v18+s12+$0x0], $0xffff;
	(pc) =	sbr.rel @p0 .LBB2_27-.Ltmp13, $3  }
0x7bb: {  	_ = 	snop  }
0x7bc: {  	v17 =	vor.u32 v16, v15;
	_ =	sdelay $0x1  }
0x7bd: {  	v16 =	vmov s23;
	s23 =	sadd.s32 $0x1, s23  }
0x7be: {  	_ = 	snop  }
0x7bf: {  	v16 =	vshll.u32 v16, $0x7  }
0x7c0: {  	v16 =	vand.u32 $0x380, v16  }
0x7c1: {  	[tilespmem:s22+$0xFFFFFFF0] =	vst v18;
	v16 =	vbroadcast v16, $0x0  }
0x7c2: {  	v17 =	vld.idx.msk [tilespmem:v17+s12+$0x0], $0xffff  }
0x7c3: {  	v0 =	vor.u32 v16, v0;
	_ =	sdelay $0x3  }
0x7c4: {  	[tilespmem:s22+$0x0] =	vst v17  }
0x7c5: {  	v0 =	vld.idx.msk [tilespmem:v0+s12+$0x0], $0xffff  }
0x7c6: {  	v1 =	vor.u32 v16, v1;
	_ =	sdelay $0x2  }
0x7c7: {  	s30 =	sadd.s32 $0x80, s22  }
0x7c8: {  	[tilespmem:s30+$0xFFFFFB90] =	vst v0  }
0x7c9: {  	v0 =	vld.idx.msk [tilespmem:v1+s12+$0x0], $0xffff  }
0x7ca: {  	v1 =	vor.u32 v16, v2;
	_ =	sdelay $0x3  }
0x7cb: {  	[tilespmem:s30+$0xFFFFFBA0] =	vst v0  }
0x7cc: {  	v0 =	vld.idx.msk [tilespmem:v1+s12+$0x0], $0xffff  }
0x7cd: {  	v1 =	vor.u32 v16, v3;
	_ =	sdelay $0x3  }
0x7ce: {  	[tilespmem:s30+$0xFFFFFBB0] =	vst v0  }
0x7cf: {  	v0 =	vld.idx.msk [tilespmem:v1+s12+$0x0], $0xffff  }
0x7d0: {  	v1 =	vor.u32 v16, v4;
	_ =	sdelay $0x3  }
0x7d1: {  	[tilespmem:s30+$0xFFFFFBC0] =	vst v0  }
0x7d2: {  	v0 =	vld.idx.msk [tilespmem:v1+s12+$0x0], $0xffff  }
0x7d3: {  	v1 =	vor.u32 v16, v5;
	_ =	sdelay $0x3  }
0x7d4: {  	[tilespmem:s30+$0xFFFFFBD0] =	vst v0  }
0x7d5: {  	v0 =	vld.idx.msk [tilespmem:v1+s12+$0x0], $0xffff  }
0x7d6: {  	v1 =	vor.u32 v16, v6;
	_ =	sdelay $0x3  }
0x7d7: {  	[tilespmem:s30+$0xFFFFFBE0] =	vst v0  }
0x7d8: {  	v0 =	vld.idx.msk [tilespmem:v1+s12+$0x0], $0xffff  }
0x7d9: {  	v1 =	vor.u32 v16, v7;
	_ =	sdelay $0x3  }
0x7da: {  	[tilespmem:s30+$0xFFFFFBF0] =	vst v0  }
0x7db: {  	v0 =	vld.idx.msk [tilespmem:v1+s12+$0x0], $0xffff  }
0x7dc: {  	v1 =	vor.u32 v16, v8;
	_ =	sdelay $0x3  }
0x7dd: {  	[tilespmem:s30+$0xFFFFFC00] =	vst v0  }
0x7de: {  	v0 =	vld.idx.msk [tilespmem:v1+s12+$0x0], $0xffff  }
0x7df: {  	v1 =	vor.u32 v16, v9;
	_ =	sdelay $0x3  }
0x7e0: {  	[tilespmem:s30+$0xFFFFFF90] =	vst v0  }
0x7e1: {  	v0 =	vld.idx.msk [tilespmem:v1+s12+$0x0], $0xffff  }
0x7e2: {  	v1 =	vor.u32 v16, v10;
	_ =	sdelay $0x3  }
0x7e3: {  	[tilespmem:s30+$0xFFFFFFA0] =	vst v0  }
0x7e4: {  	v0 =	vld.idx.msk [tilespmem:v1+s12+$0x0], $0xffff  }
0x7e5: {  	v1 =	vor.u32 v16, v11;
	_ =	sdelay $0x3  }
0x7e6: {  	[tilespmem:s30+$0xFFFFFFB0] =	vst v0  }
0x7e7: {  	v0 =	vld.idx.msk [tilespmem:v1+s12+$0x0], $0xffff  }
0x7e8: {  	v1 =	vor.u32 v16, v12;
	_ =	sdelay $0x3  }
0x7e9: {  	[tilespmem:s30+$0xFFFFFFC0] =	vst v0  }
0x7ea: {  	v0 =	vld.idx.msk [tilespmem:v1+s12+$0x0], $0xffff  }
0x7eb: {  	v1 =	vor.u32 v16, v13;
	_ =	sdelay $0x3  }
0x7ec: {  	[tilespmem:s30+$0xFFFFFFD0] =	vst v0  }
0x7ed: {  	v0 =	vld.idx.msk [tilespmem:v1+s12+$0x0], $0xffff  }
0x7ee: {  	v1 =	vor.u32 v16, v14;
	_ =	sdelay $0x3  }
0x7ef: {  	[tilespmem:s30+$0xFFFFFFE0] =	vst v0  }
0x7f0: {  	v0 =	vld.idx.msk [tilespmem:v1+s12+$0x0], $0xffff  }
0x7f1: {  	v1 =	vor.u32 v16, v15;
	_ =	sdelay $0x3  }
0x7f2: {  	[tilespmem:s30+$0xFFFFFFF0] =	vst v0  }
0x7f3: {  	v0 =	vld.idx.msk [tilespmem:v1+s12+$0x0], $0xffff;
	_ =	sdelay $0x4  }
0x7f4: {  	[tilespmem:s30+$0x0] =	vst v0  }
0x7f5: {  	v0 =	vld [tilespmem:$0x300];
	_ =	sdelay $0x1  }
0x7f6: {  	s31 =	simm.s32 $0x0  }
0x7f7: {  	v3 =	vmov s31;
	v1 =	vld [tilespmem:$0x310]  }
0x7f8: {  	v3 =	vshll.u32 v3, $0x7;
	v2 =	vld [tilespmem:$0x320]  }
0x7f9: {  	v3 =	vand.u32 $0x380, v3;
	v4 =	vld [tilespmem:$0x330];
	v6 =	vshll.u32 v0, $0x3  }
0x7fa: {  	v16 =	vbroadcast v3, $0x0;
	v5 =	vld [tilespmem:$0x340];
	v0 =	vand.u32 $0x7F, v0;
	v6 =	vand.u32 $0xFFFFFC00, v6  }
0x7fb: {  	v7 =	vld [tilespmem:$0x350];
	v0 =	vor.u32 v0, v6  }
0x7fc: {  	v8 =	vld [tilespmem:$0x360];
	v3 =	vor.u32 v16, v0  }
0x7fd: {  	v9 =	vld [tilespmem:$0x370]  }
0x7fe: {  	v10 =	vld [tilespmem:$0x380]  }
0x7ff: {  	v11 =	vld [tilespmem:$0x390];
	v6 =	vshll.u32 v1, $0x3  }
0x800: {  	v12 =	vld [tilespmem:$0x3A0];
	v1 =	vand.u32 $0x7F, v1;
	v6 =	vand.u32 $0xFFFFFC00, v6  }
0x801: {  	v1 =	vor.u32 v1, v6;
	v3 =	vld.idx.msk [tilespmem:v3+s12+$0x0], $0xffff  }
0x802: {  	v13 =	vld [tilespmem:$0x3B0];
	v6 =	vor.u32 v16, v1  }
0x803: {  	v14 =	vld [tilespmem:$0x3C0]  }
0x804: {  	v15 =	vld [tilespmem:$0x3D0]  }
0x805: {  	s22 =	simm.s32 $0xE470;
	v17 =	vld [tilespmem:$0x3E0];
	v19 =	vshll.u32 v2, $0x3  }
0x806: {  	v18 =	vld [tilespmem:$0x3F0];
	v2 =	vand.u32 $0x7F, v2;
	v19 =	vand.u32 $0xFFFFFC00, v19;
	[tilespmem:s22+$0xFFFFFB90] =	vst v3  }
0x807: {  	v2 =	vor.u32 v2, v19;
	v3 =	vld.idx.msk [tilespmem:v6+s12+$0x0], $0xffff  }
0x808: {  	v6 =	vor.u32 v16, v2;
	_ =	sdelay $0x2  }
0x809: {  	v19 =	vshll.u32 v4, $0x3  }
0x80a: {  	v4 =	vand.u32 $0x7F, v4;
	v19 =	vand.u32 $0xFFFFFC00, v19;
	[tilespmem:s22+$0xFFFFFBA0] =	vst v3  }
0x80b: {  	v3 =	vor.u32 v4, v19;
	v4 =	vld.idx.msk [tilespmem:v6+s12+$0x0], $0xffff  }
0x80c: {  	v6 =	vor.u32 v16, v3;
	_ =	sdelay $0x2  }
0x80d: {  	v19 =	vshll.u32 v5, $0x3  }
0x80e: {  	v5 =	vand.u32 $0x7F, v5;
	v19 =	vand.u32 $0xFFFFFC00, v19;
	[tilespmem:s22+$0xFFFFFBB0] =	vst v4  }
0x80f: {  	v4 =	vor.u32 v5, v19;
	v5 =	vld.idx.msk [tilespmem:v6+s12+$0x0], $0xffff  }
0x810: {  	v6 =	vor.u32 v16, v4;
	_ =	sdelay $0x2  }
0x811: {  	v19 =	vshll.u32 v7, $0x3  }
0x812: {  	v7 =	vand.u32 $0x7F, v7;
	v19 =	vand.u32 $0xFFFFFC00, v19;
	[tilespmem:s22+$0xFFFFFBC0] =	vst v5  }
0x813: {  	v5 =	vor.u32 v7, v19;
	v6 =	vld.idx.msk [tilespmem:v6+s12+$0x0], $0xffff  }
0x814: {  	v7 =	vor.u32 v16, v5;
	_ =	sdelay $0x2  }
0x815: {  	v19 =	vshll.u32 v8, $0x3  }
0x816: {  	v8 =	vand.u32 $0x7F, v8;
	v19 =	vand.u32 $0xFFFFFC00, v19;
	[tilespmem:s22+$0xFFFFFBD0] =	vst v6  }
0x817: {  	v6 =	vor.u32 v8, v19;
	v7 =	vld.idx.msk [tilespmem:v7+s12+$0x0], $0xffff  }
0x818: {  	v8 =	vor.u32 v16, v6;
	_ =	sdelay $0x2  }
0x819: {  	v19 =	vshll.u32 v9, $0x3  }
0x81a: {  	v9 =	vand.u32 $0x7F, v9;
	v19 =	vand.u32 $0xFFFFFC00, v19;
	[tilespmem:s22+$0xFFFFFBE0] =	vst v7  }
0x81b: {  	v7 =	vor.u32 v9, v19;
	v8 =	vld.idx.msk [tilespmem:v8+s12+$0x0], $0xffff  }
0x81c: {  	v9 =	vor.u32 v16, v7;
	_ =	sdelay $0x2  }
0x81d: {  	v19 =	vshll.u32 v10, $0x3  }
0x81e: {  	v10 =	vand.u32 $0x7F, v10;
	v19 =	vand.u32 $0xFFFFFC00, v19;
	[tilespmem:s22+$0xFFFFFBF0] =	vst v8  }
0x81f: {  	v8 =	vor.u32 v10, v19;
	v9 =	vld.idx.msk [tilespmem:v9+s12+$0x0], $0xffff  }
0x820: {  	v10 =	vor.u32 v16, v8;
	_ =	sdelay $0x2  }
0x821: {  	v19 =	vshll.u32 v11, $0x3  }
0x822: {  	v11 =	vand.u32 $0x7F, v11;
	v19 =	vand.u32 $0xFFFFFC00, v19;
	[tilespmem:s22+$0xFFFFFC00] =	vst v9  }
0x823: {  	v9 =	vor.u32 v11, v19;
	v10 =	vld.idx.msk [tilespmem:v10+s12+$0x0], $0xffff  }
0x824: {  	v11 =	vor.u32 v16, v9;
	_ =	sdelay $0x2  }
0x825: {  	v19 =	vshll.u32 v12, $0x3  }
0x826: {  	v12 =	vand.u32 $0x7F, v12;
	v19 =	vand.u32 $0xFFFFFC00, v19;
	[tilespmem:s22+$0xFFFFFF90] =	vst v10  }
0x827: {  	v10 =	vor.u32 v12, v19;
	v11 =	vld.idx.msk [tilespmem:v11+s12+$0x0], $0xffff  }
0x828: {  	v12 =	vor.u32 v16, v10;
	_ =	sdelay $0x2  }
0x829: {  	v19 =	vshll.u32 v13, $0x3  }
0x82a: {  	v13 =	vand.u32 $0x7F, v13;
	v19 =	vand.u32 $0xFFFFFC00, v19;
	[tilespmem:s22+$0xFFFFFFA0] =	vst v11  }
0x82b: {  	v11 =	vor.u32 v13, v19;
	v12 =	vld.idx.msk [tilespmem:v12+s12+$0x0], $0xffff  }
0x82c: {  	v13 =	vor.u32 v16, v11;
	_ =	sdelay $0x2  }
0x82d: {  	v19 =	vshll.u32 v14, $0x3  }
0x82e: {  	v14 =	vand.u32 $0x7F, v14;
	v19 =	vand.u32 $0xFFFFFC00, v19;
	[tilespmem:s22+$0xFFFFFFB0] =	vst v12  }
0x82f: {  	v12 =	vor.u32 v14, v19;
	v13 =	vld.idx.msk [tilespmem:v13+s12+$0x0], $0xffff  }
0x830: {  	v14 =	vor.u32 v16, v12;
	_ =	sdelay $0x2  }
0x831: {  	v19 =	vshll.u32 v15, $0x3  }
0x832: {  	v15 =	vand.u32 $0x7F, v15;
	v19 =	vand.u32 $0xFFFFFC00, v19;
	[tilespmem:s22+$0xFFFFFFC0] =	vst v13  }
0x833: {  	v13 =	vor.u32 v15, v19;
	v14 =	vld.idx.msk [tilespmem:v14+s12+$0x0], $0xffff  }
0x834: {  	v15 =	vor.u32 v16, v13;
	_ =	sdelay $0x2  }
0x835: {  	v19 =	vshll.u32 v17, $0x3  }
0x836: {  	v17 =	vand.u32 $0x7F, v17;
	v19 =	vand.u32 $0xFFFFFC00, v19;
	[tilespmem:s22+$0xFFFFFFD0] =	vst v14  }
0x837: {  	v14 =	vor.u32 v17, v19;
	v17 =	vld.idx.msk [tilespmem:v15+s12+$0x0], $0xffff  }
0x838: {  	v19 =	vor.u32 v16, v14;
	_ =	sdelay $0x2  }
0x839: {  	v15 =	vshll.u32 v18, $0x3  }
0x83a: {  	v18 =	vand.u32 $0x7F, v18;
	v15 =	vand.u32 $0xFFFFFC00, v15;
	[tilespmem:s22+$0xFFFFFFE0] =	vst v17  }
0x83b: {  	v15 =	vor.u32 v18, v15;
	v18 =	vld.idx.msk [tilespmem:v19+s12+$0x0], $0xffff  }
0x83c: {  	v17 =	vor.u32 v16, v15  }
0x83d: {  	s23 =	simm.s32 $0x1  }
0x83e: {  	v16 =	vmov s23;
	s23 =	simm.s32 $0x2  }
.LBB2_29:
0x83f: {  	p0 =	sne.s32 s23, $0x7;
	v16 =	vshll.u32 v16, $0x7  }
0x840: {  	v16 =	vand.u32 $0x380, v16;
	[tilespmem:s22+$0xFFFFFFF0] =	vst v18  }
0x841: {  	v16 =	vbroadcast v16, $0x0;
	v17 =	vld.idx.msk [tilespmem:v17+s12+$0x0], $0xffff;
	_ =	sdelay $0x1  }
0x842: {  	v18 =	vor.u32 v16, v0;
	_ =	sdelay $0x3  }
0x843: {  	[tilespmem:s22+$0x0] =	vst v17  }
0x844: {  	v17 =	vld.idx.msk [tilespmem:v18+s12+$0x0], $0xffff;
	_ =	sdelay $0x1  }
0x845: {  	v18 =	vor.u32 v16, v1;
	_ =	sdelay $0x2  }
0x846: {  	s22 =	sadd.s32 $0x80, s22  }
0x847: {  	[tilespmem:s22+$0xFFFFFB90] =	vst v17  }
0x848: {  	v17 =	vld.idx.msk [tilespmem:v18+s12+$0x0], $0xffff;
	_ =	sdelay $0x1  }
0x849: {  	v18 =	vor.u32 v16, v2;
	_ =	sdelay $0x3  }
0x84a: {  	[tilespmem:s22+$0xFFFFFBA0] =	vst v17  }
0x84b: {  	v17 =	vld.idx.msk [tilespmem:v18+s12+$0x0], $0xffff;
	_ =	sdelay $0x1  }
0x84c: {  	v18 =	vor.u32 v16, v3;
	_ =	sdelay $0x3  }
0x84d: {  	[tilespmem:s22+$0xFFFFFBB0] =	vst v17  }
0x84e: {  	v17 =	vld.idx.msk [tilespmem:v18+s12+$0x0], $0xffff;
	_ =	sdelay $0x1  }
0x84f: {  	v18 =	vor.u32 v16, v4;
	_ =	sdelay $0x3  }
0x850: {  	[tilespmem:s22+$0xFFFFFBC0] =	vst v17  }
0x851: {  	v17 =	vld.idx.msk [tilespmem:v18+s12+$0x0], $0xffff;
	_ =	sdelay $0x1  }
0x852: {  	v18 =	vor.u32 v16, v5;
	_ =	sdelay $0x3  }
0x853: {  	[tilespmem:s22+$0xFFFFFBD0] =	vst v17  }
0x854: {  	v17 =	vld.idx.msk [tilespmem:v18+s12+$0x0], $0xffff;
	_ =	sdelay $0x1  }
0x855: {  	v18 =	vor.u32 v16, v6;
	_ =	sdelay $0x3  }
0x856: {  	[tilespmem:s22+$0xFFFFFBE0] =	vst v17  }
0x857: {  	v17 =	vld.idx.msk [tilespmem:v18+s12+$0x0], $0xffff;
	_ =	sdelay $0x1  }
0x858: {  	v18 =	vor.u32 v16, v7;
	_ =	sdelay $0x3  }
0x859: {  	[tilespmem:s22+$0xFFFFFBF0] =	vst v17  }
0x85a: {  	v17 =	vld.idx.msk [tilespmem:v18+s12+$0x0], $0xffff;
	_ =	sdelay $0x1  }
0x85b: {  	v18 =	vor.u32 v16, v8;
	_ =	sdelay $0x3  }
0x85c: {  	[tilespmem:s22+$0xFFFFFC00] =	vst v17  }
0x85d: {  	v17 =	vld.idx.msk [tilespmem:v18+s12+$0x0], $0xffff;
	_ =	sdelay $0x1  }
0x85e: {  	v18 =	vor.u32 v16, v9;
	_ =	sdelay $0x3  }
0x85f: {  	[tilespmem:s22+$0xFFFFFF90] =	vst v17  }
0x860: {  	v17 =	vld.idx.msk [tilespmem:v18+s12+$0x0], $0xffff;
	_ =	sdelay $0x1  }
0x861: {  	v18 =	vor.u32 v16, v10;
	_ =	sdelay $0x3  }
0x862: {  	[tilespmem:s22+$0xFFFFFFA0] =	vst v17  }
0x863: {  	v17 =	vld.idx.msk [tilespmem:v18+s12+$0x0], $0xffff;
	_ =	sdelay $0x1  }
0x864: {  	v18 =	vor.u32 v16, v11;
	_ =	sdelay $0x3  }
0x865: {  	[tilespmem:s22+$0xFFFFFFB0] =	vst v17  }
0x866: {  	v17 =	vld.idx.msk [tilespmem:v18+s12+$0x0], $0xffff;
	_ =	sdelay $0x1  }
0x867: {  	v18 =	vor.u32 v16, v12;
	_ =	sdelay $0x3  }
0x868: {  	[tilespmem:s22+$0xFFFFFFC0] =	vst v17  }
0x869: {  	v17 =	vld.idx.msk [tilespmem:v18+s12+$0x0], $0xffff;
	_ =	sdelay $0x1  }
0x86a: {  	v18 =	vor.u32 v16, v13;
	_ =	sdelay $0x3  }
0x86b: {  	[tilespmem:s22+$0xFFFFFFD0] =	vst v17  }
0x86c: {  	v17 =	vld.idx.msk [tilespmem:v18+s12+$0x0], $0xffff;
	_ =	sdelay $0x1  }
0x86d: {  	v18 =	vor.u32 v16, v14;
	_ =	sdelay $0x3  }
0x86e: {  	[tilespmem:s22+$0xFFFFFFE0] =	vst v17  }
.Ltmp14:
0x86f: {  	v18 =	vld.idx.msk [tilespmem:v18+s12+$0x0], $0xffff;
	(pc) =	sbr.rel @p0 .LBB2_29-.Ltmp14, $3  }
0x870: {  	_ = 	snop  }
0x871: {  	v17 =	vor.u32 v16, v15;
	_ =	sdelay $0x1  }
0x872: {  	v16 =	vmov s23;
	s23 =	sadd.s32 $0x1, s23  }
0x873: {  	_ = 	snop  }
0x874: {  	v16 =	vshll.u32 v16, $0x7  }
0x875: {  	v16 =	vand.u32 $0x380, v16  }
0x876: {  	[tilespmem:s22+$0xFFFFFFF0] =	vst v18;
	v16 =	vbroadcast v16, $0x0  }
0x877: {  	v17 =	vld.idx.msk [tilespmem:v17+s12+$0x0], $0xffff  }
0x878: {  	v0 =	vor.u32 v16, v0;
	_ =	sdelay $0x3  }
0x879: {  	[tilespmem:s22+$0x0] =	vst v17  }
0x87a: {  	v0 =	vld.idx.msk [tilespmem:v0+s12+$0x0], $0xffff  }
0x87b: {  	v1 =	vor.u32 v16, v1;
	_ =	sdelay $0x2  }
0x87c: {  	s30 =	sadd.s32 $0x80, s22  }
0x87d: {  	[tilespmem:s30+$0xFFFFFB90] =	vst v0  }
0x87e: {  	v0 =	vld.idx.msk [tilespmem:v1+s12+$0x0], $0xffff  }
0x87f: {  	v1 =	vor.u32 v16, v2;
	_ =	sdelay $0x3  }
0x880: {  	[tilespmem:s30+$0xFFFFFBA0] =	vst v0  }
0x881: {  	v0 =	vld.idx.msk [tilespmem:v1+s12+$0x0], $0xffff  }
0x882: {  	v1 =	vor.u32 v16, v3;
	_ =	sdelay $0x3  }
0x883: {  	[tilespmem:s30+$0xFFFFFBB0] =	vst v0  }
0x884: {  	v0 =	vld.idx.msk [tilespmem:v1+s12+$0x0], $0xffff  }
0x885: {  	v1 =	vor.u32 v16, v4;
	_ =	sdelay $0x3  }
0x886: {  	[tilespmem:s30+$0xFFFFFBC0] =	vst v0  }
0x887: {  	v0 =	vld.idx.msk [tilespmem:v1+s12+$0x0], $0xffff  }
0x888: {  	v1 =	vor.u32 v16, v5;
	_ =	sdelay $0x3  }
0x889: {  	[tilespmem:s30+$0xFFFFFBD0] =	vst v0  }
0x88a: {  	v0 =	vld.idx.msk [tilespmem:v1+s12+$0x0], $0xffff  }
0x88b: {  	v1 =	vor.u32 v16, v6;
	_ =	sdelay $0x3  }
0x88c: {  	[tilespmem:s30+$0xFFFFFBE0] =	vst v0  }
0x88d: {  	v0 =	vld.idx.msk [tilespmem:v1+s12+$0x0], $0xffff  }
0x88e: {  	v1 =	vor.u32 v16, v7;
	_ =	sdelay $0x3  }
0x88f: {  	[tilespmem:s30+$0xFFFFFBF0] =	vst v0  }
0x890: {  	v0 =	vld.idx.msk [tilespmem:v1+s12+$0x0], $0xffff  }
0x891: {  	v1 =	vor.u32 v16, v8;
	_ =	sdelay $0x3  }
0x892: {  	[tilespmem:s30+$0xFFFFFC00] =	vst v0  }
0x893: {  	v0 =	vld.idx.msk [tilespmem:v1+s12+$0x0], $0xffff  }
0x894: {  	v1 =	vor.u32 v16, v9;
	_ =	sdelay $0x3  }
0x895: {  	[tilespmem:s30+$0xFFFFFF90] =	vst v0  }
0x896: {  	v0 =	vld.idx.msk [tilespmem:v1+s12+$0x0], $0xffff  }
0x897: {  	v1 =	vor.u32 v16, v10;
	_ =	sdelay $0x3  }
0x898: {  	[tilespmem:s30+$0xFFFFFFA0] =	vst v0  }
0x899: {  	v0 =	vld.idx.msk [tilespmem:v1+s12+$0x0], $0xffff  }
0x89a: {  	v1 =	vor.u32 v16, v11;
	_ =	sdelay $0x3  }
0x89b: {  	[tilespmem:s30+$0xFFFFFFB0] =	vst v0  }
0x89c: {  	v0 =	vld.idx.msk [tilespmem:v1+s12+$0x0], $0xffff  }
0x89d: {  	v1 =	vor.u32 v16, v12;
	_ =	sdelay $0x3  }
0x89e: {  	[tilespmem:s30+$0xFFFFFFC0] =	vst v0  }
0x89f: {  	v0 =	vld.idx.msk [tilespmem:v1+s12+$0x0], $0xffff  }
0x8a0: {  	v1 =	vor.u32 v16, v13;
	_ =	sdelay $0x3  }
0x8a1: {  	[tilespmem:s30+$0xFFFFFFD0] =	vst v0  }
0x8a2: {  	v0 =	vld.idx.msk [tilespmem:v1+s12+$0x0], $0xffff  }
0x8a3: {  	v1 =	vor.u32 v16, v14;
	_ =	sdelay $0x3  }
0x8a4: {  	[tilespmem:s30+$0xFFFFFFE0] =	vst v0  }
0x8a5: {  	v0 =	vld.idx.msk [tilespmem:v1+s12+$0x0], $0xffff  }
0x8a6: {  	v1 =	vor.u32 v16, v15;
	_ =	sdelay $0x3  }
0x8a7: {  	[tilespmem:s30+$0xFFFFFFF0] =	vst v0  }
0x8a8: {  	v0 =	vld.idx.msk [tilespmem:v1+s12+$0x0], $0xffff;
	_ =	sdelay $0x4  }
0x8a9: {  	[tilespmem:s30+$0x0] =	vst v0  }
0x8aa: {  	v0 =	vld [tilespmem:$0x400];
	_ =	sdelay $0x1  }
0x8ab: {  	s31 =	simm.s32 $0x0  }
0x8ac: {  	v3 =	vmov s31;
	v1 =	vld [tilespmem:$0x410]  }
0x8ad: {  	v3 =	vshll.u32 v3, $0x7;
	v2 =	vld [tilespmem:$0x420]  }
0x8ae: {  	v3 =	vand.u32 $0x380, v3;
	v4 =	vld [tilespmem:$0x430];
	v6 =	vshll.u32 v0, $0x3  }
0x8af: {  	v16 =	vbroadcast v3, $0x0;
	v5 =	vld [tilespmem:$0x440];
	v0 =	vand.u32 $0x7F, v0;
	v6 =	vand.u32 $0xFFFFFC00, v6  }
0x8b0: {  	v7 =	vld [tilespmem:$0x450];
	v0 =	vor.u32 v0, v6  }
0x8b1: {  	v8 =	vld [tilespmem:$0x460];
	v3 =	vor.u32 v16, v0  }
0x8b2: {  	v9 =	vld [tilespmem:$0x470]  }
0x8b3: {  	v10 =	vld [tilespmem:$0x480]  }
0x8b4: {  	v11 =	vld [tilespmem:$0x490];
	v6 =	vshll.u32 v1, $0x3  }
0x8b5: {  	v12 =	vld [tilespmem:$0x4A0];
	v1 =	vand.u32 $0x7F, v1;
	v6 =	vand.u32 $0xFFFFFC00, v6  }
0x8b6: {  	v1 =	vor.u32 v1, v6;
	v3 =	vld.idx.msk [tilespmem:v3+s12+$0x0], $0xffff  }
0x8b7: {  	v13 =	vld [tilespmem:$0x4B0];
	v6 =	vor.u32 v16, v1  }
0x8b8: {  	v14 =	vld [tilespmem:$0x4C0]  }
0x8b9: {  	v15 =	vld [tilespmem:$0x4D0]  }
0x8ba: {  	s22 =	simm.s32 $0xEC70;
	v17 =	vld [tilespmem:$0x4E0];
	v19 =	vshll.u32 v2, $0x3  }
0x8bb: {  	v18 =	vld [tilespmem:$0x4F0];
	v2 =	vand.u32 $0x7F, v2;
	v19 =	vand.u32 $0xFFFFFC00, v19;
	[tilespmem:s22+$0xFFFFFB90] =	vst v3  }
0x8bc: {  	v2 =	vor.u32 v2, v19;
	v3 =	vld.idx.msk [tilespmem:v6+s12+$0x0], $0xffff  }
0x8bd: {  	v6 =	vor.u32 v16, v2;
	_ =	sdelay $0x2  }
0x8be: {  	v19 =	vshll.u32 v4, $0x3  }
0x8bf: {  	v4 =	vand.u32 $0x7F, v4;
	v19 =	vand.u32 $0xFFFFFC00, v19;
	[tilespmem:s22+$0xFFFFFBA0] =	vst v3  }
0x8c0: {  	v3 =	vor.u32 v4, v19;
	v4 =	vld.idx.msk [tilespmem:v6+s12+$0x0], $0xffff  }
0x8c1: {  	v6 =	vor.u32 v16, v3;
	_ =	sdelay $0x2  }
0x8c2: {  	v19 =	vshll.u32 v5, $0x3  }
0x8c3: {  	v5 =	vand.u32 $0x7F, v5;
	v19 =	vand.u32 $0xFFFFFC00, v19;
	[tilespmem:s22+$0xFFFFFBB0] =	vst v4  }
0x8c4: {  	v4 =	vor.u32 v5, v19;
	v5 =	vld.idx.msk [tilespmem:v6+s12+$0x0], $0xffff  }
0x8c5: {  	v6 =	vor.u32 v16, v4;
	_ =	sdelay $0x2  }
0x8c6: {  	v19 =	vshll.u32 v7, $0x3  }
0x8c7: {  	v7 =	vand.u32 $0x7F, v7;
	v19 =	vand.u32 $0xFFFFFC00, v19;
	[tilespmem:s22+$0xFFFFFBC0] =	vst v5  }
0x8c8: {  	v5 =	vor.u32 v7, v19;
	v6 =	vld.idx.msk [tilespmem:v6+s12+$0x0], $0xffff  }
0x8c9: {  	v7 =	vor.u32 v16, v5;
	_ =	sdelay $0x2  }
0x8ca: {  	v19 =	vshll.u32 v8, $0x3  }
0x8cb: {  	v8 =	vand.u32 $0x7F, v8;
	v19 =	vand.u32 $0xFFFFFC00, v19;
	[tilespmem:s22+$0xFFFFFBD0] =	vst v6  }
0x8cc: {  	v6 =	vor.u32 v8, v19;
	v7 =	vld.idx.msk [tilespmem:v7+s12+$0x0], $0xffff  }
0x8cd: {  	v8 =	vor.u32 v16, v6;
	_ =	sdelay $0x2  }
0x8ce: {  	v19 =	vshll.u32 v9, $0x3  }
0x8cf: {  	v9 =	vand.u32 $0x7F, v9;
	v19 =	vand.u32 $0xFFFFFC00, v19;
	[tilespmem:s22+$0xFFFFFBE0] =	vst v7  }
0x8d0: {  	v7 =	vor.u32 v9, v19;
	v8 =	vld.idx.msk [tilespmem:v8+s12+$0x0], $0xffff  }
0x8d1: {  	v9 =	vor.u32 v16, v7;
	_ =	sdelay $0x2  }
0x8d2: {  	v19 =	vshll.u32 v10, $0x3  }
0x8d3: {  	v10 =	vand.u32 $0x7F, v10;
	v19 =	vand.u32 $0xFFFFFC00, v19;
	[tilespmem:s22+$0xFFFFFBF0] =	vst v8  }
0x8d4: {  	v8 =	vor.u32 v10, v19;
	v9 =	vld.idx.msk [tilespmem:v9+s12+$0x0], $0xffff  }
0x8d5: {  	v10 =	vor.u32 v16, v8;
	_ =	sdelay $0x2  }
0x8d6: {  	v19 =	vshll.u32 v11, $0x3  }
0x8d7: {  	v11 =	vand.u32 $0x7F, v11;
	v19 =	vand.u32 $0xFFFFFC00, v19;
	[tilespmem:s22+$0xFFFFFC00] =	vst v9  }
0x8d8: {  	v9 =	vor.u32 v11, v19;
	v10 =	vld.idx.msk [tilespmem:v10+s12+$0x0], $0xffff  }
0x8d9: {  	v11 =	vor.u32 v16, v9;
	_ =	sdelay $0x2  }
0x8da: {  	v19 =	vshll.u32 v12, $0x3  }
0x8db: {  	v12 =	vand.u32 $0x7F, v12;
	v19 =	vand.u32 $0xFFFFFC00, v19;
	[tilespmem:s22+$0xFFFFFF90] =	vst v10  }
0x8dc: {  	v10 =	vor.u32 v12, v19;
	v11 =	vld.idx.msk [tilespmem:v11+s12+$0x0], $0xffff  }
0x8dd: {  	v12 =	vor.u32 v16, v10;
	_ =	sdelay $0x2  }
0x8de: {  	v19 =	vshll.u32 v13, $0x3  }
0x8df: {  	v13 =	vand.u32 $0x7F, v13;
	v19 =	vand.u32 $0xFFFFFC00, v19;
	[tilespmem:s22+$0xFFFFFFA0] =	vst v11  }
0x8e0: {  	v11 =	vor.u32 v13, v19;
	v12 =	vld.idx.msk [tilespmem:v12+s12+$0x0], $0xffff  }
0x8e1: {  	v13 =	vor.u32 v16, v11;
	_ =	sdelay $0x2  }
0x8e2: {  	v19 =	vshll.u32 v14, $0x3  }
0x8e3: {  	v14 =	vand.u32 $0x7F, v14;
	v19 =	vand.u32 $0xFFFFFC00, v19;
	[tilespmem:s22+$0xFFFFFFB0] =	vst v12  }
0x8e4: {  	v12 =	vor.u32 v14, v19;
	v13 =	vld.idx.msk [tilespmem:v13+s12+$0x0], $0xffff  }
0x8e5: {  	v14 =	vor.u32 v16, v12;
	_ =	sdelay $0x2  }
0x8e6: {  	v19 =	vshll.u32 v15, $0x3  }
0x8e7: {  	v15 =	vand.u32 $0x7F, v15;
	v19 =	vand.u32 $0xFFFFFC00, v19;
	[tilespmem:s22+$0xFFFFFFC0] =	vst v13  }
0x8e8: {  	v13 =	vor.u32 v15, v19;
	v14 =	vld.idx.msk [tilespmem:v14+s12+$0x0], $0xffff  }
0x8e9: {  	v15 =	vor.u32 v16, v13;
	_ =	sdelay $0x2  }
0x8ea: {  	v19 =	vshll.u32 v17, $0x3  }
0x8eb: {  	v17 =	vand.u32 $0x7F, v17;
	v19 =	vand.u32 $0xFFFFFC00, v19;
	[tilespmem:s22+$0xFFFFFFD0] =	vst v14  }
0x8ec: {  	v14 =	vor.u32 v17, v19;
	v17 =	vld.idx.msk [tilespmem:v15+s12+$0x0], $0xffff  }
0x8ed: {  	v19 =	vor.u32 v16, v14;
	_ =	sdelay $0x2  }
0x8ee: {  	v15 =	vshll.u32 v18, $0x3  }
0x8ef: {  	v18 =	vand.u32 $0x7F, v18;
	v15 =	vand.u32 $0xFFFFFC00, v15;
	[tilespmem:s22+$0xFFFFFFE0] =	vst v17  }
0x8f0: {  	v15 =	vor.u32 v18, v15;
	v18 =	vld.idx.msk [tilespmem:v19+s12+$0x0], $0xffff  }
0x8f1: {  	v17 =	vor.u32 v16, v15  }
0x8f2: {  	s23 =	simm.s32 $0x1  }
0x8f3: {  	v16 =	vmov s23;
	s23 =	simm.s32 $0x2  }
.LBB2_31:
0x8f4: {  	p0 =	sne.s32 s23, $0x7;
	v16 =	vshll.u32 v16, $0x7  }
0x8f5: {  	v16 =	vand.u32 $0x380, v16;
	[tilespmem:s22+$0xFFFFFFF0] =	vst v18  }
0x8f6: {  	v16 =	vbroadcast v16, $0x0;
	v17 =	vld.idx.msk [tilespmem:v17+s12+$0x0], $0xffff;
	_ =	sdelay $0x1  }
0x8f7: {  	v18 =	vor.u32 v16, v0;
	_ =	sdelay $0x3  }
0x8f8: {  	[tilespmem:s22+$0x0] =	vst v17  }
0x8f9: {  	v17 =	vld.idx.msk [tilespmem:v18+s12+$0x0], $0xffff;
	_ =	sdelay $0x1  }
0x8fa: {  	v18 =	vor.u32 v16, v1;
	_ =	sdelay $0x2  }
0x8fb: {  	s22 =	sadd.s32 $0x80, s22  }
0x8fc: {  	[tilespmem:s22+$0xFFFFFB90] =	vst v17  }
0x8fd: {  	v17 =	vld.idx.msk [tilespmem:v18+s12+$0x0], $0xffff;
	_ =	sdelay $0x1  }
0x8fe: {  	v18 =	vor.u32 v16, v2;
	_ =	sdelay $0x3  }
0x8ff: {  	[tilespmem:s22+$0xFFFFFBA0] =	vst v17  }
0x900: {  	v17 =	vld.idx.msk [tilespmem:v18+s12+$0x0], $0xffff;
	_ =	sdelay $0x1  }
0x901: {  	v18 =	vor.u32 v16, v3;
	_ =	sdelay $0x3  }
0x902: {  	[tilespmem:s22+$0xFFFFFBB0] =	vst v17  }
0x903: {  	v17 =	vld.idx.msk [tilespmem:v18+s12+$0x0], $0xffff;
	_ =	sdelay $0x1  }
0x904: {  	v18 =	vor.u32 v16, v4;
	_ =	sdelay $0x3  }
0x905: {  	[tilespmem:s22+$0xFFFFFBC0] =	vst v17  }
0x906: {  	v17 =	vld.idx.msk [tilespmem:v18+s12+$0x0], $0xffff;
	_ =	sdelay $0x1  }
0x907: {  	v18 =	vor.u32 v16, v5;
	_ =	sdelay $0x3  }
0x908: {  	[tilespmem:s22+$0xFFFFFBD0] =	vst v17  }
0x909: {  	v17 =	vld.idx.msk [tilespmem:v18+s12+$0x0], $0xffff;
	_ =	sdelay $0x1  }
0x90a: {  	v18 =	vor.u32 v16, v6;
	_ =	sdelay $0x3  }
0x90b: {  	[tilespmem:s22+$0xFFFFFBE0] =	vst v17  }
0x90c: {  	v17 =	vld.idx.msk [tilespmem:v18+s12+$0x0], $0xffff;
	_ =	sdelay $0x1  }
0x90d: {  	v18 =	vor.u32 v16, v7;
	_ =	sdelay $0x3  }
0x90e: {  	[tilespmem:s22+$0xFFFFFBF0] =	vst v17  }
0x90f: {  	v17 =	vld.idx.msk [tilespmem:v18+s12+$0x0], $0xffff;
	_ =	sdelay $0x1  }
0x910: {  	v18 =	vor.u32 v16, v8;
	_ =	sdelay $0x3  }
0x911: {  	[tilespmem:s22+$0xFFFFFC00] =	vst v17  }
0x912: {  	v17 =	vld.idx.msk [tilespmem:v18+s12+$0x0], $0xffff;
	_ =	sdelay $0x1  }
0x913: {  	v18 =	vor.u32 v16, v9;
	_ =	sdelay $0x3  }
0x914: {  	[tilespmem:s22+$0xFFFFFF90] =	vst v17  }
0x915: {  	v17 =	vld.idx.msk [tilespmem:v18+s12+$0x0], $0xffff;
	_ =	sdelay $0x1  }
0x916: {  	v18 =	vor.u32 v16, v10;
	_ =	sdelay $0x3  }
0x917: {  	[tilespmem:s22+$0xFFFFFFA0] =	vst v17  }
0x918: {  	v17 =	vld.idx.msk [tilespmem:v18+s12+$0x0], $0xffff;
	_ =	sdelay $0x1  }
0x919: {  	v18 =	vor.u32 v16, v11;
	_ =	sdelay $0x3  }
0x91a: {  	[tilespmem:s22+$0xFFFFFFB0] =	vst v17  }
0x91b: {  	v17 =	vld.idx.msk [tilespmem:v18+s12+$0x0], $0xffff;
	_ =	sdelay $0x1  }
0x91c: {  	v18 =	vor.u32 v16, v12;
	_ =	sdelay $0x3  }
0x91d: {  	[tilespmem:s22+$0xFFFFFFC0] =	vst v17  }
0x91e: {  	v17 =	vld.idx.msk [tilespmem:v18+s12+$0x0], $0xffff;
	_ =	sdelay $0x1  }
0x91f: {  	v18 =	vor.u32 v16, v13;
	_ =	sdelay $0x3  }
0x920: {  	[tilespmem:s22+$0xFFFFFFD0] =	vst v17  }
0x921: {  	v17 =	vld.idx.msk [tilespmem:v18+s12+$0x0], $0xffff;
	_ =	sdelay $0x1  }
0x922: {  	v18 =	vor.u32 v16, v14;
	_ =	sdelay $0x3  }
0x923: {  	[tilespmem:s22+$0xFFFFFFE0] =	vst v17  }
.Ltmp15:
0x924: {  	v18 =	vld.idx.msk [tilespmem:v18+s12+$0x0], $0xffff;
	(pc) =	sbr.rel @p0 .LBB2_31-.Ltmp15, $3  }
0x925: {  	_ = 	snop  }
0x926: {  	v17 =	vor.u32 v16, v15;
	_ =	sdelay $0x1  }
0x927: {  	v16 =	vmov s23;
	s23 =	sadd.s32 $0x1, s23  }
0x928: {  	_ = 	snop  }
0x929: {  	v16 =	vshll.u32 v16, $0x7  }
0x92a: {  	v16 =	vand.u32 $0x380, v16  }
0x92b: {  	[tilespmem:s22+$0xFFFFFFF0] =	vst v18;
	v16 =	vbroadcast v16, $0x0  }
0x92c: {  	v17 =	vld.idx.msk [tilespmem:v17+s12+$0x0], $0xffff  }
0x92d: {  	v0 =	vor.u32 v16, v0;
	_ =	sdelay $0x3  }
0x92e: {  	[tilespmem:s22+$0x0] =	vst v17  }
0x92f: {  	v0 =	vld.idx.msk [tilespmem:v0+s12+$0x0], $0xffff  }
0x930: {  	v1 =	vor.u32 v16, v1;
	_ =	sdelay $0x2  }
0x931: {  	s30 =	sadd.s32 $0x80, s22  }
0x932: {  	[tilespmem:s30+$0xFFFFFB90] =	vst v0  }
0x933: {  	v0 =	vld.idx.msk [tilespmem:v1+s12+$0x0], $0xffff  }
0x934: {  	v1 =	vor.u32 v16, v2;
	_ =	sdelay $0x3  }
0x935: {  	[tilespmem:s30+$0xFFFFFBA0] =	vst v0  }
0x936: {  	v0 =	vld.idx.msk [tilespmem:v1+s12+$0x0], $0xffff  }
0x937: {  	v1 =	vor.u32 v16, v3;
	_ =	sdelay $0x3  }
0x938: {  	[tilespmem:s30+$0xFFFFFBB0] =	vst v0  }
0x939: {  	v0 =	vld.idx.msk [tilespmem:v1+s12+$0x0], $0xffff  }
0x93a: {  	v1 =	vor.u32 v16, v4;
	_ =	sdelay $0x3  }
0x93b: {  	[tilespmem:s30+$0xFFFFFBC0] =	vst v0  }
0x93c: {  	v0 =	vld.idx.msk [tilespmem:v1+s12+$0x0], $0xffff  }
0x93d: {  	v1 =	vor.u32 v16, v5;
	_ =	sdelay $0x3  }
0x93e: {  	[tilespmem:s30+$0xFFFFFBD0] =	vst v0  }
0x93f: {  	v0 =	vld.idx.msk [tilespmem:v1+s12+$0x0], $0xffff  }
0x940: {  	v1 =	vor.u32 v16, v6;
	_ =	sdelay $0x3  }
0x941: {  	[tilespmem:s30+$0xFFFFFBE0] =	vst v0  }
0x942: {  	v0 =	vld.idx.msk [tilespmem:v1+s12+$0x0], $0xffff  }
0x943: {  	v1 =	vor.u32 v16, v7;
	_ =	sdelay $0x3  }
0x944: {  	[tilespmem:s30+$0xFFFFFBF0] =	vst v0  }
0x945: {  	v0 =	vld.idx.msk [tilespmem:v1+s12+$0x0], $0xffff  }
0x946: {  	v1 =	vor.u32 v16, v8;
	_ =	sdelay $0x3  }
0x947: {  	[tilespmem:s30+$0xFFFFFC00] =	vst v0  }
0x948: {  	v0 =	vld.idx.msk [tilespmem:v1+s12+$0x0], $0xffff  }
0x949: {  	v1 =	vor.u32 v16, v9;
	_ =	sdelay $0x3  }
0x94a: {  	[tilespmem:s30+$0xFFFFFF90] =	vst v0  }
0x94b: {  	v0 =	vld.idx.msk [tilespmem:v1+s12+$0x0], $0xffff  }
0x94c: {  	v1 =	vor.u32 v16, v10;
	_ =	sdelay $0x3  }
0x94d: {  	[tilespmem:s30+$0xFFFFFFA0] =	vst v0  }
0x94e: {  	v0 =	vld.idx.msk [tilespmem:v1+s12+$0x0], $0xffff  }
0x94f: {  	v1 =	vor.u32 v16, v11;
	_ =	sdelay $0x3  }
0x950: {  	[tilespmem:s30+$0xFFFFFFB0] =	vst v0  }
0x951: {  	v0 =	vld.idx.msk [tilespmem:v1+s12+$0x0], $0xffff  }
0x952: {  	v1 =	vor.u32 v16, v12;
	_ =	sdelay $0x3  }
0x953: {  	[tilespmem:s30+$0xFFFFFFC0] =	vst v0  }
0x954: {  	v0 =	vld.idx.msk [tilespmem:v1+s12+$0x0], $0xffff  }
0x955: {  	v1 =	vor.u32 v16, v13;
	_ =	sdelay $0x3  }
0x956: {  	[tilespmem:s30+$0xFFFFFFD0] =	vst v0  }
0x957: {  	v0 =	vld.idx.msk [tilespmem:v1+s12+$0x0], $0xffff  }
0x958: {  	v1 =	vor.u32 v16, v14;
	_ =	sdelay $0x3  }
0x959: {  	[tilespmem:s30+$0xFFFFFFE0] =	vst v0  }
0x95a: {  	v0 =	vld.idx.msk [tilespmem:v1+s12+$0x0], $0xffff  }
0x95b: {  	v1 =	vor.u32 v16, v15;
	_ =	sdelay $0x3  }
0x95c: {  	[tilespmem:s30+$0xFFFFFFF0] =	vst v0  }
0x95d: {  	v0 =	vld.idx.msk [tilespmem:v1+s12+$0x0], $0xffff;
	_ =	sdelay $0x4  }
0x95e: {  	[tilespmem:s30+$0x0] =	vst v0  }
0x95f: {  	v0 =	vld [tilespmem:$0x500];
	_ =	sdelay $0x1  }
0x960: {  	s31 =	simm.s32 $0x0  }
0x961: {  	v3 =	vmov s31;
	v1 =	vld [tilespmem:$0x510]  }
0x962: {  	v3 =	vshll.u32 v3, $0x7;
	v2 =	vld [tilespmem:$0x520]  }
0x963: {  	v3 =	vand.u32 $0x380, v3;
	v4 =	vld [tilespmem:$0x530];
	v6 =	vshll.u32 v0, $0x3  }
0x964: {  	v16 =	vbroadcast v3, $0x0;
	v5 =	vld [tilespmem:$0x540];
	v0 =	vand.u32 $0x7F, v0;
	v6 =	vand.u32 $0xFFFFFC00, v6  }
0x965: {  	v7 =	vld [tilespmem:$0x550];
	v0 =	vor.u32 v0, v6  }
0x966: {  	v8 =	vld [tilespmem:$0x560];
	v3 =	vor.u32 v16, v0  }
0x967: {  	v9 =	vld [tilespmem:$0x570]  }
0x968: {  	v10 =	vld [tilespmem:$0x580]  }
0x969: {  	v11 =	vld [tilespmem:$0x590];
	v6 =	vshll.u32 v1, $0x3  }
0x96a: {  	v12 =	vld [tilespmem:$0x5A0];
	v1 =	vand.u32 $0x7F, v1;
	v6 =	vand.u32 $0xFFFFFC00, v6  }
0x96b: {  	v1 =	vor.u32 v1, v6;
	v3 =	vld.idx.msk [tilespmem:v3+s12+$0x0], $0xffff  }
0x96c: {  	v13 =	vld [tilespmem:$0x5B0];
	v6 =	vor.u32 v16, v1  }
0x96d: {  	v14 =	vld [tilespmem:$0x5C0]  }
0x96e: {  	v15 =	vld [tilespmem:$0x5D0]  }
0x96f: {  	s22 =	simm.s32 $0xF470;
	v17 =	vld [tilespmem:$0x5E0];
	v19 =	vshll.u32 v2, $0x3  }
0x970: {  	v18 =	vld [tilespmem:$0x5F0];
	v2 =	vand.u32 $0x7F, v2;
	v19 =	vand.u32 $0xFFFFFC00, v19;
	[tilespmem:s22+$0xFFFFFB90] =	vst v3  }
0x971: {  	v2 =	vor.u32 v2, v19;
	v3 =	vld.idx.msk [tilespmem:v6+s12+$0x0], $0xffff  }
0x972: {  	v6 =	vor.u32 v16, v2;
	_ =	sdelay $0x2  }
0x973: {  	v19 =	vshll.u32 v4, $0x3  }
0x974: {  	v4 =	vand.u32 $0x7F, v4;
	v19 =	vand.u32 $0xFFFFFC00, v19;
	[tilespmem:s22+$0xFFFFFBA0] =	vst v3  }
0x975: {  	v3 =	vor.u32 v4, v19;
	v4 =	vld.idx.msk [tilespmem:v6+s12+$0x0], $0xffff  }
0x976: {  	v6 =	vor.u32 v16, v3;
	_ =	sdelay $0x2  }
0x977: {  	v19 =	vshll.u32 v5, $0x3  }
0x978: {  	v5 =	vand.u32 $0x7F, v5;
	v19 =	vand.u32 $0xFFFFFC00, v19;
	[tilespmem:s22+$0xFFFFFBB0] =	vst v4  }
0x979: {  	v4 =	vor.u32 v5, v19;
	v5 =	vld.idx.msk [tilespmem:v6+s12+$0x0], $0xffff  }
0x97a: {  	v6 =	vor.u32 v16, v4;
	_ =	sdelay $0x2  }
0x97b: {  	v19 =	vshll.u32 v7, $0x3  }
0x97c: {  	v7 =	vand.u32 $0x7F, v7;
	v19 =	vand.u32 $0xFFFFFC00, v19;
	[tilespmem:s22+$0xFFFFFBC0] =	vst v5  }
0x97d: {  	v5 =	vor.u32 v7, v19;
	v6 =	vld.idx.msk [tilespmem:v6+s12+$0x0], $0xffff  }
0x97e: {  	v7 =	vor.u32 v16, v5;
	_ =	sdelay $0x2  }
0x97f: {  	v19 =	vshll.u32 v8, $0x3  }
0x980: {  	v8 =	vand.u32 $0x7F, v8;
	v19 =	vand.u32 $0xFFFFFC00, v19;
	[tilespmem:s22+$0xFFFFFBD0] =	vst v6  }
0x981: {  	v6 =	vor.u32 v8, v19;
	v7 =	vld.idx.msk [tilespmem:v7+s12+$0x0], $0xffff  }
0x982: {  	v8 =	vor.u32 v16, v6;
	_ =	sdelay $0x2  }
0x983: {  	v19 =	vshll.u32 v9, $0x3  }
0x984: {  	v9 =	vand.u32 $0x7F, v9;
	v19 =	vand.u32 $0xFFFFFC00, v19;
	[tilespmem:s22+$0xFFFFFBE0] =	vst v7  }
0x985: {  	v7 =	vor.u32 v9, v19;
	v8 =	vld.idx.msk [tilespmem:v8+s12+$0x0], $0xffff  }
0x986: {  	v9 =	vor.u32 v16, v7;
	_ =	sdelay $0x2  }
0x987: {  	v19 =	vshll.u32 v10, $0x3  }
0x988: {  	v10 =	vand.u32 $0x7F, v10;
	v19 =	vand.u32 $0xFFFFFC00, v19;
	[tilespmem:s22+$0xFFFFFBF0] =	vst v8  }
0x989: {  	v8 =	vor.u32 v10, v19;
	v9 =	vld.idx.msk [tilespmem:v9+s12+$0x0], $0xffff  }
0x98a: {  	v10 =	vor.u32 v16, v8;
	_ =	sdelay $0x2  }
0x98b: {  	v19 =	vshll.u32 v11, $0x3  }
0x98c: {  	v11 =	vand.u32 $0x7F, v11;
	v19 =	vand.u32 $0xFFFFFC00, v19;
	[tilespmem:s22+$0xFFFFFC00] =	vst v9  }
0x98d: {  	v9 =	vor.u32 v11, v19;
	v10 =	vld.idx.msk [tilespmem:v10+s12+$0x0], $0xffff  }
0x98e: {  	v11 =	vor.u32 v16, v9;
	_ =	sdelay $0x2  }
0x98f: {  	v19 =	vshll.u32 v12, $0x3  }
0x990: {  	v12 =	vand.u32 $0x7F, v12;
	v19 =	vand.u32 $0xFFFFFC00, v19;
	[tilespmem:s22+$0xFFFFFF90] =	vst v10  }
0x991: {  	v10 =	vor.u32 v12, v19;
	v11 =	vld.idx.msk [tilespmem:v11+s12+$0x0], $0xffff  }
0x992: {  	v12 =	vor.u32 v16, v10;
	_ =	sdelay $0x2  }
0x993: {  	v19 =	vshll.u32 v13, $0x3  }
0x994: {  	v13 =	vand.u32 $0x7F, v13;
	v19 =	vand.u32 $0xFFFFFC00, v19;
	[tilespmem:s22+$0xFFFFFFA0] =	vst v11  }
0x995: {  	v11 =	vor.u32 v13, v19;
	v12 =	vld.idx.msk [tilespmem:v12+s12+$0x0], $0xffff  }
0x996: {  	v13 =	vor.u32 v16, v11;
	_ =	sdelay $0x2  }
0x997: {  	v19 =	vshll.u32 v14, $0x3  }
0x998: {  	v14 =	vand.u32 $0x7F, v14;
	v19 =	vand.u32 $0xFFFFFC00, v19;
	[tilespmem:s22+$0xFFFFFFB0] =	vst v12  }
0x999: {  	v12 =	vor.u32 v14, v19;
	v13 =	vld.idx.msk [tilespmem:v13+s12+$0x0], $0xffff  }
0x99a: {  	v14 =	vor.u32 v16, v12;
	_ =	sdelay $0x2  }
0x99b: {  	v19 =	vshll.u32 v15, $0x3  }
0x99c: {  	v15 =	vand.u32 $0x7F, v15;
	v19 =	vand.u32 $0xFFFFFC00, v19;
	[tilespmem:s22+$0xFFFFFFC0] =	vst v13  }
0x99d: {  	v13 =	vor.u32 v15, v19;
	v14 =	vld.idx.msk [tilespmem:v14+s12+$0x0], $0xffff  }
0x99e: {  	v15 =	vor.u32 v16, v13;
	_ =	sdelay $0x2  }
0x99f: {  	v19 =	vshll.u32 v17, $0x3  }
0x9a0: {  	v17 =	vand.u32 $0x7F, v17;
	v19 =	vand.u32 $0xFFFFFC00, v19;
	[tilespmem:s22+$0xFFFFFFD0] =	vst v14  }
0x9a1: {  	v14 =	vor.u32 v17, v19;
	v17 =	vld.idx.msk [tilespmem:v15+s12+$0x0], $0xffff  }
0x9a2: {  	v19 =	vor.u32 v16, v14;
	_ =	sdelay $0x2  }
0x9a3: {  	v15 =	vshll.u32 v18, $0x3  }
0x9a4: {  	v18 =	vand.u32 $0x7F, v18;
	v15 =	vand.u32 $0xFFFFFC00, v15;
	[tilespmem:s22+$0xFFFFFFE0] =	vst v17  }
0x9a5: {  	v15 =	vor.u32 v18, v15;
	v18 =	vld.idx.msk [tilespmem:v19+s12+$0x0], $0xffff  }
0x9a6: {  	v17 =	vor.u32 v16, v15  }
0x9a7: {  	s23 =	simm.s32 $0x1  }
0x9a8: {  	v16 =	vmov s23;
	s23 =	simm.s32 $0x2  }
.LBB2_33:
0x9a9: {  	p0 =	sne.s32 s23, $0x7;
	v16 =	vshll.u32 v16, $0x7  }
0x9aa: {  	v16 =	vand.u32 $0x380, v16;
	[tilespmem:s22+$0xFFFFFFF0] =	vst v18  }
0x9ab: {  	v16 =	vbroadcast v16, $0x0;
	v17 =	vld.idx.msk [tilespmem:v17+s12+$0x0], $0xffff;
	_ =	sdelay $0x1  }
0x9ac: {  	v18 =	vor.u32 v16, v0;
	_ =	sdelay $0x3  }
0x9ad: {  	[tilespmem:s22+$0x0] =	vst v17  }
0x9ae: {  	v17 =	vld.idx.msk [tilespmem:v18+s12+$0x0], $0xffff;
	_ =	sdelay $0x1  }
0x9af: {  	v18 =	vor.u32 v16, v1;
	_ =	sdelay $0x2  }
0x9b0: {  	s22 =	sadd.s32 $0x80, s22  }
0x9b1: {  	[tilespmem:s22+$0xFFFFFB90] =	vst v17  }
0x9b2: {  	v17 =	vld.idx.msk [tilespmem:v18+s12+$0x0], $0xffff;
	_ =	sdelay $0x1  }
0x9b3: {  	v18 =	vor.u32 v16, v2;
	_ =	sdelay $0x3  }
0x9b4: {  	[tilespmem:s22+$0xFFFFFBA0] =	vst v17  }
0x9b5: {  	v17 =	vld.idx.msk [tilespmem:v18+s12+$0x0], $0xffff;
	_ =	sdelay $0x1  }
0x9b6: {  	v18 =	vor.u32 v16, v3;
	_ =	sdelay $0x3  }
0x9b7: {  	[tilespmem:s22+$0xFFFFFBB0] =	vst v17  }
0x9b8: {  	v17 =	vld.idx.msk [tilespmem:v18+s12+$0x0], $0xffff;
	_ =	sdelay $0x1  }
0x9b9: {  	v18 =	vor.u32 v16, v4;
	_ =	sdelay $0x3  }
0x9ba: {  	[tilespmem:s22+$0xFFFFFBC0] =	vst v17  }
0x9bb: {  	v17 =	vld.idx.msk [tilespmem:v18+s12+$0x0], $0xffff;
	_ =	sdelay $0x1  }
0x9bc: {  	v18 =	vor.u32 v16, v5;
	_ =	sdelay $0x3  }
0x9bd: {  	[tilespmem:s22+$0xFFFFFBD0] =	vst v17  }
0x9be: {  	v17 =	vld.idx.msk [tilespmem:v18+s12+$0x0], $0xffff;
	_ =	sdelay $0x1  }
0x9bf: {  	v18 =	vor.u32 v16, v6;
	_ =	sdelay $0x3  }
0x9c0: {  	[tilespmem:s22+$0xFFFFFBE0] =	vst v17  }
0x9c1: {  	v17 =	vld.idx.msk [tilespmem:v18+s12+$0x0], $0xffff;
	_ =	sdelay $0x1  }
0x9c2: {  	v18 =	vor.u32 v16, v7;
	_ =	sdelay $0x3  }
0x9c3: {  	[tilespmem:s22+$0xFFFFFBF0] =	vst v17  }
0x9c4: {  	v17 =	vld.idx.msk [tilespmem:v18+s12+$0x0], $0xffff;
	_ =	sdelay $0x1  }
0x9c5: {  	v18 =	vor.u32 v16, v8;
	_ =	sdelay $0x3  }
0x9c6: {  	[tilespmem:s22+$0xFFFFFC00] =	vst v17  }
0x9c7: {  	v17 =	vld.idx.msk [tilespmem:v18+s12+$0x0], $0xffff;
	_ =	sdelay $0x1  }
0x9c8: {  	v18 =	vor.u32 v16, v9;
	_ =	sdelay $0x3  }
0x9c9: {  	[tilespmem:s22+$0xFFFFFF90] =	vst v17  }
0x9ca: {  	v17 =	vld.idx.msk [tilespmem:v18+s12+$0x0], $0xffff;
	_ =	sdelay $0x1  }
0x9cb: {  	v18 =	vor.u32 v16, v10;
	_ =	sdelay $0x3  }
0x9cc: {  	[tilespmem:s22+$0xFFFFFFA0] =	vst v17  }
0x9cd: {  	v17 =	vld.idx.msk [tilespmem:v18+s12+$0x0], $0xffff;
	_ =	sdelay $0x1  }
0x9ce: {  	v18 =	vor.u32 v16, v11;
	_ =	sdelay $0x3  }
0x9cf: {  	[tilespmem:s22+$0xFFFFFFB0] =	vst v17  }
0x9d0: {  	v17 =	vld.idx.msk [tilespmem:v18+s12+$0x0], $0xffff;
	_ =	sdelay $0x1  }
0x9d1: {  	v18 =	vor.u32 v16, v12;
	_ =	sdelay $0x3  }
0x9d2: {  	[tilespmem:s22+$0xFFFFFFC0] =	vst v17  }
0x9d3: {  	v17 =	vld.idx.msk [tilespmem:v18+s12+$0x0], $0xffff;
	_ =	sdelay $0x1  }
0x9d4: {  	v18 =	vor.u32 v16, v13;
	_ =	sdelay $0x3  }
0x9d5: {  	[tilespmem:s22+$0xFFFFFFD0] =	vst v17  }
0x9d6: {  	v17 =	vld.idx.msk [tilespmem:v18+s12+$0x0], $0xffff;
	_ =	sdelay $0x1  }
0x9d7: {  	v18 =	vor.u32 v16, v14;
	_ =	sdelay $0x3  }
0x9d8: {  	[tilespmem:s22+$0xFFFFFFE0] =	vst v17  }
.Ltmp16:
0x9d9: {  	v18 =	vld.idx.msk [tilespmem:v18+s12+$0x0], $0xffff;
	(pc) =	sbr.rel @p0 .LBB2_33-.Ltmp16, $3  }
0x9da: {  	_ = 	snop  }
0x9db: {  	v17 =	vor.u32 v16, v15;
	_ =	sdelay $0x1  }
0x9dc: {  	v16 =	vmov s23;
	s23 =	sadd.s32 $0x1, s23  }
0x9dd: {  	_ = 	snop  }
0x9de: {  	v16 =	vshll.u32 v16, $0x7  }
0x9df: {  	v16 =	vand.u32 $0x380, v16  }
0x9e0: {  	[tilespmem:s22+$0xFFFFFFF0] =	vst v18;
	v16 =	vbroadcast v16, $0x0  }
0x9e1: {  	v17 =	vld.idx.msk [tilespmem:v17+s12+$0x0], $0xffff  }
0x9e2: {  	v0 =	vor.u32 v16, v0;
	_ =	sdelay $0x3  }
0x9e3: {  	[tilespmem:s22+$0x0] =	vst v17  }
0x9e4: {  	v0 =	vld.idx.msk [tilespmem:v0+s12+$0x0], $0xffff  }
0x9e5: {  	v1 =	vor.u32 v16, v1;
	_ =	sdelay $0x2  }
0x9e6: {  	s30 =	sadd.s32 $0x80, s22  }
0x9e7: {  	[tilespmem:s30+$0xFFFFFB90] =	vst v0  }
0x9e8: {  	v0 =	vld.idx.msk [tilespmem:v1+s12+$0x0], $0xffff  }
0x9e9: {  	v1 =	vor.u32 v16, v2;
	_ =	sdelay $0x3  }
0x9ea: {  	[tilespmem:s30+$0xFFFFFBA0] =	vst v0  }
0x9eb: {  	v0 =	vld.idx.msk [tilespmem:v1+s12+$0x0], $0xffff  }
0x9ec: {  	v1 =	vor.u32 v16, v3;
	_ =	sdelay $0x3  }
0x9ed: {  	[tilespmem:s30+$0xFFFFFBB0] =	vst v0  }
0x9ee: {  	v0 =	vld.idx.msk [tilespmem:v1+s12+$0x0], $0xffff  }
0x9ef: {  	v1 =	vor.u32 v16, v4;
	_ =	sdelay $0x3  }
0x9f0: {  	[tilespmem:s30+$0xFFFFFBC0] =	vst v0  }
0x9f1: {  	v0 =	vld.idx.msk [tilespmem:v1+s12+$0x0], $0xffff  }
0x9f2: {  	v1 =	vor.u32 v16, v5;
	_ =	sdelay $0x3  }
0x9f3: {  	[tilespmem:s30+$0xFFFFFBD0] =	vst v0  }
0x9f4: {  	v0 =	vld.idx.msk [tilespmem:v1+s12+$0x0], $0xffff  }
0x9f5: {  	v1 =	vor.u32 v16, v6;
	_ =	sdelay $0x3  }
0x9f6: {  	[tilespmem:s30+$0xFFFFFBE0] =	vst v0  }
0x9f7: {  	v0 =	vld.idx.msk [tilespmem:v1+s12+$0x0], $0xffff  }
0x9f8: {  	v1 =	vor.u32 v16, v7;
	_ =	sdelay $0x3  }
0x9f9: {  	[tilespmem:s30+$0xFFFFFBF0] =	vst v0  }
0x9fa: {  	v0 =	vld.idx.msk [tilespmem:v1+s12+$0x0], $0xffff  }
0x9fb: {  	v1 =	vor.u32 v16, v8;
	_ =	sdelay $0x3  }
0x9fc: {  	[tilespmem:s30+$0xFFFFFC00] =	vst v0  }
0x9fd: {  	v0 =	vld.idx.msk [tilespmem:v1+s12+$0x0], $0xffff  }
0x9fe: {  	v1 =	vor.u32 v16, v9;
	_ =	sdelay $0x3  }
0x9ff: {  	[tilespmem:s30+$0xFFFFFF90] =	vst v0  }
0xa00: {  	v0 =	vld.idx.msk [tilespmem:v1+s12+$0x0], $0xffff  }
0xa01: {  	v1 =	vor.u32 v16, v10;
	_ =	sdelay $0x3  }
0xa02: {  	[tilespmem:s30+$0xFFFFFFA0] =	vst v0  }
0xa03: {  	v0 =	vld.idx.msk [tilespmem:v1+s12+$0x0], $0xffff  }
0xa04: {  	v1 =	vor.u32 v16, v11;
	_ =	sdelay $0x3  }
0xa05: {  	[tilespmem:s30+$0xFFFFFFB0] =	vst v0  }
0xa06: {  	v0 =	vld.idx.msk [tilespmem:v1+s12+$0x0], $0xffff  }
0xa07: {  	v1 =	vor.u32 v16, v12;
	_ =	sdelay $0x3  }
0xa08: {  	[tilespmem:s30+$0xFFFFFFC0] =	vst v0  }
0xa09: {  	v0 =	vld.idx.msk [tilespmem:v1+s12+$0x0], $0xffff  }
0xa0a: {  	v1 =	vor.u32 v16, v13;
	_ =	sdelay $0x3  }
0xa0b: {  	[tilespmem:s30+$0xFFFFFFD0] =	vst v0  }
0xa0c: {  	v0 =	vld.idx.msk [tilespmem:v1+s12+$0x0], $0xffff  }
0xa0d: {  	v1 =	vor.u32 v16, v14;
	_ =	sdelay $0x3  }
0xa0e: {  	[tilespmem:s30+$0xFFFFFFE0] =	vst v0  }
0xa0f: {  	v0 =	vld.idx.msk [tilespmem:v1+s12+$0x0], $0xffff  }
0xa10: {  	v1 =	vor.u32 v16, v15;
	_ =	sdelay $0x3  }
0xa11: {  	[tilespmem:s30+$0xFFFFFFF0] =	vst v0  }
0xa12: {  	v0 =	vld.idx.msk [tilespmem:v1+s12+$0x0], $0xffff;
	_ =	sdelay $0x4  }
0xa13: {  	[tilespmem:s30+$0x0] =	vst v0  }
0xa14: {  	v0 =	vld [tilespmem:$0x600];
	_ =	sdelay $0x1  }
0xa15: {  	s31 =	simm.s32 $0x0  }
0xa16: {  	v3 =	vmov s31;
	v1 =	vld [tilespmem:$0x610]  }
0xa17: {  	v3 =	vshll.u32 v3, $0x7;
	v2 =	vld [tilespmem:$0x620]  }
0xa18: {  	v3 =	vand.u32 $0x380, v3;
	v4 =	vld [tilespmem:$0x630];
	v6 =	vshll.u32 v0, $0x3  }
0xa19: {  	v16 =	vbroadcast v3, $0x0;
	v5 =	vld [tilespmem:$0x640];
	v0 =	vand.u32 $0x7F, v0;
	v6 =	vand.u32 $0xFFFFFC00, v6  }
0xa1a: {  	v7 =	vld [tilespmem:$0x650];
	v0 =	vor.u32 v0, v6  }
0xa1b: {  	v8 =	vld [tilespmem:$0x660];
	v3 =	vor.u32 v16, v0  }
0xa1c: {  	v9 =	vld [tilespmem:$0x670]  }
0xa1d: {  	v10 =	vld [tilespmem:$0x680]  }
0xa1e: {  	v11 =	vld [tilespmem:$0x690];
	v6 =	vshll.u32 v1, $0x3  }
0xa1f: {  	v12 =	vld [tilespmem:$0x6A0];
	v1 =	vand.u32 $0x7F, v1;
	v6 =	vand.u32 $0xFFFFFC00, v6  }
0xa20: {  	v1 =	vor.u32 v1, v6;
	v3 =	vld.idx.msk [tilespmem:v3+s12+$0x0], $0xffff  }
0xa21: {  	v13 =	vld [tilespmem:$0x6B0];
	v6 =	vor.u32 v16, v1  }
0xa22: {  	v14 =	vld [tilespmem:$0x6C0]  }
0xa23: {  	v15 =	vld [tilespmem:$0x6D0]  }
0xa24: {  	s22 =	simm.s32 $0xFC70;
	v17 =	vld [tilespmem:$0x6E0];
	v19 =	vshll.u32 v2, $0x3  }
0xa25: {  	v18 =	vld [tilespmem:$0x6F0];
	v2 =	vand.u32 $0x7F, v2;
	v19 =	vand.u32 $0xFFFFFC00, v19;
	[tilespmem:s22+$0xFFFFFB90] =	vst v3  }
0xa26: {  	v2 =	vor.u32 v2, v19;
	v3 =	vld.idx.msk [tilespmem:v6+s12+$0x0], $0xffff  }
0xa27: {  	v6 =	vor.u32 v16, v2;
	_ =	sdelay $0x2  }
0xa28: {  	v19 =	vshll.u32 v4, $0x3  }
0xa29: {  	v4 =	vand.u32 $0x7F, v4;
	v19 =	vand.u32 $0xFFFFFC00, v19;
	[tilespmem:s22+$0xFFFFFBA0] =	vst v3  }
0xa2a: {  	v3 =	vor.u32 v4, v19;
	v4 =	vld.idx.msk [tilespmem:v6+s12+$0x0], $0xffff  }
0xa2b: {  	v6 =	vor.u32 v16, v3;
	_ =	sdelay $0x2  }
0xa2c: {  	v19 =	vshll.u32 v5, $0x3  }
0xa2d: {  	v5 =	vand.u32 $0x7F, v5;
	v19 =	vand.u32 $0xFFFFFC00, v19;
	[tilespmem:s22+$0xFFFFFBB0] =	vst v4  }
0xa2e: {  	v4 =	vor.u32 v5, v19;
	v5 =	vld.idx.msk [tilespmem:v6+s12+$0x0], $0xffff  }
0xa2f: {  	v6 =	vor.u32 v16, v4;
	_ =	sdelay $0x2  }
0xa30: {  	v19 =	vshll.u32 v7, $0x3  }
0xa31: {  	v7 =	vand.u32 $0x7F, v7;
	v19 =	vand.u32 $0xFFFFFC00, v19;
	[tilespmem:s22+$0xFFFFFBC0] =	vst v5  }
0xa32: {  	v5 =	vor.u32 v7, v19;
	v6 =	vld.idx.msk [tilespmem:v6+s12+$0x0], $0xffff  }
0xa33: {  	v7 =	vor.u32 v16, v5;
	_ =	sdelay $0x2  }
0xa34: {  	v19 =	vshll.u32 v8, $0x3  }
0xa35: {  	v8 =	vand.u32 $0x7F, v8;
	v19 =	vand.u32 $0xFFFFFC00, v19;
	[tilespmem:s22+$0xFFFFFBD0] =	vst v6  }
0xa36: {  	v6 =	vor.u32 v8, v19;
	v7 =	vld.idx.msk [tilespmem:v7+s12+$0x0], $0xffff  }
0xa37: {  	v8 =	vor.u32 v16, v6;
	_ =	sdelay $0x2  }
0xa38: {  	v19 =	vshll.u32 v9, $0x3  }
0xa39: {  	v9 =	vand.u32 $0x7F, v9;
	v19 =	vand.u32 $0xFFFFFC00, v19;
	[tilespmem:s22+$0xFFFFFBE0] =	vst v7  }
0xa3a: {  	v7 =	vor.u32 v9, v19;
	v8 =	vld.idx.msk [tilespmem:v8+s12+$0x0], $0xffff  }
0xa3b: {  	v9 =	vor.u32 v16, v7;
	_ =	sdelay $0x2  }
0xa3c: {  	v19 =	vshll.u32 v10, $0x3  }
0xa3d: {  	v10 =	vand.u32 $0x7F, v10;
	v19 =	vand.u32 $0xFFFFFC00, v19;
	[tilespmem:s22+$0xFFFFFBF0] =	vst v8  }
0xa3e: {  	v8 =	vor.u32 v10, v19;
	v9 =	vld.idx.msk [tilespmem:v9+s12+$0x0], $0xffff  }
0xa3f: {  	v10 =	vor.u32 v16, v8;
	_ =	sdelay $0x2  }
0xa40: {  	v19 =	vshll.u32 v11, $0x3  }
0xa41: {  	v11 =	vand.u32 $0x7F, v11;
	v19 =	vand.u32 $0xFFFFFC00, v19;
	[tilespmem:s22+$0xFFFFFC00] =	vst v9  }
0xa42: {  	v9 =	vor.u32 v11, v19;
	v10 =	vld.idx.msk [tilespmem:v10+s12+$0x0], $0xffff  }
0xa43: {  	v11 =	vor.u32 v16, v9;
	_ =	sdelay $0x2  }
0xa44: {  	v19 =	vshll.u32 v12, $0x3  }
0xa45: {  	v12 =	vand.u32 $0x7F, v12;
	v19 =	vand.u32 $0xFFFFFC00, v19;
	[tilespmem:s22+$0xFFFFFF90] =	vst v10  }
0xa46: {  	v10 =	vor.u32 v12, v19;
	v11 =	vld.idx.msk [tilespmem:v11+s12+$0x0], $0xffff  }
0xa47: {  	v12 =	vor.u32 v16, v10;
	_ =	sdelay $0x2  }
0xa48: {  	v19 =	vshll.u32 v13, $0x3  }
0xa49: {  	v13 =	vand.u32 $0x7F, v13;
	v19 =	vand.u32 $0xFFFFFC00, v19;
	[tilespmem:s22+$0xFFFFFFA0] =	vst v11  }
0xa4a: {  	v11 =	vor.u32 v13, v19;
	v12 =	vld.idx.msk [tilespmem:v12+s12+$0x0], $0xffff  }
0xa4b: {  	v13 =	vor.u32 v16, v11;
	_ =	sdelay $0x2  }
0xa4c: {  	v19 =	vshll.u32 v14, $0x3  }
0xa4d: {  	v14 =	vand.u32 $0x7F, v14;
	v19 =	vand.u32 $0xFFFFFC00, v19;
	[tilespmem:s22+$0xFFFFFFB0] =	vst v12  }
0xa4e: {  	v12 =	vor.u32 v14, v19;
	v13 =	vld.idx.msk [tilespmem:v13+s12+$0x0], $0xffff  }
0xa4f: {  	v14 =	vor.u32 v16, v12;
	_ =	sdelay $0x2  }
0xa50: {  	v19 =	vshll.u32 v15, $0x3  }
0xa51: {  	v15 =	vand.u32 $0x7F, v15;
	v19 =	vand.u32 $0xFFFFFC00, v19;
	[tilespmem:s22+$0xFFFFFFC0] =	vst v13  }
0xa52: {  	v13 =	vor.u32 v15, v19;
	v14 =	vld.idx.msk [tilespmem:v14+s12+$0x0], $0xffff  }
0xa53: {  	v15 =	vor.u32 v16, v13;
	_ =	sdelay $0x2  }
0xa54: {  	v19 =	vshll.u32 v17, $0x3  }
0xa55: {  	v17 =	vand.u32 $0x7F, v17;
	v19 =	vand.u32 $0xFFFFFC00, v19;
	[tilespmem:s22+$0xFFFFFFD0] =	vst v14  }
0xa56: {  	v14 =	vor.u32 v17, v19;
	v17 =	vld.idx.msk [tilespmem:v15+s12+$0x0], $0xffff  }
0xa57: {  	v19 =	vor.u32 v16, v14;
	_ =	sdelay $0x2  }
0xa58: {  	v15 =	vshll.u32 v18, $0x3  }
0xa59: {  	v18 =	vand.u32 $0x7F, v18;
	v15 =	vand.u32 $0xFFFFFC00, v15;
	[tilespmem:s22+$0xFFFFFFE0] =	vst v17  }
0xa5a: {  	v15 =	vor.u32 v18, v15;
	v18 =	vld.idx.msk [tilespmem:v19+s12+$0x0], $0xffff  }
0xa5b: {  	v17 =	vor.u32 v16, v15  }
0xa5c: {  	s23 =	simm.s32 $0x1  }
0xa5d: {  	v16 =	vmov s23;
	s23 =	simm.s32 $0x2  }
.LBB2_35:
0xa5e: {  	p0 =	sne.s32 s23, $0x7;
	v16 =	vshll.u32 v16, $0x7  }
0xa5f: {  	v16 =	vand.u32 $0x380, v16;
	[tilespmem:s22+$0xFFFFFFF0] =	vst v18  }
0xa60: {  	v16 =	vbroadcast v16, $0x0;
	v17 =	vld.idx.msk [tilespmem:v17+s12+$0x0], $0xffff;
	_ =	sdelay $0x1  }
0xa61: {  	v18 =	vor.u32 v16, v0;
	_ =	sdelay $0x3  }
0xa62: {  	[tilespmem:s22+$0x0] =	vst v17  }
0xa63: {  	v17 =	vld.idx.msk [tilespmem:v18+s12+$0x0], $0xffff;
	_ =	sdelay $0x1  }
0xa64: {  	v18 =	vor.u32 v16, v1;
	_ =	sdelay $0x2  }
0xa65: {  	s22 =	sadd.s32 $0x80, s22  }
0xa66: {  	[tilespmem:s22+$0xFFFFFB90] =	vst v17  }
0xa67: {  	v17 =	vld.idx.msk [tilespmem:v18+s12+$0x0], $0xffff;
	_ =	sdelay $0x1  }
0xa68: {  	v18 =	vor.u32 v16, v2;
	_ =	sdelay $0x3  }
0xa69: {  	[tilespmem:s22+$0xFFFFFBA0] =	vst v17  }
0xa6a: {  	v17 =	vld.idx.msk [tilespmem:v18+s12+$0x0], $0xffff;
	_ =	sdelay $0x1  }
0xa6b: {  	v18 =	vor.u32 v16, v3;
	_ =	sdelay $0x3  }
0xa6c: {  	[tilespmem:s22+$0xFFFFFBB0] =	vst v17  }
0xa6d: {  	v17 =	vld.idx.msk [tilespmem:v18+s12+$0x0], $0xffff;
	_ =	sdelay $0x1  }
0xa6e: {  	v18 =	vor.u32 v16, v4;
	_ =	sdelay $0x3  }
0xa6f: {  	[tilespmem:s22+$0xFFFFFBC0] =	vst v17  }
0xa70: {  	v17 =	vld.idx.msk [tilespmem:v18+s12+$0x0], $0xffff;
	_ =	sdelay $0x1  }
0xa71: {  	v18 =	vor.u32 v16, v5;
	_ =	sdelay $0x3  }
0xa72: {  	[tilespmem:s22+$0xFFFFFBD0] =	vst v17  }
0xa73: {  	v17 =	vld.idx.msk [tilespmem:v18+s12+$0x0], $0xffff;
	_ =	sdelay $0x1  }
0xa74: {  	v18 =	vor.u32 v16, v6;
	_ =	sdelay $0x3  }
0xa75: {  	[tilespmem:s22+$0xFFFFFBE0] =	vst v17  }
0xa76: {  	v17 =	vld.idx.msk [tilespmem:v18+s12+$0x0], $0xffff;
	_ =	sdelay $0x1  }
0xa77: {  	v18 =	vor.u32 v16, v7;
	_ =	sdelay $0x3  }
0xa78: {  	[tilespmem:s22+$0xFFFFFBF0] =	vst v17  }
0xa79: {  	v17 =	vld.idx.msk [tilespmem:v18+s12+$0x0], $0xffff;
	_ =	sdelay $0x1  }
0xa7a: {  	v18 =	vor.u32 v16, v8;
	_ =	sdelay $0x3  }
0xa7b: {  	[tilespmem:s22+$0xFFFFFC00] =	vst v17  }
0xa7c: {  	v17 =	vld.idx.msk [tilespmem:v18+s12+$0x0], $0xffff;
	_ =	sdelay $0x1  }
0xa7d: {  	v18 =	vor.u32 v16, v9;
	_ =	sdelay $0x3  }
0xa7e: {  	[tilespmem:s22+$0xFFFFFF90] =	vst v17  }
0xa7f: {  	v17 =	vld.idx.msk [tilespmem:v18+s12+$0x0], $0xffff;
	_ =	sdelay $0x1  }
0xa80: {  	v18 =	vor.u32 v16, v10;
	_ =	sdelay $0x3  }
0xa81: {  	[tilespmem:s22+$0xFFFFFFA0] =	vst v17  }
0xa82: {  	v17 =	vld.idx.msk [tilespmem:v18+s12+$0x0], $0xffff;
	_ =	sdelay $0x1  }
0xa83: {  	v18 =	vor.u32 v16, v11;
	_ =	sdelay $0x3  }
0xa84: {  	[tilespmem:s22+$0xFFFFFFB0] =	vst v17  }
0xa85: {  	v17 =	vld.idx.msk [tilespmem:v18+s12+$0x0], $0xffff;
	_ =	sdelay $0x1  }
0xa86: {  	v18 =	vor.u32 v16, v12;
	_ =	sdelay $0x3  }
0xa87: {  	[tilespmem:s22+$0xFFFFFFC0] =	vst v17  }
0xa88: {  	v17 =	vld.idx.msk [tilespmem:v18+s12+$0x0], $0xffff;
	_ =	sdelay $0x1  }
0xa89: {  	v18 =	vor.u32 v16, v13;
	_ =	sdelay $0x3  }
0xa8a: {  	[tilespmem:s22+$0xFFFFFFD0] =	vst v17  }
0xa8b: {  	v17 =	vld.idx.msk [tilespmem:v18+s12+$0x0], $0xffff;
	_ =	sdelay $0x1  }
0xa8c: {  	v18 =	vor.u32 v16, v14;
	_ =	sdelay $0x3  }
0xa8d: {  	[tilespmem:s22+$0xFFFFFFE0] =	vst v17  }
.Ltmp17:
0xa8e: {  	v18 =	vld.idx.msk [tilespmem:v18+s12+$0x0], $0xffff;
	(pc) =	sbr.rel @p0 .LBB2_35-.Ltmp17, $3  }
0xa8f: {  	_ = 	snop  }
0xa90: {  	v17 =	vor.u32 v16, v15;
	_ =	sdelay $0x1  }
0xa91: {  	v16 =	vmov s23;
	s23 =	sadd.s32 $0x1, s23  }
0xa92: {  	_ = 	snop  }
0xa93: {  	v16 =	vshll.u32 v16, $0x7  }
0xa94: {  	v16 =	vand.u32 $0x380, v16  }
0xa95: {  	[tilespmem:s22+$0xFFFFFFF0] =	vst v18;
	v16 =	vbroadcast v16, $0x0  }
0xa96: {  	v17 =	vld.idx.msk [tilespmem:v17+s12+$0x0], $0xffff  }
0xa97: {  	v0 =	vor.u32 v16, v0;
	_ =	sdelay $0x3  }
0xa98: {  	[tilespmem:s22+$0x0] =	vst v17  }
0xa99: {  	v0 =	vld.idx.msk [tilespmem:v0+s12+$0x0], $0xffff  }
0xa9a: {  	v1 =	vor.u32 v16, v1;
	_ =	sdelay $0x2  }
0xa9b: {  	s30 =	sadd.s32 $0x80, s22  }
0xa9c: {  	[tilespmem:s30+$0xFFFFFB90] =	vst v0  }
0xa9d: {  	v0 =	vld.idx.msk [tilespmem:v1+s12+$0x0], $0xffff  }
0xa9e: {  	v1 =	vor.u32 v16, v2;
	_ =	sdelay $0x3  }
0xa9f: {  	[tilespmem:s30+$0xFFFFFBA0] =	vst v0  }
0xaa0: {  	v0 =	vld.idx.msk [tilespmem:v1+s12+$0x0], $0xffff  }
0xaa1: {  	v1 =	vor.u32 v16, v3;
	_ =	sdelay $0x3  }
0xaa2: {  	[tilespmem:s30+$0xFFFFFBB0] =	vst v0  }
0xaa3: {  	v0 =	vld.idx.msk [tilespmem:v1+s12+$0x0], $0xffff  }
0xaa4: {  	v1 =	vor.u32 v16, v4;
	_ =	sdelay $0x3  }
0xaa5: {  	[tilespmem:s30+$0xFFFFFBC0] =	vst v0  }
0xaa6: {  	v0 =	vld.idx.msk [tilespmem:v1+s12+$0x0], $0xffff  }
0xaa7: {  	v1 =	vor.u32 v16, v5;
	_ =	sdelay $0x3  }
0xaa8: {  	[tilespmem:s30+$0xFFFFFBD0] =	vst v0  }
0xaa9: {  	v0 =	vld.idx.msk [tilespmem:v1+s12+$0x0], $0xffff  }
0xaaa: {  	v1 =	vor.u32 v16, v6;
	_ =	sdelay $0x3  }
0xaab: {  	[tilespmem:s30+$0xFFFFFBE0] =	vst v0  }
0xaac: {  	v0 =	vld.idx.msk [tilespmem:v1+s12+$0x0], $0xffff  }
0xaad: {  	v1 =	vor.u32 v16, v7;
	_ =	sdelay $0x3  }
0xaae: {  	[tilespmem:s30+$0xFFFFFBF0] =	vst v0  }
0xaaf: {  	v0 =	vld.idx.msk [tilespmem:v1+s12+$0x0], $0xffff  }
0xab0: {  	v1 =	vor.u32 v16, v8;
	_ =	sdelay $0x3  }
0xab1: {  	[tilespmem:s30+$0xFFFFFC00] =	vst v0  }
0xab2: {  	v0 =	vld.idx.msk [tilespmem:v1+s12+$0x0], $0xffff  }
0xab3: {  	v1 =	vor.u32 v16, v9;
	_ =	sdelay $0x3  }
0xab4: {  	[tilespmem:s30+$0xFFFFFF90] =	vst v0  }
0xab5: {  	v0 =	vld.idx.msk [tilespmem:v1+s12+$0x0], $0xffff  }
0xab6: {  	v1 =	vor.u32 v16, v10;
	_ =	sdelay $0x3  }
0xab7: {  	[tilespmem:s30+$0xFFFFFFA0] =	vst v0  }
0xab8: {  	v0 =	vld.idx.msk [tilespmem:v1+s12+$0x0], $0xffff  }
0xab9: {  	v1 =	vor.u32 v16, v11;
	_ =	sdelay $0x3  }
0xaba: {  	[tilespmem:s30+$0xFFFFFFB0] =	vst v0  }
0xabb: {  	v0 =	vld.idx.msk [tilespmem:v1+s12+$0x0], $0xffff  }
0xabc: {  	v1 =	vor.u32 v16, v12;
	_ =	sdelay $0x3  }
0xabd: {  	[tilespmem:s30+$0xFFFFFFC0] =	vst v0  }
0xabe: {  	v0 =	vld.idx.msk [tilespmem:v1+s12+$0x0], $0xffff  }
0xabf: {  	v1 =	vor.u32 v16, v13;
	_ =	sdelay $0x3  }
0xac0: {  	[tilespmem:s30+$0xFFFFFFD0] =	vst v0  }
0xac1: {  	v0 =	vld.idx.msk [tilespmem:v1+s12+$0x0], $0xffff  }
0xac2: {  	v1 =	vor.u32 v16, v14;
	_ =	sdelay $0x3  }
0xac3: {  	[tilespmem:s30+$0xFFFFFFE0] =	vst v0  }
0xac4: {  	v0 =	vld.idx.msk [tilespmem:v1+s12+$0x0], $0xffff  }
0xac5: {  	v1 =	vor.u32 v16, v15;
	_ =	sdelay $0x3  }
0xac6: {  	[tilespmem:s30+$0xFFFFFFF0] =	vst v0  }
0xac7: {  	v0 =	vld.idx.msk [tilespmem:v1+s12+$0x0], $0xffff;
	_ =	sdelay $0x4  }
0xac8: {  	[tilespmem:s30+$0x0] =	vst v0  }
0xac9: {  	v0 =	vld [tilespmem:$0x700];
	_ =	sdelay $0x1  }
0xaca: {  	s31 =	simm.s32 $0x0  }
0xacb: {  	v3 =	vmov s31;
	v1 =	vld [tilespmem:$0x710]  }
0xacc: {  	v3 =	vshll.u32 v3, $0x7;
	v2 =	vld [tilespmem:$0x720]  }
0xacd: {  	v3 =	vand.u32 $0x380, v3;
	v4 =	vld [tilespmem:$0x730];
	v6 =	vshll.u32 v0, $0x3  }
0xace: {  	v16 =	vbroadcast v3, $0x0;
	v5 =	vld [tilespmem:$0x740];
	v0 =	vand.u32 $0x7F, v0;
	v6 =	vand.u32 $0xFFFFFC00, v6  }
0xacf: {  	v7 =	vld [tilespmem:$0x750];
	v0 =	vor.u32 v0, v6  }
0xad0: {  	v8 =	vld [tilespmem:$0x760];
	v3 =	vor.u32 v16, v0  }
0xad1: {  	v9 =	vld [tilespmem:$0x770]  }
0xad2: {  	v10 =	vld [tilespmem:$0x780]  }
0xad3: {  	v11 =	vld [tilespmem:$0x790];
	v6 =	vshll.u32 v1, $0x3  }
0xad4: {  	v12 =	vld [tilespmem:$0x7A0];
	v1 =	vand.u32 $0x7F, v1;
	v6 =	vand.u32 $0xFFFFFC00, v6  }
0xad5: {  	v1 =	vor.u32 v1, v6;
	v3 =	vld.idx.msk [tilespmem:v3+s12+$0x0], $0xffff  }
0xad6: {  	v13 =	vld [tilespmem:$0x7B0];
	v6 =	vor.u32 v16, v1  }
0xad7: {  	v14 =	vld [tilespmem:$0x7C0]  }
0xad8: {  	v15 =	vld [tilespmem:$0x7D0]  }
0xad9: {  	s22 =	simm.s32 $0x10470;
	v17 =	vld [tilespmem:$0x7E0];
	v19 =	vshll.u32 v2, $0x3  }
0xada: {  	v18 =	vld [tilespmem:$0x7F0];
	v2 =	vand.u32 $0x7F, v2;
	v19 =	vand.u32 $0xFFFFFC00, v19;
	[tilespmem:s22+$0xFFFFFB90] =	vst v3  }
0xadb: {  	v2 =	vor.u32 v2, v19;
	v3 =	vld.idx.msk [tilespmem:v6+s12+$0x0], $0xffff  }
0xadc: {  	v6 =	vor.u32 v16, v2;
	_ =	sdelay $0x2  }
0xadd: {  	v19 =	vshll.u32 v4, $0x3  }
0xade: {  	v4 =	vand.u32 $0x7F, v4;
	v19 =	vand.u32 $0xFFFFFC00, v19;
	[tilespmem:s22+$0xFFFFFBA0] =	vst v3  }
0xadf: {  	v3 =	vor.u32 v4, v19;
	v4 =	vld.idx.msk [tilespmem:v6+s12+$0x0], $0xffff  }
0xae0: {  	v6 =	vor.u32 v16, v3;
	_ =	sdelay $0x2  }
0xae1: {  	v19 =	vshll.u32 v5, $0x3  }
0xae2: {  	v5 =	vand.u32 $0x7F, v5;
	v19 =	vand.u32 $0xFFFFFC00, v19;
	[tilespmem:s22+$0xFFFFFBB0] =	vst v4  }
0xae3: {  	v4 =	vor.u32 v5, v19;
	v5 =	vld.idx.msk [tilespmem:v6+s12+$0x0], $0xffff  }
0xae4: {  	v6 =	vor.u32 v16, v4;
	_ =	sdelay $0x2  }
0xae5: {  	v19 =	vshll.u32 v7, $0x3  }
0xae6: {  	v7 =	vand.u32 $0x7F, v7;
	v19 =	vand.u32 $0xFFFFFC00, v19;
	[tilespmem:s22+$0xFFFFFBC0] =	vst v5  }
0xae7: {  	v5 =	vor.u32 v7, v19;
	v6 =	vld.idx.msk [tilespmem:v6+s12+$0x0], $0xffff  }
0xae8: {  	v7 =	vor.u32 v16, v5;
	_ =	sdelay $0x2  }
0xae9: {  	v19 =	vshll.u32 v8, $0x3  }
0xaea: {  	v8 =	vand.u32 $0x7F, v8;
	v19 =	vand.u32 $0xFFFFFC00, v19;
	[tilespmem:s22+$0xFFFFFBD0] =	vst v6  }
0xaeb: {  	v6 =	vor.u32 v8, v19;
	v7 =	vld.idx.msk [tilespmem:v7+s12+$0x0], $0xffff  }
0xaec: {  	v8 =	vor.u32 v16, v6;
	_ =	sdelay $0x2  }
0xaed: {  	v19 =	vshll.u32 v9, $0x3  }
0xaee: {  	v9 =	vand.u32 $0x7F, v9;
	v19 =	vand.u32 $0xFFFFFC00, v19;
	[tilespmem:s22+$0xFFFFFBE0] =	vst v7  }
0xaef: {  	v7 =	vor.u32 v9, v19;
	v8 =	vld.idx.msk [tilespmem:v8+s12+$0x0], $0xffff  }
0xaf0: {  	v9 =	vor.u32 v16, v7;
	_ =	sdelay $0x2  }
0xaf1: {  	v19 =	vshll.u32 v10, $0x3  }
0xaf2: {  	v10 =	vand.u32 $0x7F, v10;
	v19 =	vand.u32 $0xFFFFFC00, v19;
	[tilespmem:s22+$0xFFFFFBF0] =	vst v8  }
0xaf3: {  	v8 =	vor.u32 v10, v19;
	v9 =	vld.idx.msk [tilespmem:v9+s12+$0x0], $0xffff  }
0xaf4: {  	v10 =	vor.u32 v16, v8;
	_ =	sdelay $0x2  }
0xaf5: {  	v19 =	vshll.u32 v11, $0x3  }
0xaf6: {  	v11 =	vand.u32 $0x7F, v11;
	v19 =	vand.u32 $0xFFFFFC00, v19;
	[tilespmem:s22+$0xFFFFFC00] =	vst v9  }
0xaf7: {  	v9 =	vor.u32 v11, v19;
	v10 =	vld.idx.msk [tilespmem:v10+s12+$0x0], $0xffff  }
0xaf8: {  	v11 =	vor.u32 v16, v9;
	_ =	sdelay $0x2  }
0xaf9: {  	v19 =	vshll.u32 v12, $0x3  }
0xafa: {  	v12 =	vand.u32 $0x7F, v12;
	v19 =	vand.u32 $0xFFFFFC00, v19;
	[tilespmem:s22+$0xFFFFFF90] =	vst v10  }
0xafb: {  	v10 =	vor.u32 v12, v19;
	v11 =	vld.idx.msk [tilespmem:v11+s12+$0x0], $0xffff  }
0xafc: {  	v12 =	vor.u32 v16, v10;
	_ =	sdelay $0x2  }
0xafd: {  	v19 =	vshll.u32 v13, $0x3  }
0xafe: {  	v13 =	vand.u32 $0x7F, v13;
	v19 =	vand.u32 $0xFFFFFC00, v19;
	[tilespmem:s22+$0xFFFFFFA0] =	vst v11  }
0xaff: {  	v11 =	vor.u32 v13, v19;
	v12 =	vld.idx.msk [tilespmem:v12+s12+$0x0], $0xffff  }
0xb00: {  	v13 =	vor.u32 v16, v11;
	_ =	sdelay $0x2  }
0xb01: {  	v19 =	vshll.u32 v14, $0x3  }
0xb02: {  	v14 =	vand.u32 $0x7F, v14;
	v19 =	vand.u32 $0xFFFFFC00, v19;
	[tilespmem:s22+$0xFFFFFFB0] =	vst v12  }
0xb03: {  	v12 =	vor.u32 v14, v19;
	v13 =	vld.idx.msk [tilespmem:v13+s12+$0x0], $0xffff  }
0xb04: {  	v14 =	vor.u32 v16, v12;
	_ =	sdelay $0x2  }
0xb05: {  	v19 =	vshll.u32 v15, $0x3  }
0xb06: {  	v15 =	vand.u32 $0x7F, v15;
	v19 =	vand.u32 $0xFFFFFC00, v19;
	[tilespmem:s22+$0xFFFFFFC0] =	vst v13  }
0xb07: {  	v13 =	vor.u32 v15, v19;
	v14 =	vld.idx.msk [tilespmem:v14+s12+$0x0], $0xffff  }
0xb08: {  	v15 =	vor.u32 v16, v13;
	_ =	sdelay $0x2  }
0xb09: {  	v19 =	vshll.u32 v17, $0x3  }
0xb0a: {  	v17 =	vand.u32 $0x7F, v17;
	v19 =	vand.u32 $0xFFFFFC00, v19;
	[tilespmem:s22+$0xFFFFFFD0] =	vst v14  }
0xb0b: {  	v14 =	vor.u32 v17, v19;
	v17 =	vld.idx.msk [tilespmem:v15+s12+$0x0], $0xffff  }
0xb0c: {  	v19 =	vor.u32 v16, v14;
	_ =	sdelay $0x2  }
0xb0d: {  	v15 =	vshll.u32 v18, $0x3  }
0xb0e: {  	v18 =	vand.u32 $0x7F, v18;
	v15 =	vand.u32 $0xFFFFFC00, v15;
	[tilespmem:s22+$0xFFFFFFE0] =	vst v17  }
0xb0f: {  	v15 =	vor.u32 v18, v15;
	v18 =	vld.idx.msk [tilespmem:v19+s12+$0x0], $0xffff  }
0xb10: {  	v17 =	vor.u32 v16, v15  }
0xb11: {  	s23 =	simm.s32 $0x1  }
0xb12: {  	v16 =	vmov s23;
	s23 =	simm.s32 $0x2  }
.LBB2_37:
0xb13: {  	p0 =	sne.s32 s23, $0x7;
	v16 =	vshll.u32 v16, $0x7  }
0xb14: {  	v16 =	vand.u32 $0x380, v16;
	[tilespmem:s22+$0xFFFFFFF0] =	vst v18  }
0xb15: {  	v16 =	vbroadcast v16, $0x0;
	v17 =	vld.idx.msk [tilespmem:v17+s12+$0x0], $0xffff;
	_ =	sdelay $0x1  }
0xb16: {  	v18 =	vor.u32 v16, v0;
	_ =	sdelay $0x3  }
0xb17: {  	[tilespmem:s22+$0x0] =	vst v17  }
0xb18: {  	v17 =	vld.idx.msk [tilespmem:v18+s12+$0x0], $0xffff;
	_ =	sdelay $0x1  }
0xb19: {  	v18 =	vor.u32 v16, v1;
	_ =	sdelay $0x2  }
0xb1a: {  	s22 =	sadd.s32 $0x80, s22  }
0xb1b: {  	[tilespmem:s22+$0xFFFFFB90] =	vst v17  }
0xb1c: {  	v17 =	vld.idx.msk [tilespmem:v18+s12+$0x0], $0xffff;
	_ =	sdelay $0x1  }
0xb1d: {  	v18 =	vor.u32 v16, v2;
	_ =	sdelay $0x3  }
0xb1e: {  	[tilespmem:s22+$0xFFFFFBA0] =	vst v17  }
0xb1f: {  	v17 =	vld.idx.msk [tilespmem:v18+s12+$0x0], $0xffff;
	_ =	sdelay $0x1  }
0xb20: {  	v18 =	vor.u32 v16, v3;
	_ =	sdelay $0x3  }
0xb21: {  	[tilespmem:s22+$0xFFFFFBB0] =	vst v17  }
0xb22: {  	v17 =	vld.idx.msk [tilespmem:v18+s12+$0x0], $0xffff;
	_ =	sdelay $0x1  }
0xb23: {  	v18 =	vor.u32 v16, v4;
	_ =	sdelay $0x3  }
0xb24: {  	[tilespmem:s22+$0xFFFFFBC0] =	vst v17  }
0xb25: {  	v17 =	vld.idx.msk [tilespmem:v18+s12+$0x0], $0xffff;
	_ =	sdelay $0x1  }
0xb26: {  	v18 =	vor.u32 v16, v5;
	_ =	sdelay $0x3  }
0xb27: {  	[tilespmem:s22+$0xFFFFFBD0] =	vst v17  }
0xb28: {  	v17 =	vld.idx.msk [tilespmem:v18+s12+$0x0], $0xffff;
	_ =	sdelay $0x1  }
0xb29: {  	v18 =	vor.u32 v16, v6;
	_ =	sdelay $0x3  }
0xb2a: {  	[tilespmem:s22+$0xFFFFFBE0] =	vst v17  }
0xb2b: {  	v17 =	vld.idx.msk [tilespmem:v18+s12+$0x0], $0xffff;
	_ =	sdelay $0x1  }
0xb2c: {  	v18 =	vor.u32 v16, v7;
	_ =	sdelay $0x3  }
0xb2d: {  	[tilespmem:s22+$0xFFFFFBF0] =	vst v17  }
0xb2e: {  	v17 =	vld.idx.msk [tilespmem:v18+s12+$0x0], $0xffff;
	_ =	sdelay $0x1  }
0xb2f: {  	v18 =	vor.u32 v16, v8;
	_ =	sdelay $0x3  }
0xb30: {  	[tilespmem:s22+$0xFFFFFC00] =	vst v17  }
0xb31: {  	v17 =	vld.idx.msk [tilespmem:v18+s12+$0x0], $0xffff;
	_ =	sdelay $0x1  }
0xb32: {  	v18 =	vor.u32 v16, v9;
	_ =	sdelay $0x3  }
0xb33: {  	[tilespmem:s22+$0xFFFFFF90] =	vst v17  }
0xb34: {  	v17 =	vld.idx.msk [tilespmem:v18+s12+$0x0], $0xffff;
	_ =	sdelay $0x1  }
0xb35: {  	v18 =	vor.u32 v16, v10;
	_ =	sdelay $0x3  }
0xb36: {  	[tilespmem:s22+$0xFFFFFFA0] =	vst v17  }
0xb37: {  	v17 =	vld.idx.msk [tilespmem:v18+s12+$0x0], $0xffff;
	_ =	sdelay $0x1  }
0xb38: {  	v18 =	vor.u32 v16, v11;
	_ =	sdelay $0x3  }
0xb39: {  	[tilespmem:s22+$0xFFFFFFB0] =	vst v17  }
0xb3a: {  	v17 =	vld.idx.msk [tilespmem:v18+s12+$0x0], $0xffff;
	_ =	sdelay $0x1  }
0xb3b: {  	v18 =	vor.u32 v16, v12;
	_ =	sdelay $0x3  }
0xb3c: {  	[tilespmem:s22+$0xFFFFFFC0] =	vst v17  }
0xb3d: {  	v17 =	vld.idx.msk [tilespmem:v18+s12+$0x0], $0xffff;
	_ =	sdelay $0x1  }
0xb3e: {  	v18 =	vor.u32 v16, v13;
	_ =	sdelay $0x3  }
0xb3f: {  	[tilespmem:s22+$0xFFFFFFD0] =	vst v17  }
0xb40: {  	v17 =	vld.idx.msk [tilespmem:v18+s12+$0x0], $0xffff;
	_ =	sdelay $0x1  }
0xb41: {  	v18 =	vor.u32 v16, v14;
	_ =	sdelay $0x3  }
0xb42: {  	[tilespmem:s22+$0xFFFFFFE0] =	vst v17  }
.Ltmp18:
0xb43: {  	v18 =	vld.idx.msk [tilespmem:v18+s12+$0x0], $0xffff;
	(pc) =	sbr.rel @p0 .LBB2_37-.Ltmp18, $3  }
0xb44: {  	_ = 	snop  }
0xb45: {  	v17 =	vor.u32 v16, v15;
	_ =	sdelay $0x1  }
0xb46: {  	v16 =	vmov s23;
	s23 =	sadd.s32 $0x1, s23  }
0xb47: {  	_ = 	snop  }
0xb48: {  	v16 =	vshll.u32 v16, $0x7  }
0xb49: {  	v16 =	vand.u32 $0x380, v16  }
0xb4a: {  	[tilespmem:s22+$0xFFFFFFF0] =	vst v18;
	v16 =	vbroadcast v16, $0x0  }
0xb4b: {  	v17 =	vld.idx.msk [tilespmem:v17+s12+$0x0], $0xffff  }
0xb4c: {  	v0 =	vor.u32 v16, v0;
	_ =	sdelay $0x3  }
0xb4d: {  	[tilespmem:s22+$0x0] =	vst v17  }
0xb4e: {  	v0 =	vld.idx.msk [tilespmem:v0+s12+$0x0], $0xffff  }
0xb4f: {  	v1 =	vor.u32 v16, v1;
	_ =	sdelay $0x2  }
0xb50: {  	s31 =	sadd.s32 $0x80, s22  }
0xb51: {  	[tilespmem:s31+$0xFFFFFB90] =	vst v0  }
0xb52: {  	v0 =	vld.idx.msk [tilespmem:v1+s12+$0x0], $0xffff  }
0xb53: {  	v50 =	vor.u32 v16, v2;
	_ =	sdelay $0x3  }
0xb54: {  	[tilespmem:s31+$0xFFFFFBA0] =	vst v0  }
0xb55: {  	v0 =	vld.idx.msk [tilespmem:v50+s12+$0x0], $0xffff  }
0xb56: {  	v51 =	vor.u32 v16, v3;
	_ =	sdelay $0x3  }
0xb57: {  	[tilespmem:s31+$0xFFFFFBB0] =	vst v0  }
0xb58: {  	v0 =	vld.idx.msk [tilespmem:v51+s12+$0x0], $0xffff  }
0xb59: {  	v52 =	vor.u32 v16, v4;
	_ =	sdelay $0x3  }
0xb5a: {  	[tilespmem:s31+$0xFFFFFBC0] =	vst v0  }
0xb5b: {  	v0 =	vld.idx.msk [tilespmem:v52+s12+$0x0], $0xffff  }
0xb5c: {  	v53 =	vor.u32 v16, v5;
	_ =	sdelay $0x3  }
0xb5d: {  	[tilespmem:s31+$0xFFFFFBD0] =	vst v0  }
0xb5e: {  	v0 =	vld.idx.msk [tilespmem:v53+s12+$0x0], $0xffff  }
0xb5f: {  	v54 =	vor.u32 v16, v6;
	_ =	sdelay $0x3  }
0xb60: {  	[tilespmem:s31+$0xFFFFFBE0] =	vst v0  }
0xb61: {  	v0 =	vld.idx.msk [tilespmem:v54+s12+$0x0], $0xffff  }
0xb62: {  	v55 =	vor.u32 v16, v7;
	_ =	sdelay $0x3  }
0xb63: {  	[tilespmem:s31+$0xFFFFFBF0] =	vst v0  }
0xb64: {  	v0 =	vld.idx.msk [tilespmem:v55+s12+$0x0], $0xffff  }
0xb65: {  	v56 =	vor.u32 v16, v8;
	_ =	sdelay $0x3  }
0xb66: {  	[tilespmem:s31+$0xFFFFFC00] =	vst v0  }
0xb67: {  	v0 =	vld.idx.msk [tilespmem:v56+s12+$0x0], $0xffff  }
0xb68: {  	v57 =	vor.u32 v16, v9;
	_ =	sdelay $0x3  }
0xb69: {  	[tilespmem:s31+$0xFFFFFF90] =	vst v0  }
0xb6a: {  	v0 =	vld.idx.msk [tilespmem:v57+s12+$0x0], $0xffff  }
0xb6b: {  	v58 =	vor.u32 v16, v10;
	_ =	sdelay $0x3  }
0xb6c: {  	[tilespmem:s31+$0xFFFFFFA0] =	vst v0  }
0xb6d: {  	v0 =	vld.idx.msk [tilespmem:v58+s12+$0x0], $0xffff  }
0xb6e: {  	v59 =	vor.u32 v16, v11;
	_ =	sdelay $0x3  }
0xb6f: {  	[tilespmem:s31+$0xFFFFFFB0] =	vst v0  }
0xb70: {  	v0 =	vld.idx.msk [tilespmem:v59+s12+$0x0], $0xffff  }
0xb71: {  	v60 =	vor.u32 v16, v12;
	_ =	sdelay $0x3  }
0xb72: {  	[tilespmem:s31+$0xFFFFFFC0] =	vst v0  }
0xb73: {  	v0 =	vld.idx.msk [tilespmem:v60+s12+$0x0], $0xffff  }
0xb74: {  	v61 =	vor.u32 v16, v13;
	_ =	sdelay $0x3  }
0xb75: {  	[tilespmem:s31+$0xFFFFFFD0] =	vst v0  }
0xb76: {  	v0 =	vld.idx.msk [tilespmem:v61+s12+$0x0], $0xffff  }
0xb77: {  	v62 =	vor.u32 v16, v14;
	_ =	sdelay $0x3  }
0xb78: {  	[tilespmem:s31+$0xFFFFFFE0] =	vst v0  }
0xb79: {  	v0 =	vld.idx.msk [tilespmem:v62+s12+$0x0], $0xffff  }
0xb7a: {  	v63 =	vor.u32 v16, v15;
	_ =	sdelay $0x3  }
0xb7b: {  	[tilespmem:s31+$0xFFFFFFF0] =	vst v0  }
0xb7c: {  	s20 =	sadd.s32 $0x1, s20;
	v0 =	vld.idx.msk [tilespmem:v63+s12+$0x0], $0xffff  }
0xb7d: {  	p0 =	sne.s32 s20, $0x10  }
.Ltmp19:
0xb7e: {  	_ = 	snop;
	(pc) =	sbr.rel @p0 .LBB2_2-.Ltmp19, $3  }
0xb7f: {  	_ =	sdelay $0x1  }
0xb80: {  	s21 =	sadd.s32 s4, s21;
	[tilespmem:s31+$0x0] =	vst v0  }
0xb81: {  	[hbm4b:s21+s5] =	stream.linear.scatter [tilespmem:s17], [sflag:$0x4], $0x4000, $0x38;
	[tilespmem:$0x10800] =	vst v63  }
0xb82: {  	s19 =	sadd.s32 $0x1, s19  }
0xb83: {  	_ =	swait.ge [sflag:s18], $0x4000;
	p0 =	sne.s32 s19, s9  }
.Ltmp20:
0xb84: {  	[sflag:s18] =	ssyncset.done $0x0;
	(pc) =	sbr.rel @p0 .LBB2_1-.Ltmp20, $4  }
0xb85: {  	[sflag:s18] =	ssyncadd.s32 $0xFFFFC000  }
0xb86: {  	_ =	swait.ge [sflag:s16], $0x4000  }
0xb87: {  	[sflag:s16] =	ssyncset.done $0x0  }
0xb88: {  	[sflag:s16] =	ssyncadd.s32 $0xFFFFC000  }
0xb89: {  	_ =	sfence.sel $0x180000  }
0xb8a: {  	[bflag:$0x0] =	sbarrier.arrive $0xFFFF  }
0xb8b: {  	p0 =	sne.s32 s3, $0x0;
	_ =	strace $0x90000047  }
0xb8c: {  	s0 =	sadd.s32 @!p0 $0x100000, s0;
	[bflag:$0x2] =	sbarrier.arrive $0xFFFF  }
0xb8d: {  	[sflag:s0] =	ssyncadd.tile.s32 @!p0 $0x1;
	_ =	shalt  }
.Lfunc_end2:
_tile_overlayer_lowered:
.L_overlay_start_2:
0xb8e: {  	(tag) =	ssettag $0x2  }
0xb8f: {  	s0 =	rddreg [dreg:$0x0];
	s2 =	stileid.u32  }
0xb90: {  	s1 =	rddreg [dreg:$0x1];
	p0 =	sne.s32 s2, $0x0  }
0xb91: {  	s3 =	rddreg [dreg:$0x2];
	[bflag:$0x3] =	sbarrier.arrive $0xFFFF;
	s2 =	simm.s32 @!p0 $0x1C05  }
0xb92: {  	[timem:s3], [sflag:s2] =	dma.local @!p0 [hbm:s0], s1  }
0xb93: {  	s0 =	simm.s32 @!p0 $0x5  }
0xb94: {  	_ =	swait.ge @!p0 [sflag:s0], s1  }
0xb95: {  	s1 =	ssub.s32 @!p0 $0x0, s1;
	[sflag:s0] =	ssyncset.done @!p0 $0x0  }
0xb96: {  	[sflag:s0] =	ssyncadd.s32 @!p0 s1  }
0xb97: {  	[bflag:$0x3] =	sbarrier.arrive $0xFFFF  }
0xb98: {  	_ =	shalt  }

</sc_bundles>
